<compile_context>
chip_gen: v7x
topology: tpu7x:2x2x1
jax: 0.10.2.dev20260603
libtpu: 0.0.44.dev20260713+nightly
codegen_flags: <defaults>
</compile_context>

<pallas_src>
import functools

import jax
import jax.numpy as jnp
from jax import lax
from jax.experimental import pallas as pl
from jax.experimental.pallas import tpu as pltpu
from jax.experimental.pallas import tpu_sc as plsc

N = 10000
E = 320000
D = 128

NC = 2
NS = 16
L = 16


_EB = 80
_EPT_ENC = E // NS
_NCH_ENC = _EPT_ENC // _EB
_NZCH = N // _EB


def _encoder_body(x_hbm, src0, dst0, src1, dst1, znd, ones_hbm, lin,
                  sum0_o, cnt0_o, sum1_o, cnt1_o,
                  accum, rows, sidx, didx, ones_v, lidx, sem):
    c = lax.axis_index("c")
    s = lax.axis_index("s")

    def zero_accum():
        pltpu.sync_copy(znd.at[pl.ds(0, _EB)], rows)
        for m in range(8):
            k = s + 16 * m

            @pl.when(k < _NZCH)
            def _():
                pltpu.sync_copy(lin.at[pl.ds(k * _EB, _EB)], lidx)
                pltpu.async_copy(rows, accum.at[lidx], sem).wait()

    def dump_accum(out_ref):
        for m in range(8):
            k = s + 16 * m

            @pl.when(k < _NZCH)
            def _():
                off = k * _EB
                pltpu.sync_copy(lin.at[pl.ds(off, _EB)], lidx)
                pltpu.async_copy(accum.at[lidx], rows, sem).wait()
                pltpu.sync_copy(rows, out_ref.at[pl.ds(off, _EB)])

    def run(src_hbm, dst_hbm, sum_out, cnt_out):
        zero_accum()
        plsc.subcore_barrier()

        base = s * _EPT_ENC

        def chunk(i, _):
            off = base + i * _EB
            pltpu.sync_copy(src_hbm.at[pl.ds(off, _EB)], sidx)
            pltpu.async_copy(x_hbm.at[sidx], rows, sem).wait()
            pltpu.sync_copy(dst_hbm.at[pl.ds(off, _EB)], didx)
            pltpu.sync_copy(rows, accum.at[didx], add=True)
            return 0

        lax.fori_loop(0, _NCH_ENC, chunk, 0)
        plsc.subcore_barrier()
        dump_accum(sum_out)
        plsc.subcore_barrier()

        zero_accum()
        pltpu.sync_copy(ones_hbm, ones_v)
        plsc.subcore_barrier()

        def chunk2(i, _):
            off = base + i * _EB
            pltpu.sync_copy(dst_hbm.at[pl.ds(off, _EB)], didx)
            pltpu.sync_copy(ones_v, accum.at[didx], add=True)
            return 0

        lax.fori_loop(0, _NCH_ENC, chunk2, 0)
        plsc.subcore_barrier()
        dump_accum(cnt_out)

    @pl.when(c == 0)
    def _():
        run(src0, dst0, sum0_o, cnt0_o)

    @pl.when(c == 1)
    def _():
        run(src1, dst1, sum1_o, cnt1_o)


@jax.jit
def _encode(x, src0, dst0, src1, dst1):
    znd = jnp.zeros((N, D), jnp.float32)
    ones_hbm = jnp.ones((_EB, D), jnp.float32)
    lin = jnp.arange(N, dtype=jnp.int32)
    mesh = plsc.VectorSubcoreMesh(core_axis_name="c", subcore_axis_name="s")
    f = pl.kernel(
        _encoder_body,
        out_type=[
            jax.ShapeDtypeStruct((N, D), jnp.float32),
            jax.ShapeDtypeStruct((N, D), jnp.float32),
            jax.ShapeDtypeStruct((N, D), jnp.float32),
            jax.ShapeDtypeStruct((N, D), jnp.float32),
        ],
        mesh=mesh,
        scratch_types=[
            pltpu.VMEM_SHARED((N, D), jnp.float32),
            pltpu.VMEM((_EB, D), jnp.float32),
            pltpu.VMEM((_EB,), jnp.int32),
            pltpu.VMEM((_EB,), jnp.int32),
            pltpu.VMEM((_EB, D), jnp.float32),
            pltpu.VMEM((_EB,), jnp.int32),
            pltpu.SemaphoreType.DMA,
        ],
    )
    return f(x, src0, dst0, src1, dst1, znd, ones_hbm, lin)



def _dense_body(x_ref, s0_ref, c0_ref, s1_ref, c1_ref,
                wl0_ref, wr0_ref, b0_ref, wl1_ref, wr1_ref, b1_ref,
                m_ref, r_ref, d_ref,
                h_ref, g_ref, q_ref):
    x = x_ref[...]
    c0 = jnp.maximum(c0_ref[...][:, 0:1], 1.0)
    c1 = jnp.maximum(c1_ref[...][:, 0:1], 1.0)
    m0 = s0_ref[...] / c0
    m1 = s1_ref[...] / c1
    hp = jax.lax.Precision.HIGHEST
    h = (jnp.dot(m0, wl0_ref[...], precision=hp)
         + jnp.dot(x, wr0_ref[...], precision=hp)
         + jnp.dot(m1, wl1_ref[...], precision=hp)
         + jnp.dot(x, wr1_ref[...], precision=hp)
         + b0_ref[...] + b1_ref[...])
    h = jnp.maximum(h, 0.0)
    h_ref[...] = h
    g_ref[...] = jnp.dot(h, m_ref[...], precision=hp)
    u = h * d_ref[...]
    q = jnp.sum(jnp.dot(u, r_ref[...], precision=hp) * u, axis=1,
                keepdims=True)
    q_ref[...] = jax.nn.sigmoid(jnp.broadcast_to(q, (q.shape[0], D)))


_BN = 1000


@jax.jit
def _dense(x, sum0, cnt0, sum1, cnt1, Wl0, Wr0, b0, Wl1, Wr1, b1, M_rel0, R, dvec):
    row = pl.BlockSpec((_BN, D), lambda i: (i, 0))
    w = pl.BlockSpec((D, D), lambda i: (0, 0))
    b = pl.BlockSpec((1, D), lambda i: (0, 0))
    return pl.pallas_call(
        _dense_body,
        grid=(N // _BN,),
        in_specs=[row, row, row, row, row, w, w, b, w, w, b, w, w, b],
        out_specs=[row, row, row],
        out_shape=[
            jax.ShapeDtypeStruct((N, D), jnp.float32),
            jax.ShapeDtypeStruct((N, D), jnp.float32),
            jax.ShapeDtypeStruct((N, D), jnp.float32),
        ],
    )(x, sum0, cnt0, sum1, cnt1, Wl0, Wr0, b0, Wl1, Wr1, b1, M_rel0, R, dvec)



_EPT_DEC = E // (NC * NS)
_NCH_DEC = _EPT_DEC // _EB


def _decoder_body(g_hbm, h_hbm, qs_hbm, src0, dst0, src1,
                  out0, out1,
                  grow, hrow, sidx, didx, s1idx, tbuf, o1buf, pbuf,
                  sem, sem2):
    c = lax.axis_index("c")
    s = lax.axis_index("s")
    wid = s * NC + c
    base = wid * _EPT_DEC
    zv = jnp.zeros((L,), jnp.float32)

    pbuf[pl.ds(L, L)] = zv

    def chunk0(i, _):
        off = base + i * _EB
        pltpu.sync_copy(src0.at[pl.ds(off, _EB)], sidx)
        pltpu.sync_copy(dst0.at[pl.ds(off, _EB)], didx)
        cp1 = pltpu.async_copy(g_hbm.at[sidx], grow, sem)
        cp2 = pltpu.async_copy(h_hbm.at[didx], hrow, sem2)
        cp1.wait()
        cp2.wait()

        def ebody(e, _):
            acc = jnp.zeros((L,), jnp.float32)
            for cc in range(D // L):
                gv = grow[e, pl.ds(cc * L, L)]
                hv = hrow[e, pl.ds(cc * L, L)]
                acc = acc + gv * hv
            pbuf[pl.ds(0, L)] = acc
            v = acc + pbuf[pl.ds(8, L)]
            pbuf[pl.ds(0, L)] = v
            v = v + pbuf[pl.ds(4, L)]
            pbuf[pl.ds(0, L)] = v
            v = v + pbuf[pl.ds(2, L)]
            pbuf[pl.ds(0, L)] = v
            v = v + pbuf[pl.ds(1, L)]
            tbuf[e, pl.ds(0, L)] = 1.0 / (1.0 + jnp.exp(-v))
            return 0

        lax.fori_loop(0, _EB, ebody, 0)
        pltpu.sync_copy(tbuf, out0.at[pl.ds(off, _EB)])
        return 0

    lax.fori_loop(0, _NCH_DEC, chunk0, 0)

    def chunk1(i, _):
        off = base + i * _EB
        pltpu.sync_copy(src1.at[pl.ds(off, _EB)], s1idx)
        pltpu.async_copy(qs_hbm.at[s1idx], hrow, sem).wait()

        def e1(e, _):
            o1buf[e, pl.ds(0, L)] = hrow[e, pl.ds(0, L)]
            return 0

        lax.fori_loop(0, _EB, e1, 0)
        pltpu.sync_copy(o1buf, out1.at[pl.ds(off, _EB)])
        return 0

    lax.fori_loop(0, _NCH_DEC, chunk1, 0)


@jax.jit
def _decode(G, h, qs, src0, dst0, src1):
    mesh = plsc.VectorSubcoreMesh(core_axis_name="c", subcore_axis_name="s")
    f = pl.kernel(
        _decoder_body,
        out_type=[
            jax.ShapeDtypeStruct((E, L), jnp.float32),
            jax.ShapeDtypeStruct((E, L), jnp.float32),
        ],
        mesh=mesh,
        scratch_types=[
            pltpu.VMEM((_EB, D), jnp.float32),
            pltpu.VMEM((_EB, D), jnp.float32),
            pltpu.VMEM((_EB,), jnp.int32),
            pltpu.VMEM((_EB,), jnp.int32),
            pltpu.VMEM((_EB,), jnp.int32),
            pltpu.VMEM((_EB, L), jnp.float32),
            pltpu.VMEM((_EB, L), jnp.float32),
            pltpu.VMEM((2 * L,), jnp.float32),
            pltpu.SemaphoreType.DMA,
            pltpu.SemaphoreType.DMA,
        ],
    )
    return f(G, h, qs, src0, dst0, src1)


def kernel(x_drug, edge_index_rel0, edge_index_rel1, Wl0, Wr0, b0,
           Wl1, Wr1, b1, M_rel0, R, D_rel1):
    src0 = edge_index_rel0[0]
    dst0 = edge_index_rel0[1]
    src1 = edge_index_rel1[0]
    dst1 = edge_index_rel1[1]
    sum0, cnt0, sum1, cnt1 = _encode(x_drug, src0, dst0, src1, dst1)
    dvec = jnp.reshape(D_rel1, (1, D))
    h, G, qs = _dense(x_drug, sum0, cnt0, sum1, cnt1,
                      Wl0, Wr0, b0.reshape(1, D), Wl1, Wr1, b1.reshape(1, D),
                      M_rel0, R, dvec)
    out0w, out1w = _decode(G, h, qs, src0, dst0, src1)
    return (out0w[:, 0], out1w[:, 0])

# --- scband reference (transcript-rebuilt; emitter-appended) ---
"""Pipeline reference for scband-decagon-23287312679606 (READ-ONLY COPY).

The authoritative reference and input builder live on the scoring server;
editing this copy changes nothing except your own understanding.
"""

import jax, jax.numpy as jnp
import numpy as np

N = 10000
E = 320000
D = 128


def _glorot(k, shape):
    lim = float(np.sqrt(6.0 / (shape[0] + shape[1])))
    return jax.random.uniform(k, shape, jnp.float32, -lim, lim)


def setup_inputs(seed: int = 0):
    key = jax.random.key(seed)
    ks = jax.random.split(key, 12)
    x_drug = jax.random.normal(ks[0], (N, D), dtype=jnp.float32)
    edge_index_rel0 = jax.random.randint(ks[1], (2, E), 0, N, dtype=jnp.int32)
    edge_index_rel1 = jax.random.randint(ks[2], (2, E), 0, N, dtype=jnp.int32)
    # SAGEConv params for each edge type (lin_l applied to aggregated neighbors, lin_r to root)
    Wl0 = _glorot(ks[3], (D, D)); Wr0 = _glorot(ks[4], (D, D)); b0 = jnp.zeros((D,), jnp.float32)
    Wl1 = _glorot(ks[5], (D, D)); Wr1 = _glorot(ks[6], (D, D)); b1 = jnp.zeros((D,), jnp.float32)
    # Decoder params
    M_rel0 = _glorot(ks[7], (D, D))          # BilinearDecoder M['rel0']
    R = _glorot(ks[8], (D, D))               # DEDICOM shared R
    D_rel1 = _glorot(ks[9], (D, 1))          # DEDICOM D['rel1']
    return {"x_drug": x_drug, "edge_index_rel0": edge_index_rel0, "edge_index_rel1": edge_index_rel1,
            "Wl0": Wl0, "Wr0": Wr0, "b0": b0, "Wl1": Wl1, "Wr1": Wr1, "b1": b1,
            "M_rel0": M_rel0, "R": R, "D_rel1": D_rel1}


def _sage_conv(x, ei, Wl, Wr, b):
    src = ei[0]
    dst = ei[1]
    msg = x[src]
    summed = jax.ops.segment_sum(msg, dst, num_segments=N)
    cnt = jax.ops.segment_sum(jnp.ones((ei.shape[1],), dtype=x.dtype), dst, num_segments=N)
    mean = summed / jnp.clip(cnt, 1.0)[:, None]
    return mean @ Wl + x @ Wr + b


def reference(x_drug, edge_index_rel0, edge_index_rel1, Wl0, Wr0, b0, Wl1, Wr1, b1, M_rel0, R, D_rel1):
    # HeteroConv(aggr='sum') over the two edge types, single encoder layer, then relu
    h = _sage_conv(x_drug, edge_index_rel0, Wl0, Wr0, b0) + _sage_conv(x_drug, edge_index_rel1, Wl1, Wr1, b1)
    h = jax.nn.relu(h)
    # BilinearDecoder on rel0 (tuple branch: src=z[0][ei[0]], dst=z[1][ei[1]])
    s0 = h[edge_index_rel0[0]]
    d0 = h[edge_index_rel0[1]]
    out_rel0 = jnp.sum((s0 @ M_rel0) * d0, axis=1)
    out_rel0 = jax.nn.sigmoid(out_rel0)
    # DEDICOM on rel1 (faithful to source tuple branch: dst uses edge_index[0])
    s1 = h[edge_index_rel1[0]]
    d1 = h[edge_index_rel1[0]]
    dvec = jnp.squeeze(D_rel1)
    out = (s1 * dvec[None, :]) @ R
    out = out * dvec[None, :]
    out_rel1 = jnp.sum(out * d1, axis=1)
    out_rel1 = jax.nn.sigmoid(out_rel1)
    return (out_rel0, out_rel1)

if __name__ == "__main__":
    import jax
    _d = setup_inputs()
    print(jax.jit(kernel)(*tuple(_d.values())))

</pallas_src>

<mosaic_0001>
#map = affine_map<(d0, d1) -> (0, 0)>
#map1 = affine_map<(d0, d1) -> (0)>
module attributes {stable_mosaic.version = 14 : i64} {
  func.func @_encoder_body(%arg0: i32, %arg1: i32, %arg2: memref<10000x128xf32, #tpu.memory_space<hbm>>, %arg3: memref<320000xi32, #tpu.memory_space<hbm>>, %arg4: memref<320000xi32, #tpu.memory_space<hbm>>, %arg5: memref<320000xi32, #tpu.memory_space<hbm>>, %arg6: memref<320000xi32, #tpu.memory_space<hbm>>, %arg7: memref<10000x128xf32, #tpu.memory_space<hbm>>, %arg8: memref<80x128xf32, #tpu.memory_space<hbm>>, %arg9: memref<10000xi32, #tpu.memory_space<hbm>>, %arg10: memref<10000x128xf32, #tpu.memory_space<hbm>>, %arg11: memref<10000x128xf32, #tpu.memory_space<hbm>>, %arg12: memref<10000x128xf32, #tpu.memory_space<hbm>>, %arg13: memref<10000x128xf32, #tpu.memory_space<hbm>>, %arg14: memref<10000x128xf32, #tpu.memory_space<vmem_shared>>, %arg15: memref<80x128xf32, #tpu.memory_space<vmem>>, %arg16: memref<80xi32, #tpu.memory_space<vmem>>, %arg17: memref<80xi32, #tpu.memory_space<vmem>>, %arg18: memref<80x128xf32, #tpu.memory_space<vmem>>, %arg19: memref<80xi32, #tpu.memory_space<vmem>>, %arg20: memref<!tpu.dma_semaphore, #tpu.memory_space<semaphore_mem>>) attributes {dimension_semantics = [#tpu.dimension_semantics<core_parallel>, #tpu.dimension_semantics<subcore_parallel>], iteration_bounds = array<i64: 2, 16>, scalar_prefetch = 0 : i64, scratch_operands = 7 : i64, tpu.core_type = #tpu.core_type<sc_vector_subcore>, window_params = [{transform_indices = #map}, {transform_indices = #map1}, {transform_indices = #map1}, {transform_indices = #map1}, {transform_indices = #map1}, {transform_indices = #map}, {transform_indices = #map}, {transform_indices = #map1}, {transform_indices = #map}, {transform_indices = #map}, {transform_indices = #map}, {transform_indices = #map}]} {
    %eq3A = arith.constant 0 : i32
    %eq3A_0 = arith.cmpi eq, %arg0, %eq3A : i32
    %convert_element_type3A = arith.extui %eq3A_0 : i1 to i32
    %cond3A = arith.constant 0 : i32
    %cond3A_1 = arith.cmpi ne, %convert_element_type3A, %cond3A : i32
    scf.if %cond3A_1 {
      "tpu.region"() ({
        %run_scoped3A = tpu.sem_alloc : memref<!tpu.dma_semaphore, #tpu.memory_space<semaphore_mem>>
        %dma_start3A = arith.constant 0 : i32
        %dma_start3A_247 = arith.constant 0 : i32
        %dma_start3A_248 = tpu.memref_slice %arg7[%dma_start3A, %dma_start3A_247] : memref<10000x128xf32, #tpu.memory_space<hbm>> -> memref<80x128xf32, #tpu.memory_space<hbm>>
        %dma_start3A_249 = arith.constant 0 : i32
        %dma_start3A_250 = arith.constant 0 : i32
        %dma_start3A_251 = tpu.memref_slice %arg7[%dma_start3A_249, %dma_start3A_250] : memref<10000x128xf32, #tpu.memory_space<hbm>> -> memref<80x128xf32, #tpu.memory_space<hbm>>
        tpu.enqueue_dma source(%dma_start3A_251 : memref<80x128xf32, #tpu.memory_space<hbm>>) target(%arg15 : memref<80x128xf32, #tpu.memory_space<vmem>>) target_semaphore(%run_scoped3A : memref<!tpu.dma_semaphore, #tpu.memory_space<semaphore_mem>>)
        %dma_wait3A = arith.constant 0 : i32
        %dma_wait3A_252 = arith.constant 0 : i32
        %dma_wait3A_253 = tpu.memref_slice %arg7[%dma_wait3A, %dma_wait3A_252] : memref<10000x128xf32, #tpu.memory_space<hbm>> -> memref<80x128xf32, #tpu.memory_space<hbm>>
        %dma_wait3A_254 = arith.constant 0 : i32
        %dma_wait3A_255 = arith.constant 0 : i32
        %dma_wait3A_256 = tpu.memref_slice %arg7[%dma_wait3A_254, %dma_wait3A_255] : memref<10000x128xf32, #tpu.memory_space<hbm>> -> memref<80x128xf32, #tpu.memory_space<hbm>>
        tpu.wait_dma2 semaphore(%run_scoped3A : memref<!tpu.dma_semaphore, #tpu.memory_space<semaphore_mem>>) src(%dma_wait3A_256 : memref<80x128xf32, #tpu.memory_space<hbm>>) dst(%arg15 : memref<80x128xf32, #tpu.memory_space<vmem>>)
        tpu.yield
      }) : () -> ()
      %add3A = arith.constant 0 : i32
      %add3A_7 = arith.addi %arg1, %add3A : i32
      %lt3A = arith.constant 125 : i32
      %lt3A_8 = arith.cmpi slt, %add3A_7, %lt3A : i32
      %convert_element_type3A_9 = arith.extui %lt3A_8 : i1 to i32
      %cond3A_10 = arith.constant 0 : i32
      %cond3A_11 = arith.cmpi ne, %convert_element_type3A_9, %cond3A_10 : i32
      scf.if %cond3A_11 {
        %mul3A_247 = arith.constant 80 : i32
        %mul3A_248 = arith.muli %add3A_7, %mul3A_247 : i32
        "tpu.region"() ({
          %run_scoped3A = tpu.sem_alloc : memref<!tpu.dma_semaphore, #tpu.memory_space<semaphore_mem>>
          %dma_start3A_253 = tpu.memref_slice %arg9[%mul3A_248] : memref<10000xi32, #tpu.memory_space<hbm>> -> memref<80xi32, #tpu.memory_space<hbm>>
          %dma_start3A_254 = tpu.memref_slice %arg9[%mul3A_248] : memref<10000xi32, #tpu.memory_space<hbm>> -> memref<80xi32, #tpu.memory_space<hbm>>
          tpu.enqueue_dma source(%dma_start3A_254 : memref<80xi32, #tpu.memory_space<hbm>>) target(%arg19 : memref<80xi32, #tpu.memory_space<vmem>>) target_semaphore(%run_scoped3A : memref<!tpu.dma_semaphore, #tpu.memory_space<semaphore_mem>>)
          %dma_wait3A_255 = tpu.memref_slice %arg9[%mul3A_248] : memref<10000xi32, #tpu.memory_space<hbm>> -> memref<80xi32, #tpu.memory_space<hbm>>
          %dma_wait3A_256 = tpu.memref_slice %arg9[%mul3A_248] : memref<10000xi32, #tpu.memory_space<hbm>> -> memref<80xi32, #tpu.memory_space<hbm>>
          tpu.wait_dma2 semaphore(%run_scoped3A : memref<!tpu.dma_semaphore, #tpu.memory_space<semaphore_mem>>) src(%dma_wait3A_256 : memref<80xi32, #tpu.memory_space<hbm>>) dst(%arg19 : memref<80xi32, #tpu.memory_space<vmem>>)
          tpu.yield
        }) : () -> ()
        %dma_start3A = arith.constant 0 : i32
        %dma_start3A_249 = arith.constant 0 : i32
        %dma_start3A_250 = tpu.memref_slice %arg14[%dma_start3A, %dma_start3A_249] : memref<10000x128xf32, #tpu.memory_space<vmem_shared>> -> memref<10000x128xf32, #tpu.memory_space<vmem_shared>>
        tpu.enqueue_indirect_dma source(%arg15 : memref<80x128xf32, #tpu.memory_space<vmem>>) target(%dma_start3A_250 : memref<10000x128xf32, #tpu.memory_space<vmem_shared>>) offsets(%arg19 : memref<80xi32, #tpu.memory_space<vmem>>) semaphore(%arg20 : memref<!tpu.dma_semaphore, #tpu.memory_space<semaphore_mem>>)
        %dma_wait3A = arith.constant 0 : i32
        %dma_wait3A_251 = arith.constant 0 : i32
        %dma_wait3A_252 = tpu.memref_slice %arg14[%dma_wait3A, %dma_wait3A_251] : memref<10000x128xf32, #tpu.memory_space<vmem_shared>> -> memref<10000x128xf32, #tpu.memory_space<vmem_shared>>
        tpu.wait_indirect_dma semaphore(%arg20 : memref<!tpu.dma_semaphore, #tpu.memory_space<semaphore_mem>>) src(%arg15 : memref<80x128xf32, #tpu.memory_space<vmem>>) dst(%dma_wait3A_252 : memref<10000x128xf32, #tpu.memory_space<vmem_shared>>)
      } else {
      }
      %add3A_12 = arith.constant 16 : i32
      %add3A_13 = arith.addi %arg1, %add3A_12 : i32
      %lt3A_14 = arith.constant 125 : i32
      %lt3A_15 = arith.cmpi slt, %add3A_13, %lt3A_14 : i32
      %convert_element_type3A_16 = arith.extui %lt3A_15 : i1 to i32
      %cond3A_17 = arith.constant 0 : i32
      %cond3A_18 = arith.cmpi ne, %convert_element_type3A_16, %cond3A_17 : i32
      scf.if %cond3A_18 {
        %mul3A_247 = arith.constant 80 : i32
        %mul3A_248 = arith.muli %add3A_13, %mul3A_247 : i32
        "tpu.region"() ({
          %run_scoped3A = tpu.sem_alloc : memref<!tpu.dma_semaphore, #tpu.memory_space<semaphore_mem>>
          %dma_start3A_253 = tpu.memref_slice %arg9[%mul3A_248] : memref<10000xi32, #tpu.memory_space<hbm>> -> memref<80xi32, #tpu.memory_space<hbm>>
          %dma_start3A_254 = tpu.memref_slice %arg9[%mul3A_248] : memref<10000xi32, #tpu.memory_space<hbm>> -> memref<80xi32, #tpu.memory_space<hbm>>
          tpu.enqueue_dma source(%dma_start3A_254 : memref<80xi32, #tpu.memory_space<hbm>>) target(%arg19 : memref<80xi32, #tpu.memory_space<vmem>>) target_semaphore(%run_scoped3A : memref<!tpu.dma_semaphore, #tpu.memory_space<semaphore_mem>>)
          %dma_wait3A_255 = tpu.memref_slice %arg9[%mul3A_248] : memref<10000xi32, #tpu.memory_space<hbm>> -> memref<80xi32, #tpu.memory_space<hbm>>
          %dma_wait3A_256 = tpu.memref_slice %arg9[%mul3A_248] : memref<10000xi32, #tpu.memory_space<hbm>> -> memref<80xi32, #tpu.memory_space<hbm>>
          tpu.wait_dma2 semaphore(%run_scoped3A : memref<!tpu.dma_semaphore, #tpu.memory_space<semaphore_mem>>) src(%dma_wait3A_256 : memref<80xi32, #tpu.memory_space<hbm>>) dst(%arg19 : memref<80xi32, #tpu.memory_space<vmem>>)
          tpu.yield
        }) : () -> ()
        %dma_start3A = arith.constant 0 : i32
        %dma_start3A_249 = arith.constant 0 : i32
        %dma_start3A_250 = tpu.memref_slice %arg14[%dma_start3A, %dma_start3A_249] : memref<10000x128xf32, #tpu.memory_space<vmem_shared>> -> memref<10000x128xf32, #tpu.memory_space<vmem_shared>>
        tpu.enqueue_indirect_dma source(%arg15 : memref<80x128xf32, #tpu.memory_space<vmem>>) target(%dma_start3A_250 : memref<10000x128xf32, #tpu.memory_space<vmem_shared>>) offsets(%arg19 : memref<80xi32, #tpu.memory_space<vmem>>) semaphore(%arg20 : memref<!tpu.dma_semaphore, #tpu.memory_space<semaphore_mem>>)
        %dma_wait3A = arith.constant 0 : i32
        %dma_wait3A_251 = arith.constant 0 : i32
        %dma_wait3A_252 = tpu.memref_slice %arg14[%dma_wait3A, %dma_wait3A_251] : memref<10000x128xf32, #tpu.memory_space<vmem_shared>> -> memref<10000x128xf32, #tpu.memory_space<vmem_shared>>
        tpu.wait_indirect_dma semaphore(%arg20 : memref<!tpu.dma_semaphore, #tpu.memory_space<semaphore_mem>>) src(%arg15 : memref<80x128xf32, #tpu.memory_space<vmem>>) dst(%dma_wait3A_252 : memref<10000x128xf32, #tpu.memory_space<vmem_shared>>)
      } else {
      }
      %add3A_19 = arith.constant 32 : i32
      %add3A_20 = arith.addi %arg1, %add3A_19 : i32
      %lt3A_21 = arith.constant 125 : i32
      %lt3A_22 = arith.cmpi slt, %add3A_20, %lt3A_21 : i32
      %convert_element_type3A_23 = arith.extui %lt3A_22 : i1 to i32
      %cond3A_24 = arith.constant 0 : i32
      %cond3A_25 = arith.cmpi ne, %convert_element_type3A_23, %cond3A_24 : i32
      scf.if %cond3A_25 {
        %mul3A_247 = arith.constant 80 : i32
        %mul3A_248 = arith.muli %add3A_20, %mul3A_247 : i32
        "tpu.region"() ({
          %run_scoped3A = tpu.sem_alloc : memref<!tpu.dma_semaphore, #tpu.memory_space<semaphore_mem>>
          %dma_start3A_253 = tpu.memref_slice %arg9[%mul3A_248] : memref<10000xi32, #tpu.memory_space<hbm>> -> memref<80xi32, #tpu.memory_space<hbm>>
          %dma_start3A_254 = tpu.memref_slice %arg9[%mul3A_248] : memref<10000xi32, #tpu.memory_space<hbm>> -> memref<80xi32, #tpu.memory_space<hbm>>
          tpu.enqueue_dma source(%dma_start3A_254 : memref<80xi32, #tpu.memory_space<hbm>>) target(%arg19 : memref<80xi32, #tpu.memory_space<vmem>>) target_semaphore(%run_scoped3A : memref<!tpu.dma_semaphore, #tpu.memory_space<semaphore_mem>>)
          %dma_wait3A_255 = tpu.memref_slice %arg9[%mul3A_248] : memref<10000xi32, #tpu.memory_space<hbm>> -> memref<80xi32, #tpu.memory_space<hbm>>
          %dma_wait3A_256 = tpu.memref_slice %arg9[%mul3A_248] : memref<10000xi32, #tpu.memory_space<hbm>> -> memref<80xi32, #tpu.memory_space<hbm>>
          tpu.wait_dma2 semaphore(%run_scoped3A : memref<!tpu.dma_semaphore, #tpu.memory_space<semaphore_mem>>) src(%dma_wait3A_256 : memref<80xi32, #tpu.memory_space<hbm>>) dst(%arg19 : memref<80xi32, #tpu.memory_space<vmem>>)
          tpu.yield
        }) : () -> ()
        %dma_start3A = arith.constant 0 : i32
        %dma_start3A_249 = arith.constant 0 : i32
        %dma_start3A_250 = tpu.memref_slice %arg14[%dma_start3A, %dma_start3A_249] : memref<10000x128xf32, #tpu.memory_space<vmem_shared>> -> memref<10000x128xf32, #tpu.memory_space<vmem_shared>>
        tpu.enqueue_indirect_dma source(%arg15 : memref<80x128xf32, #tpu.memory_space<vmem>>) target(%dma_start3A_250 : memref<10000x128xf32, #tpu.memory_space<vmem_shared>>) offsets(%arg19 : memref<80xi32, #tpu.memory_space<vmem>>) semaphore(%arg20 : memref<!tpu.dma_semaphore, #tpu.memory_space<semaphore_mem>>)
        %dma_wait3A = arith.constant 0 : i32
        %dma_wait3A_251 = arith.constant 0 : i32
        %dma_wait3A_252 = tpu.memref_slice %arg14[%dma_wait3A, %dma_wait3A_251] : memref<10000x128xf32, #tpu.memory_space<vmem_shared>> -> memref<10000x128xf32, #tpu.memory_space<vmem_shared>>
        tpu.wait_indirect_dma semaphore(%arg20 : memref<!tpu.dma_semaphore, #tpu.memory_space<semaphore_mem>>) src(%arg15 : memref<80x128xf32, #tpu.memory_space<vmem>>) dst(%dma_wait3A_252 : memref<10000x128xf32, #tpu.memory_space<vmem_shared>>)
      } else {
      }
      %add3A_26 = arith.constant 48 : i32
      %add3A_27 = arith.addi %arg1, %add3A_26 : i32
      %lt3A_28 = arith.constant 125 : i32
      %lt3A_29 = arith.cmpi slt, %add3A_27, %lt3A_28 : i32
      %convert_element_type3A_30 = arith.extui %lt3A_29 : i1 to i32
      %cond3A_31 = arith.constant 0 : i32
      %cond3A_32 = arith.cmpi ne, %convert_element_type3A_30, %cond3A_31 : i32
      scf.if %cond3A_32 {
        %mul3A_247 = arith.constant 80 : i32
        %mul3A_248 = arith.muli %add3A_27, %mul3A_247 : i32
        "tpu.region"() ({
          %run_scoped3A = tpu.sem_alloc : memref<!tpu.dma_semaphore, #tpu.memory_space<semaphore_mem>>
          %dma_start3A_253 = tpu.memref_slice %arg9[%mul3A_248] : memref<10000xi32, #tpu.memory_space<hbm>> -> memref<80xi32, #tpu.memory_space<hbm>>
          %dma_start3A_254 = tpu.memref_slice %arg9[%mul3A_248] : memref<10000xi32, #tpu.memory_space<hbm>> -> memref<80xi32, #tpu.memory_space<hbm>>
          tpu.enqueue_dma source(%dma_start3A_254 : memref<80xi32, #tpu.memory_space<hbm>>) target(%arg19 : memref<80xi32, #tpu.memory_space<vmem>>) target_semaphore(%run_scoped3A : memref<!tpu.dma_semaphore, #tpu.memory_space<semaphore_mem>>)
          %dma_wait3A_255 = tpu.memref_slice %arg9[%mul3A_248] : memref<10000xi32, #tpu.memory_space<hbm>> -> memref<80xi32, #tpu.memory_space<hbm>>
          %dma_wait3A_256 = tpu.memref_slice %arg9[%mul3A_248] : memref<10000xi32, #tpu.memory_space<hbm>> -> memref<80xi32, #tpu.memory_space<hbm>>
          tpu.wait_dma2 semaphore(%run_scoped3A : memref<!tpu.dma_semaphore, #tpu.memory_space<semaphore_mem>>) src(%dma_wait3A_256 : memref<80xi32, #tpu.memory_space<hbm>>) dst(%arg19 : memref<80xi32, #tpu.memory_space<vmem>>)
          tpu.yield
        }) : () -> ()
        %dma_start3A = arith.constant 0 : i32
        %dma_start3A_249 = arith.constant 0 : i32
        %dma_start3A_250 = tpu.memref_slice %arg14[%dma_start3A, %dma_start3A_249] : memref<10000x128xf32, #tpu.memory_space<vmem_shared>> -> memref<10000x128xf32, #tpu.memory_space<vmem_shared>>
        tpu.enqueue_indirect_dma source(%arg15 : memref<80x128xf32, #tpu.memory_space<vmem>>) target(%dma_start3A_250 : memref<10000x128xf32, #tpu.memory_space<vmem_shared>>) offsets(%arg19 : memref<80xi32, #tpu.memory_space<vmem>>) semaphore(%arg20 : memref<!tpu.dma_semaphore, #tpu.memory_space<semaphore_mem>>)
        %dma_wait3A = arith.constant 0 : i32
        %dma_wait3A_251 = arith.constant 0 : i32
        %dma_wait3A_252 = tpu.memref_slice %arg14[%dma_wait3A, %dma_wait3A_251] : memref<10000x128xf32, #tpu.memory_space<vmem_shared>> -> memref<10000x128xf32, #tpu.memory_space<vmem_shared>>
        tpu.wait_indirect_dma semaphore(%arg20 : memref<!tpu.dma_semaphore, #tpu.memory_space<semaphore_mem>>) src(%arg15 : memref<80x128xf32, #tpu.memory_space<vmem>>) dst(%dma_wait3A_252 : memref<10000x128xf32, #tpu.memory_space<vmem_shared>>)
      } else {
      }
      %add3A_33 = arith.constant 64 : i32
      %add3A_34 = arith.addi %arg1, %add3A_33 : i32
      %lt3A_35 = arith.constant 125 : i32
      %lt3A_36 = arith.cmpi slt, %add3A_34, %lt3A_35 : i32
      %convert_element_type3A_37 = arith.extui %lt3A_36 : i1 to i32
      %cond3A_38 = arith.constant 0 : i32
      %cond3A_39 = arith.cmpi ne, %convert_element_type3A_37, %cond3A_38 : i32
      scf.if %cond3A_39 {
        %mul3A_247 = arith.constant 80 : i32
        %mul3A_248 = arith.muli %add3A_34, %mul3A_247 : i32
        "tpu.region"() ({
          %run_scoped3A = tpu.sem_alloc : memref<!tpu.dma_semaphore, #tpu.memory_space<semaphore_mem>>
          %dma_start3A_253 = tpu.memref_slice %arg9[%mul3A_248] : memref<10000xi32, #tpu.memory_space<hbm>> -> memref<80xi32, #tpu.memory_space<hbm>>
          %dma_start3A_254 = tpu.memref_slice %arg9[%mul3A_248] : memref<10000xi32, #tpu.memory_space<hbm>> -> memref<80xi32, #tpu.memory_space<hbm>>
          tpu.enqueue_dma source(%dma_start3A_254 : memref<80xi32, #tpu.memory_space<hbm>>) target(%arg19 : memref<80xi32, #tpu.memory_space<vmem>>) target_semaphore(%run_scoped3A : memref<!tpu.dma_semaphore, #tpu.memory_space<semaphore_mem>>)
          %dma_wait3A_255 = tpu.memref_slice %arg9[%mul3A_248] : memref<10000xi32, #tpu.memory_space<hbm>> -> memref<80xi32, #tpu.memory_space<hbm>>
          %dma_wait3A_256 = tpu.memref_slice %arg9[%mul3A_248] : memref<10000xi32, #tpu.memory_space<hbm>> -> memref<80xi32, #tpu.memory_space<hbm>>
          tpu.wait_dma2 semaphore(%run_scoped3A : memref<!tpu.dma_semaphore, #tpu.memory_space<semaphore_mem>>) src(%dma_wait3A_256 : memref<80xi32, #tpu.memory_space<hbm>>) dst(%arg19 : memref<80xi32, #tpu.memory_space<vmem>>)
          tpu.yield
        }) : () -> ()
        %dma_start3A = arith.constant 0 : i32
        %dma_start3A_249 = arith.constant 0 : i32
        %dma_start3A_250 = tpu.memref_slice %arg14[%dma_start3A, %dma_start3A_249] : memref<10000x128xf32, #tpu.memory_space<vmem_shared>> -> memref<10000x128xf32, #tpu.memory_space<vmem_shared>>
        tpu.enqueue_indirect_dma source(%arg15 : memref<80x128xf32, #tpu.memory_space<vmem>>) target(%dma_start3A_250 : memref<10000x128xf32, #tpu.memory_space<vmem_shared>>) offsets(%arg19 : memref<80xi32, #tpu.memory_space<vmem>>) semaphore(%arg20 : memref<!tpu.dma_semaphore, #tpu.memory_space<semaphore_mem>>)
        %dma_wait3A = arith.constant 0 : i32
        %dma_wait3A_251 = arith.constant 0 : i32
        %dma_wait3A_252 = tpu.memref_slice %arg14[%dma_wait3A, %dma_wait3A_251] : memref<10000x128xf32, #tpu.memory_space<vmem_shared>> -> memref<10000x128xf32, #tpu.memory_space<vmem_shared>>
        tpu.wait_indirect_dma semaphore(%arg20 : memref<!tpu.dma_semaphore, #tpu.memory_space<semaphore_mem>>) src(%arg15 : memref<80x128xf32, #tpu.memory_space<vmem>>) dst(%dma_wait3A_252 : memref<10000x128xf32, #tpu.memory_space<vmem_shared>>)
      } else {
      }
      %add3A_40 = arith.constant 80 : i32
      %add3A_41 = arith.addi %arg1, %add3A_40 : i32
      %lt3A_42 = arith.constant 125 : i32
      %lt3A_43 = arith.cmpi slt, %add3A_41, %lt3A_42 : i32
      %convert_element_type3A_44 = arith.extui %lt3A_43 : i1 to i32
      %cond3A_45 = arith.constant 0 : i32
      %cond3A_46 = arith.cmpi ne, %convert_element_type3A_44, %cond3A_45 : i32
      scf.if %cond3A_46 {
        %mul3A_247 = arith.constant 80 : i32
        %mul3A_248 = arith.muli %add3A_41, %mul3A_247 : i32
        "tpu.region"() ({
          %run_scoped3A = tpu.sem_alloc : memref<!tpu.dma_semaphore, #tpu.memory_space<semaphore_mem>>
          %dma_start3A_253 = tpu.memref_slice %arg9[%mul3A_248] : memref<10000xi32, #tpu.memory_space<hbm>> -> memref<80xi32, #tpu.memory_space<hbm>>
          %dma_start3A_254 = tpu.memref_slice %arg9[%mul3A_248] : memref<10000xi32, #tpu.memory_space<hbm>> -> memref<80xi32, #tpu.memory_space<hbm>>
          tpu.enqueue_dma source(%dma_start3A_254 : memref<80xi32, #tpu.memory_space<hbm>>) target(%arg19 : memref<80xi32, #tpu.memory_space<vmem>>) target_semaphore(%run_scoped3A : memref<!tpu.dma_semaphore, #tpu.memory_space<semaphore_mem>>)
          %dma_wait3A_255 = tpu.memref_slice %arg9[%mul3A_248] : memref<10000xi32, #tpu.memory_space<hbm>> -> memref<80xi32, #tpu.memory_space<hbm>>
          %dma_wait3A_256 = tpu.memref_slice %arg9[%mul3A_248] : memref<10000xi32, #tpu.memory_space<hbm>> -> memref<80xi32, #tpu.memory_space<hbm>>
          tpu.wait_dma2 semaphore(%run_scoped3A : memref<!tpu.dma_semaphore, #tpu.memory_space<semaphore_mem>>) src(%dma_wait3A_256 : memref<80xi32, #tpu.memory_space<hbm>>) dst(%arg19 : memref<80xi32, #tpu.memory_space<vmem>>)
          tpu.yield
        }) : () -> ()
        %dma_start3A = arith.constant 0 : i32
        %dma_start3A_249 = arith.constant 0 : i32
        %dma_start3A_250 = tpu.memref_slice %arg14[%dma_start3A, %dma_start3A_249] : memref<10000x128xf32, #tpu.memory_space<vmem_shared>> -> memref<10000x128xf32, #tpu.memory_space<vmem_shared>>
        tpu.enqueue_indirect_dma source(%arg15 : memref<80x128xf32, #tpu.memory_space<vmem>>) target(%dma_start3A_250 : memref<10000x128xf32, #tpu.memory_space<vmem_shared>>) offsets(%arg19 : memref<80xi32, #tpu.memory_space<vmem>>) semaphore(%arg20 : memref<!tpu.dma_semaphore, #tpu.memory_space<semaphore_mem>>)
        %dma_wait3A = arith.constant 0 : i32
        %dma_wait3A_251 = arith.constant 0 : i32
        %dma_wait3A_252 = tpu.memref_slice %arg14[%dma_wait3A, %dma_wait3A_251] : memref<10000x128xf32, #tpu.memory_space<vmem_shared>> -> memref<10000x128xf32, #tpu.memory_space<vmem_shared>>
        tpu.wait_indirect_dma semaphore(%arg20 : memref<!tpu.dma_semaphore, #tpu.memory_space<semaphore_mem>>) src(%arg15 : memref<80x128xf32, #tpu.memory_space<vmem>>) dst(%dma_wait3A_252 : memref<10000x128xf32, #tpu.memory_space<vmem_shared>>)
      } else {
      }
      %add3A_47 = arith.constant 96 : i32
      %add3A_48 = arith.addi %arg1, %add3A_47 : i32
      %lt3A_49 = arith.constant 125 : i32
      %lt3A_50 = arith.cmpi slt, %add3A_48, %lt3A_49 : i32
      %convert_element_type3A_51 = arith.extui %lt3A_50 : i1 to i32
      %cond3A_52 = arith.constant 0 : i32
      %cond3A_53 = arith.cmpi ne, %convert_element_type3A_51, %cond3A_52 : i32
      scf.if %cond3A_53 {
        %mul3A_247 = arith.constant 80 : i32
        %mul3A_248 = arith.muli %add3A_48, %mul3A_247 : i32
        "tpu.region"() ({
          %run_scoped3A = tpu.sem_alloc : memref<!tpu.dma_semaphore, #tpu.memory_space<semaphore_mem>>
          %dma_start3A_253 = tpu.memref_slice %arg9[%mul3A_248] : memref<10000xi32, #tpu.memory_space<hbm>> -> memref<80xi32, #tpu.memory_space<hbm>>
          %dma_start3A_254 = tpu.memref_slice %arg9[%mul3A_248] : memref<10000xi32, #tpu.memory_space<hbm>> -> memref<80xi32, #tpu.memory_space<hbm>>
          tpu.enqueue_dma source(%dma_start3A_254 : memref<80xi32, #tpu.memory_space<hbm>>) target(%arg19 : memref<80xi32, #tpu.memory_space<vmem>>) target_semaphore(%run_scoped3A : memref<!tpu.dma_semaphore, #tpu.memory_space<semaphore_mem>>)
          %dma_wait3A_255 = tpu.memref_slice %arg9[%mul3A_248] : memref<10000xi32, #tpu.memory_space<hbm>> -> memref<80xi32, #tpu.memory_space<hbm>>
          %dma_wait3A_256 = tpu.memref_slice %arg9[%mul3A_248] : memref<10000xi32, #tpu.memory_space<hbm>> -> memref<80xi32, #tpu.memory_space<hbm>>
          tpu.wait_dma2 semaphore(%run_scoped3A : memref<!tpu.dma_semaphore, #tpu.memory_space<semaphore_mem>>) src(%dma_wait3A_256 : memref<80xi32, #tpu.memory_space<hbm>>) dst(%arg19 : memref<80xi32, #tpu.memory_space<vmem>>)
          tpu.yield
        }) : () -> ()
        %dma_start3A = arith.constant 0 : i32
        %dma_start3A_249 = arith.constant 0 : i32
        %dma_start3A_250 = tpu.memref_slice %arg14[%dma_start3A, %dma_start3A_249] : memref<10000x128xf32, #tpu.memory_space<vmem_shared>> -> memref<10000x128xf32, #tpu.memory_space<vmem_shared>>
        tpu.enqueue_indirect_dma source(%arg15 : memref<80x128xf32, #tpu.memory_space<vmem>>) target(%dma_start3A_250 : memref<10000x128xf32, #tpu.memory_space<vmem_shared>>) offsets(%arg19 : memref<80xi32, #tpu.memory_space<vmem>>) semaphore(%arg20 : memref<!tpu.dma_semaphore, #tpu.memory_space<semaphore_mem>>)
        %dma_wait3A = arith.constant 0 : i32
        %dma_wait3A_251 = arith.constant 0 : i32
        %dma_wait3A_252 = tpu.memref_slice %arg14[%dma_wait3A, %dma_wait3A_251] : memref<10000x128xf32, #tpu.memory_space<vmem_shared>> -> memref<10000x128xf32, #tpu.memory_space<vmem_shared>>
        tpu.wait_indirect_dma semaphore(%arg20 : memref<!tpu.dma_semaphore, #tpu.memory_space<semaphore_mem>>) src(%arg15 : memref<80x128xf32, #tpu.memory_space<vmem>>) dst(%dma_wait3A_252 : memref<10000x128xf32, #tpu.memory_space<vmem_shared>>)
      } else {
      }
      %add3A_54 = arith.constant 112 : i32
      %add3A_55 = arith.addi %arg1, %add3A_54 : i32
      %lt3A_56 = arith.constant 125 : i32
      %lt3A_57 = arith.cmpi slt, %add3A_55, %lt3A_56 : i32
      %convert_element_type3A_58 = arith.extui %lt3A_57 : i1 to i32
      %cond3A_59 = arith.constant 0 : i32
      %cond3A_60 = arith.cmpi ne, %convert_element_type3A_58, %cond3A_59 : i32
      scf.if %cond3A_60 {
        %mul3A_247 = arith.constant 80 : i32
        %mul3A_248 = arith.muli %add3A_55, %mul3A_247 : i32
        "tpu.region"() ({
          %run_scoped3A = tpu.sem_alloc : memref<!tpu.dma_semaphore, #tpu.memory_space<semaphore_mem>>
          %dma_start3A_253 = tpu.memref_slice %arg9[%mul3A_248] : memref<10000xi32, #tpu.memory_space<hbm>> -> memref<80xi32, #tpu.memory_space<hbm>>
          %dma_start3A_254 = tpu.memref_slice %arg9[%mul3A_248] : memref<10000xi32, #tpu.memory_space<hbm>> -> memref<80xi32, #tpu.memory_space<hbm>>
          tpu.enqueue_dma source(%dma_start3A_254 : memref<80xi32, #tpu.memory_space<hbm>>) target(%arg19 : memref<80xi32, #tpu.memory_space<vmem>>) target_semaphore(%run_scoped3A : memref<!tpu.dma_semaphore, #tpu.memory_space<semaphore_mem>>)
          %dma_wait3A_255 = tpu.memref_slice %arg9[%mul3A_248] : memref<10000xi32, #tpu.memory_space<hbm>> -> memref<80xi32, #tpu.memory_space<hbm>>
          %dma_wait3A_256 = tpu.memref_slice %arg9[%mul3A_248] : memref<10000xi32, #tpu.memory_space<hbm>> -> memref<80xi32, #tpu.memory_space<hbm>>
          tpu.wait_dma2 semaphore(%run_scoped3A : memref<!tpu.dma_semaphore, #tpu.memory_space<semaphore_mem>>) src(%dma_wait3A_256 : memref<80xi32, #tpu.memory_space<hbm>>) dst(%arg19 : memref<80xi32, #tpu.memory_space<vmem>>)
          tpu.yield
        }) : () -> ()
        %dma_start3A = arith.constant 0 : i32
        %dma_start3A_249 = arith.constant 0 : i32
        %dma_start3A_250 = tpu.memref_slice %arg14[%dma_start3A, %dma_start3A_249] : memref<10000x128xf32, #tpu.memory_space<vmem_shared>> -> memref<10000x128xf32, #tpu.memory_space<vmem_shared>>
        tpu.enqueue_indirect_dma source(%arg15 : memref<80x128xf32, #tpu.memory_space<vmem>>) target(%dma_start3A_250 : memref<10000x128xf32, #tpu.memory_space<vmem_shared>>) offsets(%arg19 : memref<80xi32, #tpu.memory_space<vmem>>) semaphore(%arg20 : memref<!tpu.dma_semaphore, #tpu.memory_space<semaphore_mem>>)
        %dma_wait3A = arith.constant 0 : i32
        %dma_wait3A_251 = arith.constant 0 : i32
        %dma_wait3A_252 = tpu.memref_slice %arg14[%dma_wait3A, %dma_wait3A_251] : memref<10000x128xf32, #tpu.memory_space<vmem_shared>> -> memref<10000x128xf32, #tpu.memory_space<vmem_shared>>
        tpu.wait_indirect_dma semaphore(%arg20 : memref<!tpu.dma_semaphore, #tpu.memory_space<semaphore_mem>>) src(%arg15 : memref<80x128xf32, #tpu.memory_space<vmem>>) dst(%dma_wait3A_252 : memref<10000x128xf32, #tpu.memory_space<vmem_shared>>)
      } else {
      }
      %barrier3A = arith.constant 0 : index
      tpu.barrier barrier_id(%barrier3A)
      %mul3A = arith.constant 20000 : i32
      %mul3A_61 = arith.muli %arg1, %mul3A : i32
      %scan3A = arith.constant 0 : i32
      %scan3A_62 = arith.constant 0 : i32
      %scan3A_63 = arith.constant 250 : i32
      %scan3A_64 = arith.addi %scan3A_62, %scan3A_63 : i32
      %scan3A_65 = arith.constant 1 : i32
      %scan3A_66 = scf.for %scan3A_247 = %scan3A_62 to %scan3A_64 step %scan3A_65 iter_args(%scan3A_248 = %scan3A) -> (i32)  : i32 {
        %mul3A_249 = arith.constant 80 : i32
        %mul3A_250 = arith.muli %scan3A_247, %mul3A_249 : i32
        %add3A_251 = arith.addi %mul3A_61, %mul3A_250 : i32
        "tpu.region"() ({
          %run_scoped3A = tpu.sem_alloc : memref<!tpu.dma_semaphore, #tpu.memory_space<semaphore_mem>>
          %dma_start3A_257 = tpu.memref_slice %arg3[%add3A_251] : memref<320000xi32, #tpu.memory_space<hbm>> -> memref<80xi32, #tpu.memory_space<hbm>>
          %dma_start3A_258 = tpu.memref_slice %arg3[%add3A_251] : memref<320000xi32, #tpu.memory_space<hbm>> -> memref<80xi32, #tpu.memory_space<hbm>>
          tpu.enqueue_dma source(%dma_start3A_258 : memref<80xi32, #tpu.memory_space<hbm>>) target(%arg16 : memref<80xi32, #tpu.memory_space<vmem>>) target_semaphore(%run_scoped3A : memref<!tpu.dma_semaphore, #tpu.memory_space<semaphore_mem>>)
          %dma_wait3A_259 = tpu.memref_slice %arg3[%add3A_251] : memref<320000xi32, #tpu.memory_space<hbm>> -> memref<80xi32, #tpu.memory_space<hbm>>
          %dma_wait3A_260 = tpu.memref_slice %arg3[%add3A_251] : memref<320000xi32, #tpu.memory_space<hbm>> -> memref<80xi32, #tpu.memory_space<hbm>>
          tpu.wait_dma2 semaphore(%run_scoped3A : memref<!tpu.dma_semaphore, #tpu.memory_space<semaphore_mem>>) src(%dma_wait3A_260 : memref<80xi32, #tpu.memory_space<hbm>>) dst(%arg16 : memref<80xi32, #tpu.memory_space<vmem>>)
          tpu.yield
        }) : () -> ()
        %dma_start3A = arith.constant 0 : i32
        %dma_start3A_252 = arith.constant 0 : i32
        %dma_start3A_253 = tpu.memref_slice %arg2[%dma_start3A, %dma_start3A_252] : memref<10000x128xf32, #tpu.memory_space<hbm>> -> memref<10000x128xf32, #tpu.memory_space<hbm>>
        tpu.enqueue_indirect_dma source(%dma_start3A_253 : memref<10000x128xf32, #tpu.memory_space<hbm>>) target(%arg15 : memref<80x128xf32, #tpu.memory_space<vmem>>) offsets(%arg16 : memref<80xi32, #tpu.memory_space<vmem>>) semaphore(%arg20 : memref<!tpu.dma_semaphore, #tpu.memory_space<semaphore_mem>>)
        %dma_wait3A = arith.constant 0 : i32
        %dma_wait3A_254 = arith.constant 0 : i32
        %dma_wait3A_255 = tpu.memref_slice %arg2[%dma_wait3A, %dma_wait3A_254] : memref<10000x128xf32, #tpu.memory_space<hbm>> -> memref<10000x128xf32, #tpu.memory_space<hbm>>
        tpu.wait_indirect_dma semaphore(%arg20 : memref<!tpu.dma_semaphore, #tpu.memory_space<semaphore_mem>>) src(%dma_wait3A_255 : memref<10000x128xf32, #tpu.memory_space<hbm>>) dst(%arg15 : memref<80x128xf32, #tpu.memory_space<vmem>>)
        "tpu.region"() ({
          %run_scoped3A = tpu.sem_alloc : memref<!tpu.dma_semaphore, #tpu.memory_space<semaphore_mem>>
          %dma_start3A_257 = tpu.memref_slice %arg4[%add3A_251] : memref<320000xi32, #tpu.memory_space<hbm>> -> memref<80xi32, #tpu.memory_space<hbm>>
          %dma_start3A_258 = tpu.memref_slice %arg4[%add3A_251] : memref<320000xi32, #tpu.memory_space<hbm>> -> memref<80xi32, #tpu.memory_space<hbm>>
          tpu.enqueue_dma source(%dma_start3A_258 : memref<80xi32, #tpu.memory_space<hbm>>) target(%arg17 : memref<80xi32, #tpu.memory_space<vmem>>) target_semaphore(%run_scoped3A : memref<!tpu.dma_semaphore, #tpu.memory_space<semaphore_mem>>)
          %dma_wait3A_259 = tpu.memref_slice %arg4[%add3A_251] : memref<320000xi32, #tpu.memory_space<hbm>> -> memref<80xi32, #tpu.memory_space<hbm>>
          %dma_wait3A_260 = tpu.memref_slice %arg4[%add3A_251] : memref<320000xi32, #tpu.memory_space<hbm>> -> memref<80xi32, #tpu.memory_space<hbm>>
          tpu.wait_dma2 semaphore(%run_scoped3A : memref<!tpu.dma_semaphore, #tpu.memory_space<semaphore_mem>>) src(%dma_wait3A_260 : memref<80xi32, #tpu.memory_space<hbm>>) dst(%arg17 : memref<80xi32, #tpu.memory_space<vmem>>)
          tpu.yield
        }) : () -> ()
        "tpu.region"() ({
          %run_scoped3A = tpu.sem_alloc : memref<!tpu.dma_semaphore, #tpu.memory_space<semaphore_mem>>
          %dma_start3A_257 = arith.constant 0 : i32
          %dma_start3A_258 = arith.constant 0 : i32
          %dma_start3A_259 = tpu.memref_slice %arg14[%dma_start3A_257, %dma_start3A_258] : memref<10000x128xf32, #tpu.memory_space<vmem_shared>> -> memref<10000x128xf32, #tpu.memory_space<vmem_shared>>
          tpu.enqueue_indirect_dma source(%arg15 : memref<80x128xf32, #tpu.memory_space<vmem>>) target(%dma_start3A_259 : memref<10000x128xf32, #tpu.memory_space<vmem_shared>>) offsets(%arg17 : memref<80xi32, #tpu.memory_space<vmem>>) semaphore(%run_scoped3A : memref<!tpu.dma_semaphore, #tpu.memory_space<semaphore_mem>>) {add = true}
          %dma_wait3A_260 = arith.constant 0 : i32
          %dma_wait3A_261 = arith.constant 0 : i32
          %dma_wait3A_262 = tpu.memref_slice %arg14[%dma_wait3A_260, %dma_wait3A_261] : memref<10000x128xf32, #tpu.memory_space<vmem_shared>> -> memref<10000x128xf32, #tpu.memory_space<vmem_shared>>
          tpu.wait_indirect_dma semaphore(%run_scoped3A : memref<!tpu.dma_semaphore, #tpu.memory_space<semaphore_mem>>) src(%arg15 : memref<80x128xf32, #tpu.memory_space<vmem>>) dst(%dma_wait3A_262 : memref<10000x128xf32, #tpu.memory_space<vmem_shared>>)
          tpu.yield
        }) : () -> ()
        %scan3A_256 = arith.constant 0 : i32
        scf.yield %scan3A_256 : i32
      }
      %scan3A_67 = arith.constant 250 : i32
      %barrier3A_68 = arith.constant 0 : index
      tpu.barrier barrier_id(%barrier3A_68)
      %add3A_69 = arith.constant 0 : i32
      %add3A_70 = arith.addi %arg1, %add3A_69 : i32
      %lt3A_71 = arith.constant 125 : i32
      %lt3A_72 = arith.cmpi slt, %add3A_70, %lt3A_71 : i32
      %convert_element_type3A_73 = arith.extui %lt3A_72 : i1 to i32
      %cond3A_74 = arith.constant 0 : i32
      %cond3A_75 = arith.cmpi ne, %convert_element_type3A_73, %cond3A_74 : i32
      scf.if %cond3A_75 {
        %mul3A_247 = arith.constant 80 : i32
        %mul3A_248 = arith.muli %add3A_70, %mul3A_247 : i32
        "tpu.region"() ({
          %run_scoped3A = tpu.sem_alloc : memref<!tpu.dma_semaphore, #tpu.memory_space<semaphore_mem>>
          %dma_start3A_253 = tpu.memref_slice %arg9[%mul3A_248] : memref<10000xi32, #tpu.memory_space<hbm>> -> memref<80xi32, #tpu.memory_space<hbm>>
          %dma_start3A_254 = tpu.memref_slice %arg9[%mul3A_248] : memref<10000xi32, #tpu.memory_space<hbm>> -> memref<80xi32, #tpu.memory_space<hbm>>
          tpu.enqueue_dma source(%dma_start3A_254 : memref<80xi32, #tpu.memory_space<hbm>>) target(%arg19 : memref<80xi32, #tpu.memory_space<vmem>>) target_semaphore(%run_scoped3A : memref<!tpu.dma_semaphore, #tpu.memory_space<semaphore_mem>>)
          %dma_wait3A_255 = tpu.memref_slice %arg9[%mul3A_248] : memref<10000xi32, #tpu.memory_space<hbm>> -> memref<80xi32, #tpu.memory_space<hbm>>
          %dma_wait3A_256 = tpu.memref_slice %arg9[%mul3A_248] : memref<10000xi32, #tpu.memory_space<hbm>> -> memref<80xi32, #tpu.memory_space<hbm>>
          tpu.wait_dma2 semaphore(%run_scoped3A : memref<!tpu.dma_semaphore, #tpu.memory_space<semaphore_mem>>) src(%dma_wait3A_256 : memref<80xi32, #tpu.memory_space<hbm>>) dst(%arg19 : memref<80xi32, #tpu.memory_space<vmem>>)
          tpu.yield
        }) : () -> ()
        %dma_start3A = arith.constant 0 : i32
        %dma_start3A_249 = arith.constant 0 : i32
        %dma_start3A_250 = tpu.memref_slice %arg14[%dma_start3A, %dma_start3A_249] : memref<10000x128xf32, #tpu.memory_space<vmem_shared>> -> memref<10000x128xf32, #tpu.memory_space<vmem_shared>>
        tpu.enqueue_indirect_dma source(%dma_start3A_250 : memref<10000x128xf32, #tpu.memory_space<vmem_shared>>) target(%arg15 : memref<80x128xf32, #tpu.memory_space<vmem>>) offsets(%arg19 : memref<80xi32, #tpu.memory_space<vmem>>) semaphore(%arg20 : memref<!tpu.dma_semaphore, #tpu.memory_space<semaphore_mem>>)
        %dma_wait3A = arith.constant 0 : i32
        %dma_wait3A_251 = arith.constant 0 : i32
        %dma_wait3A_252 = tpu.memref_slice %arg14[%dma_wait3A, %dma_wait3A_251] : memref<10000x128xf32, #tpu.memory_space<vmem_shared>> -> memref<10000x128xf32, #tpu.memory_space<vmem_shared>>
        tpu.wait_indirect_dma semaphore(%arg20 : memref<!tpu.dma_semaphore, #tpu.memory_space<semaphore_mem>>) src(%dma_wait3A_252 : memref<10000x128xf32, #tpu.memory_space<vmem_shared>>) dst(%arg15 : memref<80x128xf32, #tpu.memory_space<vmem>>)
        "tpu.region"() ({
          %run_scoped3A = tpu.sem_alloc : memref<!tpu.dma_semaphore, #tpu.memory_space<semaphore_mem>>
          %dma_start3A_253 = arith.constant 0 : i32
          %dma_start3A_254 = tpu.memref_slice %arg10[%mul3A_248, %dma_start3A_253] : memref<10000x128xf32, #tpu.memory_space<hbm>> -> memref<80x128xf32, #tpu.memory_space<hbm>>
          %dma_start3A_255 = arith.constant 0 : i32
          %dma_start3A_256 = tpu.memref_slice %arg10[%mul3A_248, %dma_start3A_255] : memref<10000x128xf32, #tpu.memory_space<hbm>> -> memref<80x128xf32, #tpu.memory_space<hbm>>
          tpu.enqueue_dma source(%arg15 : memref<80x128xf32, #tpu.memory_space<vmem>>) target(%dma_start3A_256 : memref<80x128xf32, #tpu.memory_space<hbm>>) target_semaphore(%run_scoped3A : memref<!tpu.dma_semaphore, #tpu.memory_space<semaphore_mem>>)
          %dma_wait3A_257 = arith.constant 0 : i32
          %dma_wait3A_258 = tpu.memref_slice %arg10[%mul3A_248, %dma_wait3A_257] : memref<10000x128xf32, #tpu.memory_space<hbm>> -> memref<80x128xf32, #tpu.memory_space<hbm>>
          %dma_wait3A_259 = arith.constant 0 : i32
          %dma_wait3A_260 = tpu.memref_slice %arg10[%mul3A_248, %dma_wait3A_259] : memref<10000x128xf32, #tpu.memory_space<hbm>> -> memref<80x128xf32, #tpu.memory_space<hbm>>
          tpu.wait_dma2 semaphore(%run_scoped3A : memref<!tpu.dma_semaphore, #tpu.memory_space<semaphore_mem>>) src(%arg15 : memref<80x128xf32, #tpu.memory_space<vmem>>) dst(%dma_wait3A_260 : memref<80x128xf32, #tpu.memory_space<hbm>>)
          tpu.yield
        }) : () -> ()
      } else {
      }
      %add3A_76 = arith.constant 16 : i32
      %add3A_77 = arith.addi %arg1, %add3A_76 : i32
      %lt3A_78 = arith.constant 125 : i32
      %lt3A_79 = arith.cmpi slt, %add3A_77, %lt3A_78 : i32
      %convert_element_type3A_80 = arith.extui %lt3A_79 : i1 to i32
      %cond3A_81 = arith.constant 0 : i32
      %cond3A_82 = arith.cmpi ne, %convert_element_type3A_80, %cond3A_81 : i32
      scf.if %cond3A_82 {
        %mul3A_247 = arith.constant 80 : i32
        %mul3A_248 = arith.muli %add3A_77, %mul3A_247 : i32
        "tpu.region"() ({
          %run_scoped3A = tpu.sem_alloc : memref<!tpu.dma_semaphore, #tpu.memory_space<semaphore_mem>>
          %dma_start3A_253 = tpu.memref_slice %arg9[%mul3A_248] : memref<10000xi32, #tpu.memory_space<hbm>> -> memref<80xi32, #tpu.memory_space<hbm>>
          %dma_start3A_254 = tpu.memref_slice %arg9[%mul3A_248] : memref<10000xi32, #tpu.memory_space<hbm>> -> memref<80xi32, #tpu.memory_space<hbm>>
          tpu.enqueue_dma source(%dma_start3A_254 : memref<80xi32, #tpu.memory_space<hbm>>) target(%arg19 : memref<80xi32, #tpu.memory_space<vmem>>) target_semaphore(%run_scoped3A : memref<!tpu.dma_semaphore, #tpu.memory_space<semaphore_mem>>)
          %dma_wait3A_255 = tpu.memref_slice %arg9[%mul3A_248] : memref<10000xi32, #tpu.memory_space<hbm>> -> memref<80xi32, #tpu.memory_space<hbm>>
          %dma_wait3A_256 = tpu.memref_slice %arg9[%mul3A_248] : memref<10000xi32, #tpu.memory_space<hbm>> -> memref<80xi32, #tpu.memory_space<hbm>>
          tpu.wait_dma2 semaphore(%run_scoped3A : memref<!tpu.dma_semaphore, #tpu.memory_space<semaphore_mem>>) src(%dma_wait3A_256 : memref<80xi32, #tpu.memory_space<hbm>>) dst(%arg19 : memref<80xi32, #tpu.memory_space<vmem>>)
          tpu.yield
        }) : () -> ()
        %dma_start3A = arith.constant 0 : i32
        %dma_start3A_249 = arith.constant 0 : i32
        %dma_start3A_250 = tpu.memref_slice %arg14[%dma_start3A, %dma_start3A_249] : memref<10000x128xf32, #tpu.memory_space<vmem_shared>> -> memref<10000x128xf32, #tpu.memory_space<vmem_shared>>
        tpu.enqueue_indirect_dma source(%dma_start3A_250 : memref<10000x128xf32, #tpu.memory_space<vmem_shared>>) target(%arg15 : memref<80x128xf32, #tpu.memory_space<vmem>>) offsets(%arg19 : memref<80xi32, #tpu.memory_space<vmem>>) semaphore(%arg20 : memref<!tpu.dma_semaphore, #tpu.memory_space<semaphore_mem>>)
        %dma_wait3A = arith.constant 0 : i32
        %dma_wait3A_251 = arith.constant 0 : i32
        %dma_wait3A_252 = tpu.memref_slice %arg14[%dma_wait3A, %dma_wait3A_251] : memref<10000x128xf32, #tpu.memory_space<vmem_shared>> -> memref<10000x128xf32, #tpu.memory_space<vmem_shared>>
        tpu.wait_indirect_dma semaphore(%arg20 : memref<!tpu.dma_semaphore, #tpu.memory_space<semaphore_mem>>) src(%dma_wait3A_252 : memref<10000x128xf32, #tpu.memory_space<vmem_shared>>) dst(%arg15 : memref<80x128xf32, #tpu.memory_space<vmem>>)
        "tpu.region"() ({
          %run_scoped3A = tpu.sem_alloc : memref<!tpu.dma_semaphore, #tpu.memory_space<semaphore_mem>>
          %dma_start3A_253 = arith.constant 0 : i32
          %dma_start3A_254 = tpu.memref_slice %arg10[%mul3A_248, %dma_start3A_253] : memref<10000x128xf32, #tpu.memory_space<hbm>> -> memref<80x128xf32, #tpu.memory_space<hbm>>
          %dma_start3A_255 = arith.constant 0 : i32
          %dma_start3A_256 = tpu.memref_slice %arg10[%mul3A_248, %dma_start3A_255] : memref<10000x128xf32, #tpu.memory_space<hbm>> -> memref<80x128xf32, #tpu.memory_space<hbm>>
          tpu.enqueue_dma source(%arg15 : memref<80x128xf32, #tpu.memory_space<vmem>>) target(%dma_start3A_256 : memref<80x128xf32, #tpu.memory_space<hbm>>) target_semaphore(%run_scoped3A : memref<!tpu.dma_semaphore, #tpu.memory_space<semaphore_mem>>)
          %dma_wait3A_257 = arith.constant 0 : i32
          %dma_wait3A_258 = tpu.memref_slice %arg10[%mul3A_248, %dma_wait3A_257] : memref<10000x128xf32, #tpu.memory_space<hbm>> -> memref<80x128xf32, #tpu.memory_space<hbm>>
          %dma_wait3A_259 = arith.constant 0 : i32
          %dma_wait3A_260 = tpu.memref_slice %arg10[%mul3A_248, %dma_wait3A_259] : memref<10000x128xf32, #tpu.memory_space<hbm>> -> memref<80x128xf32, #tpu.memory_space<hbm>>
          tpu.wait_dma2 semaphore(%run_scoped3A : memref<!tpu.dma_semaphore, #tpu.memory_space<semaphore_mem>>) src(%arg15 : memref<80x128xf32, #tpu.memory_space<vmem>>) dst(%dma_wait3A_260 : memref<80x128xf32, #tpu.memory_space<hbm>>)
          tpu.yield
        }) : () -> ()
      } else {
      }
      %add3A_83 = arith.constant 32 : i32
      %add3A_84 = arith.addi %arg1, %add3A_83 : i32
      %lt3A_85 = arith.constant 125 : i32
      %lt3A_86 = arith.cmpi slt, %add3A_84, %lt3A_85 : i32
      %convert_element_type3A_87 = arith.extui %lt3A_86 : i1 to i32
      %cond3A_88 = arith.constant 0 : i32
      %cond3A_89 = arith.cmpi ne, %convert_element_type3A_87, %cond3A_88 : i32
      scf.if %cond3A_89 {
        %mul3A_247 = arith.constant 80 : i32
        %mul3A_248 = arith.muli %add3A_84, %mul3A_247 : i32
        "tpu.region"() ({
          %run_scoped3A = tpu.sem_alloc : memref<!tpu.dma_semaphore, #tpu.memory_space<semaphore_mem>>
          %dma_start3A_253 = tpu.memref_slice %arg9[%mul3A_248] : memref<10000xi32, #tpu.memory_space<hbm>> -> memref<80xi32, #tpu.memory_space<hbm>>
          %dma_start3A_254 = tpu.memref_slice %arg9[%mul3A_248] : memref<10000xi32, #tpu.memory_space<hbm>> -> memref<80xi32, #tpu.memory_space<hbm>>
          tpu.enqueue_dma source(%dma_start3A_254 : memref<80xi32, #tpu.memory_space<hbm>>) target(%arg19 : memref<80xi32, #tpu.memory_space<vmem>>) target_semaphore(%run_scoped3A : memref<!tpu.dma_semaphore, #tpu.memory_space<semaphore_mem>>)
          %dma_wait3A_255 = tpu.memref_slice %arg9[%mul3A_248] : memref<10000xi32, #tpu.memory_space<hbm>> -> memref<80xi32, #tpu.memory_space<hbm>>
          %dma_wait3A_256 = tpu.memref_slice %arg9[%mul3A_248] : memref<10000xi32, #tpu.memory_space<hbm>> -> memref<80xi32, #tpu.memory_space<hbm>>
          tpu.wait_dma2 semaphore(%run_scoped3A : memref<!tpu.dma_semaphore, #tpu.memory_space<semaphore_mem>>) src(%dma_wait3A_256 : memref<80xi32, #tpu.memory_space<hbm>>) dst(%arg19 : memref<80xi32, #tpu.memory_space<vmem>>)
          tpu.yield
        }) : () -> ()
        %dma_start3A = arith.constant 0 : i32
        %dma_start3A_249 = arith.constant 0 : i32
        %dma_start3A_250 = tpu.memref_slice %arg14[%dma_start3A, %dma_start3A_249] : memref<10000x128xf32, #tpu.memory_space<vmem_shared>> -> memref<10000x128xf32, #tpu.memory_space<vmem_shared>>
        tpu.enqueue_indirect_dma source(%dma_start3A_250 : memref<10000x128xf32, #tpu.memory_space<vmem_shared>>) target(%arg15 : memref<80x128xf32, #tpu.memory_space<vmem>>) offsets(%arg19 : memref<80xi32, #tpu.memory_space<vmem>>) semaphore(%arg20 : memref<!tpu.dma_semaphore, #tpu.memory_space<semaphore_mem>>)
        %dma_wait3A = arith.constant 0 : i32
        %dma_wait3A_251 = arith.constant 0 : i32
        %dma_wait3A_252 = tpu.memref_slice %arg14[%dma_wait3A, %dma_wait3A_251] : memref<10000x128xf32, #tpu.memory_space<vmem_shared>> -> memref<10000x128xf32, #tpu.memory_space<vmem_shared>>
        tpu.wait_indirect_dma semaphore(%arg20 : memref<!tpu.dma_semaphore, #tpu.memory_space<semaphore_mem>>) src(%dma_wait3A_252 : memref<10000x128xf32, #tpu.memory_space<vmem_shared>>) dst(%arg15 : memref<80x128xf32, #tpu.memory_space<vmem>>)
        "tpu.region"() ({
          %run_scoped3A = tpu.sem_alloc : memref<!tpu.dma_semaphore, #tpu.memory_space<semaphore_mem>>
          %dma_start3A_253 = arith.constant 0 : i32
          %dma_start3A_254 = tpu.memref_slice %arg10[%mul3A_248, %dma_start3A_253] : memref<10000x128xf32, #tpu.memory_space<hbm>> -> memref<80x128xf32, #tpu.memory_space<hbm>>
          %dma_start3A_255 = arith.constant 0 : i32
          %dma_start3A_256 = tpu.memref_slice %arg10[%mul3A_248, %dma_start3A_255] : memref<10000x128xf32, #tpu.memory_space<hbm>> -> memref<80x128xf32, #tpu.memory_space<hbm>>
          tpu.enqueue_dma source(%arg15 : memref<80x128xf32, #tpu.memory_space<vmem>>) target(%dma_start3A_256 : memref<80x128xf32, #tpu.memory_space<hbm>>) target_semaphore(%run_scoped3A : memref<!tpu.dma_semaphore, #tpu.memory_space<semaphore_mem>>)
          %dma_wait3A_257 = arith.constant 0 : i32
          %dma_wait3A_258 = tpu.memref_slice %arg10[%mul3A_248, %dma_wait3A_257] : memref<10000x128xf32, #tpu.memory_space<hbm>> -> memref<80x128xf32, #tpu.memory_space<hbm>>
          %dma_wait3A_259 = arith.constant 0 : i32
          %dma_wait3A_260 = tpu.memref_slice %arg10[%mul3A_248, %dma_wait3A_259] : memref<10000x128xf32, #tpu.memory_space<hbm>> -> memref<80x128xf32, #tpu.memory_space<hbm>>
          tpu.wait_dma2 semaphore(%run_scoped3A : memref<!tpu.dma_semaphore, #tpu.memory_space<semaphore_mem>>) src(%arg15 : memref<80x128xf32, #tpu.memory_space<vmem>>) dst(%dma_wait3A_260 : memref<80x128xf32, #tpu.memory_space<hbm>>)
          tpu.yield
        }) : () -> ()
      } else {
      }
      %add3A_90 = arith.constant 48 : i32
      %add3A_91 = arith.addi %arg1, %add3A_90 : i32
      %lt3A_92 = arith.constant 125 : i32
      %lt3A_93 = arith.cmpi slt, %add3A_91, %lt3A_92 : i32
      %convert_element_type3A_94 = arith.extui %lt3A_93 : i1 to i32
      %cond3A_95 = arith.constant 0 : i32
      %cond3A_96 = arith.cmpi ne, %convert_element_type3A_94, %cond3A_95 : i32
      scf.if %cond3A_96 {
        %mul3A_247 = arith.constant 80 : i32
        %mul3A_248 = arith.muli %add3A_91, %mul3A_247 : i32
        "tpu.region"() ({
          %run_scoped3A = tpu.sem_alloc : memref<!tpu.dma_semaphore, #tpu.memory_space<semaphore_mem>>
          %dma_start3A_253 = tpu.memref_slice %arg9[%mul3A_248] : memref<10000xi32, #tpu.memory_space<hbm>> -> memref<80xi32, #tpu.memory_space<hbm>>
          %dma_start3A_254 = tpu.memref_slice %arg9[%mul3A_248] : memref<10000xi32, #tpu.memory_space<hbm>> -> memref<80xi32, #tpu.memory_space<hbm>>
          tpu.enqueue_dma source(%dma_start3A_254 : memref<80xi32, #tpu.memory_space<hbm>>) target(%arg19 : memref<80xi32, #tpu.memory_space<vmem>>) target_semaphore(%run_scoped3A : memref<!tpu.dma_semaphore, #tpu.memory_space<semaphore_mem>>)
          %dma_wait3A_255 = tpu.memref_slice %arg9[%mul3A_248] : memref<10000xi32, #tpu.memory_space<hbm>> -> memref<80xi32, #tpu.memory_space<hbm>>
          %dma_wait3A_256 = tpu.memref_slice %arg9[%mul3A_248] : memref<10000xi32, #tpu.memory_space<hbm>> -> memref<80xi32, #tpu.memory_space<hbm>>
          tpu.wait_dma2 semaphore(%run_scoped3A : memref<!tpu.dma_semaphore, #tpu.memory_space<semaphore_mem>>) src(%dma_wait3A_256 : memref<80xi32, #tpu.memory_space<hbm>>) dst(%arg19 : memref<80xi32, #tpu.memory_space<vmem>>)
          tpu.yield
        }) : () -> ()
        %dma_start3A = arith.constant 0 : i32
        %dma_start3A_249 = arith.constant 0 : i32
        %dma_start3A_250 = tpu.memref_slice %arg14[%dma_start3A, %dma_start3A_249] : memref<10000x128xf32, #tpu.memory_space<vmem_shared>> -> memref<10000x128xf32, #tpu.memory_space<vmem_shared>>
        tpu.enqueue_indirect_dma source(%dma_start3A_250 : memref<10000x128xf32, #tpu.memory_space<vmem_shared>>) target(%arg15 : memref<80x128xf32, #tpu.memory_space<vmem>>) offsets(%arg19 : memref<80xi32, #tpu.memory_space<vmem>>) semaphore(%arg20 : memref<!tpu.dma_semaphore, #tpu.memory_space<semaphore_mem>>)
        %dma_wait3A = arith.constant 0 : i32
        %dma_wait3A_251 = arith.constant 0 : i32
        %dma_wait3A_252 = tpu.memref_slice %arg14[%dma_wait3A, %dma_wait3A_251] : memref<10000x128xf32, #tpu.memory_space<vmem_shared>> -> memref<10000x128xf32, #tpu.memory_space<vmem_shared>>
        tpu.wait_indirect_dma semaphore(%arg20 : memref<!tpu.dma_semaphore, #tpu.memory_space<semaphore_mem>>) src(%dma_wait3A_252 : memref<10000x128xf32, #tpu.memory_space<vmem_shared>>) dst(%arg15 : memref<80x128xf32, #tpu.memory_space<vmem>>)
        "tpu.region"() ({
          %run_scoped3A = tpu.sem_alloc : memref<!tpu.dma_semaphore, #tpu.memory_space<semaphore_mem>>
          %dma_start3A_253 = arith.constant 0 : i32
          %dma_start3A_254 = tpu.memref_slice %arg10[%mul3A_248, %dma_start3A_253] : memref<10000x128xf32, #tpu.memory_space<hbm>> -> memref<80x128xf32, #tpu.memory_space<hbm>>
          %dma_start3A_255 = arith.constant 0 : i32
          %dma_start3A_256 = tpu.memref_slice %arg10[%mul3A_248, %dma_start3A_255] : memref<10000x128xf32, #tpu.memory_space<hbm>> -> memref<80x128xf32, #tpu.memory_space<hbm>>
          tpu.enqueue_dma source(%arg15 : memref<80x128xf32, #tpu.memory_space<vmem>>) target(%dma_start3A_256 : memref<80x128xf32, #tpu.memory_space<hbm>>) target_semaphore(%run_scoped3A : memref<!tpu.dma_semaphore, #tpu.memory_space<semaphore_mem>>)
          %dma_wait3A_257 = arith.constant 0 : i32
          %dma_wait3A_258 = tpu.memref_slice %arg10[%mul3A_248, %dma_wait3A_257] : memref<10000x128xf32, #tpu.memory_space<hbm>> -> memref<80x128xf32, #tpu.memory_space<hbm>>
          %dma_wait3A_259 = arith.constant 0 : i32
          %dma_wait3A_260 = tpu.memref_slice %arg10[%mul3A_248, %dma_wait3A_259] : memref<10000x128xf32, #tpu.memory_space<hbm>> -> memref<80x128xf32, #tpu.memory_space<hbm>>
          tpu.wait_dma2 semaphore(%run_scoped3A : memref<!tpu.dma_semaphore, #tpu.memory_space<semaphore_mem>>) src(%arg15 : memref<80x128xf32, #tpu.memory_space<vmem>>) dst(%dma_wait3A_260 : memref<80x128xf32, #tpu.memory_space<hbm>>)
          tpu.yield
        }) : () -> ()
      } else {
      }
      %add3A_97 = arith.constant 64 : i32
      %add3A_98 = arith.addi %arg1, %add3A_97 : i32
      %lt3A_99 = arith.constant 125 : i32
      %lt3A_100 = arith.cmpi slt, %add3A_98, %lt3A_99 : i32
      %convert_element_type3A_101 = arith.extui %lt3A_100 : i1 to i32
      %cond3A_102 = arith.constant 0 : i32
      %cond3A_103 = arith.cmpi ne, %convert_element_type3A_101, %cond3A_102 : i32
      scf.if %cond3A_103 {
        %mul3A_247 = arith.constant 80 : i32
        %mul3A_248 = arith.muli %add3A_98, %mul3A_247 : i32
        "tpu.region"() ({
          %run_scoped3A = tpu.sem_alloc : memref<!tpu.dma_semaphore, #tpu.memory_space<semaphore_mem>>
          %dma_start3A_253 = tpu.memref_slice %arg9[%mul3A_248] : memref<10000xi32, #tpu.memory_space<hbm>> -> memref<80xi32, #tpu.memory_space<hbm>>
          %dma_start3A_254 = tpu.memref_slice %arg9[%mul3A_248] : memref<10000xi32, #tpu.memory_space<hbm>> -> memref<80xi32, #tpu.memory_space<hbm>>
          tpu.enqueue_dma source(%dma_start3A_254 : memref<80xi32, #tpu.memory_space<hbm>>) target(%arg19 : memref<80xi32, #tpu.memory_space<vmem>>) target_semaphore(%run_scoped3A : memref<!tpu.dma_semaphore, #tpu.memory_space<semaphore_mem>>)
          %dma_wait3A_255 = tpu.memref_slice %arg9[%mul3A_248] : memref<10000xi32, #tpu.memory_space<hbm>> -> memref<80xi32, #tpu.memory_space<hbm>>
          %dma_wait3A_256 = tpu.memref_slice %arg9[%mul3A_248] : memref<10000xi32, #tpu.memory_space<hbm>> -> memref<80xi32, #tpu.memory_space<hbm>>
          tpu.wait_dma2 semaphore(%run_scoped3A : memref<!tpu.dma_semaphore, #tpu.memory_space<semaphore_mem>>) src(%dma_wait3A_256 : memref<80xi32, #tpu.memory_space<hbm>>) dst(%arg19 : memref<80xi32, #tpu.memory_space<vmem>>)
          tpu.yield
        }) : () -> ()
        %dma_start3A = arith.constant 0 : i32
        %dma_start3A_249 = arith.constant 0 : i32
        %dma_start3A_250 = tpu.memref_slice %arg14[%dma_start3A, %dma_start3A_249] : memref<10000x128xf32, #tpu.memory_space<vmem_shared>> -> memref<10000x128xf32, #tpu.memory_space<vmem_shared>>
        tpu.enqueue_indirect_dma source(%dma_start3A_250 : memref<10000x128xf32, #tpu.memory_space<vmem_shared>>) target(%arg15 : memref<80x128xf32, #tpu.memory_space<vmem>>) offsets(%arg19 : memref<80xi32, #tpu.memory_space<vmem>>) semaphore(%arg20 : memref<!tpu.dma_semaphore, #tpu.memory_space<semaphore_mem>>)
        %dma_wait3A = arith.constant 0 : i32
        %dma_wait3A_251 = arith.constant 0 : i32
        %dma_wait3A_252 = tpu.memref_slice %arg14[%dma_wait3A, %dma_wait3A_251] : memref<10000x128xf32, #tpu.memory_space<vmem_shared>> -> memref<10000x128xf32, #tpu.memory_space<vmem_shared>>
        tpu.wait_indirect_dma semaphore(%arg20 : memref<!tpu.dma_semaphore, #tpu.memory_space<semaphore_mem>>) src(%dma_wait3A_252 : memref<10000x128xf32, #tpu.memory_space<vmem_shared>>) dst(%arg15 : memref<80x128xf32, #tpu.memory_space<vmem>>)
        "tpu.region"() ({
          %run_scoped3A = tpu.sem_alloc : memref<!tpu.dma_semaphore, #tpu.memory_space<semaphore_mem>>
          %dma_start3A_253 = arith.constant 0 : i32
          %dma_start3A_254 = tpu.memref_slice %arg10[%mul3A_248, %dma_start3A_253] : memref<10000x128xf32, #tpu.memory_space<hbm>> -> memref<80x128xf32, #tpu.memory_space<hbm>>
          %dma_start3A_255 = arith.constant 0 : i32
          %dma_start3A_256 = tpu.memref_slice %arg10[%mul3A_248, %dma_start3A_255] : memref<10000x128xf32, #tpu.memory_space<hbm>> -> memref<80x128xf32, #tpu.memory_space<hbm>>
          tpu.enqueue_dma source(%arg15 : memref<80x128xf32, #tpu.memory_space<vmem>>) target(%dma_start3A_256 : memref<80x128xf32, #tpu.memory_space<hbm>>) target_semaphore(%run_scoped3A : memref<!tpu.dma_semaphore, #tpu.memory_space<semaphore_mem>>)
          %dma_wait3A_257 = arith.constant 0 : i32
          %dma_wait3A_258 = tpu.memref_slice %arg10[%mul3A_248, %dma_wait3A_257] : memref<10000x128xf32, #tpu.memory_space<hbm>> -> memref<80x128xf32, #tpu.memory_space<hbm>>
          %dma_wait3A_259 = arith.constant 0 : i32
          %dma_wait3A_260 = tpu.memref_slice %arg10[%mul3A_248, %dma_wait3A_259] : memref<10000x128xf32, #tpu.memory_space<hbm>> -> memref<80x128xf32, #tpu.memory_space<hbm>>
          tpu.wait_dma2 semaphore(%run_scoped3A : memref<!tpu.dma_semaphore, #tpu.memory_space<semaphore_mem>>) src(%arg15 : memref<80x128xf32, #tpu.memory_space<vmem>>) dst(%dma_wait3A_260 : memref<80x128xf32, #tpu.memory_space<hbm>>)
          tpu.yield
        }) : () -> ()
      } else {
      }
      %add3A_104 = arith.constant 80 : i32
      %add3A_105 = arith.addi %arg1, %add3A_104 : i32
      %lt3A_106 = arith.constant 125 : i32
      %lt3A_107 = arith.cmpi slt, %add3A_105, %lt3A_106 : i32
      %convert_element_type3A_108 = arith.extui %lt3A_107 : i1 to i32
      %cond3A_109 = arith.constant 0 : i32
      %cond3A_110 = arith.cmpi ne, %convert_element_type3A_108, %cond3A_109 : i32
      scf.if %cond3A_110 {
        %mul3A_247 = arith.constant 80 : i32
        %mul3A_248 = arith.muli %add3A_105, %mul3A_247 : i32
        "tpu.region"() ({
          %run_scoped3A = tpu.sem_alloc : memref<!tpu.dma_semaphore, #tpu.memory_space<semaphore_mem>>
          %dma_start3A_253 = tpu.memref_slice %arg9[%mul3A_248] : memref<10000xi32, #tpu.memory_space<hbm>> -> memref<80xi32, #tpu.memory_space<hbm>>
          %dma_start3A_254 = tpu.memref_slice %arg9[%mul3A_248] : memref<10000xi32, #tpu.memory_space<hbm>> -> memref<80xi32, #tpu.memory_space<hbm>>
          tpu.enqueue_dma source(%dma_start3A_254 : memref<80xi32, #tpu.memory_space<hbm>>) target(%arg19 : memref<80xi32, #tpu.memory_space<vmem>>) target_semaphore(%run_scoped3A : memref<!tpu.dma_semaphore, #tpu.memory_space<semaphore_mem>>)
          %dma_wait3A_255 = tpu.memref_slice %arg9[%mul3A_248] : memref<10000xi32, #tpu.memory_space<hbm>> -> memref<80xi32, #tpu.memory_space<hbm>>
          %dma_wait3A_256 = tpu.memref_slice %arg9[%mul3A_248] : memref<10000xi32, #tpu.memory_space<hbm>> -> memref<80xi32, #tpu.memory_space<hbm>>
          tpu.wait_dma2 semaphore(%run_scoped3A : memref<!tpu.dma_semaphore, #tpu.memory_space<semaphore_mem>>) src(%dma_wait3A_256 : memref<80xi32, #tpu.memory_space<hbm>>) dst(%arg19 : memref<80xi32, #tpu.memory_space<vmem>>)
          tpu.yield
        }) : () -> ()
        %dma_start3A = arith.constant 0 : i32
        %dma_start3A_249 = arith.constant 0 : i32
        %dma_start3A_250 = tpu.memref_slice %arg14[%dma_start3A, %dma_start3A_249] : memref<10000x128xf32, #tpu.memory_space<vmem_shared>> -> memref<10000x128xf32, #tpu.memory_space<vmem_shared>>
        tpu.enqueue_indirect_dma source(%dma_start3A_250 : memref<10000x128xf32, #tpu.memory_space<vmem_shared>>) target(%arg15 : memref<80x128xf32, #tpu.memory_space<vmem>>) offsets(%arg19 : memref<80xi32, #tpu.memory_space<vmem>>) semaphore(%arg20 : memref<!tpu.dma_semaphore, #tpu.memory_space<semaphore_mem>>)
        %dma_wait3A = arith.constant 0 : i32
        %dma_wait3A_251 = arith.constant 0 : i32
        %dma_wait3A_252 = tpu.memref_slice %arg14[%dma_wait3A, %dma_wait3A_251] : memref<10000x128xf32, #tpu.memory_space<vmem_shared>> -> memref<10000x128xf32, #tpu.memory_space<vmem_shared>>
        tpu.wait_indirect_dma semaphore(%arg20 : memref<!tpu.dma_semaphore, #tpu.memory_space<semaphore_mem>>) src(%dma_wait3A_252 : memref<10000x128xf32, #tpu.memory_space<vmem_shared>>) dst(%arg15 : memref<80x128xf32, #tpu.memory_space<vmem>>)
        "tpu.region"() ({
          %run_scoped3A = tpu.sem_alloc : memref<!tpu.dma_semaphore, #tpu.memory_space<semaphore_mem>>
          %dma_start3A_253 = arith.constant 0 : i32
          %dma_start3A_254 = tpu.memref_slice %arg10[%mul3A_248, %dma_start3A_253] : memref<10000x128xf32, #tpu.memory_space<hbm>> -> memref<80x128xf32, #tpu.memory_space<hbm>>
          %dma_start3A_255 = arith.constant 0 : i32
          %dma_start3A_256 = tpu.memref_slice %arg10[%mul3A_248, %dma_start3A_255] : memref<10000x128xf32, #tpu.memory_space<hbm>> -> memref<80x128xf32, #tpu.memory_space<hbm>>
          tpu.enqueue_dma source(%arg15 : memref<80x128xf32, #tpu.memory_space<vmem>>) target(%dma_start3A_256 : memref<80x128xf32, #tpu.memory_space<hbm>>) target_semaphore(%run_scoped3A : memref<!tpu.dma_semaphore, #tpu.memory_space<semaphore_mem>>)
          %dma_wait3A_257 = arith.constant 0 : i32
          %dma_wait3A_258 = tpu.memref_slice %arg10[%mul3A_248, %dma_wait3A_257] : memref<10000x128xf32, #tpu.memory_space<hbm>> -> memref<80x128xf32, #tpu.memory_space<hbm>>
          %dma_wait3A_259 = arith.constant 0 : i32
          %dma_wait3A_260 = tpu.memref_slice %arg10[%mul3A_248, %dma_wait3A_259] : memref<10000x128xf32, #tpu.memory_space<hbm>> -> memref<80x128xf32, #tpu.memory_space<hbm>>
          tpu.wait_dma2 semaphore(%run_scoped3A : memref<!tpu.dma_semaphore, #tpu.memory_space<semaphore_mem>>) src(%arg15 : memref<80x128xf32, #tpu.memory_space<vmem>>) dst(%dma_wait3A_260 : memref<80x128xf32, #tpu.memory_space<hbm>>)
          tpu.yield
        }) : () -> ()
      } else {
      }
      %add3A_111 = arith.constant 96 : i32
      %add3A_112 = arith.addi %arg1, %add3A_111 : i32
      %lt3A_113 = arith.constant 125 : i32
      %lt3A_114 = arith.cmpi slt, %add3A_112, %lt3A_113 : i32
      %convert_element_type3A_115 = arith.extui %lt3A_114 : i1 to i32
      %cond3A_116 = arith.constant 0 : i32
      %cond3A_117 = arith.cmpi ne, %convert_element_type3A_115, %cond3A_116 : i32
      scf.if %cond3A_117 {
        %mul3A_247 = arith.constant 80 : i32
        %mul3A_248 = arith.muli %add3A_112, %mul3A_247 : i32
        "tpu.region"() ({
          %run_scoped3A = tpu.sem_alloc : memref<!tpu.dma_semaphore, #tpu.memory_space<semaphore_mem>>
          %dma_start3A_253 = tpu.memref_slice %arg9[%mul3A_248] : memref<10000xi32, #tpu.memory_space<hbm>> -> memref<80xi32, #tpu.memory_space<hbm>>
          %dma_start3A_254 = tpu.memref_slice %arg9[%mul3A_248] : memref<10000xi32, #tpu.memory_space<hbm>> -> memref<80xi32, #tpu.memory_space<hbm>>
          tpu.enqueue_dma source(%dma_start3A_254 : memref<80xi32, #tpu.memory_space<hbm>>) target(%arg19 : memref<80xi32, #tpu.memory_space<vmem>>) target_semaphore(%run_scoped3A : memref<!tpu.dma_semaphore, #tpu.memory_space<semaphore_mem>>)
          %dma_wait3A_255 = tpu.memref_slice %arg9[%mul3A_248] : memref<10000xi32, #tpu.memory_space<hbm>> -> memref<80xi32, #tpu.memory_space<hbm>>
          %dma_wait3A_256 = tpu.memref_slice %arg9[%mul3A_248] : memref<10000xi32, #tpu.memory_space<hbm>> -> memref<80xi32, #tpu.memory_space<hbm>>
          tpu.wait_dma2 semaphore(%run_scoped3A : memref<!tpu.dma_semaphore, #tpu.memory_space<semaphore_mem>>) src(%dma_wait3A_256 : memref<80xi32, #tpu.memory_space<hbm>>) dst(%arg19 : memref<80xi32, #tpu.memory_space<vmem>>)
          tpu.yield
        }) : () -> ()
        %dma_start3A = arith.constant 0 : i32
        %dma_start3A_249 = arith.constant 0 : i32
        %dma_start3A_250 = tpu.memref_slice %arg14[%dma_start3A, %dma_start3A_249] : memref<10000x128xf32, #tpu.memory_space<vmem_shared>> -> memref<10000x128xf32, #tpu.memory_space<vmem_shared>>
        tpu.enqueue_indirect_dma source(%dma_start3A_250 : memref<10000x128xf32, #tpu.memory_space<vmem_shared>>) target(%arg15 : memref<80x128xf32, #tpu.memory_space<vmem>>) offsets(%arg19 : memref<80xi32, #tpu.memory_space<vmem>>) semaphore(%arg20 : memref<!tpu.dma_semaphore, #tpu.memory_space<semaphore_mem>>)
        %dma_wait3A = arith.constant 0 : i32
        %dma_wait3A_251 = arith.constant 0 : i32
        %dma_wait3A_252 = tpu.memref_slice %arg14[%dma_wait3A, %dma_wait3A_251] : memref<10000x128xf32, #tpu.memory_space<vmem_shared>> -> memref<10000x128xf32, #tpu.memory_space<vmem_shared>>
        tpu.wait_indirect_dma semaphore(%arg20 : memref<!tpu.dma_semaphore, #tpu.memory_space<semaphore_mem>>) src(%dma_wait3A_252 : memref<10000x128xf32, #tpu.memory_space<vmem_shared>>) dst(%arg15 : memref<80x128xf32, #tpu.memory_space<vmem>>)
        "tpu.region"() ({
          %run_scoped3A = tpu.sem_alloc : memref<!tpu.dma_semaphore, #tpu.memory_space<semaphore_mem>>
          %dma_start3A_253 = arith.constant 0 : i32
          %dma_start3A_254 = tpu.memref_slice %arg10[%mul3A_248, %dma_start3A_253] : memref<10000x128xf32, #tpu.memory_space<hbm>> -> memref<80x128xf32, #tpu.memory_space<hbm>>
          %dma_start3A_255 = arith.constant 0 : i32
          %dma_start3A_256 = tpu.memref_slice %arg10[%mul3A_248, %dma_start3A_255] : memref<10000x128xf32, #tpu.memory_space<hbm>> -> memref<80x128xf32, #tpu.memory_space<hbm>>
          tpu.enqueue_dma source(%arg15 : memref<80x128xf32, #tpu.memory_space<vmem>>) target(%dma_start3A_256 : memref<80x128xf32, #tpu.memory_space<hbm>>) target_semaphore(%run_scoped3A : memref<!tpu.dma_semaphore, #tpu.memory_space<semaphore_mem>>)
          %dma_wait3A_257 = arith.constant 0 : i32
          %dma_wait3A_258 = tpu.memref_slice %arg10[%mul3A_248, %dma_wait3A_257] : memref<10000x128xf32, #tpu.memory_space<hbm>> -> memref<80x128xf32, #tpu.memory_space<hbm>>
          %dma_wait3A_259 = arith.constant 0 : i32
          %dma_wait3A_260 = tpu.memref_slice %arg10[%mul3A_248, %dma_wait3A_259] : memref<10000x128xf32, #tpu.memory_space<hbm>> -> memref<80x128xf32, #tpu.memory_space<hbm>>
          tpu.wait_dma2 semaphore(%run_scoped3A : memref<!tpu.dma_semaphore, #tpu.memory_space<semaphore_mem>>) src(%arg15 : memref<80x128xf32, #tpu.memory_space<vmem>>) dst(%dma_wait3A_260 : memref<80x128xf32, #tpu.memory_space<hbm>>)
          tpu.yield
        }) : () -> ()
      } else {
      }
      %add3A_118 = arith.constant 112 : i32
      %add3A_119 = arith.addi %arg1, %add3A_118 : i32
      %lt3A_120 = arith.constant 125 : i32
      %lt3A_121 = arith.cmpi slt, %add3A_119, %lt3A_120 : i32
      %convert_element_type3A_122 = arith.extui %lt3A_121 : i1 to i32
      %cond3A_123 = arith.constant 0 : i32
      %cond3A_124 = arith.cmpi ne, %convert_element_type3A_122, %cond3A_123 : i32
      scf.if %cond3A_124 {
        %mul3A_247 = arith.constant 80 : i32
        %mul3A_248 = arith.muli %add3A_119, %mul3A_247 : i32
        "tpu.region"() ({
          %run_scoped3A = tpu.sem_alloc : memref<!tpu.dma_semaphore, #tpu.memory_space<semaphore_mem>>
          %dma_start3A_253 = tpu.memref_slice %arg9[%mul3A_248] : memref<10000xi32, #tpu.memory_space<hbm>> -> memref<80xi32, #tpu.memory_space<hbm>>
          %dma_start3A_254 = tpu.memref_slice %arg9[%mul3A_248] : memref<10000xi32, #tpu.memory_space<hbm>> -> memref<80xi32, #tpu.memory_space<hbm>>
          tpu.enqueue_dma source(%dma_start3A_254 : memref<80xi32, #tpu.memory_space<hbm>>) target(%arg19 : memref<80xi32, #tpu.memory_space<vmem>>) target_semaphore(%run_scoped3A : memref<!tpu.dma_semaphore, #tpu.memory_space<semaphore_mem>>)
          %dma_wait3A_255 = tpu.memref_slice %arg9[%mul3A_248] : memref<10000xi32, #tpu.memory_space<hbm>> -> memref<80xi32, #tpu.memory_space<hbm>>
          %dma_wait3A_256 = tpu.memref_slice %arg9[%mul3A_248] : memref<10000xi32, #tpu.memory_space<hbm>> -> memref<80xi32, #tpu.memory_space<hbm>>
          tpu.wait_dma2 semaphore(%run_scoped3A : memref<!tpu.dma_semaphore, #tpu.memory_space<semaphore_mem>>) src(%dma_wait3A_256 : memref<80xi32, #tpu.memory_space<hbm>>) dst(%arg19 : memref<80xi32, #tpu.memory_space<vmem>>)
          tpu.yield
        }) : () -> ()
        %dma_start3A = arith.constant 0 : i32
        %dma_start3A_249 = arith.constant 0 : i32
        %dma_start3A_250 = tpu.memref_slice %arg14[%dma_start3A, %dma_start3A_249] : memref<10000x128xf32, #tpu.memory_space<vmem_shared>> -> memref<10000x128xf32, #tpu.memory_space<vmem_shared>>
        tpu.enqueue_indirect_dma source(%dma_start3A_250 : memref<10000x128xf32, #tpu.memory_space<vmem_shared>>) target(%arg15 : memref<80x128xf32, #tpu.memory_space<vmem>>) offsets(%arg19 : memref<80xi32, #tpu.memory_space<vmem>>) semaphore(%arg20 : memref<!tpu.dma_semaphore, #tpu.memory_space<semaphore_mem>>)
        %dma_wait3A = arith.constant 0 : i32
        %dma_wait3A_251 = arith.constant 0 : i32
        %dma_wait3A_252 = tpu.memref_slice %arg14[%dma_wait3A, %dma_wait3A_251] : memref<10000x128xf32, #tpu.memory_space<vmem_shared>> -> memref<10000x128xf32, #tpu.memory_space<vmem_shared>>
        tpu.wait_indirect_dma semaphore(%arg20 : memref<!tpu.dma_semaphore, #tpu.memory_space<semaphore_mem>>) src(%dma_wait3A_252 : memref<10000x128xf32, #tpu.memory_space<vmem_shared>>) dst(%arg15 : memref<80x128xf32, #tpu.memory_space<vmem>>)
        "tpu.region"() ({
          %run_scoped3A = tpu.sem_alloc : memref<!tpu.dma_semaphore, #tpu.memory_space<semaphore_mem>>
          %dma_start3A_253 = arith.constant 0 : i32
          %dma_start3A_254 = tpu.memref_slice %arg10[%mul3A_248, %dma_start3A_253] : memref<10000x128xf32, #tpu.memory_space<hbm>> -> memref<80x128xf32, #tpu.memory_space<hbm>>
          %dma_start3A_255 = arith.constant 0 : i32
          %dma_start3A_256 = tpu.memref_slice %arg10[%mul3A_248, %dma_start3A_255] : memref<10000x128xf32, #tpu.memory_space<hbm>> -> memref<80x128xf32, #tpu.memory_space<hbm>>
          tpu.enqueue_dma source(%arg15 : memref<80x128xf32, #tpu.memory_space<vmem>>) target(%dma_start3A_256 : memref<80x128xf32, #tpu.memory_space<hbm>>) target_semaphore(%run_scoped3A : memref<!tpu.dma_semaphore, #tpu.memory_space<semaphore_mem>>)
          %dma_wait3A_257 = arith.constant 0 : i32
          %dma_wait3A_258 = tpu.memref_slice %arg10[%mul3A_248, %dma_wait3A_257] : memref<10000x128xf32, #tpu.memory_space<hbm>> -> memref<80x128xf32, #tpu.memory_space<hbm>>
          %dma_wait3A_259 = arith.constant 0 : i32
          %dma_wait3A_260 = tpu.memref_slice %arg10[%mul3A_248, %dma_wait3A_259] : memref<10000x128xf32, #tpu.memory_space<hbm>> -> memref<80x128xf32, #tpu.memory_space<hbm>>
          tpu.wait_dma2 semaphore(%run_scoped3A : memref<!tpu.dma_semaphore, #tpu.memory_space<semaphore_mem>>) src(%arg15 : memref<80x128xf32, #tpu.memory_space<vmem>>) dst(%dma_wait3A_260 : memref<80x128xf32, #tpu.memory_space<hbm>>)
          tpu.yield
        }) : () -> ()
      } else {
      }
      %barrier3A_125 = arith.constant 0 : index
      tpu.barrier barrier_id(%barrier3A_125)
      "tpu.region"() ({
        %run_scoped3A = tpu.sem_alloc : memref<!tpu.dma_semaphore, #tpu.memory_space<semaphore_mem>>
        %dma_start3A = arith.constant 0 : i32
        %dma_start3A_247 = arith.constant 0 : i32
        %dma_start3A_248 = tpu.memref_slice %arg7[%dma_start3A, %dma_start3A_247] : memref<10000x128xf32, #tpu.memory_space<hbm>> -> memref<80x128xf32, #tpu.memory_space<hbm>>
        %dma_start3A_249 = arith.constant 0 : i32
        %dma_start3A_250 = arith.constant 0 : i32
        %dma_start3A_251 = tpu.memref_slice %arg7[%dma_start3A_249, %dma_start3A_250] : memref<10000x128xf32, #tpu.memory_space<hbm>> -> memref<80x128xf32, #tpu.memory_space<hbm>>
        tpu.enqueue_dma source(%dma_start3A_251 : memref<80x128xf32, #tpu.memory_space<hbm>>) target(%arg15 : memref<80x128xf32, #tpu.memory_space<vmem>>) target_semaphore(%run_scoped3A : memref<!tpu.dma_semaphore, #tpu.memory_space<semaphore_mem>>)
        %dma_wait3A = arith.constant 0 : i32
        %dma_wait3A_252 = arith.constant 0 : i32
        %dma_wait3A_253 = tpu.memref_slice %arg7[%dma_wait3A, %dma_wait3A_252] : memref<10000x128xf32, #tpu.memory_space<hbm>> -> memref<80x128xf32, #tpu.memory_space<hbm>>
        %dma_wait3A_254 = arith.constant 0 : i32
        %dma_wait3A_255 = arith.constant 0 : i32
        %dma_wait3A_256 = tpu.memref_slice %arg7[%dma_wait3A_254, %dma_wait3A_255] : memref<10000x128xf32, #tpu.memory_space<hbm>> -> memref<80x128xf32, #tpu.memory_space<hbm>>
        tpu.wait_dma2 semaphore(%run_scoped3A : memref<!tpu.dma_semaphore, #tpu.memory_space<semaphore_mem>>) src(%dma_wait3A_256 : memref<80x128xf32, #tpu.memory_space<hbm>>) dst(%arg15 : memref<80x128xf32, #tpu.memory_space<vmem>>)
        tpu.yield
      }) : () -> ()
      %add3A_126 = arith.constant 0 : i32
      %add3A_127 = arith.addi %arg1, %add3A_126 : i32
      %lt3A_128 = arith.constant 125 : i32
      %lt3A_129 = arith.cmpi slt, %add3A_127, %lt3A_128 : i32
      %convert_element_type3A_130 = arith.extui %lt3A_129 : i1 to i32
      %cond3A_131 = arith.constant 0 : i32
      %cond3A_132 = arith.cmpi ne, %convert_element_type3A_130, %cond3A_131 : i32
      scf.if %cond3A_132 {
        %mul3A_247 = arith.constant 80 : i32
        %mul3A_248 = arith.muli %add3A_127, %mul3A_247 : i32
        "tpu.region"() ({
          %run_scoped3A = tpu.sem_alloc : memref<!tpu.dma_semaphore, #tpu.memory_space<semaphore_mem>>
          %dma_start3A_253 = tpu.memref_slice %arg9[%mul3A_248] : memref<10000xi32, #tpu.memory_space<hbm>> -> memref<80xi32, #tpu.memory_space<hbm>>
          %dma_start3A_254 = tpu.memref_slice %arg9[%mul3A_248] : memref<10000xi32, #tpu.memory_space<hbm>> -> memref<80xi32, #tpu.memory_space<hbm>>
          tpu.enqueue_dma source(%dma_start3A_254 : memref<80xi32, #tpu.memory_space<hbm>>) target(%arg19 : memref<80xi32, #tpu.memory_space<vmem>>) target_semaphore(%run_scoped3A : memref<!tpu.dma_semaphore, #tpu.memory_space<semaphore_mem>>)
          %dma_wait3A_255 = tpu.memref_slice %arg9[%mul3A_248] : memref<10000xi32, #tpu.memory_space<hbm>> -> memref<80xi32, #tpu.memory_space<hbm>>
          %dma_wait3A_256 = tpu.memref_slice %arg9[%mul3A_248] : memref<10000xi32, #tpu.memory_space<hbm>> -> memref<80xi32, #tpu.memory_space<hbm>>
          tpu.wait_dma2 semaphore(%run_scoped3A : memref<!tpu.dma_semaphore, #tpu.memory_space<semaphore_mem>>) src(%dma_wait3A_256 : memref<80xi32, #tpu.memory_space<hbm>>) dst(%arg19 : memref<80xi32, #tpu.memory_space<vmem>>)
          tpu.yield
        }) : () -> ()
        %dma_start3A = arith.constant 0 : i32
        %dma_start3A_249 = arith.constant 0 : i32
        %dma_start3A_250 = tpu.memref_slice %arg14[%dma_start3A, %dma_start3A_249] : memref<10000x128xf32, #tpu.memory_space<vmem_shared>> -> memref<10000x128xf32, #tpu.memory_space<vmem_shared>>
        tpu.enqueue_indirect_dma source(%arg15 : memref<80x128xf32, #tpu.memory_space<vmem>>) target(%dma_start3A_250 : memref<10000x128xf32, #tpu.memory_space<vmem_shared>>) offsets(%arg19 : memref<80xi32, #tpu.memory_space<vmem>>) semaphore(%arg20 : memref<!tpu.dma_semaphore, #tpu.memory_space<semaphore_mem>>)
        %dma_wait3A = arith.constant 0 : i32
        %dma_wait3A_251 = arith.constant 0 : i32
        %dma_wait3A_252 = tpu.memref_slice %arg14[%dma_wait3A, %dma_wait3A_251] : memref<10000x128xf32, #tpu.memory_space<vmem_shared>> -> memref<10000x128xf32, #tpu.memory_space<vmem_shared>>
        tpu.wait_indirect_dma semaphore(%arg20 : memref<!tpu.dma_semaphore, #tpu.memory_space<semaphore_mem>>) src(%arg15 : memref<80x128xf32, #tpu.memory_space<vmem>>) dst(%dma_wait3A_252 : memref<10000x128xf32, #tpu.memory_space<vmem_shared>>)
      } else {
      }
      %add3A_133 = arith.constant 16 : i32
      %add3A_134 = arith.addi %arg1, %add3A_133 : i32
      %lt3A_135 = arith.constant 125 : i32
      %lt3A_136 = arith.cmpi slt, %add3A_134, %lt3A_135 : i32
      %convert_element_type3A_137 = arith.extui %lt3A_136 : i1 to i32
      %cond3A_138 = arith.constant 0 : i32
      %cond3A_139 = arith.cmpi ne, %convert_element_type3A_137, %cond3A_138 : i32
      scf.if %cond3A_139 {
        %mul3A_247 = arith.constant 80 : i32
        %mul3A_248 = arith.muli %add3A_134, %mul3A_247 : i32
        "tpu.region"() ({
          %run_scoped3A = tpu.sem_alloc : memref<!tpu.dma_semaphore, #tpu.memory_space<semaphore_mem>>
          %dma_start3A_253 = tpu.memref_slice %arg9[%mul3A_248] : memref<10000xi32, #tpu.memory_space<hbm>> -> memref<80xi32, #tpu.memory_space<hbm>>
          %dma_start3A_254 = tpu.memref_slice %arg9[%mul3A_248] : memref<10000xi32, #tpu.memory_space<hbm>> -> memref<80xi32, #tpu.memory_space<hbm>>
          tpu.enqueue_dma source(%dma_start3A_254 : memref<80xi32, #tpu.memory_space<hbm>>) target(%arg19 : memref<80xi32, #tpu.memory_space<vmem>>) target_semaphore(%run_scoped3A : memref<!tpu.dma_semaphore, #tpu.memory_space<semaphore_mem>>)
          %dma_wait3A_255 = tpu.memref_slice %arg9[%mul3A_248] : memref<10000xi32, #tpu.memory_space<hbm>> -> memref<80xi32, #tpu.memory_space<hbm>>
          %dma_wait3A_256 = tpu.memref_slice %arg9[%mul3A_248] : memref<10000xi32, #tpu.memory_space<hbm>> -> memref<80xi32, #tpu.memory_space<hbm>>
          tpu.wait_dma2 semaphore(%run_scoped3A : memref<!tpu.dma_semaphore, #tpu.memory_space<semaphore_mem>>) src(%dma_wait3A_256 : memref<80xi32, #tpu.memory_space<hbm>>) dst(%arg19 : memref<80xi32, #tpu.memory_space<vmem>>)
          tpu.yield
        }) : () -> ()
        %dma_start3A = arith.constant 0 : i32
        %dma_start3A_249 = arith.constant 0 : i32
        %dma_start3A_250 = tpu.memref_slice %arg14[%dma_start3A, %dma_start3A_249] : memref<10000x128xf32, #tpu.memory_space<vmem_shared>> -> memref<10000x128xf32, #tpu.memory_space<vmem_shared>>
        tpu.enqueue_indirect_dma source(%arg15 : memref<80x128xf32, #tpu.memory_space<vmem>>) target(%dma_start3A_250 : memref<10000x128xf32, #tpu.memory_space<vmem_shared>>) offsets(%arg19 : memref<80xi32, #tpu.memory_space<vmem>>) semaphore(%arg20 : memref<!tpu.dma_semaphore, #tpu.memory_space<semaphore_mem>>)
        %dma_wait3A = arith.constant 0 : i32
        %dma_wait3A_251 = arith.constant 0 : i32
        %dma_wait3A_252 = tpu.memref_slice %arg14[%dma_wait3A, %dma_wait3A_251] : memref<10000x128xf32, #tpu.memory_space<vmem_shared>> -> memref<10000x128xf32, #tpu.memory_space<vmem_shared>>
        tpu.wait_indirect_dma semaphore(%arg20 : memref<!tpu.dma_semaphore, #tpu.memory_space<semaphore_mem>>) src(%arg15 : memref<80x128xf32, #tpu.memory_space<vmem>>) dst(%dma_wait3A_252 : memref<10000x128xf32, #tpu.memory_space<vmem_shared>>)
      } else {
      }
      %add3A_140 = arith.constant 32 : i32
      %add3A_141 = arith.addi %arg1, %add3A_140 : i32
      %lt3A_142 = arith.constant 125 : i32
      %lt3A_143 = arith.cmpi slt, %add3A_141, %lt3A_142 : i32
      %convert_element_type3A_144 = arith.extui %lt3A_143 : i1 to i32
      %cond3A_145 = arith.constant 0 : i32
      %cond3A_146 = arith.cmpi ne, %convert_element_type3A_144, %cond3A_145 : i32
      scf.if %cond3A_146 {
        %mul3A_247 = arith.constant 80 : i32
        %mul3A_248 = arith.muli %add3A_141, %mul3A_247 : i32
        "tpu.region"() ({
          %run_scoped3A = tpu.sem_alloc : memref<!tpu.dma_semaphore, #tpu.memory_space<semaphore_mem>>
          %dma_start3A_253 = tpu.memref_slice %arg9[%mul3A_248] : memref<10000xi32, #tpu.memory_space<hbm>> -> memref<80xi32, #tpu.memory_space<hbm>>
          %dma_start3A_254 = tpu.memref_slice %arg9[%mul3A_248] : memref<10000xi32, #tpu.memory_space<hbm>> -> memref<80xi32, #tpu.memory_space<hbm>>
          tpu.enqueue_dma source(%dma_start3A_254 : memref<80xi32, #tpu.memory_space<hbm>>) target(%arg19 : memref<80xi32, #tpu.memory_space<vmem>>) target_semaphore(%run_scoped3A : memref<!tpu.dma_semaphore, #tpu.memory_space<semaphore_mem>>)
          %dma_wait3A_255 = tpu.memref_slice %arg9[%mul3A_248] : memref<10000xi32, #tpu.memory_space<hbm>> -> memref<80xi32, #tpu.memory_space<hbm>>
          %dma_wait3A_256 = tpu.memref_slice %arg9[%mul3A_248] : memref<10000xi32, #tpu.memory_space<hbm>> -> memref<80xi32, #tpu.memory_space<hbm>>
          tpu.wait_dma2 semaphore(%run_scoped3A : memref<!tpu.dma_semaphore, #tpu.memory_space<semaphore_mem>>) src(%dma_wait3A_256 : memref<80xi32, #tpu.memory_space<hbm>>) dst(%arg19 : memref<80xi32, #tpu.memory_space<vmem>>)
          tpu.yield
        }) : () -> ()
        %dma_start3A = arith.constant 0 : i32
        %dma_start3A_249 = arith.constant 0 : i32
        %dma_start3A_250 = tpu.memref_slice %arg14[%dma_start3A, %dma_start3A_249] : memref<10000x128xf32, #tpu.memory_space<vmem_shared>> -> memref<10000x128xf32, #tpu.memory_space<vmem_shared>>
        tpu.enqueue_indirect_dma source(%arg15 : memref<80x128xf32, #tpu.memory_space<vmem>>) target(%dma_start3A_250 : memref<10000x128xf32, #tpu.memory_space<vmem_shared>>) offsets(%arg19 : memref<80xi32, #tpu.memory_space<vmem>>) semaphore(%arg20 : memref<!tpu.dma_semaphore, #tpu.memory_space<semaphore_mem>>)
        %dma_wait3A = arith.constant 0 : i32
        %dma_wait3A_251 = arith.constant 0 : i32
        %dma_wait3A_252 = tpu.memref_slice %arg14[%dma_wait3A, %dma_wait3A_251] : memref<10000x128xf32, #tpu.memory_space<vmem_shared>> -> memref<10000x128xf32, #tpu.memory_space<vmem_shared>>
        tpu.wait_indirect_dma semaphore(%arg20 : memref<!tpu.dma_semaphore, #tpu.memory_space<semaphore_mem>>) src(%arg15 : memref<80x128xf32, #tpu.memory_space<vmem>>) dst(%dma_wait3A_252 : memref<10000x128xf32, #tpu.memory_space<vmem_shared>>)
      } else {
      }
      %add3A_147 = arith.constant 48 : i32
      %add3A_148 = arith.addi %arg1, %add3A_147 : i32
      %lt3A_149 = arith.constant 125 : i32
      %lt3A_150 = arith.cmpi slt, %add3A_148, %lt3A_149 : i32
      %convert_element_type3A_151 = arith.extui %lt3A_150 : i1 to i32
      %cond3A_152 = arith.constant 0 : i32
      %cond3A_153 = arith.cmpi ne, %convert_element_type3A_151, %cond3A_152 : i32
      scf.if %cond3A_153 {
        %mul3A_247 = arith.constant 80 : i32
        %mul3A_248 = arith.muli %add3A_148, %mul3A_247 : i32
        "tpu.region"() ({
          %run_scoped3A = tpu.sem_alloc : memref<!tpu.dma_semaphore, #tpu.memory_space<semaphore_mem>>
          %dma_start3A_253 = tpu.memref_slice %arg9[%mul3A_248] : memref<10000xi32, #tpu.memory_space<hbm>> -> memref<80xi32, #tpu.memory_space<hbm>>
          %dma_start3A_254 = tpu.memref_slice %arg9[%mul3A_248] : memref<10000xi32, #tpu.memory_space<hbm>> -> memref<80xi32, #tpu.memory_space<hbm>>
          tpu.enqueue_dma source(%dma_start3A_254 : memref<80xi32, #tpu.memory_space<hbm>>) target(%arg19 : memref<80xi32, #tpu.memory_space<vmem>>) target_semaphore(%run_scoped3A : memref<!tpu.dma_semaphore, #tpu.memory_space<semaphore_mem>>)
          %dma_wait3A_255 = tpu.memref_slice %arg9[%mul3A_248] : memref<10000xi32, #tpu.memory_space<hbm>> -> memref<80xi32, #tpu.memory_space<hbm>>
          %dma_wait3A_256 = tpu.memref_slice %arg9[%mul3A_248] : memref<10000xi32, #tpu.memory_space<hbm>> -> memref<80xi32, #tpu.memory_space<hbm>>
          tpu.wait_dma2 semaphore(%run_scoped3A : memref<!tpu.dma_semaphore, #tpu.memory_space<semaphore_mem>>) src(%dma_wait3A_256 : memref<80xi32, #tpu.memory_space<hbm>>) dst(%arg19 : memref<80xi32, #tpu.memory_space<vmem>>)
          tpu.yield
        }) : () -> ()
        %dma_start3A = arith.constant 0 : i32
        %dma_start3A_249 = arith.constant 0 : i32
        %dma_start3A_250 = tpu.memref_slice %arg14[%dma_start3A, %dma_start3A_249] : memref<10000x128xf32, #tpu.memory_space<vmem_shared>> -> memref<10000x128xf32, #tpu.memory_space<vmem_shared>>
        tpu.enqueue_indirect_dma source(%arg15 : memref<80x128xf32, #tpu.memory_space<vmem>>) target(%dma_start3A_250 : memref<10000x128xf32, #tpu.memory_space<vmem_shared>>) offsets(%arg19 : memref<80xi32, #tpu.memory_space<vmem>>) semaphore(%arg20 : memref<!tpu.dma_semaphore, #tpu.memory_space<semaphore_mem>>)
        %dma_wait3A = arith.constant 0 : i32
        %dma_wait3A_251 = arith.constant 0 : i32
        %dma_wait3A_252 = tpu.memref_slice %arg14[%dma_wait3A, %dma_wait3A_251] : memref<10000x128xf32, #tpu.memory_space<vmem_shared>> -> memref<10000x128xf32, #tpu.memory_space<vmem_shared>>
        tpu.wait_indirect_dma semaphore(%arg20 : memref<!tpu.dma_semaphore, #tpu.memory_space<semaphore_mem>>) src(%arg15 : memref<80x128xf32, #tpu.memory_space<vmem>>) dst(%dma_wait3A_252 : memref<10000x128xf32, #tpu.memory_space<vmem_shared>>)
      } else {
      }
      %add3A_154 = arith.constant 64 : i32
      %add3A_155 = arith.addi %arg1, %add3A_154 : i32
      %lt3A_156 = arith.constant 125 : i32
      %lt3A_157 = arith.cmpi slt, %add3A_155, %lt3A_156 : i32
      %convert_element_type3A_158 = arith.extui %lt3A_157 : i1 to i32
      %cond3A_159 = arith.constant 0 : i32
      %cond3A_160 = arith.cmpi ne, %convert_element_type3A_158, %cond3A_159 : i32
      scf.if %cond3A_160 {
        %mul3A_247 = arith.constant 80 : i32
        %mul3A_248 = arith.muli %add3A_155, %mul3A_247 : i32
        "tpu.region"() ({
          %run_scoped3A = tpu.sem_alloc : memref<!tpu.dma_semaphore, #tpu.memory_space<semaphore_mem>>
          %dma_start3A_253 = tpu.memref_slice %arg9[%mul3A_248] : memref<10000xi32, #tpu.memory_space<hbm>> -> memref<80xi32, #tpu.memory_space<hbm>>
          %dma_start3A_254 = tpu.memref_slice %arg9[%mul3A_248] : memref<10000xi32, #tpu.memory_space<hbm>> -> memref<80xi32, #tpu.memory_space<hbm>>
          tpu.enqueue_dma source(%dma_start3A_254 : memref<80xi32, #tpu.memory_space<hbm>>) target(%arg19 : memref<80xi32, #tpu.memory_space<vmem>>) target_semaphore(%run_scoped3A : memref<!tpu.dma_semaphore, #tpu.memory_space<semaphore_mem>>)
          %dma_wait3A_255 = tpu.memref_slice %arg9[%mul3A_248] : memref<10000xi32, #tpu.memory_space<hbm>> -> memref<80xi32, #tpu.memory_space<hbm>>
          %dma_wait3A_256 = tpu.memref_slice %arg9[%mul3A_248] : memref<10000xi32, #tpu.memory_space<hbm>> -> memref<80xi32, #tpu.memory_space<hbm>>
          tpu.wait_dma2 semaphore(%run_scoped3A : memref<!tpu.dma_semaphore, #tpu.memory_space<semaphore_mem>>) src(%dma_wait3A_256 : memref<80xi32, #tpu.memory_space<hbm>>) dst(%arg19 : memref<80xi32, #tpu.memory_space<vmem>>)
          tpu.yield
        }) : () -> ()
        %dma_start3A = arith.constant 0 : i32
        %dma_start3A_249 = arith.constant 0 : i32
        %dma_start3A_250 = tpu.memref_slice %arg14[%dma_start3A, %dma_start3A_249] : memref<10000x128xf32, #tpu.memory_space<vmem_shared>> -> memref<10000x128xf32, #tpu.memory_space<vmem_shared>>
        tpu.enqueue_indirect_dma source(%arg15 : memref<80x128xf32, #tpu.memory_space<vmem>>) target(%dma_start3A_250 : memref<10000x128xf32, #tpu.memory_space<vmem_shared>>) offsets(%arg19 : memref<80xi32, #tpu.memory_space<vmem>>) semaphore(%arg20 : memref<!tpu.dma_semaphore, #tpu.memory_space<semaphore_mem>>)
        %dma_wait3A = arith.constant 0 : i32
        %dma_wait3A_251 = arith.constant 0 : i32
        %dma_wait3A_252 = tpu.memref_slice %arg14[%dma_wait3A, %dma_wait3A_251] : memref<10000x128xf32, #tpu.memory_space<vmem_shared>> -> memref<10000x128xf32, #tpu.memory_space<vmem_shared>>
        tpu.wait_indirect_dma semaphore(%arg20 : memref<!tpu.dma_semaphore, #tpu.memory_space<semaphore_mem>>) src(%arg15 : memref<80x128xf32, #tpu.memory_space<vmem>>) dst(%dma_wait3A_252 : memref<10000x128xf32, #tpu.memory_space<vmem_shared>>)
      } else {
      }
      %add3A_161 = arith.constant 80 : i32
      %add3A_162 = arith.addi %arg1, %add3A_161 : i32
      %lt3A_163 = arith.constant 125 : i32
      %lt3A_164 = arith.cmpi slt, %add3A_162, %lt3A_163 : i32
      %convert_element_type3A_165 = arith.extui %lt3A_164 : i1 to i32
      %cond3A_166 = arith.constant 0 : i32
      %cond3A_167 = arith.cmpi ne, %convert_element_type3A_165, %cond3A_166 : i32
      scf.if %cond3A_167 {
        %mul3A_247 = arith.constant 80 : i32
        %mul3A_248 = arith.muli %add3A_162, %mul3A_247 : i32
        "tpu.region"() ({
          %run_scoped3A = tpu.sem_alloc : memref<!tpu.dma_semaphore, #tpu.memory_space<semaphore_mem>>
          %dma_start3A_253 = tpu.memref_slice %arg9[%mul3A_248] : memref<10000xi32, #tpu.memory_space<hbm>> -> memref<80xi32, #tpu.memory_space<hbm>>
          %dma_start3A_254 = tpu.memref_slice %arg9[%mul3A_248] : memref<10000xi32, #tpu.memory_space<hbm>> -> memref<80xi32, #tpu.memory_space<hbm>>
          tpu.enqueue_dma source(%dma_start3A_254 : memref<80xi32, #tpu.memory_space<hbm>>) target(%arg19 : memref<80xi32, #tpu.memory_space<vmem>>) target_semaphore(%run_scoped3A : memref<!tpu.dma_semaphore, #tpu.memory_space<semaphore_mem>>)
          %dma_wait3A_255 = tpu.memref_slice %arg9[%mul3A_248] : memref<10000xi32, #tpu.memory_space<hbm>> -> memref<80xi32, #tpu.memory_space<hbm>>
          %dma_wait3A_256 = tpu.memref_slice %arg9[%mul3A_248] : memref<10000xi32, #tpu.memory_space<hbm>> -> memref<80xi32, #tpu.memory_space<hbm>>
          tpu.wait_dma2 semaphore(%run_scoped3A : memref<!tpu.dma_semaphore, #tpu.memory_space<semaphore_mem>>) src(%dma_wait3A_256 : memref<80xi32, #tpu.memory_space<hbm>>) dst(%arg19 : memref<80xi32, #tpu.memory_space<vmem>>)
          tpu.yield
        }) : () -> ()
        %dma_start3A = arith.constant 0 : i32
        %dma_start3A_249 = arith.constant 0 : i32
        %dma_start3A_250 = tpu.memref_slice %arg14[%dma_start3A, %dma_start3A_249] : memref<10000x128xf32, #tpu.memory_space<vmem_shared>> -> memref<10000x128xf32, #tpu.memory_space<vmem_shared>>
        tpu.enqueue_indirect_dma source(%arg15 : memref<80x128xf32, #tpu.memory_space<vmem>>) target(%dma_start3A_250 : memref<10000x128xf32, #tpu.memory_space<vmem_shared>>) offsets(%arg19 : memref<80xi32, #tpu.memory_space<vmem>>) semaphore(%arg20 : memref<!tpu.dma_semaphore, #tpu.memory_space<semaphore_mem>>)
        %dma_wait3A = arith.constant 0 : i32
        %dma_wait3A_251 = arith.constant 0 : i32
        %dma_wait3A_252 = tpu.memref_slice %arg14[%dma_wait3A, %dma_wait3A_251] : memref<10000x128xf32, #tpu.memory_space<vmem_shared>> -> memref<10000x128xf32, #tpu.memory_space<vmem_shared>>
        tpu.wait_indirect_dma semaphore(%arg20 : memref<!tpu.dma_semaphore, #tpu.memory_space<semaphore_mem>>) src(%arg15 : memref<80x128xf32, #tpu.memory_space<vmem>>) dst(%dma_wait3A_252 : memref<10000x128xf32, #tpu.memory_space<vmem_shared>>)
      } else {
      }
      %add3A_168 = arith.constant 96 : i32
      %add3A_169 = arith.addi %arg1, %add3A_168 : i32
      %lt3A_170 = arith.constant 125 : i32
      %lt3A_171 = arith.cmpi slt, %add3A_169, %lt3A_170 : i32
      %convert_element_type3A_172 = arith.extui %lt3A_171 : i1 to i32
      %cond3A_173 = arith.constant 0 : i32
      %cond3A_174 = arith.cmpi ne, %convert_element_type3A_172, %cond3A_173 : i32
      scf.if %cond3A_174 {
        %mul3A_247 = arith.constant 80 : i32
        %mul3A_248 = arith.muli %add3A_169, %mul3A_247 : i32
        "tpu.region"() ({
          %run_scoped3A = tpu.sem_alloc : memref<!tpu.dma_semaphore, #tpu.memory_space<semaphore_mem>>
          %dma_start3A_253 = tpu.memref_slice %arg9[%mul3A_248] : memref<10000xi32, #tpu.memory_space<hbm>> -> memref<80xi32, #tpu.memory_space<hbm>>
          %dma_start3A_254 = tpu.memref_slice %arg9[%mul3A_248] : memref<10000xi32, #tpu.memory_space<hbm>> -> memref<80xi32, #tpu.memory_space<hbm>>
          tpu.enqueue_dma source(%dma_start3A_254 : memref<80xi32, #tpu.memory_space<hbm>>) target(%arg19 : memref<80xi32, #tpu.memory_space<vmem>>) target_semaphore(%run_scoped3A : memref<!tpu.dma_semaphore, #tpu.memory_space<semaphore_mem>>)
          %dma_wait3A_255 = tpu.memref_slice %arg9[%mul3A_248] : memref<10000xi32, #tpu.memory_space<hbm>> -> memref<80xi32, #tpu.memory_space<hbm>>
          %dma_wait3A_256 = tpu.memref_slice %arg9[%mul3A_248] : memref<10000xi32, #tpu.memory_space<hbm>> -> memref<80xi32, #tpu.memory_space<hbm>>
          tpu.wait_dma2 semaphore(%run_scoped3A : memref<!tpu.dma_semaphore, #tpu.memory_space<semaphore_mem>>) src(%dma_wait3A_256 : memref<80xi32, #tpu.memory_space<hbm>>) dst(%arg19 : memref<80xi32, #tpu.memory_space<vmem>>)
          tpu.yield
        }) : () -> ()
        %dma_start3A = arith.constant 0 : i32
        %dma_start3A_249 = arith.constant 0 : i32
        %dma_start3A_250 = tpu.memref_slice %arg14[%dma_start3A, %dma_start3A_249] : memref<10000x128xf32, #tpu.memory_space<vmem_shared>> -> memref<10000x128xf32, #tpu.memory_space<vmem_shared>>
        tpu.enqueue_indirect_dma source(%arg15 : memref<80x128xf32, #tpu.memory_space<vmem>>) target(%dma_start3A_250 : memref<10000x128xf32, #tpu.memory_space<vmem_shared>>) offsets(%arg19 : memref<80xi32, #tpu.memory_space<vmem>>) semaphore(%arg20 : memref<!tpu.dma_semaphore, #tpu.memory_space<semaphore_mem>>)
        %dma_wait3A = arith.constant 0 : i32
        %dma_wait3A_251 = arith.constant 0 : i32
        %dma_wait3A_252 = tpu.memref_slice %arg14[%dma_wait3A, %dma_wait3A_251] : memref<10000x128xf32, #tpu.memory_space<vmem_shared>> -> memref<10000x128xf32, #tpu.memory_space<vmem_shared>>
        tpu.wait_indirect_dma semaphore(%arg20 : memref<!tpu.dma_semaphore, #tpu.memory_space<semaphore_mem>>) src(%arg15 : memref<80x128xf32, #tpu.memory_space<vmem>>) dst(%dma_wait3A_252 : memref<10000x128xf32, #tpu.memory_space<vmem_shared>>)
      } else {
      }
      %add3A_175 = arith.constant 112 : i32
      %add3A_176 = arith.addi %arg1, %add3A_175 : i32
      %lt3A_177 = arith.constant 125 : i32
      %lt3A_178 = arith.cmpi slt, %add3A_176, %lt3A_177 : i32
      %convert_element_type3A_179 = arith.extui %lt3A_178 : i1 to i32
      %cond3A_180 = arith.constant 0 : i32
      %cond3A_181 = arith.cmpi ne, %convert_element_type3A_179, %cond3A_180 : i32
      scf.if %cond3A_181 {
        %mul3A_247 = arith.constant 80 : i32
        %mul3A_248 = arith.muli %add3A_176, %mul3A_247 : i32
        "tpu.region"() ({
          %run_scoped3A = tpu.sem_alloc : memref<!tpu.dma_semaphore, #tpu.memory_space<semaphore_mem>>
          %dma_start3A_253 = tpu.memref_slice %arg9[%mul3A_248] : memref<10000xi32, #tpu.memory_space<hbm>> -> memref<80xi32, #tpu.memory_space<hbm>>
          %dma_start3A_254 = tpu.memref_slice %arg9[%mul3A_248] : memref<10000xi32, #tpu.memory_space<hbm>> -> memref<80xi32, #tpu.memory_space<hbm>>
          tpu.enqueue_dma source(%dma_start3A_254 : memref<80xi32, #tpu.memory_space<hbm>>) target(%arg19 : memref<80xi32, #tpu.memory_space<vmem>>) target_semaphore(%run_scoped3A : memref<!tpu.dma_semaphore, #tpu.memory_space<semaphore_mem>>)
          %dma_wait3A_255 = tpu.memref_slice %arg9[%mul3A_248] : memref<10000xi32, #tpu.memory_space<hbm>> -> memref<80xi32, #tpu.memory_space<hbm>>
          %dma_wait3A_256 = tpu.memref_slice %arg9[%mul3A_248] : memref<10000xi32, #tpu.memory_space<hbm>> -> memref<80xi32, #tpu.memory_space<hbm>>
          tpu.wait_dma2 semaphore(%run_scoped3A : memref<!tpu.dma_semaphore, #tpu.memory_space<semaphore_mem>>) src(%dma_wait3A_256 : memref<80xi32, #tpu.memory_space<hbm>>) dst(%arg19 : memref<80xi32, #tpu.memory_space<vmem>>)
          tpu.yield
        }) : () -> ()
        %dma_start3A = arith.constant 0 : i32
        %dma_start3A_249 = arith.constant 0 : i32
        %dma_start3A_250 = tpu.memref_slice %arg14[%dma_start3A, %dma_start3A_249] : memref<10000x128xf32, #tpu.memory_space<vmem_shared>> -> memref<10000x128xf32, #tpu.memory_space<vmem_shared>>
        tpu.enqueue_indirect_dma source(%arg15 : memref<80x128xf32, #tpu.memory_space<vmem>>) target(%dma_start3A_250 : memref<10000x128xf32, #tpu.memory_space<vmem_shared>>) offsets(%arg19 : memref<80xi32, #tpu.memory_space<vmem>>) semaphore(%arg20 : memref<!tpu.dma_semaphore, #tpu.memory_space<semaphore_mem>>)
        %dma_wait3A = arith.constant 0 : i32
        %dma_wait3A_251 = arith.constant 0 : i32
        %dma_wait3A_252 = tpu.memref_slice %arg14[%dma_wait3A, %dma_wait3A_251] : memref<10000x128xf32, #tpu.memory_space<vmem_shared>> -> memref<10000x128xf32, #tpu.memory_space<vmem_shared>>
        tpu.wait_indirect_dma semaphore(%arg20 : memref<!tpu.dma_semaphore, #tpu.memory_space<semaphore_mem>>) src(%arg15 : memref<80x128xf32, #tpu.memory_space<vmem>>) dst(%dma_wait3A_252 : memref<10000x128xf32, #tpu.memory_space<vmem_shared>>)
      } else {
      }
      "tpu.region"() ({
        %run_scoped3A = tpu.sem_alloc : memref<!tpu.dma_semaphore, #tpu.memory_space<semaphore_mem>>
        tpu.enqueue_dma source(%arg8 : memref<80x128xf32, #tpu.memory_space<hbm>>) target(%arg18 : memref<80x128xf32, #tpu.memory_space<vmem>>) target_semaphore(%run_scoped3A : memref<!tpu.dma_semaphore, #tpu.memory_space<semaphore_mem>>)
        tpu.wait_dma2 semaphore(%run_scoped3A : memref<!tpu.dma_semaphore, #tpu.memory_space<semaphore_mem>>) src(%arg8 : memref<80x128xf32, #tpu.memory_space<hbm>>) dst(%arg18 : memref<80x128xf32, #tpu.memory_space<vmem>>)
        tpu.yield
      }) : () -> ()
      %barrier3A_182 = arith.constant 0 : index
      tpu.barrier barrier_id(%barrier3A_182)
      %scan3A_183 = arith.constant 0 : i32
      %scan3A_184 = arith.constant 0 : i32
      %scan3A_185 = arith.constant 250 : i32
      %scan3A_186 = arith.addi %scan3A_184, %scan3A_185 : i32
      %scan3A_187 = arith.constant 1 : i32
      %scan3A_188 = scf.for %scan3A_247 = %scan3A_184 to %scan3A_186 step %scan3A_187 iter_args(%scan3A_248 = %scan3A_183) -> (i32)  : i32 {
        %mul3A_249 = arith.constant 80 : i32
        %mul3A_250 = arith.muli %scan3A_247, %mul3A_249 : i32
        %add3A_251 = arith.addi %mul3A_61, %mul3A_250 : i32
        "tpu.region"() ({
          %run_scoped3A = tpu.sem_alloc : memref<!tpu.dma_semaphore, #tpu.memory_space<semaphore_mem>>
          %dma_start3A = tpu.memref_slice %arg4[%add3A_251] : memref<320000xi32, #tpu.memory_space<hbm>> -> memref<80xi32, #tpu.memory_space<hbm>>
          %dma_start3A_253 = tpu.memref_slice %arg4[%add3A_251] : memref<320000xi32, #tpu.memory_space<hbm>> -> memref<80xi32, #tpu.memory_space<hbm>>
          tpu.enqueue_dma source(%dma_start3A_253 : memref<80xi32, #tpu.memory_space<hbm>>) target(%arg17 : memref<80xi32, #tpu.memory_space<vmem>>) target_semaphore(%run_scoped3A : memref<!tpu.dma_semaphore, #tpu.memory_space<semaphore_mem>>)
          %dma_wait3A = tpu.memref_slice %arg4[%add3A_251] : memref<320000xi32, #tpu.memory_space<hbm>> -> memref<80xi32, #tpu.memory_space<hbm>>
          %dma_wait3A_254 = tpu.memref_slice %arg4[%add3A_251] : memref<320000xi32, #tpu.memory_space<hbm>> -> memref<80xi32, #tpu.memory_space<hbm>>
          tpu.wait_dma2 semaphore(%run_scoped3A : memref<!tpu.dma_semaphore, #tpu.memory_space<semaphore_mem>>) src(%dma_wait3A_254 : memref<80xi32, #tpu.memory_space<hbm>>) dst(%arg17 : memref<80xi32, #tpu.memory_space<vmem>>)
          tpu.yield
        }) : () -> ()
        "tpu.region"() ({
          %run_scoped3A = tpu.sem_alloc : memref<!tpu.dma_semaphore, #tpu.memory_space<semaphore_mem>>
          %dma_start3A = arith.constant 0 : i32
          %dma_start3A_253 = arith.constant 0 : i32
          %dma_start3A_254 = tpu.memref_slice %arg14[%dma_start3A, %dma_start3A_253] : memref<10000x128xf32, #tpu.memory_space<vmem_shared>> -> memref<10000x128xf32, #tpu.memory_space<vmem_shared>>
          tpu.enqueue_indirect_dma source(%arg18 : memref<80x128xf32, #tpu.memory_space<vmem>>) target(%dma_start3A_254 : memref<10000x128xf32, #tpu.memory_space<vmem_shared>>) offsets(%arg17 : memref<80xi32, #tpu.memory_space<vmem>>) semaphore(%run_scoped3A : memref<!tpu.dma_semaphore, #tpu.memory_space<semaphore_mem>>) {add = true}
          %dma_wait3A = arith.constant 0 : i32
          %dma_wait3A_255 = arith.constant 0 : i32
          %dma_wait3A_256 = tpu.memref_slice %arg14[%dma_wait3A, %dma_wait3A_255] : memref<10000x128xf32, #tpu.memory_space<vmem_shared>> -> memref<10000x128xf32, #tpu.memory_space<vmem_shared>>
          tpu.wait_indirect_dma semaphore(%run_scoped3A : memref<!tpu.dma_semaphore, #tpu.memory_space<semaphore_mem>>) src(%arg18 : memref<80x128xf32, #tpu.memory_space<vmem>>) dst(%dma_wait3A_256 : memref<10000x128xf32, #tpu.memory_space<vmem_shared>>)
          tpu.yield
        }) : () -> ()
        %scan3A_252 = arith.constant 0 : i32
        scf.yield %scan3A_252 : i32
      }
      %scan3A_189 = arith.constant 250 : i32
      %barrier3A_190 = arith.constant 0 : index
      tpu.barrier barrier_id(%barrier3A_190)
      %add3A_191 = arith.constant 0 : i32
      %add3A_192 = arith.addi %arg1, %add3A_191 : i32
      %lt3A_193 = arith.constant 125 : i32
      %lt3A_194 = arith.cmpi slt, %add3A_192, %lt3A_193 : i32
      %convert_element_type3A_195 = arith.extui %lt3A_194 : i1 to i32
      %cond3A_196 = arith.constant 0 : i32
      %cond3A_197 = arith.cmpi ne, %convert_element_type3A_195, %cond3A_196 : i32
      scf.if %cond3A_197 {
        %mul3A_247 = arith.constant 80 : i32
        %mul3A_248 = arith.muli %add3A_192, %mul3A_247 : i32
        "tpu.region"() ({
          %run_scoped3A = tpu.sem_alloc : memref<!tpu.dma_semaphore, #tpu.memory_space<semaphore_mem>>
          %dma_start3A_253 = tpu.memref_slice %arg9[%mul3A_248] : memref<10000xi32, #tpu.memory_space<hbm>> -> memref<80xi32, #tpu.memory_space<hbm>>
          %dma_start3A_254 = tpu.memref_slice %arg9[%mul3A_248] : memref<10000xi32, #tpu.memory_space<hbm>> -> memref<80xi32, #tpu.memory_space<hbm>>
          tpu.enqueue_dma source(%dma_start3A_254 : memref<80xi32, #tpu.memory_space<hbm>>) target(%arg19 : memref<80xi32, #tpu.memory_space<vmem>>) target_semaphore(%run_scoped3A : memref<!tpu.dma_semaphore, #tpu.memory_space<semaphore_mem>>)
          %dma_wait3A_255 = tpu.memref_slice %arg9[%mul3A_248] : memref<10000xi32, #tpu.memory_space<hbm>> -> memref<80xi32, #tpu.memory_space<hbm>>
          %dma_wait3A_256 = tpu.memref_slice %arg9[%mul3A_248] : memref<10000xi32, #tpu.memory_space<hbm>> -> memref<80xi32, #tpu.memory_space<hbm>>
          tpu.wait_dma2 semaphore(%run_scoped3A : memref<!tpu.dma_semaphore, #tpu.memory_space<semaphore_mem>>) src(%dma_wait3A_256 : memref<80xi32, #tpu.memory_space<hbm>>) dst(%arg19 : memref<80xi32, #tpu.memory_space<vmem>>)
          tpu.yield
        }) : () -> ()
        %dma_start3A = arith.constant 0 : i32
        %dma_start3A_249 = arith.constant 0 : i32
        %dma_start3A_250 = tpu.memref_slice %arg14[%dma_start3A, %dma_start3A_249] : memref<10000x128xf32, #tpu.memory_space<vmem_shared>> -> memref<10000x128xf32, #tpu.memory_space<vmem_shared>>
        tpu.enqueue_indirect_dma source(%dma_start3A_250 : memref<10000x128xf32, #tpu.memory_space<vmem_shared>>) target(%arg15 : memref<80x128xf32, #tpu.memory_space<vmem>>) offsets(%arg19 : memref<80xi32, #tpu.memory_space<vmem>>) semaphore(%arg20 : memref<!tpu.dma_semaphore, #tpu.memory_space<semaphore_mem>>)
        %dma_wait3A = arith.constant 0 : i32
        %dma_wait3A_251 = arith.constant 0 : i32
        %dma_wait3A_252 = tpu.memref_slice %arg14[%dma_wait3A, %dma_wait3A_251] : memref<10000x128xf32, #tpu.memory_space<vmem_shared>> -> memref<10000x128xf32, #tpu.memory_space<vmem_shared>>
        tpu.wait_indirect_dma semaphore(%arg20 : memref<!tpu.dma_semaphore, #tpu.memory_space<semaphore_mem>>) src(%dma_wait3A_252 : memref<10000x128xf32, #tpu.memory_space<vmem_shared>>) dst(%arg15 : memref<80x128xf32, #tpu.memory_space<vmem>>)
        "tpu.region"() ({
          %run_scoped3A = tpu.sem_alloc : memref<!tpu.dma_semaphore, #tpu.memory_space<semaphore_mem>>
          %dma_start3A_253 = arith.constant 0 : i32
          %dma_start3A_254 = tpu.memref_slice %arg11[%mul3A_248, %dma_start3A_253] : memref<10000x128xf32, #tpu.memory_space<hbm>> -> memref<80x128xf32, #tpu.memory_space<hbm>>
          %dma_start3A_255 = arith.constant 0 : i32
          %dma_start3A_256 = tpu.memref_slice %arg11[%mul3A_248, %dma_start3A_255] : memref<10000x128xf32, #tpu.memory_space<hbm>> -> memref<80x128xf32, #tpu.memory_space<hbm>>
          tpu.enqueue_dma source(%arg15 : memref<80x128xf32, #tpu.memory_space<vmem>>) target(%dma_start3A_256 : memref<80x128xf32, #tpu.memory_space<hbm>>) target_semaphore(%run_scoped3A : memref<!tpu.dma_semaphore, #tpu.memory_space<semaphore_mem>>)
          %dma_wait3A_257 = arith.constant 0 : i32
          %dma_wait3A_258 = tpu.memref_slice %arg11[%mul3A_248, %dma_wait3A_257] : memref<10000x128xf32, #tpu.memory_space<hbm>> -> memref<80x128xf32, #tpu.memory_space<hbm>>
          %dma_wait3A_259 = arith.constant 0 : i32
          %dma_wait3A_260 = tpu.memref_slice %arg11[%mul3A_248, %dma_wait3A_259] : memref<10000x128xf32, #tpu.memory_space<hbm>> -> memref<80x128xf32, #tpu.memory_space<hbm>>
          tpu.wait_dma2 semaphore(%run_scoped3A : memref<!tpu.dma_semaphore, #tpu.memory_space<semaphore_mem>>) src(%arg15 : memref<80x128xf32, #tpu.memory_space<vmem>>) dst(%dma_wait3A_260 : memref<80x128xf32, #tpu.memory_space<hbm>>)
          tpu.yield
        }) : () -> ()
      } else {
      }
      %add3A_198 = arith.constant 16 : i32
      %add3A_199 = arith.addi %arg1, %add3A_198 : i32
      %lt3A_200 = arith.constant 125 : i32
      %lt3A_201 = arith.cmpi slt, %add3A_199, %lt3A_200 : i32
      %convert_element_type3A_202 = arith.extui %lt3A_201 : i1 to i32
      %cond3A_203 = arith.constant 0 : i32
      %cond3A_204 = arith.cmpi ne, %convert_element_type3A_202, %cond3A_203 : i32
      scf.if %cond3A_204 {
        %mul3A_247 = arith.constant 80 : i32
        %mul3A_248 = arith.muli %add3A_199, %mul3A_247 : i32
        "tpu.region"() ({
          %run_scoped3A = tpu.sem_alloc : memref<!tpu.dma_semaphore, #tpu.memory_space<semaphore_mem>>
          %dma_start3A_253 = tpu.memref_slice %arg9[%mul3A_248] : memref<10000xi32, #tpu.memory_space<hbm>> -> memref<80xi32, #tpu.memory_space<hbm>>
          %dma_start3A_254 = tpu.memref_slice %arg9[%mul3A_248] : memref<10000xi32, #tpu.memory_space<hbm>> -> memref<80xi32, #tpu.memory_space<hbm>>
          tpu.enqueue_dma source(%dma_start3A_254 : memref<80xi32, #tpu.memory_space<hbm>>) target(%arg19 : memref<80xi32, #tpu.memory_space<vmem>>) target_semaphore(%run_scoped3A : memref<!tpu.dma_semaphore, #tpu.memory_space<semaphore_mem>>)
          %dma_wait3A_255 = tpu.memref_slice %arg9[%mul3A_248] : memref<10000xi32, #tpu.memory_space<hbm>> -> memref<80xi32, #tpu.memory_space<hbm>>
          %dma_wait3A_256 = tpu.memref_slice %arg9[%mul3A_248] : memref<10000xi32, #tpu.memory_space<hbm>> -> memref<80xi32, #tpu.memory_space<hbm>>
          tpu.wait_dma2 semaphore(%run_scoped3A : memref<!tpu.dma_semaphore, #tpu.memory_space<semaphore_mem>>) src(%dma_wait3A_256 : memref<80xi32, #tpu.memory_space<hbm>>) dst(%arg19 : memref<80xi32, #tpu.memory_space<vmem>>)
          tpu.yield
        }) : () -> ()
        %dma_start3A = arith.constant 0 : i32
        %dma_start3A_249 = arith.constant 0 : i32
        %dma_start3A_250 = tpu.memref_slice %arg14[%dma_start3A, %dma_start3A_249] : memref<10000x128xf32, #tpu.memory_space<vmem_shared>> -> memref<10000x128xf32, #tpu.memory_space<vmem_shared>>
        tpu.enqueue_indirect_dma source(%dma_start3A_250 : memref<10000x128xf32, #tpu.memory_space<vmem_shared>>) target(%arg15 : memref<80x128xf32, #tpu.memory_space<vmem>>) offsets(%arg19 : memref<80xi32, #tpu.memory_space<vmem>>) semaphore(%arg20 : memref<!tpu.dma_semaphore, #tpu.memory_space<semaphore_mem>>)
        %dma_wait3A = arith.constant 0 : i32
        %dma_wait3A_251 = arith.constant 0 : i32
        %dma_wait3A_252 = tpu.memref_slice %arg14[%dma_wait3A, %dma_wait3A_251] : memref<10000x128xf32, #tpu.memory_space<vmem_shared>> -> memref<10000x128xf32, #tpu.memory_space<vmem_shared>>
        tpu.wait_indirect_dma semaphore(%arg20 : memref<!tpu.dma_semaphore, #tpu.memory_space<semaphore_mem>>) src(%dma_wait3A_252 : memref<10000x128xf32, #tpu.memory_space<vmem_shared>>) dst(%arg15 : memref<80x128xf32, #tpu.memory_space<vmem>>)
        "tpu.region"() ({
          %run_scoped3A = tpu.sem_alloc : memref<!tpu.dma_semaphore, #tpu.memory_space<semaphore_mem>>
          %dma_start3A_253 = arith.constant 0 : i32
          %dma_start3A_254 = tpu.memref_slice %arg11[%mul3A_248, %dma_start3A_253] : memref<10000x128xf32, #tpu.memory_space<hbm>> -> memref<80x128xf32, #tpu.memory_space<hbm>>
          %dma_start3A_255 = arith.constant 0 : i32
          %dma_start3A_256 = tpu.memref_slice %arg11[%mul3A_248, %dma_start3A_255] : memref<10000x128xf32, #tpu.memory_space<hbm>> -> memref<80x128xf32, #tpu.memory_space<hbm>>
          tpu.enqueue_dma source(%arg15 : memref<80x128xf32, #tpu.memory_space<vmem>>) target(%dma_start3A_256 : memref<80x128xf32, #tpu.memory_space<hbm>>) target_semaphore(%run_scoped3A : memref<!tpu.dma_semaphore, #tpu.memory_space<semaphore_mem>>)
          %dma_wait3A_257 = arith.constant 0 : i32
          %dma_wait3A_258 = tpu.memref_slice %arg11[%mul3A_248, %dma_wait3A_257] : memref<10000x128xf32, #tpu.memory_space<hbm>> -> memref<80x128xf32, #tpu.memory_space<hbm>>
          %dma_wait3A_259 = arith.constant 0 : i32
          %dma_wait3A_260 = tpu.memref_slice %arg11[%mul3A_248, %dma_wait3A_259] : memref<10000x128xf32, #tpu.memory_space<hbm>> -> memref<80x128xf32, #tpu.memory_space<hbm>>
          tpu.wait_dma2 semaphore(%run_scoped3A : memref<!tpu.dma_semaphore, #tpu.memory_space<semaphore_mem>>) src(%arg15 : memref<80x128xf32, #tpu.memory_space<vmem>>) dst(%dma_wait3A_260 : memref<80x128xf32, #tpu.memory_space<hbm>>)
          tpu.yield
        }) : () -> ()
      } else {
      }
      %add3A_205 = arith.constant 32 : i32
      %add3A_206 = arith.addi %arg1, %add3A_205 : i32
      %lt3A_207 = arith.constant 125 : i32
      %lt3A_208 = arith.cmpi slt, %add3A_206, %lt3A_207 : i32
      %convert_element_type3A_209 = arith.extui %lt3A_208 : i1 to i32
      %cond3A_210 = arith.constant 0 : i32
      %cond3A_211 = arith.cmpi ne, %convert_element_type3A_209, %cond3A_210 : i32
      scf.if %cond3A_211 {
        %mul3A_247 = arith.constant 80 : i32
        %mul3A_248 = arith.muli %add3A_206, %mul3A_247 : i32
        "tpu.region"() ({
          %run_scoped3A = tpu.sem_alloc : memref<!tpu.dma_semaphore, #tpu.memory_space<semaphore_mem>>
          %dma_start3A_253 = tpu.memref_slice %arg9[%mul3A_248] : memref<10000xi32, #tpu.memory_space<hbm>> -> memref<80xi32, #tpu.memory_space<hbm>>
          %dma_start3A_254 = tpu.memref_slice %arg9[%mul3A_248] : memref<10000xi32, #tpu.memory_space<hbm>> -> memref<80xi32, #tpu.memory_space<hbm>>
          tpu.enqueue_dma source(%dma_start3A_254 : memref<80xi32, #tpu.memory_space<hbm>>) target(%arg19 : memref<80xi32, #tpu.memory_space<vmem>>) target_semaphore(%run_scoped3A : memref<!tpu.dma_semaphore, #tpu.memory_space<semaphore_mem>>)
          %dma_wait3A_255 = tpu.memref_slice %arg9[%mul3A_248] : memref<10000xi32, #tpu.memory_space<hbm>> -> memref<80xi32, #tpu.memory_space<hbm>>
          %dma_wait3A_256 = tpu.memref_slice %arg9[%mul3A_248] : memref<10000xi32, #tpu.memory_space<hbm>> -> memref<80xi32, #tpu.memory_space<hbm>>
          tpu.wait_dma2 semaphore(%run_scoped3A : memref<!tpu.dma_semaphore, #tpu.memory_space<semaphore_mem>>) src(%dma_wait3A_256 : memref<80xi32, #tpu.memory_space<hbm>>) dst(%arg19 : memref<80xi32, #tpu.memory_space<vmem>>)
          tpu.yield
        }) : () -> ()
        %dma_start3A = arith.constant 0 : i32
        %dma_start3A_249 = arith.constant 0 : i32
        %dma_start3A_250 = tpu.memref_slice %arg14[%dma_start3A, %dma_start3A_249] : memref<10000x128xf32, #tpu.memory_space<vmem_shared>> -> memref<10000x128xf32, #tpu.memory_space<vmem_shared>>
        tpu.enqueue_indirect_dma source(%dma_start3A_250 : memref<10000x128xf32, #tpu.memory_space<vmem_shared>>) target(%arg15 : memref<80x128xf32, #tpu.memory_space<vmem>>) offsets(%arg19 : memref<80xi32, #tpu.memory_space<vmem>>) semaphore(%arg20 : memref<!tpu.dma_semaphore, #tpu.memory_space<semaphore_mem>>)
        %dma_wait3A = arith.constant 0 : i32
        %dma_wait3A_251 = arith.constant 0 : i32
        %dma_wait3A_252 = tpu.memref_slice %arg14[%dma_wait3A, %dma_wait3A_251] : memref<10000x128xf32, #tpu.memory_space<vmem_shared>> -> memref<10000x128xf32, #tpu.memory_space<vmem_shared>>
        tpu.wait_indirect_dma semaphore(%arg20 : memref<!tpu.dma_semaphore, #tpu.memory_space<semaphore_mem>>) src(%dma_wait3A_252 : memref<10000x128xf32, #tpu.memory_space<vmem_shared>>) dst(%arg15 : memref<80x128xf32, #tpu.memory_space<vmem>>)
        "tpu.region"() ({
          %run_scoped3A = tpu.sem_alloc : memref<!tpu.dma_semaphore, #tpu.memory_space<semaphore_mem>>
          %dma_start3A_253 = arith.constant 0 : i32
          %dma_start3A_254 = tpu.memref_slice %arg11[%mul3A_248, %dma_start3A_253] : memref<10000x128xf32, #tpu.memory_space<hbm>> -> memref<80x128xf32, #tpu.memory_space<hbm>>
          %dma_start3A_255 = arith.constant 0 : i32
          %dma_start3A_256 = tpu.memref_slice %arg11[%mul3A_248, %dma_start3A_255] : memref<10000x128xf32, #tpu.memory_space<hbm>> -> memref<80x128xf32, #tpu.memory_space<hbm>>
          tpu.enqueue_dma source(%arg15 : memref<80x128xf32, #tpu.memory_space<vmem>>) target(%dma_start3A_256 : memref<80x128xf32, #tpu.memory_space<hbm>>) target_semaphore(%run_scoped3A : memref<!tpu.dma_semaphore, #tpu.memory_space<semaphore_mem>>)
          %dma_wait3A_257 = arith.constant 0 : i32
          %dma_wait3A_258 = tpu.memref_slice %arg11[%mul3A_248, %dma_wait3A_257] : memref<10000x128xf32, #tpu.memory_space<hbm>> -> memref<80x128xf32, #tpu.memory_space<hbm>>
          %dma_wait3A_259 = arith.constant 0 : i32
          %dma_wait3A_260 = tpu.memref_slice %arg11[%mul3A_248, %dma_wait3A_259] : memref<10000x128xf32, #tpu.memory_space<hbm>> -> memref<80x128xf32, #tpu.memory_space<hbm>>
          tpu.wait_dma2 semaphore(%run_scoped3A : memref<!tpu.dma_semaphore, #tpu.memory_space<semaphore_mem>>) src(%arg15 : memref<80x128xf32, #tpu.memory_space<vmem>>) dst(%dma_wait3A_260 : memref<80x128xf32, #tpu.memory_space<hbm>>)
          tpu.yield
        }) : () -> ()
      } else {
      }
      %add3A_212 = arith.constant 48 : i32
      %add3A_213 = arith.addi %arg1, %add3A_212 : i32
      %lt3A_214 = arith.constant 125 : i32
      %lt3A_215 = arith.cmpi slt, %add3A_213, %lt3A_214 : i32
      %convert_element_type3A_216 = arith.extui %lt3A_215 : i1 to i32
      %cond3A_217 = arith.constant 0 : i32
      %cond3A_218 = arith.cmpi ne, %convert_element_type3A_216, %cond3A_217 : i32
      scf.if %cond3A_218 {
        %mul3A_247 = arith.constant 80 : i32
        %mul3A_248 = arith.muli %add3A_213, %mul3A_247 : i32
        "tpu.region"() ({
          %run_scoped3A = tpu.sem_alloc : memref<!tpu.dma_semaphore, #tpu.memory_space<semaphore_mem>>
          %dma_start3A_253 = tpu.memref_slice %arg9[%mul3A_248] : memref<10000xi32, #tpu.memory_space<hbm>> -> memref<80xi32, #tpu.memory_space<hbm>>
          %dma_start3A_254 = tpu.memref_slice %arg9[%mul3A_248] : memref<10000xi32, #tpu.memory_space<hbm>> -> memref<80xi32, #tpu.memory_space<hbm>>
          tpu.enqueue_dma source(%dma_start3A_254 : memref<80xi32, #tpu.memory_space<hbm>>) target(%arg19 : memref<80xi32, #tpu.memory_space<vmem>>) target_semaphore(%run_scoped3A : memref<!tpu.dma_semaphore, #tpu.memory_space<semaphore_mem>>)
          %dma_wait3A_255 = tpu.memref_slice %arg9[%mul3A_248] : memref<10000xi32, #tpu.memory_space<hbm>> -> memref<80xi32, #tpu.memory_space<hbm>>
          %dma_wait3A_256 = tpu.memref_slice %arg9[%mul3A_248] : memref<10000xi32, #tpu.memory_space<hbm>> -> memref<80xi32, #tpu.memory_space<hbm>>
          tpu.wait_dma2 semaphore(%run_scoped3A : memref<!tpu.dma_semaphore, #tpu.memory_space<semaphore_mem>>) src(%dma_wait3A_256 : memref<80xi32, #tpu.memory_space<hbm>>) dst(%arg19 : memref<80xi32, #tpu.memory_space<vmem>>)
          tpu.yield
        }) : () -> ()
        %dma_start3A = arith.constant 0 : i32
        %dma_start3A_249 = arith.constant 0 : i32
        %dma_start3A_250 = tpu.memref_slice %arg14[%dma_start3A, %dma_start3A_249] : memref<10000x128xf32, #tpu.memory_space<vmem_shared>> -> memref<10000x128xf32, #tpu.memory_space<vmem_shared>>
        tpu.enqueue_indirect_dma source(%dma_start3A_250 : memref<10000x128xf32, #tpu.memory_space<vmem_shared>>) target(%arg15 : memref<80x128xf32, #tpu.memory_space<vmem>>) offsets(%arg19 : memref<80xi32, #tpu.memory_space<vmem>>) semaphore(%arg20 : memref<!tpu.dma_semaphore, #tpu.memory_space<semaphore_mem>>)
        %dma_wait3A = arith.constant 0 : i32
        %dma_wait3A_251 = arith.constant 0 : i32
        %dma_wait3A_252 = tpu.memref_slice %arg14[%dma_wait3A, %dma_wait3A_251] : memref<10000x128xf32, #tpu.memory_space<vmem_shared>> -> memref<10000x128xf32, #tpu.memory_space<vmem_shared>>
        tpu.wait_indirect_dma semaphore(%arg20 : memref<!tpu.dma_semaphore, #tpu.memory_space<semaphore_mem>>) src(%dma_wait3A_252 : memref<10000x128xf32, #tpu.memory_space<vmem_shared>>) dst(%arg15 : memref<80x128xf32, #tpu.memory_space<vmem>>)
        "tpu.region"() ({
          %run_scoped3A = tpu.sem_alloc : memref<!tpu.dma_semaphore, #tpu.memory_space<semaphore_mem>>
          %dma_start3A_253 = arith.constant 0 : i32
          %dma_start3A_254 = tpu.memref_slice %arg11[%mul3A_248, %dma_start3A_253] : memref<10000x128xf32, #tpu.memory_space<hbm>> -> memref<80x128xf32, #tpu.memory_space<hbm>>
          %dma_start3A_255 = arith.constant 0 : i32
          %dma_start3A_256 = tpu.memref_slice %arg11[%mul3A_248, %dma_start3A_255] : memref<10000x128xf32, #tpu.memory_space<hbm>> -> memref<80x128xf32, #tpu.memory_space<hbm>>
          tpu.enqueue_dma source(%arg15 : memref<80x128xf32, #tpu.memory_space<vmem>>) target(%dma_start3A_256 : memref<80x128xf32, #tpu.memory_space<hbm>>) target_semaphore(%run_scoped3A : memref<!tpu.dma_semaphore, #tpu.memory_space<semaphore_mem>>)
          %dma_wait3A_257 = arith.constant 0 : i32
          %dma_wait3A_258 = tpu.memref_slice %arg11[%mul3A_248, %dma_wait3A_257] : memref<10000x128xf32, #tpu.memory_space<hbm>> -> memref<80x128xf32, #tpu.memory_space<hbm>>
          %dma_wait3A_259 = arith.constant 0 : i32
          %dma_wait3A_260 = tpu.memref_slice %arg11[%mul3A_248, %dma_wait3A_259] : memref<10000x128xf32, #tpu.memory_space<hbm>> -> memref<80x128xf32, #tpu.memory_space<hbm>>
          tpu.wait_dma2 semaphore(%run_scoped3A : memref<!tpu.dma_semaphore, #tpu.memory_space<semaphore_mem>>) src(%arg15 : memref<80x128xf32, #tpu.memory_space<vmem>>) dst(%dma_wait3A_260 : memref<80x128xf32, #tpu.memory_space<hbm>>)
          tpu.yield
        }) : () -> ()
      } else {
      }
      %add3A_219 = arith.constant 64 : i32
      %add3A_220 = arith.addi %arg1, %add3A_219 : i32
      %lt3A_221 = arith.constant 125 : i32
      %lt3A_222 = arith.cmpi slt, %add3A_220, %lt3A_221 : i32
      %convert_element_type3A_223 = arith.extui %lt3A_222 : i1 to i32
      %cond3A_224 = arith.constant 0 : i32
      %cond3A_225 = arith.cmpi ne, %convert_element_type3A_223, %cond3A_224 : i32
      scf.if %cond3A_225 {
        %mul3A_247 = arith.constant 80 : i32
        %mul3A_248 = arith.muli %add3A_220, %mul3A_247 : i32
        "tpu.region"() ({
          %run_scoped3A = tpu.sem_alloc : memref<!tpu.dma_semaphore, #tpu.memory_space<semaphore_mem>>
          %dma_start3A_253 = tpu.memref_slice %arg9[%mul3A_248] : memref<10000xi32, #tpu.memory_space<hbm>> -> memref<80xi32, #tpu.memory_space<hbm>>
          %dma_start3A_254 = tpu.memref_slice %arg9[%mul3A_248] : memref<10000xi32, #tpu.memory_space<hbm>> -> memref<80xi32, #tpu.memory_space<hbm>>
          tpu.enqueue_dma source(%dma_start3A_254 : memref<80xi32, #tpu.memory_space<hbm>>) target(%arg19 : memref<80xi32, #tpu.memory_space<vmem>>) target_semaphore(%run_scoped3A : memref<!tpu.dma_semaphore, #tpu.memory_space<semaphore_mem>>)
          %dma_wait3A_255 = tpu.memref_slice %arg9[%mul3A_248] : memref<10000xi32, #tpu.memory_space<hbm>> -> memref<80xi32, #tpu.memory_space<hbm>>
          %dma_wait3A_256 = tpu.memref_slice %arg9[%mul3A_248] : memref<10000xi32, #tpu.memory_space<hbm>> -> memref<80xi32, #tpu.memory_space<hbm>>
          tpu.wait_dma2 semaphore(%run_scoped3A : memref<!tpu.dma_semaphore, #tpu.memory_space<semaphore_mem>>) src(%dma_wait3A_256 : memref<80xi32, #tpu.memory_space<hbm>>) dst(%arg19 : memref<80xi32, #tpu.memory_space<vmem>>)
          tpu.yield
        }) : () -> ()
        %dma_start3A = arith.constant 0 : i32
        %dma_start3A_249 = arith.constant 0 : i32
        %dma_start3A_250 = tpu.memref_slice %arg14[%dma_start3A, %dma_start3A_249] : memref<10000x128xf32, #tpu.memory_space<vmem_shared>> -> memref<10000x128xf32, #tpu.memory_space<vmem_shared>>
        tpu.enqueue_indirect_dma source(%dma_start3A_250 : memref<10000x128xf32, #tpu.memory_space<vmem_shared>>) target(%arg15 : memref<80x128xf32, #tpu.memory_space<vmem>>) offsets(%arg19 : memref<80xi32, #tpu.memory_space<vmem>>) semaphore(%arg20 : memref<!tpu.dma_semaphore, #tpu.memory_space<semaphore_mem>>)
        %dma_wait3A = arith.constant 0 : i32
        %dma_wait3A_251 = arith.constant 0 : i32
        %dma_wait3A_252 = tpu.memref_slice %arg14[%dma_wait3A, %dma_wait3A_251] : memref<10000x128xf32, #tpu.memory_space<vmem_shared>> -> memref<10000x128xf32, #tpu.memory_space<vmem_shared>>
        tpu.wait_indirect_dma semaphore(%arg20 : memref<!tpu.dma_semaphore, #tpu.memory_space<semaphore_mem>>) src(%dma_wait3A_252 : memref<10000x128xf32, #tpu.memory_space<vmem_shared>>) dst(%arg15 : memref<80x128xf32, #tpu.memory_space<vmem>>)
        "tpu.region"() ({
          %run_scoped3A = tpu.sem_alloc : memref<!tpu.dma_semaphore, #tpu.memory_space<semaphore_mem>>
          %dma_start3A_253 = arith.constant 0 : i32
          %dma_start3A_254 = tpu.memref_slice %arg11[%mul3A_248, %dma_start3A_253] : memref<10000x128xf32, #tpu.memory_space<hbm>> -> memref<80x128xf32, #tpu.memory_space<hbm>>
          %dma_start3A_255 = arith.constant 0 : i32
          %dma_start3A_256 = tpu.memref_slice %arg11[%mul3A_248, %dma_start3A_255] : memref<10000x128xf32, #tpu.memory_space<hbm>> -> memref<80x128xf32, #tpu.memory_space<hbm>>
          tpu.enqueue_dma source(%arg15 : memref<80x128xf32, #tpu.memory_space<vmem>>) target(%dma_start3A_256 : memref<80x128xf32, #tpu.memory_space<hbm>>) target_semaphore(%run_scoped3A : memref<!tpu.dma_semaphore, #tpu.memory_space<semaphore_mem>>)
          %dma_wait3A_257 = arith.constant 0 : i32
          %dma_wait3A_258 = tpu.memref_slice %arg11[%mul3A_248, %dma_wait3A_257] : memref<10000x128xf32, #tpu.memory_space<hbm>> -> memref<80x128xf32, #tpu.memory_space<hbm>>
          %dma_wait3A_259 = arith.constant 0 : i32
          %dma_wait3A_260 = tpu.memref_slice %arg11[%mul3A_248, %dma_wait3A_259] : memref<10000x128xf32, #tpu.memory_space<hbm>> -> memref<80x128xf32, #tpu.memory_space<hbm>>
          tpu.wait_dma2 semaphore(%run_scoped3A : memref<!tpu.dma_semaphore, #tpu.memory_space<semaphore_mem>>) src(%arg15 : memref<80x128xf32, #tpu.memory_space<vmem>>) dst(%dma_wait3A_260 : memref<80x128xf32, #tpu.memory_space<hbm>>)
          tpu.yield
        }) : () -> ()
      } else {
      }
      %add3A_226 = arith.constant 80 : i32
      %add3A_227 = arith.addi %arg1, %add3A_226 : i32
      %lt3A_228 = arith.constant 125 : i32
      %lt3A_229 = arith.cmpi slt, %add3A_227, %lt3A_228 : i32
      %convert_element_type3A_230 = arith.extui %lt3A_229 : i1 to i32
      %cond3A_231 = arith.constant 0 : i32
      %cond3A_232 = arith.cmpi ne, %convert_element_type3A_230, %cond3A_231 : i32
      scf.if %cond3A_232 {
        %mul3A_247 = arith.constant 80 : i32
        %mul3A_248 = arith.muli %add3A_227, %mul3A_247 : i32
        "tpu.region"() ({
          %run_scoped3A = tpu.sem_alloc : memref<!tpu.dma_semaphore, #tpu.memory_space<semaphore_mem>>
          %dma_start3A_253 = tpu.memref_slice %arg9[%mul3A_248] : memref<10000xi32, #tpu.memory_space<hbm>> -> memref<80xi32, #tpu.memory_space<hbm>>
          %dma_start3A_254 = tpu.memref_slice %arg9[%mul3A_248] : memref<10000xi32, #tpu.memory_space<hbm>> -> memref<80xi32, #tpu.memory_space<hbm>>
          tpu.enqueue_dma source(%dma_start3A_254 : memref<80xi32, #tpu.memory_space<hbm>>) target(%arg19 : memref<80xi32, #tpu.memory_space<vmem>>) target_semaphore(%run_scoped3A : memref<!tpu.dma_semaphore, #tpu.memory_space<semaphore_mem>>)
          %dma_wait3A_255 = tpu.memref_slice %arg9[%mul3A_248] : memref<10000xi32, #tpu.memory_space<hbm>> -> memref<80xi32, #tpu.memory_space<hbm>>
          %dma_wait3A_256 = tpu.memref_slice %arg9[%mul3A_248] : memref<10000xi32, #tpu.memory_space<hbm>> -> memref<80xi32, #tpu.memory_space<hbm>>
          tpu.wait_dma2 semaphore(%run_scoped3A : memref<!tpu.dma_semaphore, #tpu.memory_space<semaphore_mem>>) src(%dma_wait3A_256 : memref<80xi32, #tpu.memory_space<hbm>>) dst(%arg19 : memref<80xi32, #tpu.memory_space<vmem>>)
          tpu.yield
        }) : () -> ()
        %dma_start3A = arith.constant 0 : i32
        %dma_start3A_249 = arith.constant 0 : i32
        %dma_start3A_250 = tpu.memref_slice %arg14[%dma_start3A, %dma_start3A_249] : memref<10000x128xf32, #tpu.memory_space<vmem_shared>> -> memref<10000x128xf32, #tpu.memory_space<vmem_shared>>
        tpu.enqueue_indirect_dma source(%dma_start3A_250 : memref<10000x128xf32, #tpu.memory_space<vmem_shared>>) target(%arg15 : memref<80x128xf32, #tpu.memory_space<vmem>>) offsets(%arg19 : memref<80xi32, #tpu.memory_space<vmem>>) semaphore(%arg20 : memref<!tpu.dma_semaphore, #tpu.memory_space<semaphore_mem>>)
        %dma_wait3A = arith.constant 0 : i32
        %dma_wait3A_251 = arith.constant 0 : i32
        %dma_wait3A_252 = tpu.memref_slice %arg14[%dma_wait3A, %dma_wait3A_251] : memref<10000x128xf32, #tpu.memory_space<vmem_shared>> -> memref<10000x128xf32, #tpu.memory_space<vmem_shared>>
        tpu.wait_indirect_dma semaphore(%arg20 : memref<!tpu.dma_semaphore, #tpu.memory_space<semaphore_mem>>) src(%dma_wait3A_252 : memref<10000x128xf32, #tpu.memory_space<vmem_shared>>) dst(%arg15 : memref<80x128xf32, #tpu.memory_space<vmem>>)
        "tpu.region"() ({
          %run_scoped3A = tpu.sem_alloc : memref<!tpu.dma_semaphore, #tpu.memory_space<semaphore_mem>>
          %dma_start3A_253 = arith.constant 0 : i32
          %dma_start3A_254 = tpu.memref_slice %arg11[%mul3A_248, %dma_start3A_253] : memref<10000x128xf32, #tpu.memory_space<hbm>> -> memref<80x128xf32, #tpu.memory_space<hbm>>
          %dma_start3A_255 = arith.constant 0 : i32
          %dma_start3A_256 = tpu.memref_slice %arg11[%mul3A_248, %dma_start3A_255] : memref<10000x128xf32, #tpu.memory_space<hbm>> -> memref<80x128xf32, #tpu.memory_space<hbm>>
          tpu.enqueue_dma source(%arg15 : memref<80x128xf32, #tpu.memory_space<vmem>>) target(%dma_start3A_256 : memref<80x128xf32, #tpu.memory_space<hbm>>) target_semaphore(%run_scoped3A : memref<!tpu.dma_semaphore, #tpu.memory_space<semaphore_mem>>)
          %dma_wait3A_257 = arith.constant 0 : i32
          %dma_wait3A_258 = tpu.memref_slice %arg11[%mul3A_248, %dma_wait3A_257] : memref<10000x128xf32, #tpu.memory_space<hbm>> -> memref<80x128xf32, #tpu.memory_space<hbm>>
          %dma_wait3A_259 = arith.constant 0 : i32
          %dma_wait3A_260 = tpu.memref_slice %arg11[%mul3A_248, %dma_wait3A_259] : memref<10000x128xf32, #tpu.memory_space<hbm>> -> memref<80x128xf32, #tpu.memory_space<hbm>>
          tpu.wait_dma2 semaphore(%run_scoped3A : memref<!tpu.dma_semaphore, #tpu.memory_space<semaphore_mem>>) src(%arg15 : memref<80x128xf32, #tpu.memory_space<vmem>>) dst(%dma_wait3A_260 : memref<80x128xf32, #tpu.memory_space<hbm>>)
          tpu.yield
        }) : () -> ()
      } else {
      }
      %add3A_233 = arith.constant 96 : i32
      %add3A_234 = arith.addi %arg1, %add3A_233 : i32
      %lt3A_235 = arith.constant 125 : i32
      %lt3A_236 = arith.cmpi slt, %add3A_234, %lt3A_235 : i32
      %convert_element_type3A_237 = arith.extui %lt3A_236 : i1 to i32
      %cond3A_238 = arith.constant 0 : i32
      %cond3A_239 = arith.cmpi ne, %convert_element_type3A_237, %cond3A_238 : i32
      scf.if %cond3A_239 {
        %mul3A_247 = arith.constant 80 : i32
        %mul3A_248 = arith.muli %add3A_234, %mul3A_247 : i32
        "tpu.region"() ({
          %run_scoped3A = tpu.sem_alloc : memref<!tpu.dma_semaphore, #tpu.memory_space<semaphore_mem>>
          %dma_start3A_253 = tpu.memref_slice %arg9[%mul3A_248] : memref<10000xi32, #tpu.memory_space<hbm>> -> memref<80xi32, #tpu.memory_space<hbm>>
          %dma_start3A_254 = tpu.memref_slice %arg9[%mul3A_248] : memref<10000xi32, #tpu.memory_space<hbm>> -> memref<80xi32, #tpu.memory_space<hbm>>
          tpu.enqueue_dma source(%dma_start3A_254 : memref<80xi32, #tpu.memory_space<hbm>>) target(%arg19 : memref<80xi32, #tpu.memory_space<vmem>>) target_semaphore(%run_scoped3A : memref<!tpu.dma_semaphore, #tpu.memory_space<semaphore_mem>>)
          %dma_wait3A_255 = tpu.memref_slice %arg9[%mul3A_248] : memref<10000xi32, #tpu.memory_space<hbm>> -> memref<80xi32, #tpu.memory_space<hbm>>
          %dma_wait3A_256 = tpu.memref_slice %arg9[%mul3A_248] : memref<10000xi32, #tpu.memory_space<hbm>> -> memref<80xi32, #tpu.memory_space<hbm>>
          tpu.wait_dma2 semaphore(%run_scoped3A : memref<!tpu.dma_semaphore, #tpu.memory_space<semaphore_mem>>) src(%dma_wait3A_256 : memref<80xi32, #tpu.memory_space<hbm>>) dst(%arg19 : memref<80xi32, #tpu.memory_space<vmem>>)
          tpu.yield
        }) : () -> ()
        %dma_start3A = arith.constant 0 : i32
        %dma_start3A_249 = arith.constant 0 : i32
        %dma_start3A_250 = tpu.memref_slice %arg14[%dma_start3A, %dma_start3A_249] : memref<10000x128xf32, #tpu.memory_space<vmem_shared>> -> memref<10000x128xf32, #tpu.memory_space<vmem_shared>>
        tpu.enqueue_indirect_dma source(%dma_start3A_250 : memref<10000x128xf32, #tpu.memory_space<vmem_shared>>) target(%arg15 : memref<80x128xf32, #tpu.memory_space<vmem>>) offsets(%arg19 : memref<80xi32, #tpu.memory_space<vmem>>) semaphore(%arg20 : memref<!tpu.dma_semaphore, #tpu.memory_space<semaphore_mem>>)
        %dma_wait3A = arith.constant 0 : i32
        %dma_wait3A_251 = arith.constant 0 : i32
        %dma_wait3A_252 = tpu.memref_slice %arg14[%dma_wait3A, %dma_wait3A_251] : memref<10000x128xf32, #tpu.memory_space<vmem_shared>> -> memref<10000x128xf32, #tpu.memory_space<vmem_shared>>
        tpu.wait_indirect_dma semaphore(%arg20 : memref<!tpu.dma_semaphore, #tpu.memory_space<semaphore_mem>>) src(%dma_wait3A_252 : memref<10000x128xf32, #tpu.memory_space<vmem_shared>>) dst(%arg15 : memref<80x128xf32, #tpu.memory_space<vmem>>)
        "tpu.region"() ({
          %run_scoped3A = tpu.sem_alloc : memref<!tpu.dma_semaphore, #tpu.memory_space<semaphore_mem>>
          %dma_start3A_253 = arith.constant 0 : i32
          %dma_start3A_254 = tpu.memref_slice %arg11[%mul3A_248, %dma_start3A_253] : memref<10000x128xf32, #tpu.memory_space<hbm>> -> memref<80x128xf32, #tpu.memory_space<hbm>>
          %dma_start3A_255 = arith.constant 0 : i32
          %dma_start3A_256 = tpu.memref_slice %arg11[%mul3A_248, %dma_start3A_255] : memref<10000x128xf32, #tpu.memory_space<hbm>> -> memref<80x128xf32, #tpu.memory_space<hbm>>
          tpu.enqueue_dma source(%arg15 : memref<80x128xf32, #tpu.memory_space<vmem>>) target(%dma_start3A_256 : memref<80x128xf32, #tpu.memory_space<hbm>>) target_semaphore(%run_scoped3A : memref<!tpu.dma_semaphore, #tpu.memory_space<semaphore_mem>>)
          %dma_wait3A_257 = arith.constant 0 : i32
          %dma_wait3A_258 = tpu.memref_slice %arg11[%mul3A_248, %dma_wait3A_257] : memref<10000x128xf32, #tpu.memory_space<hbm>> -> memref<80x128xf32, #tpu.memory_space<hbm>>
          %dma_wait3A_259 = arith.constant 0 : i32
          %dma_wait3A_260 = tpu.memref_slice %arg11[%mul3A_248, %dma_wait3A_259] : memref<10000x128xf32, #tpu.memory_space<hbm>> -> memref<80x128xf32, #tpu.memory_space<hbm>>
          tpu.wait_dma2 semaphore(%run_scoped3A : memref<!tpu.dma_semaphore, #tpu.memory_space<semaphore_mem>>) src(%arg15 : memref<80x128xf32, #tpu.memory_space<vmem>>) dst(%dma_wait3A_260 : memref<80x128xf32, #tpu.memory_space<hbm>>)
          tpu.yield
        }) : () -> ()
      } else {
      }
      %add3A_240 = arith.constant 112 : i32
      %add3A_241 = arith.addi %arg1, %add3A_240 : i32
      %lt3A_242 = arith.constant 125 : i32
      %lt3A_243 = arith.cmpi slt, %add3A_241, %lt3A_242 : i32
      %convert_element_type3A_244 = arith.extui %lt3A_243 : i1 to i32
      %cond3A_245 = arith.constant 0 : i32
      %cond3A_246 = arith.cmpi ne, %convert_element_type3A_244, %cond3A_245 : i32
      scf.if %cond3A_246 {
        %mul3A_247 = arith.constant 80 : i32
        %mul3A_248 = arith.muli %add3A_241, %mul3A_247 : i32
        "tpu.region"() ({
          %run_scoped3A = tpu.sem_alloc : memref<!tpu.dma_semaphore, #tpu.memory_space<semaphore_mem>>
          %dma_start3A_253 = tpu.memref_slice %arg9[%mul3A_248] : memref<10000xi32, #tpu.memory_space<hbm>> -> memref<80xi32, #tpu.memory_space<hbm>>
          %dma_start3A_254 = tpu.memref_slice %arg9[%mul3A_248] : memref<10000xi32, #tpu.memory_space<hbm>> -> memref<80xi32, #tpu.memory_space<hbm>>
          tpu.enqueue_dma source(%dma_start3A_254 : memref<80xi32, #tpu.memory_space<hbm>>) target(%arg19 : memref<80xi32, #tpu.memory_space<vmem>>) target_semaphore(%run_scoped3A : memref<!tpu.dma_semaphore, #tpu.memory_space<semaphore_mem>>)
          %dma_wait3A_255 = tpu.memref_slice %arg9[%mul3A_248] : memref<10000xi32, #tpu.memory_space<hbm>> -> memref<80xi32, #tpu.memory_space<hbm>>
          %dma_wait3A_256 = tpu.memref_slice %arg9[%mul3A_248] : memref<10000xi32, #tpu.memory_space<hbm>> -> memref<80xi32, #tpu.memory_space<hbm>>
          tpu.wait_dma2 semaphore(%run_scoped3A : memref<!tpu.dma_semaphore, #tpu.memory_space<semaphore_mem>>) src(%dma_wait3A_256 : memref<80xi32, #tpu.memory_space<hbm>>) dst(%arg19 : memref<80xi32, #tpu.memory_space<vmem>>)
          tpu.yield
        }) : () -> ()
        %dma_start3A = arith.constant 0 : i32
        %dma_start3A_249 = arith.constant 0 : i32
        %dma_start3A_250 = tpu.memref_slice %arg14[%dma_start3A, %dma_start3A_249] : memref<10000x128xf32, #tpu.memory_space<vmem_shared>> -> memref<10000x128xf32, #tpu.memory_space<vmem_shared>>
        tpu.enqueue_indirect_dma source(%dma_start3A_250 : memref<10000x128xf32, #tpu.memory_space<vmem_shared>>) target(%arg15 : memref<80x128xf32, #tpu.memory_space<vmem>>) offsets(%arg19 : memref<80xi32, #tpu.memory_space<vmem>>) semaphore(%arg20 : memref<!tpu.dma_semaphore, #tpu.memory_space<semaphore_mem>>)
        %dma_wait3A = arith.constant 0 : i32
        %dma_wait3A_251 = arith.constant 0 : i32
        %dma_wait3A_252 = tpu.memref_slice %arg14[%dma_wait3A, %dma_wait3A_251] : memref<10000x128xf32, #tpu.memory_space<vmem_shared>> -> memref<10000x128xf32, #tpu.memory_space<vmem_shared>>
        tpu.wait_indirect_dma semaphore(%arg20 : memref<!tpu.dma_semaphore, #tpu.memory_space<semaphore_mem>>) src(%dma_wait3A_252 : memref<10000x128xf32, #tpu.memory_space<vmem_shared>>) dst(%arg15 : memref<80x128xf32, #tpu.memory_space<vmem>>)
        "tpu.region"() ({
          %run_scoped3A = tpu.sem_alloc : memref<!tpu.dma_semaphore, #tpu.memory_space<semaphore_mem>>
          %dma_start3A_253 = arith.constant 0 : i32
          %dma_start3A_254 = tpu.memref_slice %arg11[%mul3A_248, %dma_start3A_253] : memref<10000x128xf32, #tpu.memory_space<hbm>> -> memref<80x128xf32, #tpu.memory_space<hbm>>
          %dma_start3A_255 = arith.constant 0 : i32
          %dma_start3A_256 = tpu.memref_slice %arg11[%mul3A_248, %dma_start3A_255] : memref<10000x128xf32, #tpu.memory_space<hbm>> -> memref<80x128xf32, #tpu.memory_space<hbm>>
          tpu.enqueue_dma source(%arg15 : memref<80x128xf32, #tpu.memory_space<vmem>>) target(%dma_start3A_256 : memref<80x128xf32, #tpu.memory_space<hbm>>) target_semaphore(%run_scoped3A : memref<!tpu.dma_semaphore, #tpu.memory_space<semaphore_mem>>)
          %dma_wait3A_257 = arith.constant 0 : i32
          %dma_wait3A_258 = tpu.memref_slice %arg11[%mul3A_248, %dma_wait3A_257] : memref<10000x128xf32, #tpu.memory_space<hbm>> -> memref<80x128xf32, #tpu.memory_space<hbm>>
          %dma_wait3A_259 = arith.constant 0 : i32
          %dma_wait3A_260 = tpu.memref_slice %arg11[%mul3A_248, %dma_wait3A_259] : memref<10000x128xf32, #tpu.memory_space<hbm>> -> memref<80x128xf32, #tpu.memory_space<hbm>>
          tpu.wait_dma2 semaphore(%run_scoped3A : memref<!tpu.dma_semaphore, #tpu.memory_space<semaphore_mem>>) src(%arg15 : memref<80x128xf32, #tpu.memory_space<vmem>>) dst(%dma_wait3A_260 : memref<80x128xf32, #tpu.memory_space<hbm>>)
          tpu.yield
        }) : () -> ()
      } else {
      }
    } else {
    }
    %eq3A_2 = arith.constant 1 : i32
    %eq3A_3 = arith.cmpi eq, %arg0, %eq3A_2 : i32
    %convert_element_type3A_4 = arith.extui %eq3A_3 : i1 to i32
    %cond3A_5 = arith.constant 0 : i32
    %cond3A_6 = arith.cmpi ne, %convert_element_type3A_4, %cond3A_5 : i32
    scf.if %cond3A_6 {
      "tpu.region"() ({
        %run_scoped3A = tpu.sem_alloc : memref<!tpu.dma_semaphore, #tpu.memory_space<semaphore_mem>>
        %dma_start3A = arith.constant 0 : i32
        %dma_start3A_247 = arith.constant 0 : i32
        %dma_start3A_248 = tpu.memref_slice %arg7[%dma_start3A, %dma_start3A_247] : memref<10000x128xf32, #tpu.memory_space<hbm>> -> memref<80x128xf32, #tpu.memory_space<hbm>>
        %dma_start3A_249 = arith.constant 0 : i32
        %dma_start3A_250 = arith.constant 0 : i32
        %dma_start3A_251 = tpu.memref_slice %arg7[%dma_start3A_249, %dma_start3A_250] : memref<10000x128xf32, #tpu.memory_space<hbm>> -> memref<80x128xf32, #tpu.memory_space<hbm>>
        tpu.enqueue_dma source(%dma_start3A_251 : memref<80x128xf32, #tpu.memory_space<hbm>>) target(%arg15 : memref<80x128xf32, #tpu.memory_space<vmem>>) target_semaphore(%run_scoped3A : memref<!tpu.dma_semaphore, #tpu.memory_space<semaphore_mem>>)
        %dma_wait3A = arith.constant 0 : i32
        %dma_wait3A_252 = arith.constant 0 : i32
        %dma_wait3A_253 = tpu.memref_slice %arg7[%dma_wait3A, %dma_wait3A_252] : memref<10000x128xf32, #tpu.memory_space<hbm>> -> memref<80x128xf32, #tpu.memory_space<hbm>>
        %dma_wait3A_254 = arith.constant 0 : i32
        %dma_wait3A_255 = arith.constant 0 : i32
        %dma_wait3A_256 = tpu.memref_slice %arg7[%dma_wait3A_254, %dma_wait3A_255] : memref<10000x128xf32, #tpu.memory_space<hbm>> -> memref<80x128xf32, #tpu.memory_space<hbm>>
        tpu.wait_dma2 semaphore(%run_scoped3A : memref<!tpu.dma_semaphore, #tpu.memory_space<semaphore_mem>>) src(%dma_wait3A_256 : memref<80x128xf32, #tpu.memory_space<hbm>>) dst(%arg15 : memref<80x128xf32, #tpu.memory_space<vmem>>)
        tpu.yield
      }) : () -> ()
      %add3A = arith.constant 0 : i32
      %add3A_7 = arith.addi %arg1, %add3A : i32
      %lt3A = arith.constant 125 : i32
      %lt3A_8 = arith.cmpi slt, %add3A_7, %lt3A : i32
      %convert_element_type3A_9 = arith.extui %lt3A_8 : i1 to i32
      %cond3A_10 = arith.constant 0 : i32
      %cond3A_11 = arith.cmpi ne, %convert_element_type3A_9, %cond3A_10 : i32
      scf.if %cond3A_11 {
        %mul3A_247 = arith.constant 80 : i32
        %mul3A_248 = arith.muli %add3A_7, %mul3A_247 : i32
        "tpu.region"() ({
          %run_scoped3A = tpu.sem_alloc : memref<!tpu.dma_semaphore, #tpu.memory_space<semaphore_mem>>
          %dma_start3A_253 = tpu.memref_slice %arg9[%mul3A_248] : memref<10000xi32, #tpu.memory_space<hbm>> -> memref<80xi32, #tpu.memory_space<hbm>>
          %dma_start3A_254 = tpu.memref_slice %arg9[%mul3A_248] : memref<10000xi32, #tpu.memory_space<hbm>> -> memref<80xi32, #tpu.memory_space<hbm>>
          tpu.enqueue_dma source(%dma_start3A_254 : memref<80xi32, #tpu.memory_space<hbm>>) target(%arg19 : memref<80xi32, #tpu.memory_space<vmem>>) target_semaphore(%run_scoped3A : memref<!tpu.dma_semaphore, #tpu.memory_space<semaphore_mem>>)
          %dma_wait3A_255 = tpu.memref_slice %arg9[%mul3A_248] : memref<10000xi32, #tpu.memory_space<hbm>> -> memref<80xi32, #tpu.memory_space<hbm>>
          %dma_wait3A_256 = tpu.memref_slice %arg9[%mul3A_248] : memref<10000xi32, #tpu.memory_space<hbm>> -> memref<80xi32, #tpu.memory_space<hbm>>
          tpu.wait_dma2 semaphore(%run_scoped3A : memref<!tpu.dma_semaphore, #tpu.memory_space<semaphore_mem>>) src(%dma_wait3A_256 : memref<80xi32, #tpu.memory_space<hbm>>) dst(%arg19 : memref<80xi32, #tpu.memory_space<vmem>>)
          tpu.yield
        }) : () -> ()
        %dma_start3A = arith.constant 0 : i32
        %dma_start3A_249 = arith.constant 0 : i32
        %dma_start3A_250 = tpu.memref_slice %arg14[%dma_start3A, %dma_start3A_249] : memref<10000x128xf32, #tpu.memory_space<vmem_shared>> -> memref<10000x128xf32, #tpu.memory_space<vmem_shared>>
        tpu.enqueue_indirect_dma source(%arg15 : memref<80x128xf32, #tpu.memory_space<vmem>>) target(%dma_start3A_250 : memref<10000x128xf32, #tpu.memory_space<vmem_shared>>) offsets(%arg19 : memref<80xi32, #tpu.memory_space<vmem>>) semaphore(%arg20 : memref<!tpu.dma_semaphore, #tpu.memory_space<semaphore_mem>>)
        %dma_wait3A = arith.constant 0 : i32
        %dma_wait3A_251 = arith.constant 0 : i32
        %dma_wait3A_252 = tpu.memref_slice %arg14[%dma_wait3A, %dma_wait3A_251] : memref<10000x128xf32, #tpu.memory_space<vmem_shared>> -> memref<10000x128xf32, #tpu.memory_space<vmem_shared>>
        tpu.wait_indirect_dma semaphore(%arg20 : memref<!tpu.dma_semaphore, #tpu.memory_space<semaphore_mem>>) src(%arg15 : memref<80x128xf32, #tpu.memory_space<vmem>>) dst(%dma_wait3A_252 : memref<10000x128xf32, #tpu.memory_space<vmem_shared>>)
      } else {
      }
      %add3A_12 = arith.constant 16 : i32
      %add3A_13 = arith.addi %arg1, %add3A_12 : i32
      %lt3A_14 = arith.constant 125 : i32
      %lt3A_15 = arith.cmpi slt, %add3A_13, %lt3A_14 : i32
      %convert_element_type3A_16 = arith.extui %lt3A_15 : i1 to i32
      %cond3A_17 = arith.constant 0 : i32
      %cond3A_18 = arith.cmpi ne, %convert_element_type3A_16, %cond3A_17 : i32
      scf.if %cond3A_18 {
        %mul3A_247 = arith.constant 80 : i32
        %mul3A_248 = arith.muli %add3A_13, %mul3A_247 : i32
        "tpu.region"() ({
          %run_scoped3A = tpu.sem_alloc : memref<!tpu.dma_semaphore, #tpu.memory_space<semaphore_mem>>
          %dma_start3A_253 = tpu.memref_slice %arg9[%mul3A_248] : memref<10000xi32, #tpu.memory_space<hbm>> -> memref<80xi32, #tpu.memory_space<hbm>>
          %dma_start3A_254 = tpu.memref_slice %arg9[%mul3A_248] : memref<10000xi32, #tpu.memory_space<hbm>> -> memref<80xi32, #tpu.memory_space<hbm>>
          tpu.enqueue_dma source(%dma_start3A_254 : memref<80xi32, #tpu.memory_space<hbm>>) target(%arg19 : memref<80xi32, #tpu.memory_space<vmem>>) target_semaphore(%run_scoped3A : memref<!tpu.dma_semaphore, #tpu.memory_space<semaphore_mem>>)
          %dma_wait3A_255 = tpu.memref_slice %arg9[%mul3A_248] : memref<10000xi32, #tpu.memory_space<hbm>> -> memref<80xi32, #tpu.memory_space<hbm>>
          %dma_wait3A_256 = tpu.memref_slice %arg9[%mul3A_248] : memref<10000xi32, #tpu.memory_space<hbm>> -> memref<80xi32, #tpu.memory_space<hbm>>
          tpu.wait_dma2 semaphore(%run_scoped3A : memref<!tpu.dma_semaphore, #tpu.memory_space<semaphore_mem>>) src(%dma_wait3A_256 : memref<80xi32, #tpu.memory_space<hbm>>) dst(%arg19 : memref<80xi32, #tpu.memory_space<vmem>>)
          tpu.yield
        }) : () -> ()
        %dma_start3A = arith.constant 0 : i32
        %dma_start3A_249 = arith.constant 0 : i32
        %dma_start3A_250 = tpu.memref_slice %arg14[%dma_start3A, %dma_start3A_249] : memref<10000x128xf32, #tpu.memory_space<vmem_shared>> -> memref<10000x128xf32, #tpu.memory_space<vmem_shared>>
        tpu.enqueue_indirect_dma source(%arg15 : memref<80x128xf32, #tpu.memory_space<vmem>>) target(%dma_start3A_250 : memref<10000x128xf32, #tpu.memory_space<vmem_shared>>) offsets(%arg19 : memref<80xi32, #tpu.memory_space<vmem>>) semaphore(%arg20 : memref<!tpu.dma_semaphore, #tpu.memory_space<semaphore_mem>>)
        %dma_wait3A = arith.constant 0 : i32
        %dma_wait3A_251 = arith.constant 0 : i32
        %dma_wait3A_252 = tpu.memref_slice %arg14[%dma_wait3A, %dma_wait3A_251] : memref<10000x128xf32, #tpu.memory_space<vmem_shared>> -> memref<10000x128xf32, #tpu.memory_space<vmem_shared>>
        tpu.wait_indirect_dma semaphore(%arg20 : memref<!tpu.dma_semaphore, #tpu.memory_space<semaphore_mem>>) src(%arg15 : memref<80x128xf32, #tpu.memory_space<vmem>>) dst(%dma_wait3A_252 : memref<10000x128xf32, #tpu.memory_space<vmem_shared>>)
      } else {
      }
      %add3A_19 = arith.constant 32 : i32
      %add3A_20 = arith.addi %arg1, %add3A_19 : i32
      %lt3A_21 = arith.constant 125 : i32
      %lt3A_22 = arith.cmpi slt, %add3A_20, %lt3A_21 : i32
      %convert_element_type3A_23 = arith.extui %lt3A_22 : i1 to i32
      %cond3A_24 = arith.constant 0 : i32
      %cond3A_25 = arith.cmpi ne, %convert_element_type3A_23, %cond3A_24 : i32
      scf.if %cond3A_25 {
        %mul3A_247 = arith.constant 80 : i32
        %mul3A_248 = arith.muli %add3A_20, %mul3A_247 : i32
        "tpu.region"() ({
          %run_scoped3A = tpu.sem_alloc : memref<!tpu.dma_semaphore, #tpu.memory_space<semaphore_mem>>
          %dma_start3A_253 = tpu.memref_slice %arg9[%mul3A_248] : memref<10000xi32, #tpu.memory_space<hbm>> -> memref<80xi32, #tpu.memory_space<hbm>>
          %dma_start3A_254 = tpu.memref_slice %arg9[%mul3A_248] : memref<10000xi32, #tpu.memory_space<hbm>> -> memref<80xi32, #tpu.memory_space<hbm>>
          tpu.enqueue_dma source(%dma_start3A_254 : memref<80xi32, #tpu.memory_space<hbm>>) target(%arg19 : memref<80xi32, #tpu.memory_space<vmem>>) target_semaphore(%run_scoped3A : memref<!tpu.dma_semaphore, #tpu.memory_space<semaphore_mem>>)
          %dma_wait3A_255 = tpu.memref_slice %arg9[%mul3A_248] : memref<10000xi32, #tpu.memory_space<hbm>> -> memref<80xi32, #tpu.memory_space<hbm>>
          %dma_wait3A_256 = tpu.memref_slice %arg9[%mul3A_248] : memref<10000xi32, #tpu.memory_space<hbm>> -> memref<80xi32, #tpu.memory_space<hbm>>
          tpu.wait_dma2 semaphore(%run_scoped3A : memref<!tpu.dma_semaphore, #tpu.memory_space<semaphore_mem>>) src(%dma_wait3A_256 : memref<80xi32, #tpu.memory_space<hbm>>) dst(%arg19 : memref<80xi32, #tpu.memory_space<vmem>>)
          tpu.yield
        }) : () -> ()
        %dma_start3A = arith.constant 0 : i32
        %dma_start3A_249 = arith.constant 0 : i32
        %dma_start3A_250 = tpu.memref_slice %arg14[%dma_start3A, %dma_start3A_249] : memref<10000x128xf32, #tpu.memory_space<vmem_shared>> -> memref<10000x128xf32, #tpu.memory_space<vmem_shared>>
        tpu.enqueue_indirect_dma source(%arg15 : memref<80x128xf32, #tpu.memory_space<vmem>>) target(%dma_start3A_250 : memref<10000x128xf32, #tpu.memory_space<vmem_shared>>) offsets(%arg19 : memref<80xi32, #tpu.memory_space<vmem>>) semaphore(%arg20 : memref<!tpu.dma_semaphore, #tpu.memory_space<semaphore_mem>>)
        %dma_wait3A = arith.constant 0 : i32
        %dma_wait3A_251 = arith.constant 0 : i32
        %dma_wait3A_252 = tpu.memref_slice %arg14[%dma_wait3A, %dma_wait3A_251] : memref<10000x128xf32, #tpu.memory_space<vmem_shared>> -> memref<10000x128xf32, #tpu.memory_space<vmem_shared>>
        tpu.wait_indirect_dma semaphore(%arg20 : memref<!tpu.dma_semaphore, #tpu.memory_space<semaphore_mem>>) src(%arg15 : memref<80x128xf32, #tpu.memory_space<vmem>>) dst(%dma_wait3A_252 : memref<10000x128xf32, #tpu.memory_space<vmem_shared>>)
      } else {
      }
      %add3A_26 = arith.constant 48 : i32
      %add3A_27 = arith.addi %arg1, %add3A_26 : i32
      %lt3A_28 = arith.constant 125 : i32
      %lt3A_29 = arith.cmpi slt, %add3A_27, %lt3A_28 : i32
      %convert_element_type3A_30 = arith.extui %lt3A_29 : i1 to i32
      %cond3A_31 = arith.constant 0 : i32
      %cond3A_32 = arith.cmpi ne, %convert_element_type3A_30, %cond3A_31 : i32
      scf.if %cond3A_32 {
        %mul3A_247 = arith.constant 80 : i32
        %mul3A_248 = arith.muli %add3A_27, %mul3A_247 : i32
        "tpu.region"() ({
          %run_scoped3A = tpu.sem_alloc : memref<!tpu.dma_semaphore, #tpu.memory_space<semaphore_mem>>
          %dma_start3A_253 = tpu.memref_slice %arg9[%mul3A_248] : memref<10000xi32, #tpu.memory_space<hbm>> -> memref<80xi32, #tpu.memory_space<hbm>>
          %dma_start3A_254 = tpu.memref_slice %arg9[%mul3A_248] : memref<10000xi32, #tpu.memory_space<hbm>> -> memref<80xi32, #tpu.memory_space<hbm>>
          tpu.enqueue_dma source(%dma_start3A_254 : memref<80xi32, #tpu.memory_space<hbm>>) target(%arg19 : memref<80xi32, #tpu.memory_space<vmem>>) target_semaphore(%run_scoped3A : memref<!tpu.dma_semaphore, #tpu.memory_space<semaphore_mem>>)
          %dma_wait3A_255 = tpu.memref_slice %arg9[%mul3A_248] : memref<10000xi32, #tpu.memory_space<hbm>> -> memref<80xi32, #tpu.memory_space<hbm>>
          %dma_wait3A_256 = tpu.memref_slice %arg9[%mul3A_248] : memref<10000xi32, #tpu.memory_space<hbm>> -> memref<80xi32, #tpu.memory_space<hbm>>
          tpu.wait_dma2 semaphore(%run_scoped3A : memref<!tpu.dma_semaphore, #tpu.memory_space<semaphore_mem>>) src(%dma_wait3A_256 : memref<80xi32, #tpu.memory_space<hbm>>) dst(%arg19 : memref<80xi32, #tpu.memory_space<vmem>>)
          tpu.yield
        }) : () -> ()
        %dma_start3A = arith.constant 0 : i32
        %dma_start3A_249 = arith.constant 0 : i32
        %dma_start3A_250 = tpu.memref_slice %arg14[%dma_start3A, %dma_start3A_249] : memref<10000x128xf32, #tpu.memory_space<vmem_shared>> -> memref<10000x128xf32, #tpu.memory_space<vmem_shared>>
        tpu.enqueue_indirect_dma source(%arg15 : memref<80x128xf32, #tpu.memory_space<vmem>>) target(%dma_start3A_250 : memref<10000x128xf32, #tpu.memory_space<vmem_shared>>) offsets(%arg19 : memref<80xi32, #tpu.memory_space<vmem>>) semaphore(%arg20 : memref<!tpu.dma_semaphore, #tpu.memory_space<semaphore_mem>>)
        %dma_wait3A = arith.constant 0 : i32
        %dma_wait3A_251 = arith.constant 0 : i32
        %dma_wait3A_252 = tpu.memref_slice %arg14[%dma_wait3A, %dma_wait3A_251] : memref<10000x128xf32, #tpu.memory_space<vmem_shared>> -> memref<10000x128xf32, #tpu.memory_space<vmem_shared>>
        tpu.wait_indirect_dma semaphore(%arg20 : memref<!tpu.dma_semaphore, #tpu.memory_space<semaphore_mem>>) src(%arg15 : memref<80x128xf32, #tpu.memory_space<vmem>>) dst(%dma_wait3A_252 : memref<10000x128xf32, #tpu.memory_space<vmem_shared>>)
      } else {
      }
      %add3A_33 = arith.constant 64 : i32
      %add3A_34 = arith.addi %arg1, %add3A_33 : i32
      %lt3A_35 = arith.constant 125 : i32
      %lt3A_36 = arith.cmpi slt, %add3A_34, %lt3A_35 : i32
      %convert_element_type3A_37 = arith.extui %lt3A_36 : i1 to i32
      %cond3A_38 = arith.constant 0 : i32
      %cond3A_39 = arith.cmpi ne, %convert_element_type3A_37, %cond3A_38 : i32
      scf.if %cond3A_39 {
        %mul3A_247 = arith.constant 80 : i32
        %mul3A_248 = arith.muli %add3A_34, %mul3A_247 : i32
        "tpu.region"() ({
          %run_scoped3A = tpu.sem_alloc : memref<!tpu.dma_semaphore, #tpu.memory_space<semaphore_mem>>
          %dma_start3A_253 = tpu.memref_slice %arg9[%mul3A_248] : memref<10000xi32, #tpu.memory_space<hbm>> -> memref<80xi32, #tpu.memory_space<hbm>>
          %dma_start3A_254 = tpu.memref_slice %arg9[%mul3A_248] : memref<10000xi32, #tpu.memory_space<hbm>> -> memref<80xi32, #tpu.memory_space<hbm>>
          tpu.enqueue_dma source(%dma_start3A_254 : memref<80xi32, #tpu.memory_space<hbm>>) target(%arg19 : memref<80xi32, #tpu.memory_space<vmem>>) target_semaphore(%run_scoped3A : memref<!tpu.dma_semaphore, #tpu.memory_space<semaphore_mem>>)
          %dma_wait3A_255 = tpu.memref_slice %arg9[%mul3A_248] : memref<10000xi32, #tpu.memory_space<hbm>> -> memref<80xi32, #tpu.memory_space<hbm>>
          %dma_wait3A_256 = tpu.memref_slice %arg9[%mul3A_248] : memref<10000xi32, #tpu.memory_space<hbm>> -> memref<80xi32, #tpu.memory_space<hbm>>
          tpu.wait_dma2 semaphore(%run_scoped3A : memref<!tpu.dma_semaphore, #tpu.memory_space<semaphore_mem>>) src(%dma_wait3A_256 : memref<80xi32, #tpu.memory_space<hbm>>) dst(%arg19 : memref<80xi32, #tpu.memory_space<vmem>>)
          tpu.yield
        }) : () -> ()
        %dma_start3A = arith.constant 0 : i32
        %dma_start3A_249 = arith.constant 0 : i32
        %dma_start3A_250 = tpu.memref_slice %arg14[%dma_start3A, %dma_start3A_249] : memref<10000x128xf32, #tpu.memory_space<vmem_shared>> -> memref<10000x128xf32, #tpu.memory_space<vmem_shared>>
        tpu.enqueue_indirect_dma source(%arg15 : memref<80x128xf32, #tpu.memory_space<vmem>>) target(%dma_start3A_250 : memref<10000x128xf32, #tpu.memory_space<vmem_shared>>) offsets(%arg19 : memref<80xi32, #tpu.memory_space<vmem>>) semaphore(%arg20 : memref<!tpu.dma_semaphore, #tpu.memory_space<semaphore_mem>>)
        %dma_wait3A = arith.constant 0 : i32
        %dma_wait3A_251 = arith.constant 0 : i32
        %dma_wait3A_252 = tpu.memref_slice %arg14[%dma_wait3A, %dma_wait3A_251] : memref<10000x128xf32, #tpu.memory_space<vmem_shared>> -> memref<10000x128xf32, #tpu.memory_space<vmem_shared>>
        tpu.wait_indirect_dma semaphore(%arg20 : memref<!tpu.dma_semaphore, #tpu.memory_space<semaphore_mem>>) src(%arg15 : memref<80x128xf32, #tpu.memory_space<vmem>>) dst(%dma_wait3A_252 : memref<10000x128xf32, #tpu.memory_space<vmem_shared>>)
      } else {
      }
      %add3A_40 = arith.constant 80 : i32
      %add3A_41 = arith.addi %arg1, %add3A_40 : i32
      %lt3A_42 = arith.constant 125 : i32
      %lt3A_43 = arith.cmpi slt, %add3A_41, %lt3A_42 : i32
      %convert_element_type3A_44 = arith.extui %lt3A_43 : i1 to i32
      %cond3A_45 = arith.constant 0 : i32
      %cond3A_46 = arith.cmpi ne, %convert_element_type3A_44, %cond3A_45 : i32
      scf.if %cond3A_46 {
        %mul3A_247 = arith.constant 80 : i32
        %mul3A_248 = arith.muli %add3A_41, %mul3A_247 : i32
        "tpu.region"() ({
          %run_scoped3A = tpu.sem_alloc : memref<!tpu.dma_semaphore, #tpu.memory_space<semaphore_mem>>
          %dma_start3A_253 = tpu.memref_slice %arg9[%mul3A_248] : memref<10000xi32, #tpu.memory_space<hbm>> -> memref<80xi32, #tpu.memory_space<hbm>>
          %dma_start3A_254 = tpu.memref_slice %arg9[%mul3A_248] : memref<10000xi32, #tpu.memory_space<hbm>> -> memref<80xi32, #tpu.memory_space<hbm>>
          tpu.enqueue_dma source(%dma_start3A_254 : memref<80xi32, #tpu.memory_space<hbm>>) target(%arg19 : memref<80xi32, #tpu.memory_space<vmem>>) target_semaphore(%run_scoped3A : memref<!tpu.dma_semaphore, #tpu.memory_space<semaphore_mem>>)
          %dma_wait3A_255 = tpu.memref_slice %arg9[%mul3A_248] : memref<10000xi32, #tpu.memory_space<hbm>> -> memref<80xi32, #tpu.memory_space<hbm>>
          %dma_wait3A_256 = tpu.memref_slice %arg9[%mul3A_248] : memref<10000xi32, #tpu.memory_space<hbm>> -> memref<80xi32, #tpu.memory_space<hbm>>
          tpu.wait_dma2 semaphore(%run_scoped3A : memref<!tpu.dma_semaphore, #tpu.memory_space<semaphore_mem>>) src(%dma_wait3A_256 : memref<80xi32, #tpu.memory_space<hbm>>) dst(%arg19 : memref<80xi32, #tpu.memory_space<vmem>>)
          tpu.yield
        }) : () -> ()
        %dma_start3A = arith.constant 0 : i32
        %dma_start3A_249 = arith.constant 0 : i32
        %dma_start3A_250 = tpu.memref_slice %arg14[%dma_start3A, %dma_start3A_249] : memref<10000x128xf32, #tpu.memory_space<vmem_shared>> -> memref<10000x128xf32, #tpu.memory_space<vmem_shared>>
        tpu.enqueue_indirect_dma source(%arg15 : memref<80x128xf32, #tpu.memory_space<vmem>>) target(%dma_start3A_250 : memref<10000x128xf32, #tpu.memory_space<vmem_shared>>) offsets(%arg19 : memref<80xi32, #tpu.memory_space<vmem>>) semaphore(%arg20 : memref<!tpu.dma_semaphore, #tpu.memory_space<semaphore_mem>>)
        %dma_wait3A = arith.constant 0 : i32
        %dma_wait3A_251 = arith.constant 0 : i32
        %dma_wait3A_252 = tpu.memref_slice %arg14[%dma_wait3A, %dma_wait3A_251] : memref<10000x128xf32, #tpu.memory_space<vmem_shared>> -> memref<10000x128xf32, #tpu.memory_space<vmem_shared>>
        tpu.wait_indirect_dma semaphore(%arg20 : memref<!tpu.dma_semaphore, #tpu.memory_space<semaphore_mem>>) src(%arg15 : memref<80x128xf32, #tpu.memory_space<vmem>>) dst(%dma_wait3A_252 : memref<10000x128xf32, #tpu.memory_space<vmem_shared>>)
      } else {
      }
      %add3A_47 = arith.constant 96 : i32
      %add3A_48 = arith.addi %arg1, %add3A_47 : i32
      %lt3A_49 = arith.constant 125 : i32
      %lt3A_50 = arith.cmpi slt, %add3A_48, %lt3A_49 : i32
      %convert_element_type3A_51 = arith.extui %lt3A_50 : i1 to i32
      %cond3A_52 = arith.constant 0 : i32
      %cond3A_53 = arith.cmpi ne, %convert_element_type3A_51, %cond3A_52 : i32
      scf.if %cond3A_53 {
        %mul3A_247 = arith.constant 80 : i32
        %mul3A_248 = arith.muli %add3A_48, %mul3A_247 : i32
        "tpu.region"() ({
          %run_scoped3A = tpu.sem_alloc : memref<!tpu.dma_semaphore, #tpu.memory_space<semaphore_mem>>
          %dma_start3A_253 = tpu.memref_slice %arg9[%mul3A_248] : memref<10000xi32, #tpu.memory_space<hbm>> -> memref<80xi32, #tpu.memory_space<hbm>>
          %dma_start3A_254 = tpu.memref_slice %arg9[%mul3A_248] : memref<10000xi32, #tpu.memory_space<hbm>> -> memref<80xi32, #tpu.memory_space<hbm>>
          tpu.enqueue_dma source(%dma_start3A_254 : memref<80xi32, #tpu.memory_space<hbm>>) target(%arg19 : memref<80xi32, #tpu.memory_space<vmem>>) target_semaphore(%run_scoped3A : memref<!tpu.dma_semaphore, #tpu.memory_space<semaphore_mem>>)
          %dma_wait3A_255 = tpu.memref_slice %arg9[%mul3A_248] : memref<10000xi32, #tpu.memory_space<hbm>> -> memref<80xi32, #tpu.memory_space<hbm>>
          %dma_wait3A_256 = tpu.memref_slice %arg9[%mul3A_248] : memref<10000xi32, #tpu.memory_space<hbm>> -> memref<80xi32, #tpu.memory_space<hbm>>
          tpu.wait_dma2 semaphore(%run_scoped3A : memref<!tpu.dma_semaphore, #tpu.memory_space<semaphore_mem>>) src(%dma_wait3A_256 : memref<80xi32, #tpu.memory_space<hbm>>) dst(%arg19 : memref<80xi32, #tpu.memory_space<vmem>>)
          tpu.yield
        }) : () -> ()
        %dma_start3A = arith.constant 0 : i32
        %dma_start3A_249 = arith.constant 0 : i32
        %dma_start3A_250 = tpu.memref_slice %arg14[%dma_start3A, %dma_start3A_249] : memref<10000x128xf32, #tpu.memory_space<vmem_shared>> -> memref<10000x128xf32, #tpu.memory_space<vmem_shared>>
        tpu.enqueue_indirect_dma source(%arg15 : memref<80x128xf32, #tpu.memory_space<vmem>>) target(%dma_start3A_250 : memref<10000x128xf32, #tpu.memory_space<vmem_shared>>) offsets(%arg19 : memref<80xi32, #tpu.memory_space<vmem>>) semaphore(%arg20 : memref<!tpu.dma_semaphore, #tpu.memory_space<semaphore_mem>>)
        %dma_wait3A = arith.constant 0 : i32
        %dma_wait3A_251 = arith.constant 0 : i32
        %dma_wait3A_252 = tpu.memref_slice %arg14[%dma_wait3A, %dma_wait3A_251] : memref<10000x128xf32, #tpu.memory_space<vmem_shared>> -> memref<10000x128xf32, #tpu.memory_space<vmem_shared>>
        tpu.wait_indirect_dma semaphore(%arg20 : memref<!tpu.dma_semaphore, #tpu.memory_space<semaphore_mem>>) src(%arg15 : memref<80x128xf32, #tpu.memory_space<vmem>>) dst(%dma_wait3A_252 : memref<10000x128xf32, #tpu.memory_space<vmem_shared>>)
      } else {
      }
      %add3A_54 = arith.constant 112 : i32
      %add3A_55 = arith.addi %arg1, %add3A_54 : i32
      %lt3A_56 = arith.constant 125 : i32
      %lt3A_57 = arith.cmpi slt, %add3A_55, %lt3A_56 : i32
      %convert_element_type3A_58 = arith.extui %lt3A_57 : i1 to i32
      %cond3A_59 = arith.constant 0 : i32
      %cond3A_60 = arith.cmpi ne, %convert_element_type3A_58, %cond3A_59 : i32
      scf.if %cond3A_60 {
        %mul3A_247 = arith.constant 80 : i32
        %mul3A_248 = arith.muli %add3A_55, %mul3A_247 : i32
        "tpu.region"() ({
          %run_scoped3A = tpu.sem_alloc : memref<!tpu.dma_semaphore, #tpu.memory_space<semaphore_mem>>
          %dma_start3A_253 = tpu.memref_slice %arg9[%mul3A_248] : memref<10000xi32, #tpu.memory_space<hbm>> -> memref<80xi32, #tpu.memory_space<hbm>>
          %dma_start3A_254 = tpu.memref_slice %arg9[%mul3A_248] : memref<10000xi32, #tpu.memory_space<hbm>> -> memref<80xi32, #tpu.memory_space<hbm>>
          tpu.enqueue_dma source(%dma_start3A_254 : memref<80xi32, #tpu.memory_space<hbm>>) target(%arg19 : memref<80xi32, #tpu.memory_space<vmem>>) target_semaphore(%run_scoped3A : memref<!tpu.dma_semaphore, #tpu.memory_space<semaphore_mem>>)
          %dma_wait3A_255 = tpu.memref_slice %arg9[%mul3A_248] : memref<10000xi32, #tpu.memory_space<hbm>> -> memref<80xi32, #tpu.memory_space<hbm>>
          %dma_wait3A_256 = tpu.memref_slice %arg9[%mul3A_248] : memref<10000xi32, #tpu.memory_space<hbm>> -> memref<80xi32, #tpu.memory_space<hbm>>
          tpu.wait_dma2 semaphore(%run_scoped3A : memref<!tpu.dma_semaphore, #tpu.memory_space<semaphore_mem>>) src(%dma_wait3A_256 : memref<80xi32, #tpu.memory_space<hbm>>) dst(%arg19 : memref<80xi32, #tpu.memory_space<vmem>>)
          tpu.yield
        }) : () -> ()
        %dma_start3A = arith.constant 0 : i32
        %dma_start3A_249 = arith.constant 0 : i32
        %dma_start3A_250 = tpu.memref_slice %arg14[%dma_start3A, %dma_start3A_249] : memref<10000x128xf32, #tpu.memory_space<vmem_shared>> -> memref<10000x128xf32, #tpu.memory_space<vmem_shared>>
        tpu.enqueue_indirect_dma source(%arg15 : memref<80x128xf32, #tpu.memory_space<vmem>>) target(%dma_start3A_250 : memref<10000x128xf32, #tpu.memory_space<vmem_shared>>) offsets(%arg19 : memref<80xi32, #tpu.memory_space<vmem>>) semaphore(%arg20 : memref<!tpu.dma_semaphore, #tpu.memory_space<semaphore_mem>>)
        %dma_wait3A = arith.constant 0 : i32
        %dma_wait3A_251 = arith.constant 0 : i32
        %dma_wait3A_252 = tpu.memref_slice %arg14[%dma_wait3A, %dma_wait3A_251] : memref<10000x128xf32, #tpu.memory_space<vmem_shared>> -> memref<10000x128xf32, #tpu.memory_space<vmem_shared>>
        tpu.wait_indirect_dma semaphore(%arg20 : memref<!tpu.dma_semaphore, #tpu.memory_space<semaphore_mem>>) src(%arg15 : memref<80x128xf32, #tpu.memory_space<vmem>>) dst(%dma_wait3A_252 : memref<10000x128xf32, #tpu.memory_space<vmem_shared>>)
      } else {
      }
      %barrier3A = arith.constant 0 : index
      tpu.barrier barrier_id(%barrier3A)
      %mul3A = arith.constant 20000 : i32
      %mul3A_61 = arith.muli %arg1, %mul3A : i32
      %scan3A = arith.constant 0 : i32
      %scan3A_62 = arith.constant 0 : i32
      %scan3A_63 = arith.constant 250 : i32
      %scan3A_64 = arith.addi %scan3A_62, %scan3A_63 : i32
      %scan3A_65 = arith.constant 1 : i32
      %scan3A_66 = scf.for %scan3A_247 = %scan3A_62 to %scan3A_64 step %scan3A_65 iter_args(%scan3A_248 = %scan3A) -> (i32)  : i32 {
        %mul3A_249 = arith.constant 80 : i32
        %mul3A_250 = arith.muli %scan3A_247, %mul3A_249 : i32
        %add3A_251 = arith.addi %mul3A_61, %mul3A_250 : i32
        "tpu.region"() ({
          %run_scoped3A = tpu.sem_alloc : memref<!tpu.dma_semaphore, #tpu.memory_space<semaphore_mem>>
          %dma_start3A_257 = tpu.memref_slice %arg5[%add3A_251] : memref<320000xi32, #tpu.memory_space<hbm>> -> memref<80xi32, #tpu.memory_space<hbm>>
          %dma_start3A_258 = tpu.memref_slice %arg5[%add3A_251] : memref<320000xi32, #tpu.memory_space<hbm>> -> memref<80xi32, #tpu.memory_space<hbm>>
          tpu.enqueue_dma source(%dma_start3A_258 : memref<80xi32, #tpu.memory_space<hbm>>) target(%arg16 : memref<80xi32, #tpu.memory_space<vmem>>) target_semaphore(%run_scoped3A : memref<!tpu.dma_semaphore, #tpu.memory_space<semaphore_mem>>)
          %dma_wait3A_259 = tpu.memref_slice %arg5[%add3A_251] : memref<320000xi32, #tpu.memory_space<hbm>> -> memref<80xi32, #tpu.memory_space<hbm>>
          %dma_wait3A_260 = tpu.memref_slice %arg5[%add3A_251] : memref<320000xi32, #tpu.memory_space<hbm>> -> memref<80xi32, #tpu.memory_space<hbm>>
          tpu.wait_dma2 semaphore(%run_scoped3A : memref<!tpu.dma_semaphore, #tpu.memory_space<semaphore_mem>>) src(%dma_wait3A_260 : memref<80xi32, #tpu.memory_space<hbm>>) dst(%arg16 : memref<80xi32, #tpu.memory_space<vmem>>)
          tpu.yield
        }) : () -> ()
        %dma_start3A = arith.constant 0 : i32
        %dma_start3A_252 = arith.constant 0 : i32
        %dma_start3A_253 = tpu.memref_slice %arg2[%dma_start3A, %dma_start3A_252] : memref<10000x128xf32, #tpu.memory_space<hbm>> -> memref<10000x128xf32, #tpu.memory_space<hbm>>
        tpu.enqueue_indirect_dma source(%dma_start3A_253 : memref<10000x128xf32, #tpu.memory_space<hbm>>) target(%arg15 : memref<80x128xf32, #tpu.memory_space<vmem>>) offsets(%arg16 : memref<80xi32, #tpu.memory_space<vmem>>) semaphore(%arg20 : memref<!tpu.dma_semaphore, #tpu.memory_space<semaphore_mem>>)
        %dma_wait3A = arith.constant 0 : i32
        %dma_wait3A_254 = arith.constant 0 : i32
        %dma_wait3A_255 = tpu.memref_slice %arg2[%dma_wait3A, %dma_wait3A_254] : memref<10000x128xf32, #tpu.memory_space<hbm>> -> memref<10000x128xf32, #tpu.memory_space<hbm>>
        tpu.wait_indirect_dma semaphore(%arg20 : memref<!tpu.dma_semaphore, #tpu.memory_space<semaphore_mem>>) src(%dma_wait3A_255 : memref<10000x128xf32, #tpu.memory_space<hbm>>) dst(%arg15 : memref<80x128xf32, #tpu.memory_space<vmem>>)
        "tpu.region"() ({
          %run_scoped3A = tpu.sem_alloc : memref<!tpu.dma_semaphore, #tpu.memory_space<semaphore_mem>>
          %dma_start3A_257 = tpu.memref_slice %arg6[%add3A_251] : memref<320000xi32, #tpu.memory_space<hbm>> -> memref<80xi32, #tpu.memory_space<hbm>>
          %dma_start3A_258 = tpu.memref_slice %arg6[%add3A_251] : memref<320000xi32, #tpu.memory_space<hbm>> -> memref<80xi32, #tpu.memory_space<hbm>>
          tpu.enqueue_dma source(%dma_start3A_258 : memref<80xi32, #tpu.memory_space<hbm>>) target(%arg17 : memref<80xi32, #tpu.memory_space<vmem>>) target_semaphore(%run_scoped3A : memref<!tpu.dma_semaphore, #tpu.memory_space<semaphore_mem>>)
          %dma_wait3A_259 = tpu.memref_slice %arg6[%add3A_251] : memref<320000xi32, #tpu.memory_space<hbm>> -> memref<80xi32, #tpu.memory_space<hbm>>
          %dma_wait3A_260 = tpu.memref_slice %arg6[%add3A_251] : memref<320000xi32, #tpu.memory_space<hbm>> -> memref<80xi32, #tpu.memory_space<hbm>>
          tpu.wait_dma2 semaphore(%run_scoped3A : memref<!tpu.dma_semaphore, #tpu.memory_space<semaphore_mem>>) src(%dma_wait3A_260 : memref<80xi32, #tpu.memory_space<hbm>>) dst(%arg17 : memref<80xi32, #tpu.memory_space<vmem>>)
          tpu.yield
        }) : () -> ()
        "tpu.region"() ({
          %run_scoped3A = tpu.sem_alloc : memref<!tpu.dma_semaphore, #tpu.memory_space<semaphore_mem>>
          %dma_start3A_257 = arith.constant 0 : i32
          %dma_start3A_258 = arith.constant 0 : i32
          %dma_start3A_259 = tpu.memref_slice %arg14[%dma_start3A_257, %dma_start3A_258] : memref<10000x128xf32, #tpu.memory_space<vmem_shared>> -> memref<10000x128xf32, #tpu.memory_space<vmem_shared>>
          tpu.enqueue_indirect_dma source(%arg15 : memref<80x128xf32, #tpu.memory_space<vmem>>) target(%dma_start3A_259 : memref<10000x128xf32, #tpu.memory_space<vmem_shared>>) offsets(%arg17 : memref<80xi32, #tpu.memory_space<vmem>>) semaphore(%run_scoped3A : memref<!tpu.dma_semaphore, #tpu.memory_space<semaphore_mem>>) {add = true}
          %dma_wait3A_260 = arith.constant 0 : i32
          %dma_wait3A_261 = arith.constant 0 : i32
          %dma_wait3A_262 = tpu.memref_slice %arg14[%dma_wait3A_260, %dma_wait3A_261] : memref<10000x128xf32, #tpu.memory_space<vmem_shared>> -> memref<10000x128xf32, #tpu.memory_space<vmem_shared>>
          tpu.wait_indirect_dma semaphore(%run_scoped3A : memref<!tpu.dma_semaphore, #tpu.memory_space<semaphore_mem>>) src(%arg15 : memref<80x128xf32, #tpu.memory_space<vmem>>) dst(%dma_wait3A_262 : memref<10000x128xf32, #tpu.memory_space<vmem_shared>>)
          tpu.yield
        }) : () -> ()
        %scan3A_256 = arith.constant 0 : i32
        scf.yield %scan3A_256 : i32
      }
      %scan3A_67 = arith.constant 250 : i32
      %barrier3A_68 = arith.constant 0 : index
      tpu.barrier barrier_id(%barrier3A_68)
      %add3A_69 = arith.constant 0 : i32
      %add3A_70 = arith.addi %arg1, %add3A_69 : i32
      %lt3A_71 = arith.constant 125 : i32
      %lt3A_72 = arith.cmpi slt, %add3A_70, %lt3A_71 : i32
      %convert_element_type3A_73 = arith.extui %lt3A_72 : i1 to i32
      %cond3A_74 = arith.constant 0 : i32
      %cond3A_75 = arith.cmpi ne, %convert_element_type3A_73, %cond3A_74 : i32
      scf.if %cond3A_75 {
        %mul3A_247 = arith.constant 80 : i32
        %mul3A_248 = arith.muli %add3A_70, %mul3A_247 : i32
        "tpu.region"() ({
          %run_scoped3A = tpu.sem_alloc : memref<!tpu.dma_semaphore, #tpu.memory_space<semaphore_mem>>
          %dma_start3A_253 = tpu.memref_slice %arg9[%mul3A_248] : memref<10000xi32, #tpu.memory_space<hbm>> -> memref<80xi32, #tpu.memory_space<hbm>>
          %dma_start3A_254 = tpu.memref_slice %arg9[%mul3A_248] : memref<10000xi32, #tpu.memory_space<hbm>> -> memref<80xi32, #tpu.memory_space<hbm>>
          tpu.enqueue_dma source(%dma_start3A_254 : memref<80xi32, #tpu.memory_space<hbm>>) target(%arg19 : memref<80xi32, #tpu.memory_space<vmem>>) target_semaphore(%run_scoped3A : memref<!tpu.dma_semaphore, #tpu.memory_space<semaphore_mem>>)
          %dma_wait3A_255 = tpu.memref_slice %arg9[%mul3A_248] : memref<10000xi32, #tpu.memory_space<hbm>> -> memref<80xi32, #tpu.memory_space<hbm>>
          %dma_wait3A_256 = tpu.memref_slice %arg9[%mul3A_248] : memref<10000xi32, #tpu.memory_space<hbm>> -> memref<80xi32, #tpu.memory_space<hbm>>
          tpu.wait_dma2 semaphore(%run_scoped3A : memref<!tpu.dma_semaphore, #tpu.memory_space<semaphore_mem>>) src(%dma_wait3A_256 : memref<80xi32, #tpu.memory_space<hbm>>) dst(%arg19 : memref<80xi32, #tpu.memory_space<vmem>>)
          tpu.yield
        }) : () -> ()
        %dma_start3A = arith.constant 0 : i32
        %dma_start3A_249 = arith.constant 0 : i32
        %dma_start3A_250 = tpu.memref_slice %arg14[%dma_start3A, %dma_start3A_249] : memref<10000x128xf32, #tpu.memory_space<vmem_shared>> -> memref<10000x128xf32, #tpu.memory_space<vmem_shared>>
        tpu.enqueue_indirect_dma source(%dma_start3A_250 : memref<10000x128xf32, #tpu.memory_space<vmem_shared>>) target(%arg15 : memref<80x128xf32, #tpu.memory_space<vmem>>) offsets(%arg19 : memref<80xi32, #tpu.memory_space<vmem>>) semaphore(%arg20 : memref<!tpu.dma_semaphore, #tpu.memory_space<semaphore_mem>>)
        %dma_wait3A = arith.constant 0 : i32
        %dma_wait3A_251 = arith.constant 0 : i32
        %dma_wait3A_252 = tpu.memref_slice %arg14[%dma_wait3A, %dma_wait3A_251] : memref<10000x128xf32, #tpu.memory_space<vmem_shared>> -> memref<10000x128xf32, #tpu.memory_space<vmem_shared>>
        tpu.wait_indirect_dma semaphore(%arg20 : memref<!tpu.dma_semaphore, #tpu.memory_space<semaphore_mem>>) src(%dma_wait3A_252 : memref<10000x128xf32, #tpu.memory_space<vmem_shared>>) dst(%arg15 : memref<80x128xf32, #tpu.memory_space<vmem>>)
        "tpu.region"() ({
          %run_scoped3A = tpu.sem_alloc : memref<!tpu.dma_semaphore, #tpu.memory_space<semaphore_mem>>
          %dma_start3A_253 = arith.constant 0 : i32
          %dma_start3A_254 = tpu.memref_slice %arg12[%mul3A_248, %dma_start3A_253] : memref<10000x128xf32, #tpu.memory_space<hbm>> -> memref<80x128xf32, #tpu.memory_space<hbm>>
          %dma_start3A_255 = arith.constant 0 : i32
          %dma_start3A_256 = tpu.memref_slice %arg12[%mul3A_248, %dma_start3A_255] : memref<10000x128xf32, #tpu.memory_space<hbm>> -> memref<80x128xf32, #tpu.memory_space<hbm>>
          tpu.enqueue_dma source(%arg15 : memref<80x128xf32, #tpu.memory_space<vmem>>) target(%dma_start3A_256 : memref<80x128xf32, #tpu.memory_space<hbm>>) target_semaphore(%run_scoped3A : memref<!tpu.dma_semaphore, #tpu.memory_space<semaphore_mem>>)
          %dma_wait3A_257 = arith.constant 0 : i32
          %dma_wait3A_258 = tpu.memref_slice %arg12[%mul3A_248, %dma_wait3A_257] : memref<10000x128xf32, #tpu.memory_space<hbm>> -> memref<80x128xf32, #tpu.memory_space<hbm>>
          %dma_wait3A_259 = arith.constant 0 : i32
          %dma_wait3A_260 = tpu.memref_slice %arg12[%mul3A_248, %dma_wait3A_259] : memref<10000x128xf32, #tpu.memory_space<hbm>> -> memref<80x128xf32, #tpu.memory_space<hbm>>
          tpu.wait_dma2 semaphore(%run_scoped3A : memref<!tpu.dma_semaphore, #tpu.memory_space<semaphore_mem>>) src(%arg15 : memref<80x128xf32, #tpu.memory_space<vmem>>) dst(%dma_wait3A_260 : memref<80x128xf32, #tpu.memory_space<hbm>>)
          tpu.yield
        }) : () -> ()
      } else {
      }
      %add3A_76 = arith.constant 16 : i32
      %add3A_77 = arith.addi %arg1, %add3A_76 : i32
      %lt3A_78 = arith.constant 125 : i32
      %lt3A_79 = arith.cmpi slt, %add3A_77, %lt3A_78 : i32
      %convert_element_type3A_80 = arith.extui %lt3A_79 : i1 to i32
      %cond3A_81 = arith.constant 0 : i32
      %cond3A_82 = arith.cmpi ne, %convert_element_type3A_80, %cond3A_81 : i32
      scf.if %cond3A_82 {
        %mul3A_247 = arith.constant 80 : i32
        %mul3A_248 = arith.muli %add3A_77, %mul3A_247 : i32
        "tpu.region"() ({
          %run_scoped3A = tpu.sem_alloc : memref<!tpu.dma_semaphore, #tpu.memory_space<semaphore_mem>>
          %dma_start3A_253 = tpu.memref_slice %arg9[%mul3A_248] : memref<10000xi32, #tpu.memory_space<hbm>> -> memref<80xi32, #tpu.memory_space<hbm>>
          %dma_start3A_254 = tpu.memref_slice %arg9[%mul3A_248] : memref<10000xi32, #tpu.memory_space<hbm>> -> memref<80xi32, #tpu.memory_space<hbm>>
          tpu.enqueue_dma source(%dma_start3A_254 : memref<80xi32, #tpu.memory_space<hbm>>) target(%arg19 : memref<80xi32, #tpu.memory_space<vmem>>) target_semaphore(%run_scoped3A : memref<!tpu.dma_semaphore, #tpu.memory_space<semaphore_mem>>)
          %dma_wait3A_255 = tpu.memref_slice %arg9[%mul3A_248] : memref<10000xi32, #tpu.memory_space<hbm>> -> memref<80xi32, #tpu.memory_space<hbm>>
          %dma_wait3A_256 = tpu.memref_slice %arg9[%mul3A_248] : memref<10000xi32, #tpu.memory_space<hbm>> -> memref<80xi32, #tpu.memory_space<hbm>>
          tpu.wait_dma2 semaphore(%run_scoped3A : memref<!tpu.dma_semaphore, #tpu.memory_space<semaphore_mem>>) src(%dma_wait3A_256 : memref<80xi32, #tpu.memory_space<hbm>>) dst(%arg19 : memref<80xi32, #tpu.memory_space<vmem>>)
          tpu.yield
        }) : () -> ()
        %dma_start3A = arith.constant 0 : i32
        %dma_start3A_249 = arith.constant 0 : i32
        %dma_start3A_250 = tpu.memref_slice %arg14[%dma_start3A, %dma_start3A_249] : memref<10000x128xf32, #tpu.memory_space<vmem_shared>> -> memref<10000x128xf32, #tpu.memory_space<vmem_shared>>
        tpu.enqueue_indirect_dma source(%dma_start3A_250 : memref<10000x128xf32, #tpu.memory_space<vmem_shared>>) target(%arg15 : memref<80x128xf32, #tpu.memory_space<vmem>>) offsets(%arg19 : memref<80xi32, #tpu.memory_space<vmem>>) semaphore(%arg20 : memref<!tpu.dma_semaphore, #tpu.memory_space<semaphore_mem>>)
        %dma_wait3A = arith.constant 0 : i32
        %dma_wait3A_251 = arith.constant 0 : i32
        %dma_wait3A_252 = tpu.memref_slice %arg14[%dma_wait3A, %dma_wait3A_251] : memref<10000x128xf32, #tpu.memory_space<vmem_shared>> -> memref<10000x128xf32, #tpu.memory_space<vmem_shared>>
        tpu.wait_indirect_dma semaphore(%arg20 : memref<!tpu.dma_semaphore, #tpu.memory_space<semaphore_mem>>) src(%dma_wait3A_252 : memref<10000x128xf32, #tpu.memory_space<vmem_shared>>) dst(%arg15 : memref<80x128xf32, #tpu.memory_space<vmem>>)
        "tpu.region"() ({
          %run_scoped3A = tpu.sem_alloc : memref<!tpu.dma_semaphore, #tpu.memory_space<semaphore_mem>>
          %dma_start3A_253 = arith.constant 0 : i32
          %dma_start3A_254 = tpu.memref_slice %arg12[%mul3A_248, %dma_start3A_253] : memref<10000x128xf32, #tpu.memory_space<hbm>> -> memref<80x128xf32, #tpu.memory_space<hbm>>
          %dma_start3A_255 = arith.constant 0 : i32
          %dma_start3A_256 = tpu.memref_slice %arg12[%mul3A_248, %dma_start3A_255] : memref<10000x128xf32, #tpu.memory_space<hbm>> -> memref<80x128xf32, #tpu.memory_space<hbm>>
          tpu.enqueue_dma source(%arg15 : memref<80x128xf32, #tpu.memory_space<vmem>>) target(%dma_start3A_256 : memref<80x128xf32, #tpu.memory_space<hbm>>) target_semaphore(%run_scoped3A : memref<!tpu.dma_semaphore, #tpu.memory_space<semaphore_mem>>)
          %dma_wait3A_257 = arith.constant 0 : i32
          %dma_wait3A_258 = tpu.memref_slice %arg12[%mul3A_248, %dma_wait3A_257] : memref<10000x128xf32, #tpu.memory_space<hbm>> -> memref<80x128xf32, #tpu.memory_space<hbm>>
          %dma_wait3A_259 = arith.constant 0 : i32
          %dma_wait3A_260 = tpu.memref_slice %arg12[%mul3A_248, %dma_wait3A_259] : memref<10000x128xf32, #tpu.memory_space<hbm>> -> memref<80x128xf32, #tpu.memory_space<hbm>>
          tpu.wait_dma2 semaphore(%run_scoped3A : memref<!tpu.dma_semaphore, #tpu.memory_space<semaphore_mem>>) src(%arg15 : memref<80x128xf32, #tpu.memory_space<vmem>>) dst(%dma_wait3A_260 : memref<80x128xf32, #tpu.memory_space<hbm>>)
          tpu.yield
        }) : () -> ()
      } else {
      }
      %add3A_83 = arith.constant 32 : i32
      %add3A_84 = arith.addi %arg1, %add3A_83 : i32
      %lt3A_85 = arith.constant 125 : i32
      %lt3A_86 = arith.cmpi slt, %add3A_84, %lt3A_85 : i32
      %convert_element_type3A_87 = arith.extui %lt3A_86 : i1 to i32
      %cond3A_88 = arith.constant 0 : i32
      %cond3A_89 = arith.cmpi ne, %convert_element_type3A_87, %cond3A_88 : i32
      scf.if %cond3A_89 {
        %mul3A_247 = arith.constant 80 : i32
        %mul3A_248 = arith.muli %add3A_84, %mul3A_247 : i32
        "tpu.region"() ({
          %run_scoped3A = tpu.sem_alloc : memref<!tpu.dma_semaphore, #tpu.memory_space<semaphore_mem>>
          %dma_start3A_253 = tpu.memref_slice %arg9[%mul3A_248] : memref<10000xi32, #tpu.memory_space<hbm>> -> memref<80xi32, #tpu.memory_space<hbm>>
          %dma_start3A_254 = tpu.memref_slice %arg9[%mul3A_248] : memref<10000xi32, #tpu.memory_space<hbm>> -> memref<80xi32, #tpu.memory_space<hbm>>
          tpu.enqueue_dma source(%dma_start3A_254 : memref<80xi32, #tpu.memory_space<hbm>>) target(%arg19 : memref<80xi32, #tpu.memory_space<vmem>>) target_semaphore(%run_scoped3A : memref<!tpu.dma_semaphore, #tpu.memory_space<semaphore_mem>>)
          %dma_wait3A_255 = tpu.memref_slice %arg9[%mul3A_248] : memref<10000xi32, #tpu.memory_space<hbm>> -> memref<80xi32, #tpu.memory_space<hbm>>
          %dma_wait3A_256 = tpu.memref_slice %arg9[%mul3A_248] : memref<10000xi32, #tpu.memory_space<hbm>> -> memref<80xi32, #tpu.memory_space<hbm>>
          tpu.wait_dma2 semaphore(%run_scoped3A : memref<!tpu.dma_semaphore, #tpu.memory_space<semaphore_mem>>) src(%dma_wait3A_256 : memref<80xi32, #tpu.memory_space<hbm>>) dst(%arg19 : memref<80xi32, #tpu.memory_space<vmem>>)
          tpu.yield
        }) : () -> ()
        %dma_start3A = arith.constant 0 : i32
        %dma_start3A_249 = arith.constant 0 : i32
        %dma_start3A_250 = tpu.memref_slice %arg14[%dma_start3A, %dma_start3A_249] : memref<10000x128xf32, #tpu.memory_space<vmem_shared>> -> memref<10000x128xf32, #tpu.memory_space<vmem_shared>>
        tpu.enqueue_indirect_dma source(%dma_start3A_250 : memref<10000x128xf32, #tpu.memory_space<vmem_shared>>) target(%arg15 : memref<80x128xf32, #tpu.memory_space<vmem>>) offsets(%arg19 : memref<80xi32, #tpu.memory_space<vmem>>) semaphore(%arg20 : memref<!tpu.dma_semaphore, #tpu.memory_space<semaphore_mem>>)
        %dma_wait3A = arith.constant 0 : i32
        %dma_wait3A_251 = arith.constant 0 : i32
        %dma_wait3A_252 = tpu.memref_slice %arg14[%dma_wait3A, %dma_wait3A_251] : memref<10000x128xf32, #tpu.memory_space<vmem_shared>> -> memref<10000x128xf32, #tpu.memory_space<vmem_shared>>
        tpu.wait_indirect_dma semaphore(%arg20 : memref<!tpu.dma_semaphore, #tpu.memory_space<semaphore_mem>>) src(%dma_wait3A_252 : memref<10000x128xf32, #tpu.memory_space<vmem_shared>>) dst(%arg15 : memref<80x128xf32, #tpu.memory_space<vmem>>)
        "tpu.region"() ({
          %run_scoped3A = tpu.sem_alloc : memref<!tpu.dma_semaphore, #tpu.memory_space<semaphore_mem>>
          %dma_start3A_253 = arith.constant 0 : i32
          %dma_start3A_254 = tpu.memref_slice %arg12[%mul3A_248, %dma_start3A_253] : memref<10000x128xf32, #tpu.memory_space<hbm>> -> memref<80x128xf32, #tpu.memory_space<hbm>>
          %dma_start3A_255 = arith.constant 0 : i32
          %dma_start3A_256 = tpu.memref_slice %arg12[%mul3A_248, %dma_start3A_255] : memref<10000x128xf32, #tpu.memory_space<hbm>> -> memref<80x128xf32, #tpu.memory_space<hbm>>
          tpu.enqueue_dma source(%arg15 : memref<80x128xf32, #tpu.memory_space<vmem>>) target(%dma_start3A_256 : memref<80x128xf32, #tpu.memory_space<hbm>>) target_semaphore(%run_scoped3A : memref<!tpu.dma_semaphore, #tpu.memory_space<semaphore_mem>>)
          %dma_wait3A_257 = arith.constant 0 : i32
          %dma_wait3A_258 = tpu.memref_slice %arg12[%mul3A_248, %dma_wait3A_257] : memref<10000x128xf32, #tpu.memory_space<hbm>> -> memref<80x128xf32, #tpu.memory_space<hbm>>
          %dma_wait3A_259 = arith.constant 0 : i32
          %dma_wait3A_260 = tpu.memref_slice %arg12[%mul3A_248, %dma_wait3A_259] : memref<10000x128xf32, #tpu.memory_space<hbm>> -> memref<80x128xf32, #tpu.memory_space<hbm>>
          tpu.wait_dma2 semaphore(%run_scoped3A : memref<!tpu.dma_semaphore, #tpu.memory_space<semaphore_mem>>) src(%arg15 : memref<80x128xf32, #tpu.memory_space<vmem>>) dst(%dma_wait3A_260 : memref<80x128xf32, #tpu.memory_space<hbm>>)
          tpu.yield
        }) : () -> ()
      } else {
      }
      %add3A_90 = arith.constant 48 : i32
      %add3A_91 = arith.addi %arg1, %add3A_90 : i32
      %lt3A_92 = arith.constant 125 : i32
      %lt3A_93 = arith.cmpi slt, %add3A_91, %lt3A_92 : i32
      %convert_element_type3A_94 = arith.extui %lt3A_93 : i1 to i32
      %cond3A_95 = arith.constant 0 : i32
      %cond3A_96 = arith.cmpi ne, %convert_element_type3A_94, %cond3A_95 : i32
      scf.if %cond3A_96 {
        %mul3A_247 = arith.constant 80 : i32
        %mul3A_248 = arith.muli %add3A_91, %mul3A_247 : i32
        "tpu.region"() ({
          %run_scoped3A = tpu.sem_alloc : memref<!tpu.dma_semaphore, #tpu.memory_space<semaphore_mem>>
          %dma_start3A_253 = tpu.memref_slice %arg9[%mul3A_248] : memref<10000xi32, #tpu.memory_space<hbm>> -> memref<80xi32, #tpu.memory_space<hbm>>
          %dma_start3A_254 = tpu.memref_slice %arg9[%mul3A_248] : memref<10000xi32, #tpu.memory_space<hbm>> -> memref<80xi32, #tpu.memory_space<hbm>>
          tpu.enqueue_dma source(%dma_start3A_254 : memref<80xi32, #tpu.memory_space<hbm>>) target(%arg19 : memref<80xi32, #tpu.memory_space<vmem>>) target_semaphore(%run_scoped3A : memref<!tpu.dma_semaphore, #tpu.memory_space<semaphore_mem>>)
          %dma_wait3A_255 = tpu.memref_slice %arg9[%mul3A_248] : memref<10000xi32, #tpu.memory_space<hbm>> -> memref<80xi32, #tpu.memory_space<hbm>>
          %dma_wait3A_256 = tpu.memref_slice %arg9[%mul3A_248] : memref<10000xi32, #tpu.memory_space<hbm>> -> memref<80xi32, #tpu.memory_space<hbm>>
          tpu.wait_dma2 semaphore(%run_scoped3A : memref<!tpu.dma_semaphore, #tpu.memory_space<semaphore_mem>>) src(%dma_wait3A_256 : memref<80xi32, #tpu.memory_space<hbm>>) dst(%arg19 : memref<80xi32, #tpu.memory_space<vmem>>)
          tpu.yield
        }) : () -> ()
        %dma_start3A = arith.constant 0 : i32
        %dma_start3A_249 = arith.constant 0 : i32
        %dma_start3A_250 = tpu.memref_slice %arg14[%dma_start3A, %dma_start3A_249] : memref<10000x128xf32, #tpu.memory_space<vmem_shared>> -> memref<10000x128xf32, #tpu.memory_space<vmem_shared>>
        tpu.enqueue_indirect_dma source(%dma_start3A_250 : memref<10000x128xf32, #tpu.memory_space<vmem_shared>>) target(%arg15 : memref<80x128xf32, #tpu.memory_space<vmem>>) offsets(%arg19 : memref<80xi32, #tpu.memory_space<vmem>>) semaphore(%arg20 : memref<!tpu.dma_semaphore, #tpu.memory_space<semaphore_mem>>)
        %dma_wait3A = arith.constant 0 : i32
        %dma_wait3A_251 = arith.constant 0 : i32
        %dma_wait3A_252 = tpu.memref_slice %arg14[%dma_wait3A, %dma_wait3A_251] : memref<10000x128xf32, #tpu.memory_space<vmem_shared>> -> memref<10000x128xf32, #tpu.memory_space<vmem_shared>>
        tpu.wait_indirect_dma semaphore(%arg20 : memref<!tpu.dma_semaphore, #tpu.memory_space<semaphore_mem>>) src(%dma_wait3A_252 : memref<10000x128xf32, #tpu.memory_space<vmem_shared>>) dst(%arg15 : memref<80x128xf32, #tpu.memory_space<vmem>>)
        "tpu.region"() ({
          %run_scoped3A = tpu.sem_alloc : memref<!tpu.dma_semaphore, #tpu.memory_space<semaphore_mem>>
          %dma_start3A_253 = arith.constant 0 : i32
          %dma_start3A_254 = tpu.memref_slice %arg12[%mul3A_248, %dma_start3A_253] : memref<10000x128xf32, #tpu.memory_space<hbm>> -> memref<80x128xf32, #tpu.memory_space<hbm>>
          %dma_start3A_255 = arith.constant 0 : i32
          %dma_start3A_256 = tpu.memref_slice %arg12[%mul3A_248, %dma_start3A_255] : memref<10000x128xf32, #tpu.memory_space<hbm>> -> memref<80x128xf32, #tpu.memory_space<hbm>>
          tpu.enqueue_dma source(%arg15 : memref<80x128xf32, #tpu.memory_space<vmem>>) target(%dma_start3A_256 : memref<80x128xf32, #tpu.memory_space<hbm>>) target_semaphore(%run_scoped3A : memref<!tpu.dma_semaphore, #tpu.memory_space<semaphore_mem>>)
          %dma_wait3A_257 = arith.constant 0 : i32
          %dma_wait3A_258 = tpu.memref_slice %arg12[%mul3A_248, %dma_wait3A_257] : memref<10000x128xf32, #tpu.memory_space<hbm>> -> memref<80x128xf32, #tpu.memory_space<hbm>>
          %dma_wait3A_259 = arith.constant 0 : i32
          %dma_wait3A_260 = tpu.memref_slice %arg12[%mul3A_248, %dma_wait3A_259] : memref<10000x128xf32, #tpu.memory_space<hbm>> -> memref<80x128xf32, #tpu.memory_space<hbm>>
          tpu.wait_dma2 semaphore(%run_scoped3A : memref<!tpu.dma_semaphore, #tpu.memory_space<semaphore_mem>>) src(%arg15 : memref<80x128xf32, #tpu.memory_space<vmem>>) dst(%dma_wait3A_260 : memref<80x128xf32, #tpu.memory_space<hbm>>)
          tpu.yield
        }) : () -> ()
      } else {
      }
      %add3A_97 = arith.constant 64 : i32
      %add3A_98 = arith.addi %arg1, %add3A_97 : i32
      %lt3A_99 = arith.constant 125 : i32
      %lt3A_100 = arith.cmpi slt, %add3A_98, %lt3A_99 : i32
      %convert_element_type3A_101 = arith.extui %lt3A_100 : i1 to i32
      %cond3A_102 = arith.constant 0 : i32
      %cond3A_103 = arith.cmpi ne, %convert_element_type3A_101, %cond3A_102 : i32
      scf.if %cond3A_103 {
        %mul3A_247 = arith.constant 80 : i32
        %mul3A_248 = arith.muli %add3A_98, %mul3A_247 : i32
        "tpu.region"() ({
          %run_scoped3A = tpu.sem_alloc : memref<!tpu.dma_semaphore, #tpu.memory_space<semaphore_mem>>
          %dma_start3A_253 = tpu.memref_slice %arg9[%mul3A_248] : memref<10000xi32, #tpu.memory_space<hbm>> -> memref<80xi32, #tpu.memory_space<hbm>>
          %dma_start3A_254 = tpu.memref_slice %arg9[%mul3A_248] : memref<10000xi32, #tpu.memory_space<hbm>> -> memref<80xi32, #tpu.memory_space<hbm>>
          tpu.enqueue_dma source(%dma_start3A_254 : memref<80xi32, #tpu.memory_space<hbm>>) target(%arg19 : memref<80xi32, #tpu.memory_space<vmem>>) target_semaphore(%run_scoped3A : memref<!tpu.dma_semaphore, #tpu.memory_space<semaphore_mem>>)
          %dma_wait3A_255 = tpu.memref_slice %arg9[%mul3A_248] : memref<10000xi32, #tpu.memory_space<hbm>> -> memref<80xi32, #tpu.memory_space<hbm>>
          %dma_wait3A_256 = tpu.memref_slice %arg9[%mul3A_248] : memref<10000xi32, #tpu.memory_space<hbm>> -> memref<80xi32, #tpu.memory_space<hbm>>
          tpu.wait_dma2 semaphore(%run_scoped3A : memref<!tpu.dma_semaphore, #tpu.memory_space<semaphore_mem>>) src(%dma_wait3A_256 : memref<80xi32, #tpu.memory_space<hbm>>) dst(%arg19 : memref<80xi32, #tpu.memory_space<vmem>>)
          tpu.yield
        }) : () -> ()
        %dma_start3A = arith.constant 0 : i32
        %dma_start3A_249 = arith.constant 0 : i32
        %dma_start3A_250 = tpu.memref_slice %arg14[%dma_start3A, %dma_start3A_249] : memref<10000x128xf32, #tpu.memory_space<vmem_shared>> -> memref<10000x128xf32, #tpu.memory_space<vmem_shared>>
        tpu.enqueue_indirect_dma source(%dma_start3A_250 : memref<10000x128xf32, #tpu.memory_space<vmem_shared>>) target(%arg15 : memref<80x128xf32, #tpu.memory_space<vmem>>) offsets(%arg19 : memref<80xi32, #tpu.memory_space<vmem>>) semaphore(%arg20 : memref<!tpu.dma_semaphore, #tpu.memory_space<semaphore_mem>>)
        %dma_wait3A = arith.constant 0 : i32
        %dma_wait3A_251 = arith.constant 0 : i32
        %dma_wait3A_252 = tpu.memref_slice %arg14[%dma_wait3A, %dma_wait3A_251] : memref<10000x128xf32, #tpu.memory_space<vmem_shared>> -> memref<10000x128xf32, #tpu.memory_space<vmem_shared>>
        tpu.wait_indirect_dma semaphore(%arg20 : memref<!tpu.dma_semaphore, #tpu.memory_space<semaphore_mem>>) src(%dma_wait3A_252 : memref<10000x128xf32, #tpu.memory_space<vmem_shared>>) dst(%arg15 : memref<80x128xf32, #tpu.memory_space<vmem>>)
        "tpu.region"() ({
          %run_scoped3A = tpu.sem_alloc : memref<!tpu.dma_semaphore, #tpu.memory_space<semaphore_mem>>
          %dma_start3A_253 = arith.constant 0 : i32
          %dma_start3A_254 = tpu.memref_slice %arg12[%mul3A_248, %dma_start3A_253] : memref<10000x128xf32, #tpu.memory_space<hbm>> -> memref<80x128xf32, #tpu.memory_space<hbm>>
          %dma_start3A_255 = arith.constant 0 : i32
          %dma_start3A_256 = tpu.memref_slice %arg12[%mul3A_248, %dma_start3A_255] : memref<10000x128xf32, #tpu.memory_space<hbm>> -> memref<80x128xf32, #tpu.memory_space<hbm>>
          tpu.enqueue_dma source(%arg15 : memref<80x128xf32, #tpu.memory_space<vmem>>) target(%dma_start3A_256 : memref<80x128xf32, #tpu.memory_space<hbm>>) target_semaphore(%run_scoped3A : memref<!tpu.dma_semaphore, #tpu.memory_space<semaphore_mem>>)
          %dma_wait3A_257 = arith.constant 0 : i32
          %dma_wait3A_258 = tpu.memref_slice %arg12[%mul3A_248, %dma_wait3A_257] : memref<10000x128xf32, #tpu.memory_space<hbm>> -> memref<80x128xf32, #tpu.memory_space<hbm>>
          %dma_wait3A_259 = arith.constant 0 : i32
          %dma_wait3A_260 = tpu.memref_slice %arg12[%mul3A_248, %dma_wait3A_259] : memref<10000x128xf32, #tpu.memory_space<hbm>> -> memref<80x128xf32, #tpu.memory_space<hbm>>
          tpu.wait_dma2 semaphore(%run_scoped3A : memref<!tpu.dma_semaphore, #tpu.memory_space<semaphore_mem>>) src(%arg15 : memref<80x128xf32, #tpu.memory_space<vmem>>) dst(%dma_wait3A_260 : memref<80x128xf32, #tpu.memory_space<hbm>>)
          tpu.yield
        }) : () -> ()
      } else {
      }
      %add3A_104 = arith.constant 80 : i32
      %add3A_105 = arith.addi %arg1, %add3A_104 : i32
      %lt3A_106 = arith.constant 125 : i32
      %lt3A_107 = arith.cmpi slt, %add3A_105, %lt3A_106 : i32
      %convert_element_type3A_108 = arith.extui %lt3A_107 : i1 to i32
      %cond3A_109 = arith.constant 0 : i32
      %cond3A_110 = arith.cmpi ne, %convert_element_type3A_108, %cond3A_109 : i32
      scf.if %cond3A_110 {
        %mul3A_247 = arith.constant 80 : i32
        %mul3A_248 = arith.muli %add3A_105, %mul3A_247 : i32
        "tpu.region"() ({
          %run_scoped3A = tpu.sem_alloc : memref<!tpu.dma_semaphore, #tpu.memory_space<semaphore_mem>>
          %dma_start3A_253 = tpu.memref_slice %arg9[%mul3A_248] : memref<10000xi32, #tpu.memory_space<hbm>> -> memref<80xi32, #tpu.memory_space<hbm>>
          %dma_start3A_254 = tpu.memref_slice %arg9[%mul3A_248] : memref<10000xi32, #tpu.memory_space<hbm>> -> memref<80xi32, #tpu.memory_space<hbm>>
          tpu.enqueue_dma source(%dma_start3A_254 : memref<80xi32, #tpu.memory_space<hbm>>) target(%arg19 : memref<80xi32, #tpu.memory_space<vmem>>) target_semaphore(%run_scoped3A : memref<!tpu.dma_semaphore, #tpu.memory_space<semaphore_mem>>)
          %dma_wait3A_255 = tpu.memref_slice %arg9[%mul3A_248] : memref<10000xi32, #tpu.memory_space<hbm>> -> memref<80xi32, #tpu.memory_space<hbm>>
          %dma_wait3A_256 = tpu.memref_slice %arg9[%mul3A_248] : memref<10000xi32, #tpu.memory_space<hbm>> -> memref<80xi32, #tpu.memory_space<hbm>>
          tpu.wait_dma2 semaphore(%run_scoped3A : memref<!tpu.dma_semaphore, #tpu.memory_space<semaphore_mem>>) src(%dma_wait3A_256 : memref<80xi32, #tpu.memory_space<hbm>>) dst(%arg19 : memref<80xi32, #tpu.memory_space<vmem>>)
          tpu.yield
        }) : () -> ()
        %dma_start3A = arith.constant 0 : i32
        %dma_start3A_249 = arith.constant 0 : i32
        %dma_start3A_250 = tpu.memref_slice %arg14[%dma_start3A, %dma_start3A_249] : memref<10000x128xf32, #tpu.memory_space<vmem_shared>> -> memref<10000x128xf32, #tpu.memory_space<vmem_shared>>
        tpu.enqueue_indirect_dma source(%dma_start3A_250 : memref<10000x128xf32, #tpu.memory_space<vmem_shared>>) target(%arg15 : memref<80x128xf32, #tpu.memory_space<vmem>>) offsets(%arg19 : memref<80xi32, #tpu.memory_space<vmem>>) semaphore(%arg20 : memref<!tpu.dma_semaphore, #tpu.memory_space<semaphore_mem>>)
        %dma_wait3A = arith.constant 0 : i32
        %dma_wait3A_251 = arith.constant 0 : i32
        %dma_wait3A_252 = tpu.memref_slice %arg14[%dma_wait3A, %dma_wait3A_251] : memref<10000x128xf32, #tpu.memory_space<vmem_shared>> -> memref<10000x128xf32, #tpu.memory_space<vmem_shared>>
        tpu.wait_indirect_dma semaphore(%arg20 : memref<!tpu.dma_semaphore, #tpu.memory_space<semaphore_mem>>) src(%dma_wait3A_252 : memref<10000x128xf32, #tpu.memory_space<vmem_shared>>) dst(%arg15 : memref<80x128xf32, #tpu.memory_space<vmem>>)
        "tpu.region"() ({
          %run_scoped3A = tpu.sem_alloc : memref<!tpu.dma_semaphore, #tpu.memory_space<semaphore_mem>>
          %dma_start3A_253 = arith.constant 0 : i32
          %dma_start3A_254 = tpu.memref_slice %arg12[%mul3A_248, %dma_start3A_253] : memref<10000x128xf32, #tpu.memory_space<hbm>> -> memref<80x128xf32, #tpu.memory_space<hbm>>
          %dma_start3A_255 = arith.constant 0 : i32
          %dma_start3A_256 = tpu.memref_slice %arg12[%mul3A_248, %dma_start3A_255] : memref<10000x128xf32, #tpu.memory_space<hbm>> -> memref<80x128xf32, #tpu.memory_space<hbm>>
          tpu.enqueue_dma source(%arg15 : memref<80x128xf32, #tpu.memory_space<vmem>>) target(%dma_start3A_256 : memref<80x128xf32, #tpu.memory_space<hbm>>) target_semaphore(%run_scoped3A : memref<!tpu.dma_semaphore, #tpu.memory_space<semaphore_mem>>)
          %dma_wait3A_257 = arith.constant 0 : i32
          %dma_wait3A_258 = tpu.memref_slice %arg12[%mul3A_248, %dma_wait3A_257] : memref<10000x128xf32, #tpu.memory_space<hbm>> -> memref<80x128xf32, #tpu.memory_space<hbm>>
          %dma_wait3A_259 = arith.constant 0 : i32
          %dma_wait3A_260 = tpu.memref_slice %arg12[%mul3A_248, %dma_wait3A_259] : memref<10000x128xf32, #tpu.memory_space<hbm>> -> memref<80x128xf32, #tpu.memory_space<hbm>>
          tpu.wait_dma2 semaphore(%run_scoped3A : memref<!tpu.dma_semaphore, #tpu.memory_space<semaphore_mem>>) src(%arg15 : memref<80x128xf32, #tpu.memory_space<vmem>>) dst(%dma_wait3A_260 : memref<80x128xf32, #tpu.memory_space<hbm>>)
          tpu.yield
        }) : () -> ()
      } else {
      }
      %add3A_111 = arith.constant 96 : i32
      %add3A_112 = arith.addi %arg1, %add3A_111 : i32
      %lt3A_113 = arith.constant 125 : i32
      %lt3A_114 = arith.cmpi slt, %add3A_112, %lt3A_113 : i32
      %convert_element_type3A_115 = arith.extui %lt3A_114 : i1 to i32
      %cond3A_116 = arith.constant 0 : i32
      %cond3A_117 = arith.cmpi ne, %convert_element_type3A_115, %cond3A_116 : i32
      scf.if %cond3A_117 {
        %mul3A_247 = arith.constant 80 : i32
        %mul3A_248 = arith.muli %add3A_112, %mul3A_247 : i32
        "tpu.region"() ({
          %run_scoped3A = tpu.sem_alloc : memref<!tpu.dma_semaphore, #tpu.memory_space<semaphore_mem>>
          %dma_start3A_253 = tpu.memref_slice %arg9[%mul3A_248] : memref<10000xi32, #tpu.memory_space<hbm>> -> memref<80xi32, #tpu.memory_space<hbm>>
          %dma_start3A_254 = tpu.memref_slice %arg9[%mul3A_248] : memref<10000xi32, #tpu.memory_space<hbm>> -> memref<80xi32, #tpu.memory_space<hbm>>
          tpu.enqueue_dma source(%dma_start3A_254 : memref<80xi32, #tpu.memory_space<hbm>>) target(%arg19 : memref<80xi32, #tpu.memory_space<vmem>>) target_semaphore(%run_scoped3A : memref<!tpu.dma_semaphore, #tpu.memory_space<semaphore_mem>>)
          %dma_wait3A_255 = tpu.memref_slice %arg9[%mul3A_248] : memref<10000xi32, #tpu.memory_space<hbm>> -> memref<80xi32, #tpu.memory_space<hbm>>
          %dma_wait3A_256 = tpu.memref_slice %arg9[%mul3A_248] : memref<10000xi32, #tpu.memory_space<hbm>> -> memref<80xi32, #tpu.memory_space<hbm>>
          tpu.wait_dma2 semaphore(%run_scoped3A : memref<!tpu.dma_semaphore, #tpu.memory_space<semaphore_mem>>) src(%dma_wait3A_256 : memref<80xi32, #tpu.memory_space<hbm>>) dst(%arg19 : memref<80xi32, #tpu.memory_space<vmem>>)
          tpu.yield
        }) : () -> ()
        %dma_start3A = arith.constant 0 : i32
        %dma_start3A_249 = arith.constant 0 : i32
        %dma_start3A_250 = tpu.memref_slice %arg14[%dma_start3A, %dma_start3A_249] : memref<10000x128xf32, #tpu.memory_space<vmem_shared>> -> memref<10000x128xf32, #tpu.memory_space<vmem_shared>>
        tpu.enqueue_indirect_dma source(%dma_start3A_250 : memref<10000x128xf32, #tpu.memory_space<vmem_shared>>) target(%arg15 : memref<80x128xf32, #tpu.memory_space<vmem>>) offsets(%arg19 : memref<80xi32, #tpu.memory_space<vmem>>) semaphore(%arg20 : memref<!tpu.dma_semaphore, #tpu.memory_space<semaphore_mem>>)
        %dma_wait3A = arith.constant 0 : i32
        %dma_wait3A_251 = arith.constant 0 : i32
        %dma_wait3A_252 = tpu.memref_slice %arg14[%dma_wait3A, %dma_wait3A_251] : memref<10000x128xf32, #tpu.memory_space<vmem_shared>> -> memref<10000x128xf32, #tpu.memory_space<vmem_shared>>
        tpu.wait_indirect_dma semaphore(%arg20 : memref<!tpu.dma_semaphore, #tpu.memory_space<semaphore_mem>>) src(%dma_wait3A_252 : memref<10000x128xf32, #tpu.memory_space<vmem_shared>>) dst(%arg15 : memref<80x128xf32, #tpu.memory_space<vmem>>)
        "tpu.region"() ({
          %run_scoped3A = tpu.sem_alloc : memref<!tpu.dma_semaphore, #tpu.memory_space<semaphore_mem>>
          %dma_start3A_253 = arith.constant 0 : i32
          %dma_start3A_254 = tpu.memref_slice %arg12[%mul3A_248, %dma_start3A_253] : memref<10000x128xf32, #tpu.memory_space<hbm>> -> memref<80x128xf32, #tpu.memory_space<hbm>>
          %dma_start3A_255 = arith.constant 0 : i32
          %dma_start3A_256 = tpu.memref_slice %arg12[%mul3A_248, %dma_start3A_255] : memref<10000x128xf32, #tpu.memory_space<hbm>> -> memref<80x128xf32, #tpu.memory_space<hbm>>
          tpu.enqueue_dma source(%arg15 : memref<80x128xf32, #tpu.memory_space<vmem>>) target(%dma_start3A_256 : memref<80x128xf32, #tpu.memory_space<hbm>>) target_semaphore(%run_scoped3A : memref<!tpu.dma_semaphore, #tpu.memory_space<semaphore_mem>>)
          %dma_wait3A_257 = arith.constant 0 : i32
          %dma_wait3A_258 = tpu.memref_slice %arg12[%mul3A_248, %dma_wait3A_257] : memref<10000x128xf32, #tpu.memory_space<hbm>> -> memref<80x128xf32, #tpu.memory_space<hbm>>
          %dma_wait3A_259 = arith.constant 0 : i32
          %dma_wait3A_260 = tpu.memref_slice %arg12[%mul3A_248, %dma_wait3A_259] : memref<10000x128xf32, #tpu.memory_space<hbm>> -> memref<80x128xf32, #tpu.memory_space<hbm>>
          tpu.wait_dma2 semaphore(%run_scoped3A : memref<!tpu.dma_semaphore, #tpu.memory_space<semaphore_mem>>) src(%arg15 : memref<80x128xf32, #tpu.memory_space<vmem>>) dst(%dma_wait3A_260 : memref<80x128xf32, #tpu.memory_space<hbm>>)
          tpu.yield
        }) : () -> ()
      } else {
      }
      %add3A_118 = arith.constant 112 : i32
      %add3A_119 = arith.addi %arg1, %add3A_118 : i32
      %lt3A_120 = arith.constant 125 : i32
      %lt3A_121 = arith.cmpi slt, %add3A_119, %lt3A_120 : i32
      %convert_element_type3A_122 = arith.extui %lt3A_121 : i1 to i32
      %cond3A_123 = arith.constant 0 : i32
      %cond3A_124 = arith.cmpi ne, %convert_element_type3A_122, %cond3A_123 : i32
      scf.if %cond3A_124 {
        %mul3A_247 = arith.constant 80 : i32
        %mul3A_248 = arith.muli %add3A_119, %mul3A_247 : i32
        "tpu.region"() ({
          %run_scoped3A = tpu.sem_alloc : memref<!tpu.dma_semaphore, #tpu.memory_space<semaphore_mem>>
          %dma_start3A_253 = tpu.memref_slice %arg9[%mul3A_248] : memref<10000xi32, #tpu.memory_space<hbm>> -> memref<80xi32, #tpu.memory_space<hbm>>
          %dma_start3A_254 = tpu.memref_slice %arg9[%mul3A_248] : memref<10000xi32, #tpu.memory_space<hbm>> -> memref<80xi32, #tpu.memory_space<hbm>>
          tpu.enqueue_dma source(%dma_start3A_254 : memref<80xi32, #tpu.memory_space<hbm>>) target(%arg19 : memref<80xi32, #tpu.memory_space<vmem>>) target_semaphore(%run_scoped3A : memref<!tpu.dma_semaphore, #tpu.memory_space<semaphore_mem>>)
          %dma_wait3A_255 = tpu.memref_slice %arg9[%mul3A_248] : memref<10000xi32, #tpu.memory_space<hbm>> -> memref<80xi32, #tpu.memory_space<hbm>>
          %dma_wait3A_256 = tpu.memref_slice %arg9[%mul3A_248] : memref<10000xi32, #tpu.memory_space<hbm>> -> memref<80xi32, #tpu.memory_space<hbm>>
          tpu.wait_dma2 semaphore(%run_scoped3A : memref<!tpu.dma_semaphore, #tpu.memory_space<semaphore_mem>>) src(%dma_wait3A_256 : memref<80xi32, #tpu.memory_space<hbm>>) dst(%arg19 : memref<80xi32, #tpu.memory_space<vmem>>)
          tpu.yield
        }) : () -> ()
        %dma_start3A = arith.constant 0 : i32
        %dma_start3A_249 = arith.constant 0 : i32
        %dma_start3A_250 = tpu.memref_slice %arg14[%dma_start3A, %dma_start3A_249] : memref<10000x128xf32, #tpu.memory_space<vmem_shared>> -> memref<10000x128xf32, #tpu.memory_space<vmem_shared>>
        tpu.enqueue_indirect_dma source(%dma_start3A_250 : memref<10000x128xf32, #tpu.memory_space<vmem_shared>>) target(%arg15 : memref<80x128xf32, #tpu.memory_space<vmem>>) offsets(%arg19 : memref<80xi32, #tpu.memory_space<vmem>>) semaphore(%arg20 : memref<!tpu.dma_semaphore, #tpu.memory_space<semaphore_mem>>)
        %dma_wait3A = arith.constant 0 : i32
        %dma_wait3A_251 = arith.constant 0 : i32
        %dma_wait3A_252 = tpu.memref_slice %arg14[%dma_wait3A, %dma_wait3A_251] : memref<10000x128xf32, #tpu.memory_space<vmem_shared>> -> memref<10000x128xf32, #tpu.memory_space<vmem_shared>>
        tpu.wait_indirect_dma semaphore(%arg20 : memref<!tpu.dma_semaphore, #tpu.memory_space<semaphore_mem>>) src(%dma_wait3A_252 : memref<10000x128xf32, #tpu.memory_space<vmem_shared>>) dst(%arg15 : memref<80x128xf32, #tpu.memory_space<vmem>>)
        "tpu.region"() ({
          %run_scoped3A = tpu.sem_alloc : memref<!tpu.dma_semaphore, #tpu.memory_space<semaphore_mem>>
          %dma_start3A_253 = arith.constant 0 : i32
          %dma_start3A_254 = tpu.memref_slice %arg12[%mul3A_248, %dma_start3A_253] : memref<10000x128xf32, #tpu.memory_space<hbm>> -> memref<80x128xf32, #tpu.memory_space<hbm>>
          %dma_start3A_255 = arith.constant 0 : i32
          %dma_start3A_256 = tpu.memref_slice %arg12[%mul3A_248, %dma_start3A_255] : memref<10000x128xf32, #tpu.memory_space<hbm>> -> memref<80x128xf32, #tpu.memory_space<hbm>>
          tpu.enqueue_dma source(%arg15 : memref<80x128xf32, #tpu.memory_space<vmem>>) target(%dma_start3A_256 : memref<80x128xf32, #tpu.memory_space<hbm>>) target_semaphore(%run_scoped3A : memref<!tpu.dma_semaphore, #tpu.memory_space<semaphore_mem>>)
          %dma_wait3A_257 = arith.constant 0 : i32
          %dma_wait3A_258 = tpu.memref_slice %arg12[%mul3A_248, %dma_wait3A_257] : memref<10000x128xf32, #tpu.memory_space<hbm>> -> memref<80x128xf32, #tpu.memory_space<hbm>>
          %dma_wait3A_259 = arith.constant 0 : i32
          %dma_wait3A_260 = tpu.memref_slice %arg12[%mul3A_248, %dma_wait3A_259] : memref<10000x128xf32, #tpu.memory_space<hbm>> -> memref<80x128xf32, #tpu.memory_space<hbm>>
          tpu.wait_dma2 semaphore(%run_scoped3A : memref<!tpu.dma_semaphore, #tpu.memory_space<semaphore_mem>>) src(%arg15 : memref<80x128xf32, #tpu.memory_space<vmem>>) dst(%dma_wait3A_260 : memref<80x128xf32, #tpu.memory_space<hbm>>)
          tpu.yield
        }) : () -> ()
      } else {
      }
      %barrier3A_125 = arith.constant 0 : index
      tpu.barrier barrier_id(%barrier3A_125)
      "tpu.region"() ({
        %run_scoped3A = tpu.sem_alloc : memref<!tpu.dma_semaphore, #tpu.memory_space<semaphore_mem>>
        %dma_start3A = arith.constant 0 : i32
        %dma_start3A_247 = arith.constant 0 : i32
        %dma_start3A_248 = tpu.memref_slice %arg7[%dma_start3A, %dma_start3A_247] : memref<10000x128xf32, #tpu.memory_space<hbm>> -> memref<80x128xf32, #tpu.memory_space<hbm>>
        %dma_start3A_249 = arith.constant 0 : i32
        %dma_start3A_250 = arith.constant 0 : i32
        %dma_start3A_251 = tpu.memref_slice %arg7[%dma_start3A_249, %dma_start3A_250] : memref<10000x128xf32, #tpu.memory_space<hbm>> -> memref<80x128xf32, #tpu.memory_space<hbm>>
        tpu.enqueue_dma source(%dma_start3A_251 : memref<80x128xf32, #tpu.memory_space<hbm>>) target(%arg15 : memref<80x128xf32, #tpu.memory_space<vmem>>) target_semaphore(%run_scoped3A : memref<!tpu.dma_semaphore, #tpu.memory_space<semaphore_mem>>)
        %dma_wait3A = arith.constant 0 : i32
        %dma_wait3A_252 = arith.constant 0 : i32
        %dma_wait3A_253 = tpu.memref_slice %arg7[%dma_wait3A, %dma_wait3A_252] : memref<10000x128xf32, #tpu.memory_space<hbm>> -> memref<80x128xf32, #tpu.memory_space<hbm>>
        %dma_wait3A_254 = arith.constant 0 : i32
        %dma_wait3A_255 = arith.constant 0 : i32
        %dma_wait3A_256 = tpu.memref_slice %arg7[%dma_wait3A_254, %dma_wait3A_255] : memref<10000x128xf32, #tpu.memory_space<hbm>> -> memref<80x128xf32, #tpu.memory_space<hbm>>
        tpu.wait_dma2 semaphore(%run_scoped3A : memref<!tpu.dma_semaphore, #tpu.memory_space<semaphore_mem>>) src(%dma_wait3A_256 : memref<80x128xf32, #tpu.memory_space<hbm>>) dst(%arg15 : memref<80x128xf32, #tpu.memory_space<vmem>>)
        tpu.yield
      }) : () -> ()
      %add3A_126 = arith.constant 0 : i32
      %add3A_127 = arith.addi %arg1, %add3A_126 : i32
      %lt3A_128 = arith.constant 125 : i32
      %lt3A_129 = arith.cmpi slt, %add3A_127, %lt3A_128 : i32
      %convert_element_type3A_130 = arith.extui %lt3A_129 : i1 to i32
      %cond3A_131 = arith.constant 0 : i32
      %cond3A_132 = arith.cmpi ne, %convert_element_type3A_130, %cond3A_131 : i32
      scf.if %cond3A_132 {
        %mul3A_247 = arith.constant 80 : i32
        %mul3A_248 = arith.muli %add3A_127, %mul3A_247 : i32
        "tpu.region"() ({
          %run_scoped3A = tpu.sem_alloc : memref<!tpu.dma_semaphore, #tpu.memory_space<semaphore_mem>>
          %dma_start3A_253 = tpu.memref_slice %arg9[%mul3A_248] : memref<10000xi32, #tpu.memory_space<hbm>> -> memref<80xi32, #tpu.memory_space<hbm>>
          %dma_start3A_254 = tpu.memref_slice %arg9[%mul3A_248] : memref<10000xi32, #tpu.memory_space<hbm>> -> memref<80xi32, #tpu.memory_space<hbm>>
          tpu.enqueue_dma source(%dma_start3A_254 : memref<80xi32, #tpu.memory_space<hbm>>) target(%arg19 : memref<80xi32, #tpu.memory_space<vmem>>) target_semaphore(%run_scoped3A : memref<!tpu.dma_semaphore, #tpu.memory_space<semaphore_mem>>)
          %dma_wait3A_255 = tpu.memref_slice %arg9[%mul3A_248] : memref<10000xi32, #tpu.memory_space<hbm>> -> memref<80xi32, #tpu.memory_space<hbm>>
          %dma_wait3A_256 = tpu.memref_slice %arg9[%mul3A_248] : memref<10000xi32, #tpu.memory_space<hbm>> -> memref<80xi32, #tpu.memory_space<hbm>>
          tpu.wait_dma2 semaphore(%run_scoped3A : memref<!tpu.dma_semaphore, #tpu.memory_space<semaphore_mem>>) src(%dma_wait3A_256 : memref<80xi32, #tpu.memory_space<hbm>>) dst(%arg19 : memref<80xi32, #tpu.memory_space<vmem>>)
          tpu.yield
        }) : () -> ()
        %dma_start3A = arith.constant 0 : i32
        %dma_start3A_249 = arith.constant 0 : i32
        %dma_start3A_250 = tpu.memref_slice %arg14[%dma_start3A, %dma_start3A_249] : memref<10000x128xf32, #tpu.memory_space<vmem_shared>> -> memref<10000x128xf32, #tpu.memory_space<vmem_shared>>
        tpu.enqueue_indirect_dma source(%arg15 : memref<80x128xf32, #tpu.memory_space<vmem>>) target(%dma_start3A_250 : memref<10000x128xf32, #tpu.memory_space<vmem_shared>>) offsets(%arg19 : memref<80xi32, #tpu.memory_space<vmem>>) semaphore(%arg20 : memref<!tpu.dma_semaphore, #tpu.memory_space<semaphore_mem>>)
        %dma_wait3A = arith.constant 0 : i32
        %dma_wait3A_251 = arith.constant 0 : i32
        %dma_wait3A_252 = tpu.memref_slice %arg14[%dma_wait3A, %dma_wait3A_251] : memref<10000x128xf32, #tpu.memory_space<vmem_shared>> -> memref<10000x128xf32, #tpu.memory_space<vmem_shared>>
        tpu.wait_indirect_dma semaphore(%arg20 : memref<!tpu.dma_semaphore, #tpu.memory_space<semaphore_mem>>) src(%arg15 : memref<80x128xf32, #tpu.memory_space<vmem>>) dst(%dma_wait3A_252 : memref<10000x128xf32, #tpu.memory_space<vmem_shared>>)
      } else {
      }
      %add3A_133 = arith.constant 16 : i32
      %add3A_134 = arith.addi %arg1, %add3A_133 : i32
      %lt3A_135 = arith.constant 125 : i32
      %lt3A_136 = arith.cmpi slt, %add3A_134, %lt3A_135 : i32
      %convert_element_type3A_137 = arith.extui %lt3A_136 : i1 to i32
      %cond3A_138 = arith.constant 0 : i32
      %cond3A_139 = arith.cmpi ne, %convert_element_type3A_137, %cond3A_138 : i32
      scf.if %cond3A_139 {
        %mul3A_247 = arith.constant 80 : i32
        %mul3A_248 = arith.muli %add3A_134, %mul3A_247 : i32
        "tpu.region"() ({
          %run_scoped3A = tpu.sem_alloc : memref<!tpu.dma_semaphore, #tpu.memory_space<semaphore_mem>>
          %dma_start3A_253 = tpu.memref_slice %arg9[%mul3A_248] : memref<10000xi32, #tpu.memory_space<hbm>> -> memref<80xi32, #tpu.memory_space<hbm>>
          %dma_start3A_254 = tpu.memref_slice %arg9[%mul3A_248] : memref<10000xi32, #tpu.memory_space<hbm>> -> memref<80xi32, #tpu.memory_space<hbm>>
          tpu.enqueue_dma source(%dma_start3A_254 : memref<80xi32, #tpu.memory_space<hbm>>) target(%arg19 : memref<80xi32, #tpu.memory_space<vmem>>) target_semaphore(%run_scoped3A : memref<!tpu.dma_semaphore, #tpu.memory_space<semaphore_mem>>)
          %dma_wait3A_255 = tpu.memref_slice %arg9[%mul3A_248] : memref<10000xi32, #tpu.memory_space<hbm>> -> memref<80xi32, #tpu.memory_space<hbm>>
          %dma_wait3A_256 = tpu.memref_slice %arg9[%mul3A_248] : memref<10000xi32, #tpu.memory_space<hbm>> -> memref<80xi32, #tpu.memory_space<hbm>>
          tpu.wait_dma2 semaphore(%run_scoped3A : memref<!tpu.dma_semaphore, #tpu.memory_space<semaphore_mem>>) src(%dma_wait3A_256 : memref<80xi32, #tpu.memory_space<hbm>>) dst(%arg19 : memref<80xi32, #tpu.memory_space<vmem>>)
          tpu.yield
        }) : () -> ()
        %dma_start3A = arith.constant 0 : i32
        %dma_start3A_249 = arith.constant 0 : i32
        %dma_start3A_250 = tpu.memref_slice %arg14[%dma_start3A, %dma_start3A_249] : memref<10000x128xf32, #tpu.memory_space<vmem_shared>> -> memref<10000x128xf32, #tpu.memory_space<vmem_shared>>
        tpu.enqueue_indirect_dma source(%arg15 : memref<80x128xf32, #tpu.memory_space<vmem>>) target(%dma_start3A_250 : memref<10000x128xf32, #tpu.memory_space<vmem_shared>>) offsets(%arg19 : memref<80xi32, #tpu.memory_space<vmem>>) semaphore(%arg20 : memref<!tpu.dma_semaphore, #tpu.memory_space<semaphore_mem>>)
        %dma_wait3A = arith.constant 0 : i32
        %dma_wait3A_251 = arith.constant 0 : i32
        %dma_wait3A_252 = tpu.memref_slice %arg14[%dma_wait3A, %dma_wait3A_251] : memref<10000x128xf32, #tpu.memory_space<vmem_shared>> -> memref<10000x128xf32, #tpu.memory_space<vmem_shared>>
        tpu.wait_indirect_dma semaphore(%arg20 : memref<!tpu.dma_semaphore, #tpu.memory_space<semaphore_mem>>) src(%arg15 : memref<80x128xf32, #tpu.memory_space<vmem>>) dst(%dma_wait3A_252 : memref<10000x128xf32, #tpu.memory_space<vmem_shared>>)
      } else {
      }
      %add3A_140 = arith.constant 32 : i32
      %add3A_141 = arith.addi %arg1, %add3A_140 : i32
      %lt3A_142 = arith.constant 125 : i32
      %lt3A_143 = arith.cmpi slt, %add3A_141, %lt3A_142 : i32
      %convert_element_type3A_144 = arith.extui %lt3A_143 : i1 to i32
      %cond3A_145 = arith.constant 0 : i32
      %cond3A_146 = arith.cmpi ne, %convert_element_type3A_144, %cond3A_145 : i32
      scf.if %cond3A_146 {
        %mul3A_247 = arith.constant 80 : i32
        %mul3A_248 = arith.muli %add3A_141, %mul3A_247 : i32
        "tpu.region"() ({
          %run_scoped3A = tpu.sem_alloc : memref<!tpu.dma_semaphore, #tpu.memory_space<semaphore_mem>>
          %dma_start3A_253 = tpu.memref_slice %arg9[%mul3A_248] : memref<10000xi32, #tpu.memory_space<hbm>> -> memref<80xi32, #tpu.memory_space<hbm>>
          %dma_start3A_254 = tpu.memref_slice %arg9[%mul3A_248] : memref<10000xi32, #tpu.memory_space<hbm>> -> memref<80xi32, #tpu.memory_space<hbm>>
          tpu.enqueue_dma source(%dma_start3A_254 : memref<80xi32, #tpu.memory_space<hbm>>) target(%arg19 : memref<80xi32, #tpu.memory_space<vmem>>) target_semaphore(%run_scoped3A : memref<!tpu.dma_semaphore, #tpu.memory_space<semaphore_mem>>)
          %dma_wait3A_255 = tpu.memref_slice %arg9[%mul3A_248] : memref<10000xi32, #tpu.memory_space<hbm>> -> memref<80xi32, #tpu.memory_space<hbm>>
          %dma_wait3A_256 = tpu.memref_slice %arg9[%mul3A_248] : memref<10000xi32, #tpu.memory_space<hbm>> -> memref<80xi32, #tpu.memory_space<hbm>>
          tpu.wait_dma2 semaphore(%run_scoped3A : memref<!tpu.dma_semaphore, #tpu.memory_space<semaphore_mem>>) src(%dma_wait3A_256 : memref<80xi32, #tpu.memory_space<hbm>>) dst(%arg19 : memref<80xi32, #tpu.memory_space<vmem>>)
          tpu.yield
        }) : () -> ()
        %dma_start3A = arith.constant 0 : i32
        %dma_start3A_249 = arith.constant 0 : i32
        %dma_start3A_250 = tpu.memref_slice %arg14[%dma_start3A, %dma_start3A_249] : memref<10000x128xf32, #tpu.memory_space<vmem_shared>> -> memref<10000x128xf32, #tpu.memory_space<vmem_shared>>
        tpu.enqueue_indirect_dma source(%arg15 : memref<80x128xf32, #tpu.memory_space<vmem>>) target(%dma_start3A_250 : memref<10000x128xf32, #tpu.memory_space<vmem_shared>>) offsets(%arg19 : memref<80xi32, #tpu.memory_space<vmem>>) semaphore(%arg20 : memref<!tpu.dma_semaphore, #tpu.memory_space<semaphore_mem>>)
        %dma_wait3A = arith.constant 0 : i32
        %dma_wait3A_251 = arith.constant 0 : i32
        %dma_wait3A_252 = tpu.memref_slice %arg14[%dma_wait3A, %dma_wait3A_251] : memref<10000x128xf32, #tpu.memory_space<vmem_shared>> -> memref<10000x128xf32, #tpu.memory_space<vmem_shared>>
        tpu.wait_indirect_dma semaphore(%arg20 : memref<!tpu.dma_semaphore, #tpu.memory_space<semaphore_mem>>) src(%arg15 : memref<80x128xf32, #tpu.memory_space<vmem>>) dst(%dma_wait3A_252 : memref<10000x128xf32, #tpu.memory_space<vmem_shared>>)
      } else {
      }
      %add3A_147 = arith.constant 48 : i32
      %add3A_148 = arith.addi %arg1, %add3A_147 : i32
      %lt3A_149 = arith.constant 125 : i32
      %lt3A_150 = arith.cmpi slt, %add3A_148, %lt3A_149 : i32
      %convert_element_type3A_151 = arith.extui %lt3A_150 : i1 to i32
      %cond3A_152 = arith.constant 0 : i32
      %cond3A_153 = arith.cmpi ne, %convert_element_type3A_151, %cond3A_152 : i32
      scf.if %cond3A_153 {
        %mul3A_247 = arith.constant 80 : i32
        %mul3A_248 = arith.muli %add3A_148, %mul3A_247 : i32
        "tpu.region"() ({
          %run_scoped3A = tpu.sem_alloc : memref<!tpu.dma_semaphore, #tpu.memory_space<semaphore_mem>>
          %dma_start3A_253 = tpu.memref_slice %arg9[%mul3A_248] : memref<10000xi32, #tpu.memory_space<hbm>> -> memref<80xi32, #tpu.memory_space<hbm>>
          %dma_start3A_254 = tpu.memref_slice %arg9[%mul3A_248] : memref<10000xi32, #tpu.memory_space<hbm>> -> memref<80xi32, #tpu.memory_space<hbm>>
          tpu.enqueue_dma source(%dma_start3A_254 : memref<80xi32, #tpu.memory_space<hbm>>) target(%arg19 : memref<80xi32, #tpu.memory_space<vmem>>) target_semaphore(%run_scoped3A : memref<!tpu.dma_semaphore, #tpu.memory_space<semaphore_mem>>)
          %dma_wait3A_255 = tpu.memref_slice %arg9[%mul3A_248] : memref<10000xi32, #tpu.memory_space<hbm>> -> memref<80xi32, #tpu.memory_space<hbm>>
          %dma_wait3A_256 = tpu.memref_slice %arg9[%mul3A_248] : memref<10000xi32, #tpu.memory_space<hbm>> -> memref<80xi32, #tpu.memory_space<hbm>>
          tpu.wait_dma2 semaphore(%run_scoped3A : memref<!tpu.dma_semaphore, #tpu.memory_space<semaphore_mem>>) src(%dma_wait3A_256 : memref<80xi32, #tpu.memory_space<hbm>>) dst(%arg19 : memref<80xi32, #tpu.memory_space<vmem>>)
          tpu.yield
        }) : () -> ()
        %dma_start3A = arith.constant 0 : i32
        %dma_start3A_249 = arith.constant 0 : i32
        %dma_start3A_250 = tpu.memref_slice %arg14[%dma_start3A, %dma_start3A_249] : memref<10000x128xf32, #tpu.memory_space<vmem_shared>> -> memref<10000x128xf32, #tpu.memory_space<vmem_shared>>
        tpu.enqueue_indirect_dma source(%arg15 : memref<80x128xf32, #tpu.memory_space<vmem>>) target(%dma_start3A_250 : memref<10000x128xf32, #tpu.memory_space<vmem_shared>>) offsets(%arg19 : memref<80xi32, #tpu.memory_space<vmem>>) semaphore(%arg20 : memref<!tpu.dma_semaphore, #tpu.memory_space<semaphore_mem>>)
        %dma_wait3A = arith.constant 0 : i32
        %dma_wait3A_251 = arith.constant 0 : i32
        %dma_wait3A_252 = tpu.memref_slice %arg14[%dma_wait3A, %dma_wait3A_251] : memref<10000x128xf32, #tpu.memory_space<vmem_shared>> -> memref<10000x128xf32, #tpu.memory_space<vmem_shared>>
        tpu.wait_indirect_dma semaphore(%arg20 : memref<!tpu.dma_semaphore, #tpu.memory_space<semaphore_mem>>) src(%arg15 : memref<80x128xf32, #tpu.memory_space<vmem>>) dst(%dma_wait3A_252 : memref<10000x128xf32, #tpu.memory_space<vmem_shared>>)
      } else {
      }
      %add3A_154 = arith.constant 64 : i32
      %add3A_155 = arith.addi %arg1, %add3A_154 : i32
      %lt3A_156 = arith.constant 125 : i32
      %lt3A_157 = arith.cmpi slt, %add3A_155, %lt3A_156 : i32
      %convert_element_type3A_158 = arith.extui %lt3A_157 : i1 to i32
      %cond3A_159 = arith.constant 0 : i32
      %cond3A_160 = arith.cmpi ne, %convert_element_type3A_158, %cond3A_159 : i32
      scf.if %cond3A_160 {
        %mul3A_247 = arith.constant 80 : i32
        %mul3A_248 = arith.muli %add3A_155, %mul3A_247 : i32
        "tpu.region"() ({
          %run_scoped3A = tpu.sem_alloc : memref<!tpu.dma_semaphore, #tpu.memory_space<semaphore_mem>>
          %dma_start3A_253 = tpu.memref_slice %arg9[%mul3A_248] : memref<10000xi32, #tpu.memory_space<hbm>> -> memref<80xi32, #tpu.memory_space<hbm>>
          %dma_start3A_254 = tpu.memref_slice %arg9[%mul3A_248] : memref<10000xi32, #tpu.memory_space<hbm>> -> memref<80xi32, #tpu.memory_space<hbm>>
          tpu.enqueue_dma source(%dma_start3A_254 : memref<80xi32, #tpu.memory_space<hbm>>) target(%arg19 : memref<80xi32, #tpu.memory_space<vmem>>) target_semaphore(%run_scoped3A : memref<!tpu.dma_semaphore, #tpu.memory_space<semaphore_mem>>)
          %dma_wait3A_255 = tpu.memref_slice %arg9[%mul3A_248] : memref<10000xi32, #tpu.memory_space<hbm>> -> memref<80xi32, #tpu.memory_space<hbm>>
          %dma_wait3A_256 = tpu.memref_slice %arg9[%mul3A_248] : memref<10000xi32, #tpu.memory_space<hbm>> -> memref<80xi32, #tpu.memory_space<hbm>>
          tpu.wait_dma2 semaphore(%run_scoped3A : memref<!tpu.dma_semaphore, #tpu.memory_space<semaphore_mem>>) src(%dma_wait3A_256 : memref<80xi32, #tpu.memory_space<hbm>>) dst(%arg19 : memref<80xi32, #tpu.memory_space<vmem>>)
          tpu.yield
        }) : () -> ()
        %dma_start3A = arith.constant 0 : i32
        %dma_start3A_249 = arith.constant 0 : i32
        %dma_start3A_250 = tpu.memref_slice %arg14[%dma_start3A, %dma_start3A_249] : memref<10000x128xf32, #tpu.memory_space<vmem_shared>> -> memref<10000x128xf32, #tpu.memory_space<vmem_shared>>
        tpu.enqueue_indirect_dma source(%arg15 : memref<80x128xf32, #tpu.memory_space<vmem>>) target(%dma_start3A_250 : memref<10000x128xf32, #tpu.memory_space<vmem_shared>>) offsets(%arg19 : memref<80xi32, #tpu.memory_space<vmem>>) semaphore(%arg20 : memref<!tpu.dma_semaphore, #tpu.memory_space<semaphore_mem>>)
        %dma_wait3A = arith.constant 0 : i32
        %dma_wait3A_251 = arith.constant 0 : i32
        %dma_wait3A_252 = tpu.memref_slice %arg14[%dma_wait3A, %dma_wait3A_251] : memref<10000x128xf32, #tpu.memory_space<vmem_shared>> -> memref<10000x128xf32, #tpu.memory_space<vmem_shared>>
        tpu.wait_indirect_dma semaphore(%arg20 : memref<!tpu.dma_semaphore, #tpu.memory_space<semaphore_mem>>) src(%arg15 : memref<80x128xf32, #tpu.memory_space<vmem>>) dst(%dma_wait3A_252 : memref<10000x128xf32, #tpu.memory_space<vmem_shared>>)
      } else {
      }
      %add3A_161 = arith.constant 80 : i32
      %add3A_162 = arith.addi %arg1, %add3A_161 : i32
      %lt3A_163 = arith.constant 125 : i32
      %lt3A_164 = arith.cmpi slt, %add3A_162, %lt3A_163 : i32
      %convert_element_type3A_165 = arith.extui %lt3A_164 : i1 to i32
      %cond3A_166 = arith.constant 0 : i32
      %cond3A_167 = arith.cmpi ne, %convert_element_type3A_165, %cond3A_166 : i32
      scf.if %cond3A_167 {
        %mul3A_247 = arith.constant 80 : i32
        %mul3A_248 = arith.muli %add3A_162, %mul3A_247 : i32
        "tpu.region"() ({
          %run_scoped3A = tpu.sem_alloc : memref<!tpu.dma_semaphore, #tpu.memory_space<semaphore_mem>>
          %dma_start3A_253 = tpu.memref_slice %arg9[%mul3A_248] : memref<10000xi32, #tpu.memory_space<hbm>> -> memref<80xi32, #tpu.memory_space<hbm>>
          %dma_start3A_254 = tpu.memref_slice %arg9[%mul3A_248] : memref<10000xi32, #tpu.memory_space<hbm>> -> memref<80xi32, #tpu.memory_space<hbm>>
          tpu.enqueue_dma source(%dma_start3A_254 : memref<80xi32, #tpu.memory_space<hbm>>) target(%arg19 : memref<80xi32, #tpu.memory_space<vmem>>) target_semaphore(%run_scoped3A : memref<!tpu.dma_semaphore, #tpu.memory_space<semaphore_mem>>)
          %dma_wait3A_255 = tpu.memref_slice %arg9[%mul3A_248] : memref<10000xi32, #tpu.memory_space<hbm>> -> memref<80xi32, #tpu.memory_space<hbm>>
          %dma_wait3A_256 = tpu.memref_slice %arg9[%mul3A_248] : memref<10000xi32, #tpu.memory_space<hbm>> -> memref<80xi32, #tpu.memory_space<hbm>>
          tpu.wait_dma2 semaphore(%run_scoped3A : memref<!tpu.dma_semaphore, #tpu.memory_space<semaphore_mem>>) src(%dma_wait3A_256 : memref<80xi32, #tpu.memory_space<hbm>>) dst(%arg19 : memref<80xi32, #tpu.memory_space<vmem>>)
          tpu.yield
        }) : () -> ()
        %dma_start3A = arith.constant 0 : i32
        %dma_start3A_249 = arith.constant 0 : i32
        %dma_start3A_250 = tpu.memref_slice %arg14[%dma_start3A, %dma_start3A_249] : memref<10000x128xf32, #tpu.memory_space<vmem_shared>> -> memref<10000x128xf32, #tpu.memory_space<vmem_shared>>
        tpu.enqueue_indirect_dma source(%arg15 : memref<80x128xf32, #tpu.memory_space<vmem>>) target(%dma_start3A_250 : memref<10000x128xf32, #tpu.memory_space<vmem_shared>>) offsets(%arg19 : memref<80xi32, #tpu.memory_space<vmem>>) semaphore(%arg20 : memref<!tpu.dma_semaphore, #tpu.memory_space<semaphore_mem>>)
        %dma_wait3A = arith.constant 0 : i32
        %dma_wait3A_251 = arith.constant 0 : i32
        %dma_wait3A_252 = tpu.memref_slice %arg14[%dma_wait3A, %dma_wait3A_251] : memref<10000x128xf32, #tpu.memory_space<vmem_shared>> -> memref<10000x128xf32, #tpu.memory_space<vmem_shared>>
        tpu.wait_indirect_dma semaphore(%arg20 : memref<!tpu.dma_semaphore, #tpu.memory_space<semaphore_mem>>) src(%arg15 : memref<80x128xf32, #tpu.memory_space<vmem>>) dst(%dma_wait3A_252 : memref<10000x128xf32, #tpu.memory_space<vmem_shared>>)
      } else {
      }
      %add3A_168 = arith.constant 96 : i32
      %add3A_169 = arith.addi %arg1, %add3A_168 : i32
      %lt3A_170 = arith.constant 125 : i32
      %lt3A_171 = arith.cmpi slt, %add3A_169, %lt3A_170 : i32
      %convert_element_type3A_172 = arith.extui %lt3A_171 : i1 to i32
      %cond3A_173 = arith.constant 0 : i32
      %cond3A_174 = arith.cmpi ne, %convert_element_type3A_172, %cond3A_173 : i32
      scf.if %cond3A_174 {
        %mul3A_247 = arith.constant 80 : i32
        %mul3A_248 = arith.muli %add3A_169, %mul3A_247 : i32
        "tpu.region"() ({
          %run_scoped3A = tpu.sem_alloc : memref<!tpu.dma_semaphore, #tpu.memory_space<semaphore_mem>>
          %dma_start3A_253 = tpu.memref_slice %arg9[%mul3A_248] : memref<10000xi32, #tpu.memory_space<hbm>> -> memref<80xi32, #tpu.memory_space<hbm>>
          %dma_start3A_254 = tpu.memref_slice %arg9[%mul3A_248] : memref<10000xi32, #tpu.memory_space<hbm>> -> memref<80xi32, #tpu.memory_space<hbm>>
          tpu.enqueue_dma source(%dma_start3A_254 : memref<80xi32, #tpu.memory_space<hbm>>) target(%arg19 : memref<80xi32, #tpu.memory_space<vmem>>) target_semaphore(%run_scoped3A : memref<!tpu.dma_semaphore, #tpu.memory_space<semaphore_mem>>)
          %dma_wait3A_255 = tpu.memref_slice %arg9[%mul3A_248] : memref<10000xi32, #tpu.memory_space<hbm>> -> memref<80xi32, #tpu.memory_space<hbm>>
          %dma_wait3A_256 = tpu.memref_slice %arg9[%mul3A_248] : memref<10000xi32, #tpu.memory_space<hbm>> -> memref<80xi32, #tpu.memory_space<hbm>>
          tpu.wait_dma2 semaphore(%run_scoped3A : memref<!tpu.dma_semaphore, #tpu.memory_space<semaphore_mem>>) src(%dma_wait3A_256 : memref<80xi32, #tpu.memory_space<hbm>>) dst(%arg19 : memref<80xi32, #tpu.memory_space<vmem>>)
          tpu.yield
        }) : () -> ()
        %dma_start3A = arith.constant 0 : i32
        %dma_start3A_249 = arith.constant 0 : i32
        %dma_start3A_250 = tpu.memref_slice %arg14[%dma_start3A, %dma_start3A_249] : memref<10000x128xf32, #tpu.memory_space<vmem_shared>> -> memref<10000x128xf32, #tpu.memory_space<vmem_shared>>
        tpu.enqueue_indirect_dma source(%arg15 : memref<80x128xf32, #tpu.memory_space<vmem>>) target(%dma_start3A_250 : memref<10000x128xf32, #tpu.memory_space<vmem_shared>>) offsets(%arg19 : memref<80xi32, #tpu.memory_space<vmem>>) semaphore(%arg20 : memref<!tpu.dma_semaphore, #tpu.memory_space<semaphore_mem>>)
        %dma_wait3A = arith.constant 0 : i32
        %dma_wait3A_251 = arith.constant 0 : i32
        %dma_wait3A_252 = tpu.memref_slice %arg14[%dma_wait3A, %dma_wait3A_251] : memref<10000x128xf32, #tpu.memory_space<vmem_shared>> -> memref<10000x128xf32, #tpu.memory_space<vmem_shared>>
        tpu.wait_indirect_dma semaphore(%arg20 : memref<!tpu.dma_semaphore, #tpu.memory_space<semaphore_mem>>) src(%arg15 : memref<80x128xf32, #tpu.memory_space<vmem>>) dst(%dma_wait3A_252 : memref<10000x128xf32, #tpu.memory_space<vmem_shared>>)
      } else {
      }
      %add3A_175 = arith.constant 112 : i32
      %add3A_176 = arith.addi %arg1, %add3A_175 : i32
      %lt3A_177 = arith.constant 125 : i32
      %lt3A_178 = arith.cmpi slt, %add3A_176, %lt3A_177 : i32
      %convert_element_type3A_179 = arith.extui %lt3A_178 : i1 to i32
      %cond3A_180 = arith.constant 0 : i32
      %cond3A_181 = arith.cmpi ne, %convert_element_type3A_179, %cond3A_180 : i32
      scf.if %cond3A_181 {
        %mul3A_247 = arith.constant 80 : i32
        %mul3A_248 = arith.muli %add3A_176, %mul3A_247 : i32
        "tpu.region"() ({
          %run_scoped3A = tpu.sem_alloc : memref<!tpu.dma_semaphore, #tpu.memory_space<semaphore_mem>>
          %dma_start3A_253 = tpu.memref_slice %arg9[%mul3A_248] : memref<10000xi32, #tpu.memory_space<hbm>> -> memref<80xi32, #tpu.memory_space<hbm>>
          %dma_start3A_254 = tpu.memref_slice %arg9[%mul3A_248] : memref<10000xi32, #tpu.memory_space<hbm>> -> memref<80xi32, #tpu.memory_space<hbm>>
          tpu.enqueue_dma source(%dma_start3A_254 : memref<80xi32, #tpu.memory_space<hbm>>) target(%arg19 : memref<80xi32, #tpu.memory_space<vmem>>) target_semaphore(%run_scoped3A : memref<!tpu.dma_semaphore, #tpu.memory_space<semaphore_mem>>)
          %dma_wait3A_255 = tpu.memref_slice %arg9[%mul3A_248] : memref<10000xi32, #tpu.memory_space<hbm>> -> memref<80xi32, #tpu.memory_space<hbm>>
          %dma_wait3A_256 = tpu.memref_slice %arg9[%mul3A_248] : memref<10000xi32, #tpu.memory_space<hbm>> -> memref<80xi32, #tpu.memory_space<hbm>>
          tpu.wait_dma2 semaphore(%run_scoped3A : memref<!tpu.dma_semaphore, #tpu.memory_space<semaphore_mem>>) src(%dma_wait3A_256 : memref<80xi32, #tpu.memory_space<hbm>>) dst(%arg19 : memref<80xi32, #tpu.memory_space<vmem>>)
          tpu.yield
        }) : () -> ()
        %dma_start3A = arith.constant 0 : i32
        %dma_start3A_249 = arith.constant 0 : i32
        %dma_start3A_250 = tpu.memref_slice %arg14[%dma_start3A, %dma_start3A_249] : memref<10000x128xf32, #tpu.memory_space<vmem_shared>> -> memref<10000x128xf32, #tpu.memory_space<vmem_shared>>
        tpu.enqueue_indirect_dma source(%arg15 : memref<80x128xf32, #tpu.memory_space<vmem>>) target(%dma_start3A_250 : memref<10000x128xf32, #tpu.memory_space<vmem_shared>>) offsets(%arg19 : memref<80xi32, #tpu.memory_space<vmem>>) semaphore(%arg20 : memref<!tpu.dma_semaphore, #tpu.memory_space<semaphore_mem>>)
        %dma_wait3A = arith.constant 0 : i32
        %dma_wait3A_251 = arith.constant 0 : i32
        %dma_wait3A_252 = tpu.memref_slice %arg14[%dma_wait3A, %dma_wait3A_251] : memref<10000x128xf32, #tpu.memory_space<vmem_shared>> -> memref<10000x128xf32, #tpu.memory_space<vmem_shared>>
        tpu.wait_indirect_dma semaphore(%arg20 : memref<!tpu.dma_semaphore, #tpu.memory_space<semaphore_mem>>) src(%arg15 : memref<80x128xf32, #tpu.memory_space<vmem>>) dst(%dma_wait3A_252 : memref<10000x128xf32, #tpu.memory_space<vmem_shared>>)
      } else {
      }
      "tpu.region"() ({
        %run_scoped3A = tpu.sem_alloc : memref<!tpu.dma_semaphore, #tpu.memory_space<semaphore_mem>>
        tpu.enqueue_dma source(%arg8 : memref<80x128xf32, #tpu.memory_space<hbm>>) target(%arg18 : memref<80x128xf32, #tpu.memory_space<vmem>>) target_semaphore(%run_scoped3A : memref<!tpu.dma_semaphore, #tpu.memory_space<semaphore_mem>>)
        tpu.wait_dma2 semaphore(%run_scoped3A : memref<!tpu.dma_semaphore, #tpu.memory_space<semaphore_mem>>) src(%arg8 : memref<80x128xf32, #tpu.memory_space<hbm>>) dst(%arg18 : memref<80x128xf32, #tpu.memory_space<vmem>>)
        tpu.yield
      }) : () -> ()
      %barrier3A_182 = arith.constant 0 : index
      tpu.barrier barrier_id(%barrier3A_182)
      %scan3A_183 = arith.constant 0 : i32
      %scan3A_184 = arith.constant 0 : i32
      %scan3A_185 = arith.constant 250 : i32
      %scan3A_186 = arith.addi %scan3A_184, %scan3A_185 : i32
      %scan3A_187 = arith.constant 1 : i32
      %scan3A_188 = scf.for %scan3A_247 = %scan3A_184 to %scan3A_186 step %scan3A_187 iter_args(%scan3A_248 = %scan3A_183) -> (i32)  : i32 {
        %mul3A_249 = arith.constant 80 : i32
        %mul3A_250 = arith.muli %scan3A_247, %mul3A_249 : i32
        %add3A_251 = arith.addi %mul3A_61, %mul3A_250 : i32
        "tpu.region"() ({
          %run_scoped3A = tpu.sem_alloc : memref<!tpu.dma_semaphore, #tpu.memory_space<semaphore_mem>>
          %dma_start3A = tpu.memref_slice %arg6[%add3A_251] : memref<320000xi32, #tpu.memory_space<hbm>> -> memref<80xi32, #tpu.memory_space<hbm>>
          %dma_start3A_253 = tpu.memref_slice %arg6[%add3A_251] : memref<320000xi32, #tpu.memory_space<hbm>> -> memref<80xi32, #tpu.memory_space<hbm>>
          tpu.enqueue_dma source(%dma_start3A_253 : memref<80xi32, #tpu.memory_space<hbm>>) target(%arg17 : memref<80xi32, #tpu.memory_space<vmem>>) target_semaphore(%run_scoped3A : memref<!tpu.dma_semaphore, #tpu.memory_space<semaphore_mem>>)
          %dma_wait3A = tpu.memref_slice %arg6[%add3A_251] : memref<320000xi32, #tpu.memory_space<hbm>> -> memref<80xi32, #tpu.memory_space<hbm>>
          %dma_wait3A_254 = tpu.memref_slice %arg6[%add3A_251] : memref<320000xi32, #tpu.memory_space<hbm>> -> memref<80xi32, #tpu.memory_space<hbm>>
          tpu.wait_dma2 semaphore(%run_scoped3A : memref<!tpu.dma_semaphore, #tpu.memory_space<semaphore_mem>>) src(%dma_wait3A_254 : memref<80xi32, #tpu.memory_space<hbm>>) dst(%arg17 : memref<80xi32, #tpu.memory_space<vmem>>)
          tpu.yield
        }) : () -> ()
        "tpu.region"() ({
          %run_scoped3A = tpu.sem_alloc : memref<!tpu.dma_semaphore, #tpu.memory_space<semaphore_mem>>
          %dma_start3A = arith.constant 0 : i32
          %dma_start3A_253 = arith.constant 0 : i32
          %dma_start3A_254 = tpu.memref_slice %arg14[%dma_start3A, %dma_start3A_253] : memref<10000x128xf32, #tpu.memory_space<vmem_shared>> -> memref<10000x128xf32, #tpu.memory_space<vmem_shared>>
          tpu.enqueue_indirect_dma source(%arg18 : memref<80x128xf32, #tpu.memory_space<vmem>>) target(%dma_start3A_254 : memref<10000x128xf32, #tpu.memory_space<vmem_shared>>) offsets(%arg17 : memref<80xi32, #tpu.memory_space<vmem>>) semaphore(%run_scoped3A : memref<!tpu.dma_semaphore, #tpu.memory_space<semaphore_mem>>) {add = true}
          %dma_wait3A = arith.constant 0 : i32
          %dma_wait3A_255 = arith.constant 0 : i32
          %dma_wait3A_256 = tpu.memref_slice %arg14[%dma_wait3A, %dma_wait3A_255] : memref<10000x128xf32, #tpu.memory_space<vmem_shared>> -> memref<10000x128xf32, #tpu.memory_space<vmem_shared>>
          tpu.wait_indirect_dma semaphore(%run_scoped3A : memref<!tpu.dma_semaphore, #tpu.memory_space<semaphore_mem>>) src(%arg18 : memref<80x128xf32, #tpu.memory_space<vmem>>) dst(%dma_wait3A_256 : memref<10000x128xf32, #tpu.memory_space<vmem_shared>>)
          tpu.yield
        }) : () -> ()
        %scan3A_252 = arith.constant 0 : i32
        scf.yield %scan3A_252 : i32
      }
      %scan3A_189 = arith.constant 250 : i32
      %barrier3A_190 = arith.constant 0 : index
      tpu.barrier barrier_id(%barrier3A_190)
      %add3A_191 = arith.constant 0 : i32
      %add3A_192 = arith.addi %arg1, %add3A_191 : i32
      %lt3A_193 = arith.constant 125 : i32
      %lt3A_194 = arith.cmpi slt, %add3A_192, %lt3A_193 : i32
      %convert_element_type3A_195 = arith.extui %lt3A_194 : i1 to i32
      %cond3A_196 = arith.constant 0 : i32
      %cond3A_197 = arith.cmpi ne, %convert_element_type3A_195, %cond3A_196 : i32
      scf.if %cond3A_197 {
        %mul3A_247 = arith.constant 80 : i32
        %mul3A_248 = arith.muli %add3A_192, %mul3A_247 : i32
        "tpu.region"() ({
          %run_scoped3A = tpu.sem_alloc : memref<!tpu.dma_semaphore, #tpu.memory_space<semaphore_mem>>
          %dma_start3A_253 = tpu.memref_slice %arg9[%mul3A_248] : memref<10000xi32, #tpu.memory_space<hbm>> -> memref<80xi32, #tpu.memory_space<hbm>>
          %dma_start3A_254 = tpu.memref_slice %arg9[%mul3A_248] : memref<10000xi32, #tpu.memory_space<hbm>> -> memref<80xi32, #tpu.memory_space<hbm>>
          tpu.enqueue_dma source(%dma_start3A_254 : memref<80xi32, #tpu.memory_space<hbm>>) target(%arg19 : memref<80xi32, #tpu.memory_space<vmem>>) target_semaphore(%run_scoped3A : memref<!tpu.dma_semaphore, #tpu.memory_space<semaphore_mem>>)
          %dma_wait3A_255 = tpu.memref_slice %arg9[%mul3A_248] : memref<10000xi32, #tpu.memory_space<hbm>> -> memref<80xi32, #tpu.memory_space<hbm>>
          %dma_wait3A_256 = tpu.memref_slice %arg9[%mul3A_248] : memref<10000xi32, #tpu.memory_space<hbm>> -> memref<80xi32, #tpu.memory_space<hbm>>
          tpu.wait_dma2 semaphore(%run_scoped3A : memref<!tpu.dma_semaphore, #tpu.memory_space<semaphore_mem>>) src(%dma_wait3A_256 : memref<80xi32, #tpu.memory_space<hbm>>) dst(%arg19 : memref<80xi32, #tpu.memory_space<vmem>>)
          tpu.yield
        }) : () -> ()
        %dma_start3A = arith.constant 0 : i32
        %dma_start3A_249 = arith.constant 0 : i32
        %dma_start3A_250 = tpu.memref_slice %arg14[%dma_start3A, %dma_start3A_249] : memref<10000x128xf32, #tpu.memory_space<vmem_shared>> -> memref<10000x128xf32, #tpu.memory_space<vmem_shared>>
        tpu.enqueue_indirect_dma source(%dma_start3A_250 : memref<10000x128xf32, #tpu.memory_space<vmem_shared>>) target(%arg15 : memref<80x128xf32, #tpu.memory_space<vmem>>) offsets(%arg19 : memref<80xi32, #tpu.memory_space<vmem>>) semaphore(%arg20 : memref<!tpu.dma_semaphore, #tpu.memory_space<semaphore_mem>>)
        %dma_wait3A = arith.constant 0 : i32
        %dma_wait3A_251 = arith.constant 0 : i32
        %dma_wait3A_252 = tpu.memref_slice %arg14[%dma_wait3A, %dma_wait3A_251] : memref<10000x128xf32, #tpu.memory_space<vmem_shared>> -> memref<10000x128xf32, #tpu.memory_space<vmem_shared>>
        tpu.wait_indirect_dma semaphore(%arg20 : memref<!tpu.dma_semaphore, #tpu.memory_space<semaphore_mem>>) src(%dma_wait3A_252 : memref<10000x128xf32, #tpu.memory_space<vmem_shared>>) dst(%arg15 : memref<80x128xf32, #tpu.memory_space<vmem>>)
        "tpu.region"() ({
          %run_scoped3A = tpu.sem_alloc : memref<!tpu.dma_semaphore, #tpu.memory_space<semaphore_mem>>
          %dma_start3A_253 = arith.constant 0 : i32
          %dma_start3A_254 = tpu.memref_slice %arg13[%mul3A_248, %dma_start3A_253] : memref<10000x128xf32, #tpu.memory_space<hbm>> -> memref<80x128xf32, #tpu.memory_space<hbm>>
          %dma_start3A_255 = arith.constant 0 : i32
          %dma_start3A_256 = tpu.memref_slice %arg13[%mul3A_248, %dma_start3A_255] : memref<10000x128xf32, #tpu.memory_space<hbm>> -> memref<80x128xf32, #tpu.memory_space<hbm>>
          tpu.enqueue_dma source(%arg15 : memref<80x128xf32, #tpu.memory_space<vmem>>) target(%dma_start3A_256 : memref<80x128xf32, #tpu.memory_space<hbm>>) target_semaphore(%run_scoped3A : memref<!tpu.dma_semaphore, #tpu.memory_space<semaphore_mem>>)
          %dma_wait3A_257 = arith.constant 0 : i32
          %dma_wait3A_258 = tpu.memref_slice %arg13[%mul3A_248, %dma_wait3A_257] : memref<10000x128xf32, #tpu.memory_space<hbm>> -> memref<80x128xf32, #tpu.memory_space<hbm>>
          %dma_wait3A_259 = arith.constant 0 : i32
          %dma_wait3A_260 = tpu.memref_slice %arg13[%mul3A_248, %dma_wait3A_259] : memref<10000x128xf32, #tpu.memory_space<hbm>> -> memref<80x128xf32, #tpu.memory_space<hbm>>
          tpu.wait_dma2 semaphore(%run_scoped3A : memref<!tpu.dma_semaphore, #tpu.memory_space<semaphore_mem>>) src(%arg15 : memref<80x128xf32, #tpu.memory_space<vmem>>) dst(%dma_wait3A_260 : memref<80x128xf32, #tpu.memory_space<hbm>>)
          tpu.yield
        }) : () -> ()
      } else {
      }
      %add3A_198 = arith.constant 16 : i32
      %add3A_199 = arith.addi %arg1, %add3A_198 : i32
      %lt3A_200 = arith.constant 125 : i32
      %lt3A_201 = arith.cmpi slt, %add3A_199, %lt3A_200 : i32
      %convert_element_type3A_202 = arith.extui %lt3A_201 : i1 to i32
      %cond3A_203 = arith.constant 0 : i32
      %cond3A_204 = arith.cmpi ne, %convert_element_type3A_202, %cond3A_203 : i32
      scf.if %cond3A_204 {
        %mul3A_247 = arith.constant 80 : i32
        %mul3A_248 = arith.muli %add3A_199, %mul3A_247 : i32
        "tpu.region"() ({
          %run_scoped3A = tpu.sem_alloc : memref<!tpu.dma_semaphore, #tpu.memory_space<semaphore_mem>>
          %dma_start3A_253 = tpu.memref_slice %arg9[%mul3A_248] : memref<10000xi32, #tpu.memory_space<hbm>> -> memref<80xi32, #tpu.memory_space<hbm>>
          %dma_start3A_254 = tpu.memref_slice %arg9[%mul3A_248] : memref<10000xi32, #tpu.memory_space<hbm>> -> memref<80xi32, #tpu.memory_space<hbm>>
          tpu.enqueue_dma source(%dma_start3A_254 : memref<80xi32, #tpu.memory_space<hbm>>) target(%arg19 : memref<80xi32, #tpu.memory_space<vmem>>) target_semaphore(%run_scoped3A : memref<!tpu.dma_semaphore, #tpu.memory_space<semaphore_mem>>)
          %dma_wait3A_255 = tpu.memref_slice %arg9[%mul3A_248] : memref<10000xi32, #tpu.memory_space<hbm>> -> memref<80xi32, #tpu.memory_space<hbm>>
          %dma_wait3A_256 = tpu.memref_slice %arg9[%mul3A_248] : memref<10000xi32, #tpu.memory_space<hbm>> -> memref<80xi32, #tpu.memory_space<hbm>>
          tpu.wait_dma2 semaphore(%run_scoped3A : memref<!tpu.dma_semaphore, #tpu.memory_space<semaphore_mem>>) src(%dma_wait3A_256 : memref<80xi32, #tpu.memory_space<hbm>>) dst(%arg19 : memref<80xi32, #tpu.memory_space<vmem>>)
          tpu.yield
        }) : () -> ()
        %dma_start3A = arith.constant 0 : i32
        %dma_start3A_249 = arith.constant 0 : i32
        %dma_start3A_250 = tpu.memref_slice %arg14[%dma_start3A, %dma_start3A_249] : memref<10000x128xf32, #tpu.memory_space<vmem_shared>> -> memref<10000x128xf32, #tpu.memory_space<vmem_shared>>
        tpu.enqueue_indirect_dma source(%dma_start3A_250 : memref<10000x128xf32, #tpu.memory_space<vmem_shared>>) target(%arg15 : memref<80x128xf32, #tpu.memory_space<vmem>>) offsets(%arg19 : memref<80xi32, #tpu.memory_space<vmem>>) semaphore(%arg20 : memref<!tpu.dma_semaphore, #tpu.memory_space<semaphore_mem>>)
        %dma_wait3A = arith.constant 0 : i32
        %dma_wait3A_251 = arith.constant 0 : i32
        %dma_wait3A_252 = tpu.memref_slice %arg14[%dma_wait3A, %dma_wait3A_251] : memref<10000x128xf32, #tpu.memory_space<vmem_shared>> -> memref<10000x128xf32, #tpu.memory_space<vmem_shared>>
        tpu.wait_indirect_dma semaphore(%arg20 : memref<!tpu.dma_semaphore, #tpu.memory_space<semaphore_mem>>) src(%dma_wait3A_252 : memref<10000x128xf32, #tpu.memory_space<vmem_shared>>) dst(%arg15 : memref<80x128xf32, #tpu.memory_space<vmem>>)
        "tpu.region"() ({
          %run_scoped3A = tpu.sem_alloc : memref<!tpu.dma_semaphore, #tpu.memory_space<semaphore_mem>>
          %dma_start3A_253 = arith.constant 0 : i32
          %dma_start3A_254 = tpu.memref_slice %arg13[%mul3A_248, %dma_start3A_253] : memref<10000x128xf32, #tpu.memory_space<hbm>> -> memref<80x128xf32, #tpu.memory_space<hbm>>
          %dma_start3A_255 = arith.constant 0 : i32
          %dma_start3A_256 = tpu.memref_slice %arg13[%mul3A_248, %dma_start3A_255] : memref<10000x128xf32, #tpu.memory_space<hbm>> -> memref<80x128xf32, #tpu.memory_space<hbm>>
          tpu.enqueue_dma source(%arg15 : memref<80x128xf32, #tpu.memory_space<vmem>>) target(%dma_start3A_256 : memref<80x128xf32, #tpu.memory_space<hbm>>) target_semaphore(%run_scoped3A : memref<!tpu.dma_semaphore, #tpu.memory_space<semaphore_mem>>)
          %dma_wait3A_257 = arith.constant 0 : i32
          %dma_wait3A_258 = tpu.memref_slice %arg13[%mul3A_248, %dma_wait3A_257] : memref<10000x128xf32, #tpu.memory_space<hbm>> -> memref<80x128xf32, #tpu.memory_space<hbm>>
          %dma_wait3A_259 = arith.constant 0 : i32
          %dma_wait3A_260 = tpu.memref_slice %arg13[%mul3A_248, %dma_wait3A_259] : memref<10000x128xf32, #tpu.memory_space<hbm>> -> memref<80x128xf32, #tpu.memory_space<hbm>>
          tpu.wait_dma2 semaphore(%run_scoped3A : memref<!tpu.dma_semaphore, #tpu.memory_space<semaphore_mem>>) src(%arg15 : memref<80x128xf32, #tpu.memory_space<vmem>>) dst(%dma_wait3A_260 : memref<80x128xf32, #tpu.memory_space<hbm>>)
          tpu.yield
        }) : () -> ()
      } else {
      }
      %add3A_205 = arith.constant 32 : i32
      %add3A_206 = arith.addi %arg1, %add3A_205 : i32
      %lt3A_207 = arith.constant 125 : i32
      %lt3A_208 = arith.cmpi slt, %add3A_206, %lt3A_207 : i32
      %convert_element_type3A_209 = arith.extui %lt3A_208 : i1 to i32
      %cond3A_210 = arith.constant 0 : i32
      %cond3A_211 = arith.cmpi ne, %convert_element_type3A_209, %cond3A_210 : i32
      scf.if %cond3A_211 {
        %mul3A_247 = arith.constant 80 : i32
        %mul3A_248 = arith.muli %add3A_206, %mul3A_247 : i32
        "tpu.region"() ({
          %run_scoped3A = tpu.sem_alloc : memref<!tpu.dma_semaphore, #tpu.memory_space<semaphore_mem>>
          %dma_start3A_253 = tpu.memref_slice %arg9[%mul3A_248] : memref<10000xi32, #tpu.memory_space<hbm>> -> memref<80xi32, #tpu.memory_space<hbm>>
          %dma_start3A_254 = tpu.memref_slice %arg9[%mul3A_248] : memref<10000xi32, #tpu.memory_space<hbm>> -> memref<80xi32, #tpu.memory_space<hbm>>
          tpu.enqueue_dma source(%dma_start3A_254 : memref<80xi32, #tpu.memory_space<hbm>>) target(%arg19 : memref<80xi32, #tpu.memory_space<vmem>>) target_semaphore(%run_scoped3A : memref<!tpu.dma_semaphore, #tpu.memory_space<semaphore_mem>>)
          %dma_wait3A_255 = tpu.memref_slice %arg9[%mul3A_248] : memref<10000xi32, #tpu.memory_space<hbm>> -> memref<80xi32, #tpu.memory_space<hbm>>
          %dma_wait3A_256 = tpu.memref_slice %arg9[%mul3A_248] : memref<10000xi32, #tpu.memory_space<hbm>> -> memref<80xi32, #tpu.memory_space<hbm>>
          tpu.wait_dma2 semaphore(%run_scoped3A : memref<!tpu.dma_semaphore, #tpu.memory_space<semaphore_mem>>) src(%dma_wait3A_256 : memref<80xi32, #tpu.memory_space<hbm>>) dst(%arg19 : memref<80xi32, #tpu.memory_space<vmem>>)
          tpu.yield
        }) : () -> ()
        %dma_start3A = arith.constant 0 : i32
        %dma_start3A_249 = arith.constant 0 : i32
        %dma_start3A_250 = tpu.memref_slice %arg14[%dma_start3A, %dma_start3A_249] : memref<10000x128xf32, #tpu.memory_space<vmem_shared>> -> memref<10000x128xf32, #tpu.memory_space<vmem_shared>>
        tpu.enqueue_indirect_dma source(%dma_start3A_250 : memref<10000x128xf32, #tpu.memory_space<vmem_shared>>) target(%arg15 : memref<80x128xf32, #tpu.memory_space<vmem>>) offsets(%arg19 : memref<80xi32, #tpu.memory_space<vmem>>) semaphore(%arg20 : memref<!tpu.dma_semaphore, #tpu.memory_space<semaphore_mem>>)
        %dma_wait3A = arith.constant 0 : i32
        %dma_wait3A_251 = arith.constant 0 : i32
        %dma_wait3A_252 = tpu.memref_slice %arg14[%dma_wait3A, %dma_wait3A_251] : memref<10000x128xf32, #tpu.memory_space<vmem_shared>> -> memref<10000x128xf32, #tpu.memory_space<vmem_shared>>
        tpu.wait_indirect_dma semaphore(%arg20 : memref<!tpu.dma_semaphore, #tpu.memory_space<semaphore_mem>>) src(%dma_wait3A_252 : memref<10000x128xf32, #tpu.memory_space<vmem_shared>>) dst(%arg15 : memref<80x128xf32, #tpu.memory_space<vmem>>)
        "tpu.region"() ({
          %run_scoped3A = tpu.sem_alloc : memref<!tpu.dma_semaphore, #tpu.memory_space<semaphore_mem>>
          %dma_start3A_253 = arith.constant 0 : i32
          %dma_start3A_254 = tpu.memref_slice %arg13[%mul3A_248, %dma_start3A_253] : memref<10000x128xf32, #tpu.memory_space<hbm>> -> memref<80x128xf32, #tpu.memory_space<hbm>>
          %dma_start3A_255 = arith.constant 0 : i32
          %dma_start3A_256 = tpu.memref_slice %arg13[%mul3A_248, %dma_start3A_255] : memref<10000x128xf32, #tpu.memory_space<hbm>> -> memref<80x128xf32, #tpu.memory_space<hbm>>
          tpu.enqueue_dma source(%arg15 : memref<80x128xf32, #tpu.memory_space<vmem>>) target(%dma_start3A_256 : memref<80x128xf32, #tpu.memory_space<hbm>>) target_semaphore(%run_scoped3A : memref<!tpu.dma_semaphore, #tpu.memory_space<semaphore_mem>>)
          %dma_wait3A_257 = arith.constant 0 : i32
          %dma_wait3A_258 = tpu.memref_slice %arg13[%mul3A_248, %dma_wait3A_257] : memref<10000x128xf32, #tpu.memory_space<hbm>> -> memref<80x128xf32, #tpu.memory_space<hbm>>
          %dma_wait3A_259 = arith.constant 0 : i32
          %dma_wait3A_260 = tpu.memref_slice %arg13[%mul3A_248, %dma_wait3A_259] : memref<10000x128xf32, #tpu.memory_space<hbm>> -> memref<80x128xf32, #tpu.memory_space<hbm>>
          tpu.wait_dma2 semaphore(%run_scoped3A : memref<!tpu.dma_semaphore, #tpu.memory_space<semaphore_mem>>) src(%arg15 : memref<80x128xf32, #tpu.memory_space<vmem>>) dst(%dma_wait3A_260 : memref<80x128xf32, #tpu.memory_space<hbm>>)
          tpu.yield
        }) : () -> ()
      } else {
      }
      %add3A_212 = arith.constant 48 : i32
      %add3A_213 = arith.addi %arg1, %add3A_212 : i32
      %lt3A_214 = arith.constant 125 : i32
      %lt3A_215 = arith.cmpi slt, %add3A_213, %lt3A_214 : i32
      %convert_element_type3A_216 = arith.extui %lt3A_215 : i1 to i32
      %cond3A_217 = arith.constant 0 : i32
      %cond3A_218 = arith.cmpi ne, %convert_element_type3A_216, %cond3A_217 : i32
      scf.if %cond3A_218 {
        %mul3A_247 = arith.constant 80 : i32
        %mul3A_248 = arith.muli %add3A_213, %mul3A_247 : i32
        "tpu.region"() ({
          %run_scoped3A = tpu.sem_alloc : memref<!tpu.dma_semaphore, #tpu.memory_space<semaphore_mem>>
          %dma_start3A_253 = tpu.memref_slice %arg9[%mul3A_248] : memref<10000xi32, #tpu.memory_space<hbm>> -> memref<80xi32, #tpu.memory_space<hbm>>
          %dma_start3A_254 = tpu.memref_slice %arg9[%mul3A_248] : memref<10000xi32, #tpu.memory_space<hbm>> -> memref<80xi32, #tpu.memory_space<hbm>>
          tpu.enqueue_dma source(%dma_start3A_254 : memref<80xi32, #tpu.memory_space<hbm>>) target(%arg19 : memref<80xi32, #tpu.memory_space<vmem>>) target_semaphore(%run_scoped3A : memref<!tpu.dma_semaphore, #tpu.memory_space<semaphore_mem>>)
          %dma_wait3A_255 = tpu.memref_slice %arg9[%mul3A_248] : memref<10000xi32, #tpu.memory_space<hbm>> -> memref<80xi32, #tpu.memory_space<hbm>>
          %dma_wait3A_256 = tpu.memref_slice %arg9[%mul3A_248] : memref<10000xi32, #tpu.memory_space<hbm>> -> memref<80xi32, #tpu.memory_space<hbm>>
          tpu.wait_dma2 semaphore(%run_scoped3A : memref<!tpu.dma_semaphore, #tpu.memory_space<semaphore_mem>>) src(%dma_wait3A_256 : memref<80xi32, #tpu.memory_space<hbm>>) dst(%arg19 : memref<80xi32, #tpu.memory_space<vmem>>)
          tpu.yield
        }) : () -> ()
        %dma_start3A = arith.constant 0 : i32
        %dma_start3A_249 = arith.constant 0 : i32
        %dma_start3A_250 = tpu.memref_slice %arg14[%dma_start3A, %dma_start3A_249] : memref<10000x128xf32, #tpu.memory_space<vmem_shared>> -> memref<10000x128xf32, #tpu.memory_space<vmem_shared>>
        tpu.enqueue_indirect_dma source(%dma_start3A_250 : memref<10000x128xf32, #tpu.memory_space<vmem_shared>>) target(%arg15 : memref<80x128xf32, #tpu.memory_space<vmem>>) offsets(%arg19 : memref<80xi32, #tpu.memory_space<vmem>>) semaphore(%arg20 : memref<!tpu.dma_semaphore, #tpu.memory_space<semaphore_mem>>)
        %dma_wait3A = arith.constant 0 : i32
        %dma_wait3A_251 = arith.constant 0 : i32
        %dma_wait3A_252 = tpu.memref_slice %arg14[%dma_wait3A, %dma_wait3A_251] : memref<10000x128xf32, #tpu.memory_space<vmem_shared>> -> memref<10000x128xf32, #tpu.memory_space<vmem_shared>>
        tpu.wait_indirect_dma semaphore(%arg20 : memref<!tpu.dma_semaphore, #tpu.memory_space<semaphore_mem>>) src(%dma_wait3A_252 : memref<10000x128xf32, #tpu.memory_space<vmem_shared>>) dst(%arg15 : memref<80x128xf32, #tpu.memory_space<vmem>>)
        "tpu.region"() ({
          %run_scoped3A = tpu.sem_alloc : memref<!tpu.dma_semaphore, #tpu.memory_space<semaphore_mem>>
          %dma_start3A_253 = arith.constant 0 : i32
          %dma_start3A_254 = tpu.memref_slice %arg13[%mul3A_248, %dma_start3A_253] : memref<10000x128xf32, #tpu.memory_space<hbm>> -> memref<80x128xf32, #tpu.memory_space<hbm>>
          %dma_start3A_255 = arith.constant 0 : i32
          %dma_start3A_256 = tpu.memref_slice %arg13[%mul3A_248, %dma_start3A_255] : memref<10000x128xf32, #tpu.memory_space<hbm>> -> memref<80x128xf32, #tpu.memory_space<hbm>>
          tpu.enqueue_dma source(%arg15 : memref<80x128xf32, #tpu.memory_space<vmem>>) target(%dma_start3A_256 : memref<80x128xf32, #tpu.memory_space<hbm>>) target_semaphore(%run_scoped3A : memref<!tpu.dma_semaphore, #tpu.memory_space<semaphore_mem>>)
          %dma_wait3A_257 = arith.constant 0 : i32
          %dma_wait3A_258 = tpu.memref_slice %arg13[%mul3A_248, %dma_wait3A_257] : memref<10000x128xf32, #tpu.memory_space<hbm>> -> memref<80x128xf32, #tpu.memory_space<hbm>>
          %dma_wait3A_259 = arith.constant 0 : i32
          %dma_wait3A_260 = tpu.memref_slice %arg13[%mul3A_248, %dma_wait3A_259] : memref<10000x128xf32, #tpu.memory_space<hbm>> -> memref<80x128xf32, #tpu.memory_space<hbm>>
          tpu.wait_dma2 semaphore(%run_scoped3A : memref<!tpu.dma_semaphore, #tpu.memory_space<semaphore_mem>>) src(%arg15 : memref<80x128xf32, #tpu.memory_space<vmem>>) dst(%dma_wait3A_260 : memref<80x128xf32, #tpu.memory_space<hbm>>)
          tpu.yield
        }) : () -> ()
      } else {
      }
      %add3A_219 = arith.constant 64 : i32
      %add3A_220 = arith.addi %arg1, %add3A_219 : i32
      %lt3A_221 = arith.constant 125 : i32
      %lt3A_222 = arith.cmpi slt, %add3A_220, %lt3A_221 : i32
      %convert_element_type3A_223 = arith.extui %lt3A_222 : i1 to i32
      %cond3A_224 = arith.constant 0 : i32
      %cond3A_225 = arith.cmpi ne, %convert_element_type3A_223, %cond3A_224 : i32
      scf.if %cond3A_225 {
        %mul3A_247 = arith.constant 80 : i32
        %mul3A_248 = arith.muli %add3A_220, %mul3A_247 : i32
        "tpu.region"() ({
          %run_scoped3A = tpu.sem_alloc : memref<!tpu.dma_semaphore, #tpu.memory_space<semaphore_mem>>
          %dma_start3A_253 = tpu.memref_slice %arg9[%mul3A_248] : memref<10000xi32, #tpu.memory_space<hbm>> -> memref<80xi32, #tpu.memory_space<hbm>>
          %dma_start3A_254 = tpu.memref_slice %arg9[%mul3A_248] : memref<10000xi32, #tpu.memory_space<hbm>> -> memref<80xi32, #tpu.memory_space<hbm>>
          tpu.enqueue_dma source(%dma_start3A_254 : memref<80xi32, #tpu.memory_space<hbm>>) target(%arg19 : memref<80xi32, #tpu.memory_space<vmem>>) target_semaphore(%run_scoped3A : memref<!tpu.dma_semaphore, #tpu.memory_space<semaphore_mem>>)
          %dma_wait3A_255 = tpu.memref_slice %arg9[%mul3A_248] : memref<10000xi32, #tpu.memory_space<hbm>> -> memref<80xi32, #tpu.memory_space<hbm>>
          %dma_wait3A_256 = tpu.memref_slice %arg9[%mul3A_248] : memref<10000xi32, #tpu.memory_space<hbm>> -> memref<80xi32, #tpu.memory_space<hbm>>
          tpu.wait_dma2 semaphore(%run_scoped3A : memref<!tpu.dma_semaphore, #tpu.memory_space<semaphore_mem>>) src(%dma_wait3A_256 : memref<80xi32, #tpu.memory_space<hbm>>) dst(%arg19 : memref<80xi32, #tpu.memory_space<vmem>>)
          tpu.yield
        }) : () -> ()
        %dma_start3A = arith.constant 0 : i32
        %dma_start3A_249 = arith.constant 0 : i32
        %dma_start3A_250 = tpu.memref_slice %arg14[%dma_start3A, %dma_start3A_249] : memref<10000x128xf32, #tpu.memory_space<vmem_shared>> -> memref<10000x128xf32, #tpu.memory_space<vmem_shared>>
        tpu.enqueue_indirect_dma source(%dma_start3A_250 : memref<10000x128xf32, #tpu.memory_space<vmem_shared>>) target(%arg15 : memref<80x128xf32, #tpu.memory_space<vmem>>) offsets(%arg19 : memref<80xi32, #tpu.memory_space<vmem>>) semaphore(%arg20 : memref<!tpu.dma_semaphore, #tpu.memory_space<semaphore_mem>>)
        %dma_wait3A = arith.constant 0 : i32
        %dma_wait3A_251 = arith.constant 0 : i32
        %dma_wait3A_252 = tpu.memref_slice %arg14[%dma_wait3A, %dma_wait3A_251] : memref<10000x128xf32, #tpu.memory_space<vmem_shared>> -> memref<10000x128xf32, #tpu.memory_space<vmem_shared>>
        tpu.wait_indirect_dma semaphore(%arg20 : memref<!tpu.dma_semaphore, #tpu.memory_space<semaphore_mem>>) src(%dma_wait3A_252 : memref<10000x128xf32, #tpu.memory_space<vmem_shared>>) dst(%arg15 : memref<80x128xf32, #tpu.memory_space<vmem>>)
        "tpu.region"() ({
          %run_scoped3A = tpu.sem_alloc : memref<!tpu.dma_semaphore, #tpu.memory_space<semaphore_mem>>
          %dma_start3A_253 = arith.constant 0 : i32
          %dma_start3A_254 = tpu.memref_slice %arg13[%mul3A_248, %dma_start3A_253] : memref<10000x128xf32, #tpu.memory_space<hbm>> -> memref<80x128xf32, #tpu.memory_space<hbm>>
          %dma_start3A_255 = arith.constant 0 : i32
          %dma_start3A_256 = tpu.memref_slice %arg13[%mul3A_248, %dma_start3A_255] : memref<10000x128xf32, #tpu.memory_space<hbm>> -> memref<80x128xf32, #tpu.memory_space<hbm>>
          tpu.enqueue_dma source(%arg15 : memref<80x128xf32, #tpu.memory_space<vmem>>) target(%dma_start3A_256 : memref<80x128xf32, #tpu.memory_space<hbm>>) target_semaphore(%run_scoped3A : memref<!tpu.dma_semaphore, #tpu.memory_space<semaphore_mem>>)
          %dma_wait3A_257 = arith.constant 0 : i32
          %dma_wait3A_258 = tpu.memref_slice %arg13[%mul3A_248, %dma_wait3A_257] : memref<10000x128xf32, #tpu.memory_space<hbm>> -> memref<80x128xf32, #tpu.memory_space<hbm>>
          %dma_wait3A_259 = arith.constant 0 : i32
          %dma_wait3A_260 = tpu.memref_slice %arg13[%mul3A_248, %dma_wait3A_259] : memref<10000x128xf32, #tpu.memory_space<hbm>> -> memref<80x128xf32, #tpu.memory_space<hbm>>
          tpu.wait_dma2 semaphore(%run_scoped3A : memref<!tpu.dma_semaphore, #tpu.memory_space<semaphore_mem>>) src(%arg15 : memref<80x128xf32, #tpu.memory_space<vmem>>) dst(%dma_wait3A_260 : memref<80x128xf32, #tpu.memory_space<hbm>>)
          tpu.yield
        }) : () -> ()
      } else {
      }
      %add3A_226 = arith.constant 80 : i32
      %add3A_227 = arith.addi %arg1, %add3A_226 : i32
      %lt3A_228 = arith.constant 125 : i32
      %lt3A_229 = arith.cmpi slt, %add3A_227, %lt3A_228 : i32
      %convert_element_type3A_230 = arith.extui %lt3A_229 : i1 to i32
      %cond3A_231 = arith.constant 0 : i32
      %cond3A_232 = arith.cmpi ne, %convert_element_type3A_230, %cond3A_231 : i32
      scf.if %cond3A_232 {
        %mul3A_247 = arith.constant 80 : i32
        %mul3A_248 = arith.muli %add3A_227, %mul3A_247 : i32
        "tpu.region"() ({
          %run_scoped3A = tpu.sem_alloc : memref<!tpu.dma_semaphore, #tpu.memory_space<semaphore_mem>>
          %dma_start3A_253 = tpu.memref_slice %arg9[%mul3A_248] : memref<10000xi32, #tpu.memory_space<hbm>> -> memref<80xi32, #tpu.memory_space<hbm>>
          %dma_start3A_254 = tpu.memref_slice %arg9[%mul3A_248] : memref<10000xi32, #tpu.memory_space<hbm>> -> memref<80xi32, #tpu.memory_space<hbm>>
          tpu.enqueue_dma source(%dma_start3A_254 : memref<80xi32, #tpu.memory_space<hbm>>) target(%arg19 : memref<80xi32, #tpu.memory_space<vmem>>) target_semaphore(%run_scoped3A : memref<!tpu.dma_semaphore, #tpu.memory_space<semaphore_mem>>)
          %dma_wait3A_255 = tpu.memref_slice %arg9[%mul3A_248] : memref<10000xi32, #tpu.memory_space<hbm>> -> memref<80xi32, #tpu.memory_space<hbm>>
          %dma_wait3A_256 = tpu.memref_slice %arg9[%mul3A_248] : memref<10000xi32, #tpu.memory_space<hbm>> -> memref<80xi32, #tpu.memory_space<hbm>>
          tpu.wait_dma2 semaphore(%run_scoped3A : memref<!tpu.dma_semaphore, #tpu.memory_space<semaphore_mem>>) src(%dma_wait3A_256 : memref<80xi32, #tpu.memory_space<hbm>>) dst(%arg19 : memref<80xi32, #tpu.memory_space<vmem>>)
          tpu.yield
        }) : () -> ()
        %dma_start3A = arith.constant 0 : i32
        %dma_start3A_249 = arith.constant 0 : i32
        %dma_start3A_250 = tpu.memref_slice %arg14[%dma_start3A, %dma_start3A_249] : memref<10000x128xf32, #tpu.memory_space<vmem_shared>> -> memref<10000x128xf32, #tpu.memory_space<vmem_shared>>
        tpu.enqueue_indirect_dma source(%dma_start3A_250 : memref<10000x128xf32, #tpu.memory_space<vmem_shared>>) target(%arg15 : memref<80x128xf32, #tpu.memory_space<vmem>>) offsets(%arg19 : memref<80xi32, #tpu.memory_space<vmem>>) semaphore(%arg20 : memref<!tpu.dma_semaphore, #tpu.memory_space<semaphore_mem>>)
        %dma_wait3A = arith.constant 0 : i32
        %dma_wait3A_251 = arith.constant 0 : i32
        %dma_wait3A_252 = tpu.memref_slice %arg14[%dma_wait3A, %dma_wait3A_251] : memref<10000x128xf32, #tpu.memory_space<vmem_shared>> -> memref<10000x128xf32, #tpu.memory_space<vmem_shared>>
        tpu.wait_indirect_dma semaphore(%arg20 : memref<!tpu.dma_semaphore, #tpu.memory_space<semaphore_mem>>) src(%dma_wait3A_252 : memref<10000x128xf32, #tpu.memory_space<vmem_shared>>) dst(%arg15 : memref<80x128xf32, #tpu.memory_space<vmem>>)
        "tpu.region"() ({
          %run_scoped3A = tpu.sem_alloc : memref<!tpu.dma_semaphore, #tpu.memory_space<semaphore_mem>>
          %dma_start3A_253 = arith.constant 0 : i32
          %dma_start3A_254 = tpu.memref_slice %arg13[%mul3A_248, %dma_start3A_253] : memref<10000x128xf32, #tpu.memory_space<hbm>> -> memref<80x128xf32, #tpu.memory_space<hbm>>
          %dma_start3A_255 = arith.constant 0 : i32
          %dma_start3A_256 = tpu.memref_slice %arg13[%mul3A_248, %dma_start3A_255] : memref<10000x128xf32, #tpu.memory_space<hbm>> -> memref<80x128xf32, #tpu.memory_space<hbm>>
          tpu.enqueue_dma source(%arg15 : memref<80x128xf32, #tpu.memory_space<vmem>>) target(%dma_start3A_256 : memref<80x128xf32, #tpu.memory_space<hbm>>) target_semaphore(%run_scoped3A : memref<!tpu.dma_semaphore, #tpu.memory_space<semaphore_mem>>)
          %dma_wait3A_257 = arith.constant 0 : i32
          %dma_wait3A_258 = tpu.memref_slice %arg13[%mul3A_248, %dma_wait3A_257] : memref<10000x128xf32, #tpu.memory_space<hbm>> -> memref<80x128xf32, #tpu.memory_space<hbm>>
          %dma_wait3A_259 = arith.constant 0 : i32
          %dma_wait3A_260 = tpu.memref_slice %arg13[%mul3A_248, %dma_wait3A_259] : memref<10000x128xf32, #tpu.memory_space<hbm>> -> memref<80x128xf32, #tpu.memory_space<hbm>>
          tpu.wait_dma2 semaphore(%run_scoped3A : memref<!tpu.dma_semaphore, #tpu.memory_space<semaphore_mem>>) src(%arg15 : memref<80x128xf32, #tpu.memory_space<vmem>>) dst(%dma_wait3A_260 : memref<80x128xf32, #tpu.memory_space<hbm>>)
          tpu.yield
        }) : () -> ()
      } else {
      }
      %add3A_233 = arith.constant 96 : i32
      %add3A_234 = arith.addi %arg1, %add3A_233 : i32
      %lt3A_235 = arith.constant 125 : i32
      %lt3A_236 = arith.cmpi slt, %add3A_234, %lt3A_235 : i32
      %convert_element_type3A_237 = arith.extui %lt3A_236 : i1 to i32
      %cond3A_238 = arith.constant 0 : i32
      %cond3A_239 = arith.cmpi ne, %convert_element_type3A_237, %cond3A_238 : i32
      scf.if %cond3A_239 {
        %mul3A_247 = arith.constant 80 : i32
        %mul3A_248 = arith.muli %add3A_234, %mul3A_247 : i32
        "tpu.region"() ({
          %run_scoped3A = tpu.sem_alloc : memref<!tpu.dma_semaphore, #tpu.memory_space<semaphore_mem>>
          %dma_start3A_253 = tpu.memref_slice %arg9[%mul3A_248] : memref<10000xi32, #tpu.memory_space<hbm>> -> memref<80xi32, #tpu.memory_space<hbm>>
          %dma_start3A_254 = tpu.memref_slice %arg9[%mul3A_248] : memref<10000xi32, #tpu.memory_space<hbm>> -> memref<80xi32, #tpu.memory_space<hbm>>
          tpu.enqueue_dma source(%dma_start3A_254 : memref<80xi32, #tpu.memory_space<hbm>>) target(%arg19 : memref<80xi32, #tpu.memory_space<vmem>>) target_semaphore(%run_scoped3A : memref<!tpu.dma_semaphore, #tpu.memory_space<semaphore_mem>>)
          %dma_wait3A_255 = tpu.memref_slice %arg9[%mul3A_248] : memref<10000xi32, #tpu.memory_space<hbm>> -> memref<80xi32, #tpu.memory_space<hbm>>
          %dma_wait3A_256 = tpu.memref_slice %arg9[%mul3A_248] : memref<10000xi32, #tpu.memory_space<hbm>> -> memref<80xi32, #tpu.memory_space<hbm>>
          tpu.wait_dma2 semaphore(%run_scoped3A : memref<!tpu.dma_semaphore, #tpu.memory_space<semaphore_mem>>) src(%dma_wait3A_256 : memref<80xi32, #tpu.memory_space<hbm>>) dst(%arg19 : memref<80xi32, #tpu.memory_space<vmem>>)
          tpu.yield
        }) : () -> ()
        %dma_start3A = arith.constant 0 : i32
        %dma_start3A_249 = arith.constant 0 : i32
        %dma_start3A_250 = tpu.memref_slice %arg14[%dma_start3A, %dma_start3A_249] : memref<10000x128xf32, #tpu.memory_space<vmem_shared>> -> memref<10000x128xf32, #tpu.memory_space<vmem_shared>>
        tpu.enqueue_indirect_dma source(%dma_start3A_250 : memref<10000x128xf32, #tpu.memory_space<vmem_shared>>) target(%arg15 : memref<80x128xf32, #tpu.memory_space<vmem>>) offsets(%arg19 : memref<80xi32, #tpu.memory_space<vmem>>) semaphore(%arg20 : memref<!tpu.dma_semaphore, #tpu.memory_space<semaphore_mem>>)
        %dma_wait3A = arith.constant 0 : i32
        %dma_wait3A_251 = arith.constant 0 : i32
        %dma_wait3A_252 = tpu.memref_slice %arg14[%dma_wait3A, %dma_wait3A_251] : memref<10000x128xf32, #tpu.memory_space<vmem_shared>> -> memref<10000x128xf32, #tpu.memory_space<vmem_shared>>
        tpu.wait_indirect_dma semaphore(%arg20 : memref<!tpu.dma_semaphore, #tpu.memory_space<semaphore_mem>>) src(%dma_wait3A_252 : memref<10000x128xf32, #tpu.memory_space<vmem_shared>>) dst(%arg15 : memref<80x128xf32, #tpu.memory_space<vmem>>)
        "tpu.region"() ({
          %run_scoped3A = tpu.sem_alloc : memref<!tpu.dma_semaphore, #tpu.memory_space<semaphore_mem>>
          %dma_start3A_253 = arith.constant 0 : i32
          %dma_start3A_254 = tpu.memref_slice %arg13[%mul3A_248, %dma_start3A_253] : memref<10000x128xf32, #tpu.memory_space<hbm>> -> memref<80x128xf32, #tpu.memory_space<hbm>>
          %dma_start3A_255 = arith.constant 0 : i32
          %dma_start3A_256 = tpu.memref_slice %arg13[%mul3A_248, %dma_start3A_255] : memref<10000x128xf32, #tpu.memory_space<hbm>> -> memref<80x128xf32, #tpu.memory_space<hbm>>
          tpu.enqueue_dma source(%arg15 : memref<80x128xf32, #tpu.memory_space<vmem>>) target(%dma_start3A_256 : memref<80x128xf32, #tpu.memory_space<hbm>>) target_semaphore(%run_scoped3A : memref<!tpu.dma_semaphore, #tpu.memory_space<semaphore_mem>>)
          %dma_wait3A_257 = arith.constant 0 : i32
          %dma_wait3A_258 = tpu.memref_slice %arg13[%mul3A_248, %dma_wait3A_257] : memref<10000x128xf32, #tpu.memory_space<hbm>> -> memref<80x128xf32, #tpu.memory_space<hbm>>
          %dma_wait3A_259 = arith.constant 0 : i32
          %dma_wait3A_260 = tpu.memref_slice %arg13[%mul3A_248, %dma_wait3A_259] : memref<10000x128xf32, #tpu.memory_space<hbm>> -> memref<80x128xf32, #tpu.memory_space<hbm>>
          tpu.wait_dma2 semaphore(%run_scoped3A : memref<!tpu.dma_semaphore, #tpu.memory_space<semaphore_mem>>) src(%arg15 : memref<80x128xf32, #tpu.memory_space<vmem>>) dst(%dma_wait3A_260 : memref<80x128xf32, #tpu.memory_space<hbm>>)
          tpu.yield
        }) : () -> ()
      } else {
      }
      %add3A_240 = arith.constant 112 : i32
      %add3A_241 = arith.addi %arg1, %add3A_240 : i32
      %lt3A_242 = arith.constant 125 : i32
      %lt3A_243 = arith.cmpi slt, %add3A_241, %lt3A_242 : i32
      %convert_element_type3A_244 = arith.extui %lt3A_243 : i1 to i32
      %cond3A_245 = arith.constant 0 : i32
      %cond3A_246 = arith.cmpi ne, %convert_element_type3A_244, %cond3A_245 : i32
      scf.if %cond3A_246 {
        %mul3A_247 = arith.constant 80 : i32
        %mul3A_248 = arith.muli %add3A_241, %mul3A_247 : i32
        "tpu.region"() ({
          %run_scoped3A = tpu.sem_alloc : memref<!tpu.dma_semaphore, #tpu.memory_space<semaphore_mem>>
          %dma_start3A_253 = tpu.memref_slice %arg9[%mul3A_248] : memref<10000xi32, #tpu.memory_space<hbm>> -> memref<80xi32, #tpu.memory_space<hbm>>
          %dma_start3A_254 = tpu.memref_slice %arg9[%mul3A_248] : memref<10000xi32, #tpu.memory_space<hbm>> -> memref<80xi32, #tpu.memory_space<hbm>>
          tpu.enqueue_dma source(%dma_start3A_254 : memref<80xi32, #tpu.memory_space<hbm>>) target(%arg19 : memref<80xi32, #tpu.memory_space<vmem>>) target_semaphore(%run_scoped3A : memref<!tpu.dma_semaphore, #tpu.memory_space<semaphore_mem>>)
          %dma_wait3A_255 = tpu.memref_slice %arg9[%mul3A_248] : memref<10000xi32, #tpu.memory_space<hbm>> -> memref<80xi32, #tpu.memory_space<hbm>>
          %dma_wait3A_256 = tpu.memref_slice %arg9[%mul3A_248] : memref<10000xi32, #tpu.memory_space<hbm>> -> memref<80xi32, #tpu.memory_space<hbm>>
          tpu.wait_dma2 semaphore(%run_scoped3A : memref<!tpu.dma_semaphore, #tpu.memory_space<semaphore_mem>>) src(%dma_wait3A_256 : memref<80xi32, #tpu.memory_space<hbm>>) dst(%arg19 : memref<80xi32, #tpu.memory_space<vmem>>)
          tpu.yield
        }) : () -> ()
        %dma_start3A = arith.constant 0 : i32
        %dma_start3A_249 = arith.constant 0 : i32
        %dma_start3A_250 = tpu.memref_slice %arg14[%dma_start3A, %dma_start3A_249] : memref<10000x128xf32, #tpu.memory_space<vmem_shared>> -> memref<10000x128xf32, #tpu.memory_space<vmem_shared>>
        tpu.enqueue_indirect_dma source(%dma_start3A_250 : memref<10000x128xf32, #tpu.memory_space<vmem_shared>>) target(%arg15 : memref<80x128xf32, #tpu.memory_space<vmem>>) offsets(%arg19 : memref<80xi32, #tpu.memory_space<vmem>>) semaphore(%arg20 : memref<!tpu.dma_semaphore, #tpu.memory_space<semaphore_mem>>)
        %dma_wait3A = arith.constant 0 : i32
        %dma_wait3A_251 = arith.constant 0 : i32
        %dma_wait3A_252 = tpu.memref_slice %arg14[%dma_wait3A, %dma_wait3A_251] : memref<10000x128xf32, #tpu.memory_space<vmem_shared>> -> memref<10000x128xf32, #tpu.memory_space<vmem_shared>>
        tpu.wait_indirect_dma semaphore(%arg20 : memref<!tpu.dma_semaphore, #tpu.memory_space<semaphore_mem>>) src(%dma_wait3A_252 : memref<10000x128xf32, #tpu.memory_space<vmem_shared>>) dst(%arg15 : memref<80x128xf32, #tpu.memory_space<vmem>>)
        "tpu.region"() ({
          %run_scoped3A = tpu.sem_alloc : memref<!tpu.dma_semaphore, #tpu.memory_space<semaphore_mem>>
          %dma_start3A_253 = arith.constant 0 : i32
          %dma_start3A_254 = tpu.memref_slice %arg13[%mul3A_248, %dma_start3A_253] : memref<10000x128xf32, #tpu.memory_space<hbm>> -> memref<80x128xf32, #tpu.memory_space<hbm>>
          %dma_start3A_255 = arith.constant 0 : i32
          %dma_start3A_256 = tpu.memref_slice %arg13[%mul3A_248, %dma_start3A_255] : memref<10000x128xf32, #tpu.memory_space<hbm>> -> memref<80x128xf32, #tpu.memory_space<hbm>>
          tpu.enqueue_dma source(%arg15 : memref<80x128xf32, #tpu.memory_space<vmem>>) target(%dma_start3A_256 : memref<80x128xf32, #tpu.memory_space<hbm>>) target_semaphore(%run_scoped3A : memref<!tpu.dma_semaphore, #tpu.memory_space<semaphore_mem>>)
          %dma_wait3A_257 = arith.constant 0 : i32
          %dma_wait3A_258 = tpu.memref_slice %arg13[%mul3A_248, %dma_wait3A_257] : memref<10000x128xf32, #tpu.memory_space<hbm>> -> memref<80x128xf32, #tpu.memory_space<hbm>>
          %dma_wait3A_259 = arith.constant 0 : i32
          %dma_wait3A_260 = tpu.memref_slice %arg13[%mul3A_248, %dma_wait3A_259] : memref<10000x128xf32, #tpu.memory_space<hbm>> -> memref<80x128xf32, #tpu.memory_space<hbm>>
          tpu.wait_dma2 semaphore(%run_scoped3A : memref<!tpu.dma_semaphore, #tpu.memory_space<semaphore_mem>>) src(%arg15 : memref<80x128xf32, #tpu.memory_space<vmem>>) dst(%dma_wait3A_260 : memref<80x128xf32, #tpu.memory_space<hbm>>)
          tpu.yield
        }) : () -> ()
      } else {
      }
    } else {
    }
    return
  }
}

</mosaic_0001>

<sc_bundles>
// kernel: _encode.3.cloned.1.call-start
scs
__scs_entry_jumppad:
0x0: {  	(pc) =	sbr.rel $0x88, $3  }
0x1: {  	(tag) =	ssettag $0x0;
	lr =	simm.s32 $0x1  }
0x2: {  	[smem:$0x3F9C] =	sst lr;
	_ =	strace $0xD0000000  }
0x3: {  	_ = 	snop  }
0x4: {  	_ = 	snop  }
0x5: {  	_ = 	snop  }
0x6: {  	_ = 	snop  }
0x7: {  	_ = 	snop  }
__scs_overlays_trampoline_lowered:
0x8: {  	[smem:$0x3FAB] =	sst s0  }
0x9: {  	[smem:$0x3FAC] =	sst s1  }
0xa: {  	[smem:$0x3FAD] =	sst s2  }
0xb: {  	[smem:$0x3FAE] =	sst s3  }
0xc: {  	[smem:$0x3FAF] =	sst s4  }
0xd: {  	[smem:$0x3FB0] =	sst s5  }
0xe: {  	[smem:$0x3FB1] =	sst s6  }
0xf: {  	[smem:$0x3FB2] =	sst s7  }
0x10: {  	[smem:$0x3FB3] =	sst s8  }
0x11: {  	[smem:$0x3FB4] =	sst s9;
	s0 =	simm.s32 @!p0 $0x0  }
0x12: {  	s1 =	sld [smem:$0x3F9A];
	s0 =	simm.s32 @p0 $0x1  }
0x13: {  	[smem:$0x3FB5] =	sst s0;
	s0 =	simm.s32 @!p1 $0x0  }
0x14: {  	s2 =	sld [smem:$0x3F99];
	s0 =	simm.s32 @p1 $0x1  }
0x15: {  	[smem:$0x3FB6] =	sst s0;
	s0 =	simm.s32 @!p2 $0x0  }
0x16: {  	s3 =	sld [smem:$0x3FDB];
	s0 =	simm.s32 @p2 $0x1  }
0x17: {  	s4 =	simm.s32 $0x1BF5;
	[smem:$0x3FB8] =	sst s0  }
0x18: {  	s0 =	sld [smem:$0x3F9B];
	_ =	swait.ge [sflag:s4], $0x0  }
0x19: {  	s7 =	sld [smem:$0x3F9C]  }
0x1a: {  	s8 =	sadd.s32 $0xFFFFE003, lr  }
0x1b: {  	s9 =	sadd.s32 $0xFFFFFEF7, lr;
	s5 =	simm.s32 $0xFFFFFFFF;
	p2 =	slt.u32 s8, $0xFFFFF086  }
0x1c: {  	p1 =	slt.u32 s9, $0xF7A;
	s5 =	simm.s32 @!p2 $0x0  }
0x1d: {  	s5 =	simm.s32 @p1 $0x1;
	p0 =	seq.s32 s7, s2  }
0x1e: {  	s7 =	smul.u32 @!p0 $0xF7A, s2;
	p2 =	seq.s32 @!p0 s5, $0x0  }
0x1f: {  	s9 =	smul.u32 $0xF7A, s1;
	s8 =	simm.s32 @!p0 $0x1BF5;
	p2 =	por !p2, p0  }
0x20: {  	[sflag:s8] =	ssyncset.s32 @!p0 $0xFFFFF086;
	s6 =	sadd.s32 @!p0 s3, s7;
	s7 =	simm.s32 @!p0 $0x108  }
0x21: {  	s3 =	sadd.s32 s3, s9;
	s6 =	sadd.s32 @!p0 $0x88, s6;
	s7 =	simm.s32 @p2 $0x1082  }
0x22: {  	[simem:s7], [sflag:s8] =	dma.local @!p0 [hbm:s6], $0xF7A  }
0x23: {  	s9 =	sor.u32 $0xD0000000, s2;
	s6 =	simm.s32 $0x108;
	_ =	swait.ge @!p0 [sflag:s8], $0x0  }
0x24: {  	s3 =	sadd.s32 $0x88, s3;
	s6 =	simm.s32 @!p1 $0x1082;
	[sflag:s4] =	ssyncset.s32 $0xFFFFF086  }
0x25: {  	[simem:s6], [sflag:s4] =	dma.local [hbm:s3], $0xF7A  }
0x26: {  	[smem:$0x3F9C] =	sst s1;
	(tag) =	ssettag s2;
	_ =	strace s9  }
0x27: {  	s1 =	sld [smem:$0x3FAC]  }
0x28: {  	s2 =	sld [smem:$0x3FAD]  }
0x29: {  	s4 =	sld [smem:$0x3FAF]  }
0x2a: {  	p0 =	seq.s32 s5, $0x0;
	s5 =	sld [smem:$0x3FB0]  }
0x2b: {  	s6 =	sld [smem:$0x3FB1]  }
0x2c: {  	s7 =	sld [smem:$0x3FB2]  }
0x2d: {  	s3 =	simm.s32 $0x108;
	s8 =	sld [smem:$0x3FB3]  }
0x2e: {  	s3 =	simm.s32 @!p0 $0x1082;
	s9 =	sld [smem:$0x3FB4]  }
0x2f: {  	lr =	sadd.s32 s0, s3;
	s0 =	sld [smem:$0x3FAB]  }
0x30: {  	s3 =	sld [smem:$0x3FAE]  }
0x31: {  	[smem:$0x3FB7] =	sst s10  }
0x32: {  	s10 =	sld [smem:$0x3FB5];
	_ =	sdelay $0x3  }
0x33: {  	p0 =	seq.s32 s10, $0x1;
	s10 =	sld [smem:$0x3FB7];
	_ =	sdelay $0x3  }
0x34: {  	[smem:$0x3FB7] =	sst s10  }
0x35: {  	s10 =	sld [smem:$0x3FB6];
	_ =	sdelay $0x3  }
0x36: {  	p1 =	seq.s32 s10, $0x1;
	s10 =	sld [smem:$0x3FB7];
	_ =	sdelay $0x3  }
0x37: {  	[smem:$0x3FB7] =	sst s10  }
0x38: {  	s10 =	sld [smem:$0x3FB8]  }
0x39: {  	_ = 	snop;
	(pc) =	sbr.ind lr, $3  }
0x3a: {  	_ = 	snop  }
0x3b: {  	_ = 	snop  }
0x3c: {  	p2 =	seq.s32 s10, $0x1;
	s10 =	sld [smem:$0x3FB7]  }
0x3d: {  	_ =	shalt  }
0x3e: {  	_ =	shalt  }
0x3f: {  	_ =	shalt  }
0x40: {  	_ =	shalt  }
0x41: {  	_ =	shalt  }
0x42: {  	_ =	shalt  }
0x43: {  	_ =	shalt  }
0x44: {  	_ =	shalt  }
0x45: {  	_ =	shalt  }
0x46: {  	_ =	shalt  }
0x47: {  	_ =	shalt  }
0x48: {  	_ =	shalt  }
0x49: {  	_ =	shalt  }
0x4a: {  	_ =	shalt  }
0x4b: {  	_ =	shalt  }
0x4c: {  	_ =	shalt  }
0x4d: {  	_ =	shalt  }
0x4e: {  	_ =	shalt  }
0x4f: {  	_ =	shalt  }
0x50: {  	_ =	shalt  }
0x51: {  	_ =	shalt  }
0x52: {  	_ =	shalt  }
0x53: {  	_ =	shalt  }
0x54: {  	_ =	shalt  }
0x55: {  	_ =	shalt  }
0x56: {  	_ =	shalt  }
0x57: {  	_ =	shalt  }
0x58: {  	_ =	shalt  }
0x59: {  	_ =	shalt  }
0x5a: {  	_ =	shalt  }
0x5b: {  	_ =	shalt  }
0x5c: {  	_ =	shalt  }
0x5d: {  	_ =	shalt  }
0x5e: {  	_ =	shalt  }
0x5f: {  	_ =	shalt  }
0x60: {  	_ =	shalt  }
0x61: {  	_ =	shalt  }
0x62: {  	_ =	shalt  }
0x63: {  	_ =	shalt  }
0x64: {  	_ =	shalt  }
0x65: {  	_ =	shalt  }
0x66: {  	_ =	shalt  }
0x67: {  	_ =	shalt  }
0x68: {  	_ =	shalt  }
0x69: {  	_ =	shalt  }
0x6a: {  	_ =	shalt  }
0x6b: {  	_ =	shalt  }
0x6c: {  	_ =	shalt  }
0x6d: {  	_ =	shalt  }
0x6e: {  	_ =	shalt  }
0x6f: {  	_ =	shalt  }
0x70: {  	_ =	shalt  }
0x71: {  	_ =	shalt  }
0x72: {  	_ =	shalt  }
0x73: {  	_ =	shalt  }
0x74: {  	_ =	shalt  }
0x75: {  	_ =	shalt  }
0x76: {  	_ =	shalt  }
0x77: {  	_ =	shalt  }
0x78: {  	_ =	shalt  }
0x79: {  	_ =	shalt  }
0x7a: {  	_ =	shalt  }
0x7b: {  	_ =	shalt  }
0x7c: {  	_ =	shalt  }
0x7d: {  	_ =	shalt  }
0x7e: {  	_ =	shalt  }
0x7f: {  	_ =	shalt  }
0x80: {  	_ =	shalt  }
0x81: {  	_ =	shalt  }
0x82: {  	_ =	shalt  }
0x83: {  	_ =	shalt  }
0x84: {  	_ =	shalt  }
0x85: {  	_ =	shalt  }
0x86: {  	_ =	shalt  }
0x87: {  	_ =	shalt  }
.Lfunc_end0:
.L_simem_size_0:
called_computation_lowered:
.L_overlay_start_0:
0x88: {  	s2 =	sld [smem:$0x3FD9]  }
0x89: {  	s3 =	sld [smem:$0x3FFE];
	_ =	sdelay $0x1  }
0x8a: {  	s1 =	srdreg.scid  }
0x8b: {  	s0 =	sand.u32 $0x1, s1  }
0x8c: {  	s30 =	sshll.u32 s0, $0xA;
	s2 =	sadd.s32 s3, s2  }
0x8d: {  	s2 =	sadd.s32 s2, s30  }
0x8e: {  	[smem:$0x3FC3] =	sst s2  }
0x8f: {  	_ = 	snop  }
0x90: {  	s2 =	sld [smem:$0x3FC9]  }
0x91: {  	s31 =	sld [smem:$0x3FC8]  }
0x92: {  	s4 =	sld [smem:$0x3FD0]  }
0x93: {  	s5 =	sld [smem:$0x3FC7]  }
0x94: {  	s6 =	sld [smem:$0x3FC6]  }
0x95: {  	s8 =	simm.s32 $0xA;
	s9 =	simm.s32 $0x10;
	s7 =	sld [smem:$0x3FC5]  }
0x96: {  	[smem:s9], [sflag:s8] =	dma.local [hbm:s4], $0x1  }
0x97: {  	_ =	swait.eq [sflag:s8], $0x1  }
0x98: {  	s16 =	sld [smem:$0x10]  }
0x99: {  	s17 =	sld [smem:$0x11];
	[sflag:s8] =	ssyncset.done $0x0  }
0x9a: {  	s10 =	sld [smem:$0x12];
	[sflag:s8] =	ssyncadd.s32 $0xFFFFFFFF  }
0x9b: {  	s18 =	sld [smem:$0x13];
	(tm) =	ssettm $0x1  }
0x9c: {  	s11 =	sld [smem:$0x3FFB];
	_ =	sdelay $0x3  }
0x9d: {  	_ =	strace s11  }
0x9e: {  	s11 =	sld [smem:$0x3FFC];
	_ =	sdelay $0x3  }
0x9f: {  	_ =	strace s11  }
0xa0: {  	s11 =	sld [smem:$0x3FFD];
	_ =	sdelay $0x3  }
0xa1: {  	_ =	strace s11  }
0xa2: {  	_ =	strace $0x8FFFFFFF  }
0xa3: {  	s19 =	sld [smem:$0x3FDB];
	_ =	sdelay $0x1  }
0xa4: {  	s12 =	simm.s32 $_scs_section_size  }
0xa5: {  	s13 =	simm.s32 $_size__tile_overlayer_lowered;
	s14 =	simm.s32 $_tile_overlayer_lowered  }
0xa6: {  	s22 =	simm.s32 $0x1BFF;
	s21 =	sshll.u32 s14, $0x1;
	s11 =	sadd.s32 s12, s19  }
0xa7: {  	s15 =	simm.s32 $0x0;
	s20 =	sshll.u32 s13, $0x1;
	s13 =	sadd.s32 s21, s11  }
0xa8: {  	[timem:s15], [sflag:s22] =	dma.local [hbm:s13], s20  }
0xa9: {  	_ =	swait.ge [sflag:s22], s20  }
0xaa: {  	s12 =	ssub.s32 $0x0, s20;
	[sflag:s22] =	ssyncset.done $0x0  }
0xab: {  	[sflag:s22] =	ssyncadd.s32 s12;
	_ =	sdelay $0x1  }
0xac: {  	s23 =	simm.s32 $0x1B8B  }
0xad: {  	_ =	swait.ge [sflag:s23], $0x1  }
0xae: {  	[sflag:s23] =	ssyncset.done $0x0  }
0xaf: {  	s25 =	simm.s32 $0x1B8E;
	s24 =	sld [smem:$0x3FFE];
	[sflag:s23] =	ssyncadd.s32 $0xFFFFFFFF  }
0xb0: {  	s26 =	simm.s32 $execute0_lowered;
	[smem:$0x3FD2] =	sst s25  }
0xb1: {  	s13 =	sshll.u32 s26, $0x1;
	_ =	strace $0x80000046;
	[dreg:$0x1] =	wrdreg $0xFFFFFFFF  }
0xb2: {  	s28 =	simm.s32 $_size_execute0_lowered;
	s11 =	sadd.s32 s11, s13;
	[dreg:$0x0] =	wrdreg $0x0  }
0xb3: {  	s13 =	sshll.u32 s28, $0x1;
	[dreg:$0x2] =	wrdreg s11  }
0xb4: {  	[dreg:$0x3] =	wrdreg s13  }
0xb5: {  	[dreg:$0x4] =	wrdreg $0xC0  }
0xb6: {  	_ =	task [dreg:s15], $0x5FFFF  }
0xb7: {  	[dreg:$0x1] =	wrdreg $0xFFFFFFFF  }
0xb8: {  	[dreg:$0x0] =	wrdreg $0x60  }
0xb9: {  	[dreg:$0x2] =	wrdreg s2  }
0xba: {  	[dreg:$0x3] =	wrdreg s31  }
0xbb: {  	[dreg:$0x4] =	wrdreg s5  }
0xbc: {  	[dreg:$0x5] =	wrdreg s6  }
0xbd: {  	[dreg:$0x6] =	wrdreg s7  }
0xbe: {  	[dreg:$0x7] =	wrdreg s24  }
0xbf: {  	[dreg:$0x8] =	wrdreg s16  }
0xc0: {  	[dreg:$0x9] =	wrdreg s17  }
0xc1: {  	[dreg:$0xa] =	wrdreg s10  }
0xc2: {  	[dreg:$0xb] =	wrdreg s18  }
0xc3: {  	[dreg:$0xc] =	wrdreg $0x0  }
0xc4: {  	[dreg:$0xd] =	wrdreg $0x9  }
0xc5: {  	_ =	task.clear_ibuf [dreg:s15], $0xEFFFF;
	_ =	strace $0x90000046  }
0xc6: {  	s29 =	simm.s32 $0x9;
	_ =	strace $0x80000048  }
0xc7: {  	_ =	swait.ge [sflag:s29], $0x1  }
0xc8: {  	[sflag:s29] =	ssyncadd.s32 $0xFFFFFFFF  }
0xc9: {  	_ =	strace $0x90000048  }
0xca: {  	_ =	sfence  }
0xcb: {  	s30 =	sld [smem:$0x0];
	_ =	sdelay $0x2  }
0xcc: {  	s31 =	sshll.u32 s1, $0xD;
	s1 =	sshrl.u32 s1, $0x2  }
0xcd: {  	s3 =	sand.u32 $0x4000, s31;
	s1 =	sadd.s32 s1, s30  }
0xce: {  	s0 =	sor.u32 s3, s0;
	s1 =	sshll.u32 s1, $0x11  }
0xcf: {  	s0 =	sor.u32 s1, s0  }
0xd0: {  	s0 =	sadd.s32 $0x8F2B, s0  }
0xd1: {  	[sflag:s0] =	ssyncadd.remote.s32 $0x1  }
0xd2: {  	_ =	sfence.sel $0xFFFF  }
0xd3: {  	[dreg:$0x0] =	wrdreg $0xFFFFFFFF;
	(pc) =	sbr.abs _section_cstart, $3  }
0xd4: {  	[dreg:$0x1] =	wrdreg $0xFFFFFFFF  }
0xd5: {  	_ =	task.clear_ibuf [dreg:s15], $0x2FFFF;
	_ =	strace $0x9FFFFFFF  }
0xd6: {  	(tm) =	ssettm $0x7FFFFFFF  }
0xd7: {  	_ =	shalt  }
tec
execute0_lowered:
.L_overlay_start_1:
0x0: {  	(tag) =	ssettag $0x1  }
0x1: {  	s31 =	stileid.u32  }
0x2: {  	s4 =	smul.u32 $0xA, s31;
	s5 =	sor.u32 $0x10, s31  }
0x3: {  	s7 =	sor.u32 $0x20, s31;
	s6 =	smul.u32 $0xA, s5  }
0x4: {  	s0 =	rddreg [dreg:$0x0];
	s9 =	sor.u32 $0x30, s31;
	s8 =	smul.u32 $0xA, s7  }
0x5: {  	s2 =	rddreg [dreg:$0x2];
	s11 =	sor.u32 $0x40, s31;
	s10 =	smul.u32 $0xA, s9  }
0x6: {  	s17 =	rddreg [dreg:$0x4];
	s16 =	sor.u32 $0x50, s31;
	s15 =	smul.u32 $0xA, s11  }
0x7: {  	s20 =	rddreg [dreg:$0x5];
	s19 =	sor.u32 $0x60, s31;
	s18 =	smul.u32 $0xA, s16  }
0x8: {  	s21 =	rddreg [dreg:$0x6];
	s23 =	smul.u32 $0xA, s19  }
0x9: {  	s12 =	rddreg [dreg:$0x7];
	s24 =	smul.u32 $0x500, s5  }
0xa: {  	s3 =	simm.s32 $0x0;
	s1 =	srdreg.scid;
	s25 =	smul.u32 $0x500, s7  }
0xb: {  	s14 =	sand.u32 $0x1, s1;
	[smem:$0x7FF] =	sst s3;
	s26 =	smul.u32 $0x500, s9  }
0xc: {  	s28 =	sor.u32 $0x70, s31;
	s1 =	ssub.s32 $0x2, s14;
	s29 =	smul.u32 $0x500, s11  }
0xd: {  	p0 =	seq.s32 s14, $0x1;
	s30 =	smul.u32 $0x500, s19;
	s22 =	sshrl.u32 s1, $0x1  }
0xe: {  	s19 =	rddreg [dreg:$0x3];
	s13 =	ssub.s32 s1, s22;
	s1 =	sadd.s32 $0x600, s20  }
0xf: {  	s22 =	smul.u32 $0x500, s16;
	s16 =	rddreg [dreg:$0x1];
	s5 =	sadd.s32 s1, s6  }
0x10: {  	s6 =	sadd.s32 s1, s8;
	s8 =	sadd.s32 s1, s15;
	s15 =	smul.u32 $0xA, s28  }
0x11: {  	s4 =	sadd.s32 s1, s4;
	s9 =	sadd.s32 s1, s18;
	s18 =	smul.u32 $0x9C4, s31  }
0x12: {  	s7 =	sadd.s32 s1, s10;
	s10 =	sadd.s32 s1, s23;
	s23 =	rddreg [dreg:$0x8]  }
0x13: {  	s11 =	sadd.s32 s1, s15;
	s1 =	rddreg [dreg:$0x9];
	s14 =	sadd.s32 s18, s2  }
0x14: {  	s15 =	rddreg [dreg:$0xa];
	s16 =	sadd.s32 s18, s16;
	s17 =	sadd.s32 s18, s17  }
0x15: {  	s18 =	sadd.s32 s18, s19;
	_ =	strace $0x80000047;
	s19 =	sadd.s32 $0x1200, s20  }
0x16: {  	s2 =	smul.u32 $0x500, s31;
	s20 =	sadd.s32 $0xC00, s20;
	[dreg:$0x16] =	wrdreg s19  }
0x17: {  	[dreg:$0xc] =	wrdreg s20;
	s19 =	sadd.s32 s1, s26  }
0x18: {  	s20 =	smul.u32 $0x500, s28;
	s28 =	sadd.s32 s21, s2;
	[smem:$0x7F6] =	sst s19  }
0x19: {  	[dreg:$0xe] =	wrdreg s28  }
0x1a: {  	s28 =	sadd.s32 s21, s24;
	[dreg:$0xd] =	wrdreg s20  }
0x1b: {  	[dreg:$0xf] =	wrdreg s28;
	s28 =	sadd.s32 s21, s25  }
0x1c: {  	[dreg:$0x10] =	wrdreg s28;
	s28 =	sadd.s32 s21, s26  }
0x1d: {  	[dreg:$0x11] =	wrdreg s28;
	s28 =	sadd.s32 s21, s29  }
0x1e: {  	[dreg:$0x12] =	wrdreg s28;
	s28 =	sadd.s32 s21, s22  }
0x1f: {  	[dreg:$0x13] =	wrdreg s28;
	s28 =	sadd.s32 s21, s30  }
0x20: {  	s21 =	sadd.s32 s21, s20;
	[dreg:$0x14] =	wrdreg s28  }
0x21: {  	[dreg:$0x15] =	wrdreg s21;
	s21 =	sadd.s32 s23, s2  }
0x22: {  	[dreg:$0x17] =	wrdreg s21;
	s21 =	sadd.s32 s23, s24  }
0x23: {  	[dreg:$0x18] =	wrdreg s21;
	s21 =	sadd.s32 s23, s25  }
0x24: {  	[dreg:$0x19] =	wrdreg s21;
	s21 =	sadd.s32 s23, s26  }
0x25: {  	[dreg:$0x1a] =	wrdreg s21;
	s21 =	sadd.s32 s23, s29  }
0x26: {  	[dreg:$0x1b] =	wrdreg s21;
	s21 =	sadd.s32 s23, s22  }
0x27: {  	[dreg:$0x1c] =	wrdreg s21;
	s21 =	sadd.s32 s23, s30  }
0x28: {  	[dreg:$0x1d] =	wrdreg s21;
	s21 =	sadd.s32 s23, s20  }
0x29: {  	s23 =	sadd.s32 s12, s2;
	[dreg:$0x1e] =	wrdreg s21  }
0x2a: {  	s2 =	sadd.s32 s1, s2;
	[dreg:$0x1f] =	wrdreg s23  }
0x2b: {  	s20 =	sadd.s32 s12, s24;
	[smem:$0x7F0] =	sst s2  }
0x2c: {  	[smem:$0x7F1] =	sst s20;
	s21 =	sadd.s32 s1, s24  }
0x2d: {  	p1 =	sgt.u32 s31, $0xC;
	s23 =	sadd.s32 s12, s25;
	[smem:$0x7F2] =	sst s21  }
0x2e: {  	p2 =	slt.u32 s31, $0xD;
	s24 =	sadd.s32 s1, s25;
	[smem:$0x7F3] =	sst s23  }
0x2f: {  	s31 =	simm.s32 $0x50;
	s25 =	sadd.s32 s12, s26;
	[smem:$0x7F4] =	sst s24  }
0x30: {  	s28 =	simm.s32 $0x13880;
	s20 =	sadd.s32 s12, s29;
	[smem:$0x7F5] =	sst s25  }
0x31: {  	s26 =	smax.u32 s13, $0x1;
	s2 =	simm.s32 $0x16100;
	[smem:$0x7F7] =	sst s20  }
0x32: {  	s13 =	simm.s32 $0x16180;
	s21 =	sadd.s32 s1, s29;
	[smem:$0x7FD] =	sst s26  }
.Ltmp0:
0x33: {  	s23 =	sadd.s32 s12, s22;
	[smem:$0x7F8] =	sst s21;
	(pc) =	sbr.rel .LBB2_1-.Ltmp0, $4  }
0x34: {  	s24 =	sadd.s32 s1, s22;
	s25 =	sadd.s32 s12, s30;
	[smem:$0x7F9] =	sst s23  }
0x35: {  	s1 =	sadd.s32 s1, s30;
	s29 =	simm.s32 $0x2;
	[smem:$0x7FA] =	sst s24  }
0x36: {  	s30 =	simm.s32 $0x18980;
	s12 =	simm.s32 $0x1;
	[smem:$0x7FB] =	sst s25  }
0x37: {  	s22 =	simm.s32 $0x0;
	[smem:$0x7FC] =	sst s1;
	s1 =	simm.s32 $0x16080  }
.LBB2_12:
0x38: {  	[tilespmem:s30], [sflag:$0x2] =	stream.linear.gather [hbm4b:s11+s3], $0x50, $0x38;
	[tilespmem:$0x18A00] =	vst v63  }
0x39: {  	_ =	swait.ge [sflag:s29], $0x50  }
0x3a: {  	[sflag:s29] =	ssyncset.done $0x0  }
0x3b: {  	[sflag:s29] =	ssyncadd.s32 $0xFFFFFFB0  }
0x3c: {  	[tilespmem:s28], [sflag:$0x1] =	stream.indirect.gather [spmem:s15], $0x80, s30, s31, $0xb8;
	[tilespmem:$0x18A00] =	vst v63  }
0x3d: {  	_ =	swait.ge [sflag:s12], $0x2800  }
0x3e: {  	[sflag:s12] =	ssyncset.done $0x0;
	s21 =	rddreg [dreg:$0xd]  }
0x3f: {  	s20 =	sadd.s32 s20, s21;
	[sflag:s12] =	ssyncadd.s32 $0xFFFFD800  }
0x40: {  	[hbm4b:s20+s3] =	stream.linear.scatter [tilespmem:s28], [sflag:$0x2], $0x2800, $0x38;
	[tilespmem:$0x18A00] =	vst v63  }
0x41: {  	_ =	swait.ge [sflag:s29], $0x2800  }
0x42: {  	[sflag:s29] =	ssyncset.done $0x0  }
0x43: {  	[sflag:s29] =	ssyncadd.s32 $0xFFFFD800  }
.LBB2_13:
0x44: {  	s19 =	sld [smem:$0x7FD];
	_ =	sdelay $0x1  }
0x45: {  	s22 =	sadd.s32 $0x1, s22  }
0x46: {  	p3 =	sne.s32 s22, s19  }
.Ltmp1:
0x47: {  	_ = 	snop;
	(pc) =	sbr.rel @!p3 .LBB2_14-.Ltmp1, $1  }
0x48: {  	_ =	sdelay $0x3  }
.LBB2_1:
0x49: {  	s19 =	rddreg [dreg:$0x16]  }
0x4a: {  	[tilespmem:s28], [sflag:$0x2] =	stream.linear.gather [hbm4b:s19+s3], $0x2800, $0x38;
	[tilespmem:$0x18A00] =	vst v63  }
0x4b: {  	_ =	swait.ge [sflag:s29], $0x2800  }
0x4c: {  	[sflag:s29] =	ssyncset.done $0x0  }
0x4d: {  	[sflag:s29] =	ssyncadd.s32 $0xFFFFD800  }
0x4e: {  	[tilespmem:s30], [sflag:$0x2] =	stream.linear.gather [hbm4b:s4+s3], $0x50, $0x38;
	[tilespmem:$0x18A00] =	vst v63  }
0x4f: {  	_ =	swait.ge [sflag:s29], $0x50  }
0x50: {  	[sflag:s29] =	ssyncset.done $0x0  }
0x51: {  	[sflag:s29] =	ssyncadd.s32 $0xFFFFFFB0  }
0x52: {  	[spmem:s15] =	stream.indirect.scatter [tilespmem:s28], [sflag:$0x1], $0x80, s30, s31, $0xb8;
	[tilespmem:$0x18A00] =	vst v63  }
0x53: {  	_ =	swait.ge [sflag:s12], $0x2800  }
0x54: {  	[sflag:s12] =	ssyncset.done $0x0  }
0x55: {  	[sflag:s12] =	ssyncadd.s32 $0xFFFFD800  }
0x56: {  	[tilespmem:s30], [sflag:$0x2] =	stream.linear.gather [hbm4b:s5+s3], $0x50, $0x38;
	[tilespmem:$0x18A00] =	vst v63  }
0x57: {  	_ =	swait.ge [sflag:s29], $0x50  }
0x58: {  	[sflag:s29] =	ssyncset.done $0x0  }
0x59: {  	[sflag:s29] =	ssyncadd.s32 $0xFFFFFFB0  }
0x5a: {  	[spmem:s15] =	stream.indirect.scatter [tilespmem:s28], [sflag:$0x1], $0x80, s30, s31, $0xb8;
	[tilespmem:$0x18A00] =	vst v63  }
0x5b: {  	_ =	swait.ge [sflag:s12], $0x2800  }
0x5c: {  	[sflag:s12] =	ssyncset.done $0x0  }
0x5d: {  	[sflag:s12] =	ssyncadd.s32 $0xFFFFD800  }
0x5e: {  	[tilespmem:s30], [sflag:$0x2] =	stream.linear.gather [hbm4b:s6+s3], $0x50, $0x38;
	[tilespmem:$0x18A00] =	vst v63  }
0x5f: {  	_ =	swait.ge [sflag:s29], $0x50  }
0x60: {  	[sflag:s29] =	ssyncset.done $0x0  }
0x61: {  	[sflag:s29] =	ssyncadd.s32 $0xFFFFFFB0  }
0x62: {  	[spmem:s15] =	stream.indirect.scatter [tilespmem:s28], [sflag:$0x1], $0x80, s30, s31, $0xb8;
	[tilespmem:$0x18A00] =	vst v63  }
0x63: {  	_ =	swait.ge [sflag:s12], $0x2800  }
0x64: {  	[sflag:s12] =	ssyncset.done $0x0  }
0x65: {  	[sflag:s12] =	ssyncadd.s32 $0xFFFFD800  }
0x66: {  	[tilespmem:s30], [sflag:$0x2] =	stream.linear.gather [hbm4b:s7+s3], $0x50, $0x38;
	[tilespmem:$0x18A00] =	vst v63  }
0x67: {  	_ =	swait.ge [sflag:s29], $0x50  }
0x68: {  	[sflag:s29] =	ssyncset.done $0x0  }
0x69: {  	[sflag:s29] =	ssyncadd.s32 $0xFFFFFFB0  }
0x6a: {  	[spmem:s15] =	stream.indirect.scatter [tilespmem:s28], [sflag:$0x1], $0x80, s30, s31, $0xb8;
	[tilespmem:$0x18A00] =	vst v63  }
0x6b: {  	_ =	swait.ge [sflag:s12], $0x2800  }
0x6c: {  	[sflag:s12] =	ssyncset.done $0x0  }
0x6d: {  	[sflag:s12] =	ssyncadd.s32 $0xFFFFD800  }
0x6e: {  	[tilespmem:s30], [sflag:$0x2] =	stream.linear.gather [hbm4b:s8+s3], $0x50, $0x38;
	[tilespmem:$0x18A00] =	vst v63  }
0x6f: {  	_ =	swait.ge [sflag:s29], $0x50  }
0x70: {  	[sflag:s29] =	ssyncset.done $0x0  }
0x71: {  	[sflag:s29] =	ssyncadd.s32 $0xFFFFFFB0  }
0x72: {  	[spmem:s15] =	stream.indirect.scatter [tilespmem:s28], [sflag:$0x1], $0x80, s30, s31, $0xb8;
	[tilespmem:$0x18A00] =	vst v63  }
0x73: {  	_ =	swait.ge [sflag:s12], $0x2800  }
0x74: {  	[sflag:s12] =	ssyncset.done $0x0  }
0x75: {  	[sflag:s12] =	ssyncadd.s32 $0xFFFFD800  }
0x76: {  	[tilespmem:s30], [sflag:$0x2] =	stream.linear.gather [hbm4b:s9+s3], $0x50, $0x38;
	[tilespmem:$0x18A00] =	vst v63  }
0x77: {  	_ =	swait.ge [sflag:s29], $0x50  }
0x78: {  	[sflag:s29] =	ssyncset.done $0x0  }
0x79: {  	[sflag:s29] =	ssyncadd.s32 $0xFFFFFFB0  }
0x7a: {  	[spmem:s15] =	stream.indirect.scatter [tilespmem:s28], [sflag:$0x1], $0x80, s30, s31, $0xb8;
	[tilespmem:$0x18A00] =	vst v63  }
0x7b: {  	_ =	swait.ge [sflag:s12], $0x2800  }
0x7c: {  	[sflag:s12] =	ssyncset.done $0x0  }
0x7d: {  	[sflag:s12] =	ssyncadd.s32 $0xFFFFD800  }
0x7e: {  	[tilespmem:s30], [sflag:$0x2] =	stream.linear.gather [hbm4b:s10+s3], $0x50, $0x38;
	[tilespmem:$0x18A00] =	vst v63  }
0x7f: {  	_ =	swait.ge [sflag:s29], $0x50  }
0x80: {  	[sflag:s29] =	ssyncset.done $0x0  }
.Ltmp2:
0x81: {  	[sflag:s29] =	ssyncadd.s32 $0xFFFFFFB0;
	(pc) =	sbr.rel @!p0 .LBB2_2-.Ltmp2, $4  }
0x82: {  	[spmem:s15] =	stream.indirect.scatter [tilespmem:s28], [sflag:$0x1], $0x80, s30, s31, $0xb8;
	[tilespmem:$0x18A00] =	vst v63  }
0x83: {  	_ =	swait.ge [sflag:s12], $0x2800  }
0x84: {  	[sflag:s12] =	ssyncset.done $0x0  }
0x85: {  	[sflag:s12] =	ssyncadd.s32 $0xFFFFD800  }
0x86: {  	s20 =	simm.s32 @!p1 $0x0;
	s21 =	simm.s32 @!p1 $0x18980  }
0x87: {  	[tilespmem:s21], [sflag:$0x2] =	stream.linear.gather @!p1 [hbm4b:s11+s20], $0x50, $0x38;
	[tilespmem:$0x18A00] =	vst v63  }
0x88: {  	s20 =	simm.s32 @!p1 $0x2  }
0x89: {  	_ =	swait.ge @!p1 [sflag:s20], $0x50  }
0x8a: {  	[sflag:s20] =	ssyncset.done @!p1 $0x0  }
0x8b: {  	s23 =	simm.s32 @!p1 $0x13880;
	[sflag:s20] =	ssyncadd.s32 @!p1 $0xFFFFFFB0;
	s20 =	simm.s32 @!p1 $0x50  }
0x8c: {  	[spmem:s15] =	stream.indirect.scatter @!p1 [tilespmem:s23], [sflag:$0x1], $0x80, s21, s20, $0xb8;
	[tilespmem:$0x18A00] =	vst v63  }
0x8d: {  	s20 =	simm.s32 @!p1 $0x1  }
0x8e: {  	_ =	swait.ge @!p1 [sflag:s20], $0x2800  }
0x8f: {  	[sflag:s20] =	ssyncset.done @!p1 $0x0  }
0x90: {  	[sflag:s20] =	ssyncadd.s32 @!p1 $0xFFFFD800  }
0x91: {  	s25 =	sadd.s32 $0x0, s18;
	[bflag:$0x0] =	sbarrier.arrive $0xFFFF  }
0x92: {  	[tilespmem:s1], [sflag:$0x2] =	stream.linear.gather [hbm4b:s25+s3], $0x50, $0x38;
	[tilespmem:$0x18A00] =	vst v63  }
0x93: {  	_ =	swait.ge [sflag:s29], $0x50  }
0x94: {  	[sflag:s29] =	ssyncset.done $0x0  }
0x95: {  	[sflag:s29] =	ssyncadd.s32 $0xFFFFFFB0  }
0x96: {  	[tilespmem:s28], [sflag:$0x1] =	stream.indirect.gather [hbm4b:s0+s31], $0x80, s1, s31, $0xb8;
	[tilespmem:$0x18A00] =	vst v63  }
0x97: {  	_ =	swait.ge [sflag:s12], $0x2800  }
0x98: {  	[sflag:s12] =	ssyncset.done $0x0  }
0x99: {  	s26 =	sadd.s32 $0x0, s17;
	[sflag:s12] =	ssyncadd.s32 $0xFFFFD800  }
0x9a: {  	[tilespmem:s2], [sflag:$0x2] =	stream.linear.gather [hbm4b:s26+s3], $0x50, $0x38;
	[tilespmem:$0x18A00] =	vst v63  }
0x9b: {  	_ =	swait.ge [sflag:s29], $0x50  }
0x9c: {  	[sflag:s29] =	ssyncset.done $0x0  }
0x9d: {  	[sflag:s29] =	ssyncadd.s32 $0xFFFFFFB0  }
0x9e: {  	[spmem:s15] =	stream.indirect.scatter.add.f32 [tilespmem:s28], [sflag:$0x2], $0x80, s2, s31, $0xb8;
	[tilespmem:$0x18A00] =	vst v63  }
0x9f: {  	_ =	swait.ge [sflag:s29], $0x2800  }
0xa0: {  	s21 =	simm.s32 $0x14;
	s20 =	simm.s32 $0xA;
	[sflag:s29] =	ssyncset.done $0x0  }
.LBB2_8:
0xa1: {  	s23 =	sadd.s32 s20, s18  }
0xa2: {  	[sflag:s29] =	ssyncadd.s32 $0xFFFFD800;
	s24 =	smov.u32 s21;
	s25 =	sadd.s32 $0xA, s21  }
0xa3: {  	[tilespmem:s1], [sflag:$0x2] =	stream.linear.gather [hbm4b:s23+s3], $0x50, $0x38;
	[tilespmem:$0x18A00] =	vst v63  }
0xa4: {  	p3 =	sne.s32 s21, $0x9BA;
	_ =	swait.ge [sflag:s29], $0x50  }
0xa5: {  	[sflag:s29] =	ssyncset.done $0x0  }
0xa6: {  	[sflag:s29] =	ssyncadd.s32 $0xFFFFFFB0  }
0xa7: {  	[tilespmem:s28], [sflag:$0x1] =	stream.indirect.gather [hbm4b:s0+s31], $0x80, s1, s31, $0xb8;
	[tilespmem:$0x18A00] =	vst v63  }
0xa8: {  	_ =	swait.ge [sflag:s12], $0x2800  }
0xa9: {  	[sflag:s12] =	ssyncset.done $0x0  }
0xaa: {  	s21 =	sadd.s32 s20, s17;
	s20 =	smov.u32 s24;
	[sflag:s12] =	ssyncadd.s32 $0xFFFFD800  }
0xab: {  	[tilespmem:s2], [sflag:$0x2] =	stream.linear.gather [hbm4b:s21+s3], $0x50, $0x38;
	[tilespmem:$0x18A00] =	vst v63  }
0xac: {  	_ =	swait.ge [sflag:s29], $0x50  }
.Ltmp3:
0xad: {  	[sflag:s29] =	ssyncset.done $0x0;
	(pc) =	sbr.rel @p3 .LBB2_8-.Ltmp3, $4  }
0xae: {  	[sflag:s29] =	ssyncadd.s32 $0xFFFFFFB0  }
0xaf: {  	[spmem:s15] =	stream.indirect.scatter.add.f32 [tilespmem:s28], [sflag:$0x2], $0x80, s2, s31, $0xb8;
	[tilespmem:$0x18A00] =	vst v63  }
0xb0: {  	_ =	swait.ge [sflag:s29], $0x2800  }
0xb1: {  	s21 =	smov.u32 s25;
	[sflag:s29] =	ssyncset.done $0x0  }
0xb2: {  	s21 =	sadd.s32 s20, s18;
	[sflag:s29] =	ssyncadd.s32 $0xFFFFD800  }
0xb3: {  	[tilespmem:s1], [sflag:$0x2] =	stream.linear.gather [hbm4b:s21+s3], $0x50, $0x38;
	[tilespmem:$0x18A00] =	vst v63  }
0xb4: {  	_ =	swait.ge [sflag:s29], $0x50  }
0xb5: {  	[sflag:s29] =	ssyncset.done $0x0  }
0xb6: {  	[sflag:s29] =	ssyncadd.s32 $0xFFFFFFB0  }
0xb7: {  	[tilespmem:s28], [sflag:$0x1] =	stream.indirect.gather [hbm4b:s0+s31], $0x80, s1, s31, $0xb8;
	[tilespmem:$0x18A00] =	vst v63  }
0xb8: {  	_ =	swait.ge [sflag:s12], $0x2800  }
0xb9: {  	[sflag:s12] =	ssyncset.done $0x0  }
0xba: {  	s23 =	sadd.s32 s20, s17;
	[sflag:s12] =	ssyncadd.s32 $0xFFFFD800  }
0xbb: {  	[tilespmem:s2], [sflag:$0x2] =	stream.linear.gather [hbm4b:s23+s3], $0x50, $0x38;
	[tilespmem:$0x18A00] =	vst v63  }
0xbc: {  	_ =	swait.ge [sflag:s29], $0x50  }
0xbd: {  	[sflag:s29] =	ssyncset.done $0x0  }
0xbe: {  	[sflag:s29] =	ssyncadd.s32 $0xFFFFFFB0  }
0xbf: {  	[spmem:s15] =	stream.indirect.scatter.add.f32 [tilespmem:s28], [sflag:$0x2], $0x80, s2, s31, $0xb8;
	[tilespmem:$0x18A00] =	vst v63  }
0xc0: {  	_ =	swait.ge [sflag:s29], $0x2800  }
0xc1: {  	[sflag:s29] =	ssyncset.done $0x0  }
0xc2: {  	[sflag:s29] =	ssyncadd.s32 $0xFFFFD800  }
0xc3: {  	[bflag:$0x0] =	sbarrier.arrive $0xFFFF  }
0xc4: {  	[tilespmem:s30], [sflag:$0x2] =	stream.linear.gather [hbm4b:s4+s3], $0x50, $0x38;
	[tilespmem:$0x18A00] =	vst v63  }
0xc5: {  	_ =	swait.ge [sflag:s29], $0x50  }
0xc6: {  	[sflag:s29] =	ssyncset.done $0x0  }
0xc7: {  	[sflag:s29] =	ssyncadd.s32 $0xFFFFFFB0  }
0xc8: {  	[tilespmem:s28], [sflag:$0x1] =	stream.indirect.gather [spmem:s15], $0x80, s30, s31, $0xb8;
	[tilespmem:$0x18A00] =	vst v63  }
0xc9: {  	_ =	swait.ge [sflag:s12], $0x2800  }
0xca: {  	[sflag:s12] =	ssyncset.done $0x0  }
0xcb: {  	s19 =	rddreg [dreg:$0x17];
	[sflag:s12] =	ssyncadd.s32 $0xFFFFD800  }
0xcc: {  	[hbm4b:s19+s3] =	stream.linear.scatter [tilespmem:s28], [sflag:$0x2], $0x2800, $0x38;
	[tilespmem:$0x18A00] =	vst v63  }
0xcd: {  	_ =	swait.ge [sflag:s29], $0x2800  }
0xce: {  	[sflag:s29] =	ssyncset.done $0x0  }
0xcf: {  	[sflag:s29] =	ssyncadd.s32 $0xFFFFD800  }
0xd0: {  	[tilespmem:s30], [sflag:$0x2] =	stream.linear.gather [hbm4b:s5+s3], $0x50, $0x38;
	[tilespmem:$0x18A00] =	vst v63  }
0xd1: {  	_ =	swait.ge [sflag:s29], $0x50  }
0xd2: {  	[sflag:s29] =	ssyncset.done $0x0  }
0xd3: {  	[sflag:s29] =	ssyncadd.s32 $0xFFFFFFB0  }
0xd4: {  	[tilespmem:s28], [sflag:$0x1] =	stream.indirect.gather [spmem:s15], $0x80, s30, s31, $0xb8;
	[tilespmem:$0x18A00] =	vst v63  }
0xd5: {  	_ =	swait.ge [sflag:s12], $0x2800  }
0xd6: {  	[sflag:s12] =	ssyncset.done $0x0  }
0xd7: {  	s24 =	rddreg [dreg:$0x18];
	[sflag:s12] =	ssyncadd.s32 $0xFFFFD800  }
0xd8: {  	[hbm4b:s24+s3] =	stream.linear.scatter [tilespmem:s28], [sflag:$0x2], $0x2800, $0x38;
	[tilespmem:$0x18A00] =	vst v63  }
0xd9: {  	_ =	swait.ge [sflag:s29], $0x2800  }
0xda: {  	[sflag:s29] =	ssyncset.done $0x0  }
0xdb: {  	[sflag:s29] =	ssyncadd.s32 $0xFFFFD800  }
0xdc: {  	[tilespmem:s30], [sflag:$0x2] =	stream.linear.gather [hbm4b:s6+s3], $0x50, $0x38;
	[tilespmem:$0x18A00] =	vst v63  }
0xdd: {  	_ =	swait.ge [sflag:s29], $0x50  }
0xde: {  	[sflag:s29] =	ssyncset.done $0x0  }
0xdf: {  	[sflag:s29] =	ssyncadd.s32 $0xFFFFFFB0  }
0xe0: {  	[tilespmem:s28], [sflag:$0x1] =	stream.indirect.gather [spmem:s15], $0x80, s30, s31, $0xb8;
	[tilespmem:$0x18A00] =	vst v63  }
0xe1: {  	_ =	swait.ge [sflag:s12], $0x2800  }
0xe2: {  	[sflag:s12] =	ssyncset.done $0x0  }
0xe3: {  	s25 =	rddreg [dreg:$0x19];
	[sflag:s12] =	ssyncadd.s32 $0xFFFFD800  }
0xe4: {  	[hbm4b:s25+s3] =	stream.linear.scatter [tilespmem:s28], [sflag:$0x2], $0x2800, $0x38;
	[tilespmem:$0x18A00] =	vst v63  }
0xe5: {  	_ =	swait.ge [sflag:s29], $0x2800  }
0xe6: {  	[sflag:s29] =	ssyncset.done $0x0  }
0xe7: {  	[sflag:s29] =	ssyncadd.s32 $0xFFFFD800  }
0xe8: {  	[tilespmem:s30], [sflag:$0x2] =	stream.linear.gather [hbm4b:s7+s3], $0x50, $0x38;
	[tilespmem:$0x18A00] =	vst v63  }
0xe9: {  	_ =	swait.ge [sflag:s29], $0x50  }
0xea: {  	[sflag:s29] =	ssyncset.done $0x0  }
0xeb: {  	[sflag:s29] =	ssyncadd.s32 $0xFFFFFFB0  }
0xec: {  	[tilespmem:s28], [sflag:$0x1] =	stream.indirect.gather [spmem:s15], $0x80, s30, s31, $0xb8;
	[tilespmem:$0x18A00] =	vst v63  }
0xed: {  	_ =	swait.ge [sflag:s12], $0x2800  }
0xee: {  	[sflag:s12] =	ssyncset.done $0x0  }
0xef: {  	s26 =	rddreg [dreg:$0x1a];
	[sflag:s12] =	ssyncadd.s32 $0xFFFFD800  }
0xf0: {  	[hbm4b:s26+s3] =	stream.linear.scatter [tilespmem:s28], [sflag:$0x2], $0x2800, $0x38;
	[tilespmem:$0x18A00] =	vst v63  }
0xf1: {  	_ =	swait.ge [sflag:s29], $0x2800  }
0xf2: {  	[sflag:s29] =	ssyncset.done $0x0  }
0xf3: {  	[sflag:s29] =	ssyncadd.s32 $0xFFFFD800  }
0xf4: {  	[tilespmem:s30], [sflag:$0x2] =	stream.linear.gather [hbm4b:s8+s3], $0x50, $0x38;
	[tilespmem:$0x18A00] =	vst v63  }
0xf5: {  	_ =	swait.ge [sflag:s29], $0x50  }
0xf6: {  	[sflag:s29] =	ssyncset.done $0x0  }
0xf7: {  	[sflag:s29] =	ssyncadd.s32 $0xFFFFFFB0  }
0xf8: {  	[tilespmem:s28], [sflag:$0x1] =	stream.indirect.gather [spmem:s15], $0x80, s30, s31, $0xb8;
	[tilespmem:$0x18A00] =	vst v63  }
0xf9: {  	_ =	swait.ge [sflag:s12], $0x2800  }
0xfa: {  	[sflag:s12] =	ssyncset.done $0x0  }
0xfb: {  	s20 =	rddreg [dreg:$0x1b];
	[sflag:s12] =	ssyncadd.s32 $0xFFFFD800  }
0xfc: {  	[hbm4b:s20+s3] =	stream.linear.scatter [tilespmem:s28], [sflag:$0x2], $0x2800, $0x38;
	[tilespmem:$0x18A00] =	vst v63  }
0xfd: {  	_ =	swait.ge [sflag:s29], $0x2800  }
0xfe: {  	[sflag:s29] =	ssyncset.done $0x0  }
0xff: {  	[sflag:s29] =	ssyncadd.s32 $0xFFFFD800  }
0x100: {  	[tilespmem:s30], [sflag:$0x2] =	stream.linear.gather [hbm4b:s9+s3], $0x50, $0x38;
	[tilespmem:$0x18A00] =	vst v63  }
0x101: {  	_ =	swait.ge [sflag:s29], $0x50  }
0x102: {  	[sflag:s29] =	ssyncset.done $0x0  }
0x103: {  	[sflag:s29] =	ssyncadd.s32 $0xFFFFFFB0  }
0x104: {  	[tilespmem:s28], [sflag:$0x1] =	stream.indirect.gather [spmem:s15], $0x80, s30, s31, $0xb8;
	[tilespmem:$0x18A00] =	vst v63  }
0x105: {  	_ =	swait.ge [sflag:s12], $0x2800  }
0x106: {  	[sflag:s12] =	ssyncset.done $0x0  }
0x107: {  	s21 =	rddreg [dreg:$0x1c];
	[sflag:s12] =	ssyncadd.s32 $0xFFFFD800  }
0x108: {  	[hbm4b:s21+s3] =	stream.linear.scatter [tilespmem:s28], [sflag:$0x2], $0x2800, $0x38;
	[tilespmem:$0x18A00] =	vst v63  }
0x109: {  	_ =	swait.ge [sflag:s29], $0x2800  }
0x10a: {  	[sflag:s29] =	ssyncset.done $0x0  }
0x10b: {  	[sflag:s29] =	ssyncadd.s32 $0xFFFFD800  }
0x10c: {  	[tilespmem:s30], [sflag:$0x2] =	stream.linear.gather [hbm4b:s10+s3], $0x50, $0x38;
	[tilespmem:$0x18A00] =	vst v63  }
0x10d: {  	_ =	swait.ge [sflag:s29], $0x50  }
0x10e: {  	[sflag:s29] =	ssyncset.done $0x0  }
0x10f: {  	[sflag:s29] =	ssyncadd.s32 $0xFFFFFFB0  }
0x110: {  	[tilespmem:s28], [sflag:$0x1] =	stream.indirect.gather [spmem:s15], $0x80, s30, s31, $0xb8;
	[tilespmem:$0x18A00] =	vst v63  }
0x111: {  	_ =	swait.ge [sflag:s12], $0x2800  }
0x112: {  	[sflag:s12] =	ssyncset.done $0x0  }
0x113: {  	s23 =	rddreg [dreg:$0x1d];
	[sflag:s12] =	ssyncadd.s32 $0xFFFFD800  }
0x114: {  	[hbm4b:s23+s3] =	stream.linear.scatter [tilespmem:s28], [sflag:$0x2], $0x2800, $0x38;
	[tilespmem:$0x18A00] =	vst v63  }
0x115: {  	_ =	swait.ge [sflag:s29], $0x2800  }
0x116: {  	s24 =	simm.s32 @!p1 $0x0;
	[sflag:s29] =	ssyncset.done $0x0  }
0x117: {  	s25 =	simm.s32 @!p1 $0x2;
	s23 =	simm.s32 @!p1 $0x18980;
	[sflag:s29] =	ssyncadd.s32 $0xFFFFD800  }
0x118: {  	[tilespmem:s23], [sflag:$0x2] =	stream.linear.gather @!p1 [hbm4b:s11+s24], $0x50, $0x38;
	[tilespmem:$0x18A00] =	vst v63  }
0x119: {  	_ =	swait.ge @!p1 [sflag:s25], $0x50  }
0x11a: {  	s26 =	simm.s32 @!p1 $0x13880;
	[sflag:s25] =	ssyncset.done @!p1 $0x0  }
0x11b: {  	s20 =	simm.s32 @!p1 $0x50;
	s21 =	simm.s32 @!p1 $0x1;
	[sflag:s25] =	ssyncadd.s32 @!p1 $0xFFFFFFB0  }
0x11c: {  	[tilespmem:s26], [sflag:$0x1] =	stream.indirect.gather @!p1 [spmem:s15], $0x80, s23, s20, $0xb8;
	[tilespmem:$0x18A00] =	vst v63  }
0x11d: {  	_ =	swait.ge @!p1 [sflag:s21], $0x2800  }
0x11e: {  	[sflag:s21] =	ssyncset.done @!p1 $0x0  }
0x11f: {  	s19 =	rddreg [dreg:$0x1e];
	[sflag:s21] =	ssyncadd.s32 @!p1 $0xFFFFD800  }
0x120: {  	[hbm4b:s19+s24] =	stream.linear.scatter @!p1 [tilespmem:s26], [sflag:$0x2], $0x2800, $0x38;
	[tilespmem:$0x18A00] =	vst v63  }
0x121: {  	_ =	swait.ge @!p1 [sflag:s25], $0x2800  }
0x122: {  	[sflag:s25] =	ssyncset.done @!p1 $0x0  }
0x123: {  	[sflag:s25] =	ssyncadd.s32 @!p1 $0xFFFFD800  }
0x124: {  	[bflag:$0x0] =	sbarrier.arrive $0xFFFF  }
0x125: {  	s19 =	rddreg [dreg:$0x16]  }
0x126: {  	[tilespmem:s28], [sflag:$0x2] =	stream.linear.gather [hbm4b:s19+s3], $0x2800, $0x38;
	[tilespmem:$0x18A00] =	vst v63  }
0x127: {  	_ =	swait.ge [sflag:s29], $0x2800  }
0x128: {  	[sflag:s29] =	ssyncset.done $0x0  }
0x129: {  	[sflag:s29] =	ssyncadd.s32 $0xFFFFD800  }
0x12a: {  	[tilespmem:s30], [sflag:$0x2] =	stream.linear.gather [hbm4b:s4+s3], $0x50, $0x38;
	[tilespmem:$0x18A00] =	vst v63  }
0x12b: {  	_ =	swait.ge [sflag:s29], $0x50  }
0x12c: {  	[sflag:s29] =	ssyncset.done $0x0  }
0x12d: {  	[sflag:s29] =	ssyncadd.s32 $0xFFFFFFB0  }
0x12e: {  	[spmem:s15] =	stream.indirect.scatter [tilespmem:s28], [sflag:$0x1], $0x80, s30, s31, $0xb8;
	[tilespmem:$0x18A00] =	vst v63  }
0x12f: {  	_ =	swait.ge [sflag:s12], $0x2800  }
0x130: {  	[sflag:s12] =	ssyncset.done $0x0  }
0x131: {  	[sflag:s12] =	ssyncadd.s32 $0xFFFFD800  }
0x132: {  	[tilespmem:s30], [sflag:$0x2] =	stream.linear.gather [hbm4b:s5+s3], $0x50, $0x38;
	[tilespmem:$0x18A00] =	vst v63  }
0x133: {  	_ =	swait.ge [sflag:s29], $0x50  }
0x134: {  	[sflag:s29] =	ssyncset.done $0x0  }
0x135: {  	[sflag:s29] =	ssyncadd.s32 $0xFFFFFFB0  }
0x136: {  	[spmem:s15] =	stream.indirect.scatter [tilespmem:s28], [sflag:$0x1], $0x80, s30, s31, $0xb8;
	[tilespmem:$0x18A00] =	vst v63  }
0x137: {  	_ =	swait.ge [sflag:s12], $0x2800  }
0x138: {  	[sflag:s12] =	ssyncset.done $0x0  }
0x139: {  	[sflag:s12] =	ssyncadd.s32 $0xFFFFD800  }
0x13a: {  	[tilespmem:s30], [sflag:$0x2] =	stream.linear.gather [hbm4b:s6+s3], $0x50, $0x38;
	[tilespmem:$0x18A00] =	vst v63  }
0x13b: {  	_ =	swait.ge [sflag:s29], $0x50  }
0x13c: {  	[sflag:s29] =	ssyncset.done $0x0  }
0x13d: {  	[sflag:s29] =	ssyncadd.s32 $0xFFFFFFB0  }
0x13e: {  	[spmem:s15] =	stream.indirect.scatter [tilespmem:s28], [sflag:$0x1], $0x80, s30, s31, $0xb8;
	[tilespmem:$0x18A00] =	vst v63  }
0x13f: {  	_ =	swait.ge [sflag:s12], $0x2800  }
0x140: {  	[sflag:s12] =	ssyncset.done $0x0  }
0x141: {  	[sflag:s12] =	ssyncadd.s32 $0xFFFFD800  }
0x142: {  	[tilespmem:s30], [sflag:$0x2] =	stream.linear.gather [hbm4b:s7+s3], $0x50, $0x38;
	[tilespmem:$0x18A00] =	vst v63  }
0x143: {  	_ =	swait.ge [sflag:s29], $0x50  }
0x144: {  	[sflag:s29] =	ssyncset.done $0x0  }
0x145: {  	[sflag:s29] =	ssyncadd.s32 $0xFFFFFFB0  }
0x146: {  	[spmem:s15] =	stream.indirect.scatter [tilespmem:s28], [sflag:$0x1], $0x80, s30, s31, $0xb8;
	[tilespmem:$0x18A00] =	vst v63  }
0x147: {  	_ =	swait.ge [sflag:s12], $0x2800  }
0x148: {  	[sflag:s12] =	ssyncset.done $0x0  }
0x149: {  	[sflag:s12] =	ssyncadd.s32 $0xFFFFD800  }
0x14a: {  	[tilespmem:s30], [sflag:$0x2] =	stream.linear.gather [hbm4b:s8+s3], $0x50, $0x38;
	[tilespmem:$0x18A00] =	vst v63  }
0x14b: {  	_ =	swait.ge [sflag:s29], $0x50  }
0x14c: {  	[sflag:s29] =	ssyncset.done $0x0  }
0x14d: {  	[sflag:s29] =	ssyncadd.s32 $0xFFFFFFB0  }
0x14e: {  	[spmem:s15] =	stream.indirect.scatter [tilespmem:s28], [sflag:$0x1], $0x80, s30, s31, $0xb8;
	[tilespmem:$0x18A00] =	vst v63  }
0x14f: {  	_ =	swait.ge [sflag:s12], $0x2800  }
0x150: {  	[sflag:s12] =	ssyncset.done $0x0  }
0x151: {  	[sflag:s12] =	ssyncadd.s32 $0xFFFFD800  }
0x152: {  	[tilespmem:s30], [sflag:$0x2] =	stream.linear.gather [hbm4b:s9+s3], $0x50, $0x38;
	[tilespmem:$0x18A00] =	vst v63  }
0x153: {  	_ =	swait.ge [sflag:s29], $0x50  }
0x154: {  	[sflag:s29] =	ssyncset.done $0x0  }
0x155: {  	[sflag:s29] =	ssyncadd.s32 $0xFFFFFFB0  }
0x156: {  	[spmem:s15] =	stream.indirect.scatter [tilespmem:s28], [sflag:$0x1], $0x80, s30, s31, $0xb8;
	[tilespmem:$0x18A00] =	vst v63  }
0x157: {  	_ =	swait.ge [sflag:s12], $0x2800  }
0x158: {  	[sflag:s12] =	ssyncset.done $0x0  }
0x159: {  	[sflag:s12] =	ssyncadd.s32 $0xFFFFD800  }
0x15a: {  	[tilespmem:s30], [sflag:$0x2] =	stream.linear.gather [hbm4b:s10+s3], $0x50, $0x38;
	[tilespmem:$0x18A00] =	vst v63  }
0x15b: {  	_ =	swait.ge [sflag:s29], $0x50  }
0x15c: {  	[sflag:s29] =	ssyncset.done $0x0  }
0x15d: {  	[sflag:s29] =	ssyncadd.s32 $0xFFFFFFB0  }
0x15e: {  	[spmem:s15] =	stream.indirect.scatter [tilespmem:s28], [sflag:$0x1], $0x80, s30, s31, $0xb8;
	[tilespmem:$0x18A00] =	vst v63  }
0x15f: {  	_ =	swait.ge [sflag:s12], $0x2800  }
0x160: {  	[sflag:s12] =	ssyncset.done $0x0  }
0x161: {  	[sflag:s12] =	ssyncadd.s32 $0xFFFFD800  }
0x162: {  	[tilespmem:s23], [sflag:$0x2] =	stream.linear.gather @!p1 [hbm4b:s11+s24], $0x50, $0x38;
	[tilespmem:$0x18A00] =	vst v63  }
0x163: {  	_ =	swait.ge @!p1 [sflag:s25], $0x50  }
0x164: {  	[sflag:s25] =	ssyncset.done @!p1 $0x0  }
0x165: {  	[sflag:s25] =	ssyncadd.s32 @!p1 $0xFFFFFFB0  }
0x166: {  	[spmem:s15] =	stream.indirect.scatter @!p1 [tilespmem:s26], [sflag:$0x1], $0x80, s23, s20, $0xb8;
	[tilespmem:$0x18A00] =	vst v63  }
0x167: {  	_ =	swait.ge @!p1 [sflag:s21], $0x2800  }
0x168: {  	[sflag:s21] =	ssyncset.done @!p1 $0x0  }
0x169: {  	s24 =	simm.s32 $0x0;
	s25 =	rddreg [dreg:$0xc];
	[sflag:s21] =	ssyncadd.s32 @!p1 $0xFFFFD800  }
0x16a: {  	[tilespmem:s13], [sflag:$0x2] =	stream.linear.gather [hbm4b:s25+s24], $0x2800, $0x38;
	[tilespmem:$0x18A00] =	vst v63  }
0x16b: {  	_ =	swait.ge [sflag:s29], $0x2800  }
0x16c: {  	[sflag:s29] =	ssyncset.done $0x0  }
0x16d: {  	[sflag:s29] =	ssyncadd.s32 $0xFFFFD800  }
0x16e: {  	s26 =	sadd.s32 $0x0, s17;
	[bflag:$0x0] =	sbarrier.arrive $0xFFFF  }
0x16f: {  	[tilespmem:s2], [sflag:$0x2] =	stream.linear.gather [hbm4b:s26+s3], $0x50, $0x38;
	[tilespmem:$0x18A00] =	vst v63  }
0x170: {  	_ =	swait.ge [sflag:s29], $0x50  }
0x171: {  	[sflag:s29] =	ssyncset.done $0x0  }
0x172: {  	[sflag:s29] =	ssyncadd.s32 $0xFFFFFFB0  }
0x173: {  	[spmem:s15] =	stream.indirect.scatter.add.f32 [tilespmem:s13], [sflag:$0x2], $0x80, s2, s31, $0xb8;
	[tilespmem:$0x18A00] =	vst v63  }
0x174: {  	_ =	swait.ge [sflag:s29], $0x2800  }
0x175: {  	s20 =	simm.s32 $0xA;
	s21 =	simm.s32 $0x14;
	[sflag:s29] =	ssyncset.done $0x0  }
.LBB2_10:
0x176: {  	s23 =	sadd.s32 s20, s17  }
0x177: {  	[sflag:s29] =	ssyncadd.s32 $0xFFFFD800;
	s20 =	smov.u32 s21;
	s24 =	sadd.s32 $0xA, s21  }
0x178: {  	[tilespmem:s2], [sflag:$0x2] =	stream.linear.gather [hbm4b:s23+s3], $0x50, $0x38;
	[tilespmem:$0x18A00] =	vst v63  }
0x179: {  	p3 =	sne.s32 s21, $0x9BA;
	_ =	swait.ge [sflag:s29], $0x50  }
.Ltmp4:
0x17a: {  	[sflag:s29] =	ssyncset.done $0x0;
	(pc) =	sbr.rel @p3 .LBB2_10-.Ltmp4, $4  }
0x17b: {  	[sflag:s29] =	ssyncadd.s32 $0xFFFFFFB0  }
0x17c: {  	[spmem:s15] =	stream.indirect.scatter.add.f32 [tilespmem:s13], [sflag:$0x2], $0x80, s2, s31, $0xb8;
	[tilespmem:$0x18A00] =	vst v63  }
0x17d: {  	_ =	swait.ge [sflag:s29], $0x2800  }
0x17e: {  	s21 =	smov.u32 s24;
	[sflag:s29] =	ssyncset.done $0x0  }
0x17f: {  	s20 =	sadd.s32 s20, s17;
	[sflag:s29] =	ssyncadd.s32 $0xFFFFD800  }
0x180: {  	[tilespmem:s2], [sflag:$0x2] =	stream.linear.gather [hbm4b:s20+s3], $0x50, $0x38;
	[tilespmem:$0x18A00] =	vst v63  }
0x181: {  	_ =	swait.ge [sflag:s29], $0x50  }
0x182: {  	[sflag:s29] =	ssyncset.done $0x0  }
0x183: {  	[sflag:s29] =	ssyncadd.s32 $0xFFFFFFB0  }
0x184: {  	[spmem:s15] =	stream.indirect.scatter.add.f32 [tilespmem:s13], [sflag:$0x2], $0x80, s2, s31, $0xb8;
	[tilespmem:$0x18A00] =	vst v63  }
0x185: {  	_ =	swait.ge [sflag:s29], $0x2800  }
0x186: {  	[sflag:s29] =	ssyncset.done $0x0  }
0x187: {  	[sflag:s29] =	ssyncadd.s32 $0xFFFFD800  }
0x188: {  	[bflag:$0x0] =	sbarrier.arrive $0xFFFF  }
0x189: {  	[tilespmem:s30], [sflag:$0x2] =	stream.linear.gather [hbm4b:s4+s3], $0x50, $0x38;
	[tilespmem:$0x18A00] =	vst v63  }
0x18a: {  	_ =	swait.ge [sflag:s29], $0x50  }
0x18b: {  	[sflag:s29] =	ssyncset.done $0x0  }
0x18c: {  	[sflag:s29] =	ssyncadd.s32 $0xFFFFFFB0  }
0x18d: {  	[tilespmem:s28], [sflag:$0x1] =	stream.indirect.gather [spmem:s15], $0x80, s30, s31, $0xb8;
	[tilespmem:$0x18A00] =	vst v63  }
0x18e: {  	_ =	swait.ge [sflag:s12], $0x2800  }
0x18f: {  	s19 =	sld [smem:$0x7F0]  }
0x190: {  	[sflag:s12] =	ssyncset.done $0x0  }
0x191: {  	[sflag:s12] =	ssyncadd.s32 $0xFFFFD800  }
0x192: {  	[hbm4b:s19+s3] =	stream.linear.scatter [tilespmem:s28], [sflag:$0x2], $0x2800, $0x38;
	[tilespmem:$0x18A00] =	vst v63  }
0x193: {  	_ =	swait.ge [sflag:s29], $0x2800  }
0x194: {  	[sflag:s29] =	ssyncset.done $0x0  }
0x195: {  	[sflag:s29] =	ssyncadd.s32 $0xFFFFD800  }
0x196: {  	[tilespmem:s30], [sflag:$0x2] =	stream.linear.gather [hbm4b:s5+s3], $0x50, $0x38;
	[tilespmem:$0x18A00] =	vst v63  }
0x197: {  	_ =	swait.ge [sflag:s29], $0x50  }
0x198: {  	[sflag:s29] =	ssyncset.done $0x0  }
0x199: {  	[sflag:s29] =	ssyncadd.s32 $0xFFFFFFB0  }
0x19a: {  	[tilespmem:s28], [sflag:$0x1] =	stream.indirect.gather [spmem:s15], $0x80, s30, s31, $0xb8;
	[tilespmem:$0x18A00] =	vst v63  }
0x19b: {  	_ =	swait.ge [sflag:s12], $0x2800  }
0x19c: {  	s20 =	sld [smem:$0x7F2]  }
0x19d: {  	[sflag:s12] =	ssyncset.done $0x0  }
0x19e: {  	[sflag:s12] =	ssyncadd.s32 $0xFFFFD800  }
0x19f: {  	[hbm4b:s20+s3] =	stream.linear.scatter [tilespmem:s28], [sflag:$0x2], $0x2800, $0x38;
	[tilespmem:$0x18A00] =	vst v63  }
0x1a0: {  	_ =	swait.ge [sflag:s29], $0x2800  }
0x1a1: {  	[sflag:s29] =	ssyncset.done $0x0  }
0x1a2: {  	[sflag:s29] =	ssyncadd.s32 $0xFFFFD800  }
0x1a3: {  	[tilespmem:s30], [sflag:$0x2] =	stream.linear.gather [hbm4b:s6+s3], $0x50, $0x38;
	[tilespmem:$0x18A00] =	vst v63  }
0x1a4: {  	_ =	swait.ge [sflag:s29], $0x50  }
0x1a5: {  	[sflag:s29] =	ssyncset.done $0x0  }
0x1a6: {  	[sflag:s29] =	ssyncadd.s32 $0xFFFFFFB0  }
0x1a7: {  	[tilespmem:s28], [sflag:$0x1] =	stream.indirect.gather [spmem:s15], $0x80, s30, s31, $0xb8;
	[tilespmem:$0x18A00] =	vst v63  }
0x1a8: {  	_ =	swait.ge [sflag:s12], $0x2800  }
0x1a9: {  	s21 =	sld [smem:$0x7F4]  }
0x1aa: {  	[sflag:s12] =	ssyncset.done $0x0  }
0x1ab: {  	[sflag:s12] =	ssyncadd.s32 $0xFFFFD800  }
0x1ac: {  	[hbm4b:s21+s3] =	stream.linear.scatter [tilespmem:s28], [sflag:$0x2], $0x2800, $0x38;
	[tilespmem:$0x18A00] =	vst v63  }
0x1ad: {  	_ =	swait.ge [sflag:s29], $0x2800  }
0x1ae: {  	[sflag:s29] =	ssyncset.done $0x0  }
0x1af: {  	[sflag:s29] =	ssyncadd.s32 $0xFFFFD800  }
0x1b0: {  	[tilespmem:s30], [sflag:$0x2] =	stream.linear.gather [hbm4b:s7+s3], $0x50, $0x38;
	[tilespmem:$0x18A00] =	vst v63  }
0x1b1: {  	_ =	swait.ge [sflag:s29], $0x50  }
0x1b2: {  	[sflag:s29] =	ssyncset.done $0x0  }
0x1b3: {  	[sflag:s29] =	ssyncadd.s32 $0xFFFFFFB0  }
0x1b4: {  	[tilespmem:s28], [sflag:$0x1] =	stream.indirect.gather [spmem:s15], $0x80, s30, s31, $0xb8;
	[tilespmem:$0x18A00] =	vst v63  }
0x1b5: {  	_ =	swait.ge [sflag:s12], $0x2800  }
0x1b6: {  	s23 =	sld [smem:$0x7F6]  }
0x1b7: {  	[sflag:s12] =	ssyncset.done $0x0  }
0x1b8: {  	[sflag:s12] =	ssyncadd.s32 $0xFFFFD800  }
0x1b9: {  	[hbm4b:s23+s3] =	stream.linear.scatter [tilespmem:s28], [sflag:$0x2], $0x2800, $0x38;
	[tilespmem:$0x18A00] =	vst v63  }
0x1ba: {  	_ =	swait.ge [sflag:s29], $0x2800  }
0x1bb: {  	[sflag:s29] =	ssyncset.done $0x0  }
0x1bc: {  	[sflag:s29] =	ssyncadd.s32 $0xFFFFD800  }
0x1bd: {  	[tilespmem:s30], [sflag:$0x2] =	stream.linear.gather [hbm4b:s8+s3], $0x50, $0x38;
	[tilespmem:$0x18A00] =	vst v63  }
0x1be: {  	_ =	swait.ge [sflag:s29], $0x50  }
0x1bf: {  	[sflag:s29] =	ssyncset.done $0x0  }
0x1c0: {  	[sflag:s29] =	ssyncadd.s32 $0xFFFFFFB0  }
0x1c1: {  	[tilespmem:s28], [sflag:$0x1] =	stream.indirect.gather [spmem:s15], $0x80, s30, s31, $0xb8;
	[tilespmem:$0x18A00] =	vst v63  }
0x1c2: {  	_ =	swait.ge [sflag:s12], $0x2800  }
0x1c3: {  	s24 =	sld [smem:$0x7F8]  }
0x1c4: {  	[sflag:s12] =	ssyncset.done $0x0  }
0x1c5: {  	[sflag:s12] =	ssyncadd.s32 $0xFFFFD800  }
0x1c6: {  	[hbm4b:s24+s3] =	stream.linear.scatter [tilespmem:s28], [sflag:$0x2], $0x2800, $0x38;
	[tilespmem:$0x18A00] =	vst v63  }
0x1c7: {  	_ =	swait.ge [sflag:s29], $0x2800  }
0x1c8: {  	[sflag:s29] =	ssyncset.done $0x0  }
0x1c9: {  	[sflag:s29] =	ssyncadd.s32 $0xFFFFD800  }
0x1ca: {  	[tilespmem:s30], [sflag:$0x2] =	stream.linear.gather [hbm4b:s9+s3], $0x50, $0x38;
	[tilespmem:$0x18A00] =	vst v63  }
0x1cb: {  	_ =	swait.ge [sflag:s29], $0x50  }
0x1cc: {  	[sflag:s29] =	ssyncset.done $0x0  }
0x1cd: {  	[sflag:s29] =	ssyncadd.s32 $0xFFFFFFB0  }
0x1ce: {  	[tilespmem:s28], [sflag:$0x1] =	stream.indirect.gather [spmem:s15], $0x80, s30, s31, $0xb8;
	[tilespmem:$0x18A00] =	vst v63  }
0x1cf: {  	_ =	swait.ge [sflag:s12], $0x2800  }
0x1d0: {  	s25 =	sld [smem:$0x7FA]  }
0x1d1: {  	[sflag:s12] =	ssyncset.done $0x0  }
0x1d2: {  	[sflag:s12] =	ssyncadd.s32 $0xFFFFD800  }
0x1d3: {  	[hbm4b:s25+s3] =	stream.linear.scatter [tilespmem:s28], [sflag:$0x2], $0x2800, $0x38;
	[tilespmem:$0x18A00] =	vst v63  }
0x1d4: {  	_ =	swait.ge [sflag:s29], $0x2800  }
0x1d5: {  	[sflag:s29] =	ssyncset.done $0x0  }
0x1d6: {  	[sflag:s29] =	ssyncadd.s32 $0xFFFFD800  }
0x1d7: {  	[tilespmem:s30], [sflag:$0x2] =	stream.linear.gather [hbm4b:s10+s3], $0x50, $0x38;
	[tilespmem:$0x18A00] =	vst v63  }
0x1d8: {  	_ =	swait.ge [sflag:s29], $0x50  }
0x1d9: {  	[sflag:s29] =	ssyncset.done $0x0  }
0x1da: {  	[sflag:s29] =	ssyncadd.s32 $0xFFFFFFB0  }
0x1db: {  	[tilespmem:s28], [sflag:$0x1] =	stream.indirect.gather [spmem:s15], $0x80, s30, s31, $0xb8;
	[tilespmem:$0x18A00] =	vst v63  }
0x1dc: {  	_ =	swait.ge [sflag:s12], $0x2800  }
0x1dd: {  	s26 =	sld [smem:$0x7FC]  }
0x1de: {  	[sflag:s12] =	ssyncset.done $0x0  }
0x1df: {  	[sflag:s12] =	ssyncadd.s32 $0xFFFFD800  }
0x1e0: {  	[hbm4b:s26+s3] =	stream.linear.scatter [tilespmem:s28], [sflag:$0x2], $0x2800, $0x38;
	[tilespmem:$0x18A00] =	vst v63  }
.Ltmp5:
0x1e1: {  	_ = 	snop;
	(pc) =	sbr.rel @p1 .LBB2_13-.Ltmp5, $4  }
.Ltmp6:
0x1e2: {  	_ =	swait.ge [sflag:s29], $0x2800;
	(pc) =	sbr.rel @!p1 .LBB2_12-.Ltmp6, $4  }
0x1e3: {  	[sflag:s29] =	ssyncset.done $0x0  }
0x1e4: {  	[sflag:s29] =	ssyncadd.s32 $0xFFFFD800  }
0x1e5: {  	s20 =	rddreg [dreg:$0x9]  }
0x1e6: {  	_ = 	snop  }
.LBB2_2:
0x1e7: {  	s20 =	simm.s32 @!p1 $0x0;
	s21 =	simm.s32 @!p1 $0x18980  }
0x1e8: {  	[tilespmem:s21], [sflag:$0x2] =	stream.linear.gather @!p1 [hbm4b:s11+s20], $0x50, $0x38;
	[tilespmem:$0x18A00] =	vst v63  }
0x1e9: {  	s20 =	simm.s32 @!p1 $0x2  }
0x1ea: {  	_ =	swait.ge @!p1 [sflag:s20], $0x50  }
0x1eb: {  	[sflag:s20] =	ssyncset.done @!p1 $0x0  }
0x1ec: {  	s23 =	simm.s32 @!p1 $0x13880;
	[sflag:s20] =	ssyncadd.s32 @!p1 $0xFFFFFFB0;
	s20 =	simm.s32 @!p1 $0x50  }
0x1ed: {  	[spmem:s15] =	stream.indirect.scatter @!p1 [tilespmem:s23], [sflag:$0x1], $0x80, s21, s20, $0xb8;
	[tilespmem:$0x18A00] =	vst v63  }
0x1ee: {  	s20 =	simm.s32 @!p1 $0x1  }
0x1ef: {  	_ =	swait.ge @!p1 [sflag:s20], $0x2800  }
0x1f0: {  	[sflag:s20] =	ssyncset.done @!p1 $0x0  }
0x1f1: {  	[sflag:s20] =	ssyncadd.s32 @!p1 $0xFFFFD800  }
0x1f2: {  	s25 =	sadd.s32 $0x0, s16;
	[bflag:$0x0] =	sbarrier.arrive $0xFFFF  }
0x1f3: {  	[tilespmem:s1], [sflag:$0x2] =	stream.linear.gather [hbm4b:s25+s3], $0x50, $0x38;
	[tilespmem:$0x18A00] =	vst v63  }
0x1f4: {  	_ =	swait.ge [sflag:s29], $0x50  }
0x1f5: {  	[sflag:s29] =	ssyncset.done $0x0  }
0x1f6: {  	[sflag:s29] =	ssyncadd.s32 $0xFFFFFFB0  }
0x1f7: {  	[tilespmem:s28], [sflag:$0x1] =	stream.indirect.gather [hbm4b:s0+s31], $0x80, s1, s31, $0xb8;
	[tilespmem:$0x18A00] =	vst v63  }
0x1f8: {  	_ =	swait.ge [sflag:s12], $0x2800  }
0x1f9: {  	[sflag:s12] =	ssyncset.done $0x0  }
0x1fa: {  	s26 =	sadd.s32 $0x0, s14;
	[sflag:s12] =	ssyncadd.s32 $0xFFFFD800  }
0x1fb: {  	[tilespmem:s2], [sflag:$0x2] =	stream.linear.gather [hbm4b:s26+s3], $0x50, $0x38;
	[tilespmem:$0x18A00] =	vst v63  }
0x1fc: {  	_ =	swait.ge [sflag:s29], $0x50  }
0x1fd: {  	[sflag:s29] =	ssyncset.done $0x0  }
0x1fe: {  	[sflag:s29] =	ssyncadd.s32 $0xFFFFFFB0  }
0x1ff: {  	[spmem:s15] =	stream.indirect.scatter.add.f32 [tilespmem:s28], [sflag:$0x2], $0x80, s2, s31, $0xb8;
	[tilespmem:$0x18A00] =	vst v63  }
0x200: {  	s19 =	smov.u32 s11;
	_ =	swait.ge [sflag:s29], $0x2800  }
0x201: {  	s21 =	simm.s32 $0x14;
	s20 =	simm.s32 $0xA;
	[sflag:s29] =	ssyncset.done $0x0  }
.LBB2_3:
0x202: {  	s23 =	sadd.s32 s20, s16  }
0x203: {  	[sflag:s29] =	ssyncadd.s32 $0xFFFFD800;
	s24 =	smov.u32 s21;
	s25 =	sadd.s32 $0xA, s21  }
0x204: {  	[tilespmem:s1], [sflag:$0x2] =	stream.linear.gather [hbm4b:s23+s3], $0x50, $0x38;
	[tilespmem:$0x18A00] =	vst v63  }
0x205: {  	p3 =	sne.s32 s21, $0x9BA;
	_ =	swait.ge [sflag:s29], $0x50  }
0x206: {  	[sflag:s29] =	ssyncset.done $0x0  }
0x207: {  	[sflag:s29] =	ssyncadd.s32 $0xFFFFFFB0  }
0x208: {  	[tilespmem:s28], [sflag:$0x1] =	stream.indirect.gather [hbm4b:s0+s31], $0x80, s1, s31, $0xb8;
	[tilespmem:$0x18A00] =	vst v63  }
0x209: {  	_ =	swait.ge [sflag:s12], $0x2800  }
0x20a: {  	[sflag:s12] =	ssyncset.done $0x0  }
0x20b: {  	s21 =	sadd.s32 s20, s14;
	s20 =	smov.u32 s24;
	[sflag:s12] =	ssyncadd.s32 $0xFFFFD800  }
0x20c: {  	[tilespmem:s2], [sflag:$0x2] =	stream.linear.gather [hbm4b:s21+s3], $0x50, $0x38;
	[tilespmem:$0x18A00] =	vst v63  }
0x20d: {  	_ =	swait.ge [sflag:s29], $0x50  }
.Ltmp7:
0x20e: {  	[sflag:s29] =	ssyncset.done $0x0;
	(pc) =	sbr.rel @p3 .LBB2_3-.Ltmp7, $4  }
0x20f: {  	[sflag:s29] =	ssyncadd.s32 $0xFFFFFFB0  }
0x210: {  	[spmem:s15] =	stream.indirect.scatter.add.f32 [tilespmem:s28], [sflag:$0x2], $0x80, s2, s31, $0xb8;
	[tilespmem:$0x18A00] =	vst v63  }
0x211: {  	_ =	swait.ge [sflag:s29], $0x2800  }
0x212: {  	s21 =	smov.u32 s25;
	[sflag:s29] =	ssyncset.done $0x0  }
0x213: {  	s21 =	sadd.s32 s20, s16;
	[sflag:s29] =	ssyncadd.s32 $0xFFFFD800  }
0x214: {  	[tilespmem:s1], [sflag:$0x2] =	stream.linear.gather [hbm4b:s21+s3], $0x50, $0x38;
	[tilespmem:$0x18A00] =	vst v63  }
0x215: {  	_ =	swait.ge [sflag:s29], $0x50  }
0x216: {  	[sflag:s29] =	ssyncset.done $0x0  }
0x217: {  	[sflag:s29] =	ssyncadd.s32 $0xFFFFFFB0  }
0x218: {  	[tilespmem:s28], [sflag:$0x1] =	stream.indirect.gather [hbm4b:s0+s31], $0x80, s1, s31, $0xb8;
	[tilespmem:$0x18A00] =	vst v63  }
0x219: {  	_ =	swait.ge [sflag:s12], $0x2800  }
0x21a: {  	[sflag:s12] =	ssyncset.done $0x0  }
0x21b: {  	s21 =	sadd.s32 s20, s14;
	[sflag:s12] =	ssyncadd.s32 $0xFFFFD800  }
0x21c: {  	[tilespmem:s2], [sflag:$0x2] =	stream.linear.gather [hbm4b:s21+s3], $0x50, $0x38;
	[tilespmem:$0x18A00] =	vst v63  }
0x21d: {  	_ =	swait.ge [sflag:s29], $0x50  }
0x21e: {  	[sflag:s29] =	ssyncset.done $0x0  }
0x21f: {  	[sflag:s29] =	ssyncadd.s32 $0xFFFFFFB0  }
0x220: {  	[spmem:s15] =	stream.indirect.scatter.add.f32 [tilespmem:s28], [sflag:$0x2], $0x80, s2, s31, $0xb8;
	[tilespmem:$0x18A00] =	vst v63  }
0x221: {  	_ =	swait.ge [sflag:s29], $0x2800  }
0x222: {  	[sflag:s29] =	ssyncset.done $0x0  }
0x223: {  	[sflag:s29] =	ssyncadd.s32 $0xFFFFD800  }
0x224: {  	[bflag:$0x0] =	sbarrier.arrive $0xFFFF  }
0x225: {  	[tilespmem:s30], [sflag:$0x2] =	stream.linear.gather [hbm4b:s4+s3], $0x50, $0x38;
	[tilespmem:$0x18A00] =	vst v63  }
0x226: {  	_ =	swait.ge [sflag:s29], $0x50  }
0x227: {  	[sflag:s29] =	ssyncset.done $0x0  }
0x228: {  	[sflag:s29] =	ssyncadd.s32 $0xFFFFFFB0  }
0x229: {  	[tilespmem:s28], [sflag:$0x1] =	stream.indirect.gather [spmem:s15], $0x80, s30, s31, $0xb8;
	[tilespmem:$0x18A00] =	vst v63  }
0x22a: {  	_ =	swait.ge [sflag:s12], $0x2800  }
0x22b: {  	[sflag:s12] =	ssyncset.done $0x0  }
0x22c: {  	s23 =	rddreg [dreg:$0xe];
	[sflag:s12] =	ssyncadd.s32 $0xFFFFD800  }
0x22d: {  	[hbm4b:s23+s3] =	stream.linear.scatter [tilespmem:s28], [sflag:$0x2], $0x2800, $0x38;
	[tilespmem:$0x18A00] =	vst v63  }
0x22e: {  	_ =	swait.ge [sflag:s29], $0x2800  }
0x22f: {  	[sflag:s29] =	ssyncset.done $0x0  }
0x230: {  	[sflag:s29] =	ssyncadd.s32 $0xFFFFD800  }
0x231: {  	[tilespmem:s30], [sflag:$0x2] =	stream.linear.gather [hbm4b:s5+s3], $0x50, $0x38;
	[tilespmem:$0x18A00] =	vst v63  }
0x232: {  	_ =	swait.ge [sflag:s29], $0x50  }
0x233: {  	[sflag:s29] =	ssyncset.done $0x0  }
0x234: {  	[sflag:s29] =	ssyncadd.s32 $0xFFFFFFB0  }
0x235: {  	[tilespmem:s28], [sflag:$0x1] =	stream.indirect.gather [spmem:s15], $0x80, s30, s31, $0xb8;
	[tilespmem:$0x18A00] =	vst v63  }
0x236: {  	_ =	swait.ge [sflag:s12], $0x2800  }
0x237: {  	[sflag:s12] =	ssyncset.done $0x0  }
0x238: {  	s24 =	rddreg [dreg:$0xf];
	[sflag:s12] =	ssyncadd.s32 $0xFFFFD800  }
0x239: {  	[hbm4b:s24+s3] =	stream.linear.scatter [tilespmem:s28], [sflag:$0x2], $0x2800, $0x38;
	[tilespmem:$0x18A00] =	vst v63  }
0x23a: {  	_ =	swait.ge [sflag:s29], $0x2800  }
0x23b: {  	[sflag:s29] =	ssyncset.done $0x0  }
0x23c: {  	[sflag:s29] =	ssyncadd.s32 $0xFFFFD800  }
0x23d: {  	[tilespmem:s30], [sflag:$0x2] =	stream.linear.gather [hbm4b:s6+s3], $0x50, $0x38;
	[tilespmem:$0x18A00] =	vst v63  }
0x23e: {  	_ =	swait.ge [sflag:s29], $0x50  }
0x23f: {  	[sflag:s29] =	ssyncset.done $0x0  }
0x240: {  	[sflag:s29] =	ssyncadd.s32 $0xFFFFFFB0  }
0x241: {  	[tilespmem:s28], [sflag:$0x1] =	stream.indirect.gather [spmem:s15], $0x80, s30, s31, $0xb8;
	[tilespmem:$0x18A00] =	vst v63  }
0x242: {  	_ =	swait.ge [sflag:s12], $0x2800  }
0x243: {  	[sflag:s12] =	ssyncset.done $0x0  }
0x244: {  	s25 =	rddreg [dreg:$0x10];
	[sflag:s12] =	ssyncadd.s32 $0xFFFFD800  }
0x245: {  	[hbm4b:s25+s3] =	stream.linear.scatter [tilespmem:s28], [sflag:$0x2], $0x2800, $0x38;
	[tilespmem:$0x18A00] =	vst v63  }
0x246: {  	_ =	swait.ge [sflag:s29], $0x2800  }
0x247: {  	[sflag:s29] =	ssyncset.done $0x0  }
0x248: {  	[sflag:s29] =	ssyncadd.s32 $0xFFFFD800  }
0x249: {  	[tilespmem:s30], [sflag:$0x2] =	stream.linear.gather [hbm4b:s7+s3], $0x50, $0x38;
	[tilespmem:$0x18A00] =	vst v63  }
0x24a: {  	_ =	swait.ge [sflag:s29], $0x50  }
0x24b: {  	[sflag:s29] =	ssyncset.done $0x0  }
0x24c: {  	[sflag:s29] =	ssyncadd.s32 $0xFFFFFFB0  }
0x24d: {  	[tilespmem:s28], [sflag:$0x1] =	stream.indirect.gather [spmem:s15], $0x80, s30, s31, $0xb8;
	[tilespmem:$0x18A00] =	vst v63  }
0x24e: {  	_ =	swait.ge [sflag:s12], $0x2800  }
0x24f: {  	[sflag:s12] =	ssyncset.done $0x0  }
0x250: {  	s26 =	rddreg [dreg:$0x11];
	[sflag:s12] =	ssyncadd.s32 $0xFFFFD800  }
0x251: {  	[hbm4b:s26+s3] =	stream.linear.scatter [tilespmem:s28], [sflag:$0x2], $0x2800, $0x38;
	[tilespmem:$0x18A00] =	vst v63  }
0x252: {  	_ =	swait.ge [sflag:s29], $0x2800  }
0x253: {  	[sflag:s29] =	ssyncset.done $0x0  }
0x254: {  	[sflag:s29] =	ssyncadd.s32 $0xFFFFD800  }
0x255: {  	[tilespmem:s30], [sflag:$0x2] =	stream.linear.gather [hbm4b:s8+s3], $0x50, $0x38;
	[tilespmem:$0x18A00] =	vst v63  }
0x256: {  	_ =	swait.ge [sflag:s29], $0x50  }
0x257: {  	[sflag:s29] =	ssyncset.done $0x0  }
0x258: {  	[sflag:s29] =	ssyncadd.s32 $0xFFFFFFB0  }
0x259: {  	[tilespmem:s28], [sflag:$0x1] =	stream.indirect.gather [spmem:s15], $0x80, s30, s31, $0xb8;
	[tilespmem:$0x18A00] =	vst v63  }
0x25a: {  	_ =	swait.ge [sflag:s12], $0x2800  }
0x25b: {  	[sflag:s12] =	ssyncset.done $0x0  }
0x25c: {  	s11 =	rddreg [dreg:$0x12];
	[sflag:s12] =	ssyncadd.s32 $0xFFFFD800  }
0x25d: {  	[hbm4b:s11+s3] =	stream.linear.scatter [tilespmem:s28], [sflag:$0x2], $0x2800, $0x38;
	[tilespmem:$0x18A00] =	vst v63  }
0x25e: {  	_ =	swait.ge [sflag:s29], $0x2800  }
0x25f: {  	[sflag:s29] =	ssyncset.done $0x0  }
0x260: {  	[sflag:s29] =	ssyncadd.s32 $0xFFFFD800  }
0x261: {  	[tilespmem:s30], [sflag:$0x2] =	stream.linear.gather [hbm4b:s9+s3], $0x50, $0x38;
	[tilespmem:$0x18A00] =	vst v63  }
0x262: {  	_ =	swait.ge [sflag:s29], $0x50  }
0x263: {  	[sflag:s29] =	ssyncset.done $0x0  }
0x264: {  	[sflag:s29] =	ssyncadd.s32 $0xFFFFFFB0  }
0x265: {  	[tilespmem:s28], [sflag:$0x1] =	stream.indirect.gather [spmem:s15], $0x80, s30, s31, $0xb8;
	[tilespmem:$0x18A00] =	vst v63  }
0x266: {  	_ =	swait.ge [sflag:s12], $0x2800  }
0x267: {  	[sflag:s12] =	ssyncset.done $0x0  }
0x268: {  	s21 =	rddreg [dreg:$0x13];
	[sflag:s12] =	ssyncadd.s32 $0xFFFFD800  }
0x269: {  	[hbm4b:s21+s3] =	stream.linear.scatter [tilespmem:s28], [sflag:$0x2], $0x2800, $0x38;
	[tilespmem:$0x18A00] =	vst v63  }
0x26a: {  	_ =	swait.ge [sflag:s29], $0x2800  }
0x26b: {  	[sflag:s29] =	ssyncset.done $0x0  }
0x26c: {  	[sflag:s29] =	ssyncadd.s32 $0xFFFFD800  }
0x26d: {  	[tilespmem:s30], [sflag:$0x2] =	stream.linear.gather [hbm4b:s10+s3], $0x50, $0x38;
	[tilespmem:$0x18A00] =	vst v63  }
0x26e: {  	_ =	swait.ge [sflag:s29], $0x50  }
0x26f: {  	[sflag:s29] =	ssyncset.done $0x0  }
0x270: {  	[sflag:s29] =	ssyncadd.s32 $0xFFFFFFB0  }
0x271: {  	[tilespmem:s28], [sflag:$0x1] =	stream.indirect.gather [spmem:s15], $0x80, s30, s31, $0xb8;
	[tilespmem:$0x18A00] =	vst v63  }
0x272: {  	_ =	swait.ge [sflag:s12], $0x2800  }
0x273: {  	[sflag:s12] =	ssyncset.done $0x0  }
0x274: {  	s23 =	rddreg [dreg:$0x14];
	[sflag:s12] =	ssyncadd.s32 $0xFFFFD800  }
0x275: {  	[hbm4b:s23+s3] =	stream.linear.scatter [tilespmem:s28], [sflag:$0x2], $0x2800, $0x38;
	[tilespmem:$0x18A00] =	vst v63  }
0x276: {  	_ =	swait.ge [sflag:s29], $0x2800  }
0x277: {  	s24 =	simm.s32 @!p1 $0x0;
	[sflag:s29] =	ssyncset.done $0x0  }
0x278: {  	s25 =	simm.s32 @!p1 $0x2;
	s23 =	simm.s32 @!p1 $0x18980;
	[sflag:s29] =	ssyncadd.s32 $0xFFFFD800  }
0x279: {  	[tilespmem:s23], [sflag:$0x2] =	stream.linear.gather @!p1 [hbm4b:s19+s24], $0x50, $0x38;
	[tilespmem:$0x18A00] =	vst v63  }
0x27a: {  	_ =	swait.ge @!p1 [sflag:s25], $0x50  }
0x27b: {  	s20 =	simm.s32 @!p1 $0x1;
	s26 =	smov.u32 s6;
	[sflag:s25] =	ssyncset.done @!p1 $0x0  }
0x27c: {  	s6 =	simm.s32 @!p1 $0x13880;
	s21 =	simm.s32 @!p1 $0x50;
	[sflag:s25] =	ssyncadd.s32 @!p1 $0xFFFFFFB0  }
0x27d: {  	[tilespmem:s6], [sflag:$0x1] =	stream.indirect.gather @!p1 [spmem:s15], $0x80, s23, s21, $0xb8;
	[tilespmem:$0x18A00] =	vst v63  }
0x27e: {  	_ =	swait.ge @!p1 [sflag:s20], $0x2800  }
0x27f: {  	[sflag:s20] =	ssyncset.done @!p1 $0x0  }
0x280: {  	s11 =	smov.u32 s19;
	s19 =	rddreg [dreg:$0x15];
	[sflag:s20] =	ssyncadd.s32 @!p1 $0xFFFFD800  }
0x281: {  	[hbm4b:s19+s24] =	stream.linear.scatter @!p1 [tilespmem:s6], [sflag:$0x2], $0x2800, $0x38;
	[tilespmem:$0x18A00] =	vst v63  }
0x282: {  	_ =	swait.ge @!p1 [sflag:s25], $0x2800  }
0x283: {  	[sflag:s25] =	ssyncset.done @!p1 $0x0  }
0x284: {  	[sflag:s25] =	ssyncadd.s32 @!p1 $0xFFFFD800  }
0x285: {  	[bflag:$0x0] =	sbarrier.arrive $0xFFFF  }
0x286: {  	s19 =	rddreg [dreg:$0x16]  }
0x287: {  	[tilespmem:s28], [sflag:$0x2] =	stream.linear.gather [hbm4b:s19+s3], $0x2800, $0x38;
	[tilespmem:$0x18A00] =	vst v63  }
0x288: {  	_ =	swait.ge [sflag:s29], $0x2800  }
0x289: {  	[sflag:s29] =	ssyncset.done $0x0  }
0x28a: {  	[sflag:s29] =	ssyncadd.s32 $0xFFFFD800  }
0x28b: {  	[tilespmem:s30], [sflag:$0x2] =	stream.linear.gather [hbm4b:s4+s3], $0x50, $0x38;
	[tilespmem:$0x18A00] =	vst v63  }
0x28c: {  	_ =	swait.ge [sflag:s29], $0x50  }
0x28d: {  	[sflag:s29] =	ssyncset.done $0x0  }
0x28e: {  	[sflag:s29] =	ssyncadd.s32 $0xFFFFFFB0  }
0x28f: {  	[spmem:s15] =	stream.indirect.scatter [tilespmem:s28], [sflag:$0x1], $0x80, s30, s31, $0xb8;
	[tilespmem:$0x18A00] =	vst v63  }
0x290: {  	_ =	swait.ge [sflag:s12], $0x2800  }
0x291: {  	[sflag:s12] =	ssyncset.done $0x0  }
0x292: {  	[sflag:s12] =	ssyncadd.s32 $0xFFFFD800  }
0x293: {  	[tilespmem:s30], [sflag:$0x2] =	stream.linear.gather [hbm4b:s5+s3], $0x50, $0x38;
	[tilespmem:$0x18A00] =	vst v63  }
0x294: {  	_ =	swait.ge [sflag:s29], $0x50  }
0x295: {  	[sflag:s29] =	ssyncset.done $0x0  }
0x296: {  	[sflag:s29] =	ssyncadd.s32 $0xFFFFFFB0  }
0x297: {  	[spmem:s15] =	stream.indirect.scatter [tilespmem:s28], [sflag:$0x1], $0x80, s30, s31, $0xb8;
	[tilespmem:$0x18A00] =	vst v63  }
0x298: {  	_ =	swait.ge [sflag:s12], $0x2800  }
0x299: {  	[sflag:s12] =	ssyncset.done $0x0  }
0x29a: {  	[sflag:s12] =	ssyncadd.s32 $0xFFFFD800  }
0x29b: {  	[tilespmem:s30], [sflag:$0x2] =	stream.linear.gather [hbm4b:s26+s3], $0x50, $0x38;
	[tilespmem:$0x18A00] =	vst v63  }
0x29c: {  	_ =	swait.ge [sflag:s29], $0x50  }
0x29d: {  	[sflag:s29] =	ssyncset.done $0x0  }
0x29e: {  	[sflag:s29] =	ssyncadd.s32 $0xFFFFFFB0  }
0x29f: {  	[spmem:s15] =	stream.indirect.scatter [tilespmem:s28], [sflag:$0x1], $0x80, s30, s31, $0xb8;
	[tilespmem:$0x18A00] =	vst v63  }
0x2a0: {  	_ =	swait.ge [sflag:s12], $0x2800  }
0x2a1: {  	[sflag:s12] =	ssyncset.done $0x0  }
0x2a2: {  	[sflag:s12] =	ssyncadd.s32 $0xFFFFD800  }
0x2a3: {  	[tilespmem:s30], [sflag:$0x2] =	stream.linear.gather [hbm4b:s7+s3], $0x50, $0x38;
	[tilespmem:$0x18A00] =	vst v63  }
0x2a4: {  	_ =	swait.ge [sflag:s29], $0x50  }
0x2a5: {  	[sflag:s29] =	ssyncset.done $0x0  }
0x2a6: {  	[sflag:s29] =	ssyncadd.s32 $0xFFFFFFB0  }
0x2a7: {  	[spmem:s15] =	stream.indirect.scatter [tilespmem:s28], [sflag:$0x1], $0x80, s30, s31, $0xb8;
	[tilespmem:$0x18A00] =	vst v63  }
0x2a8: {  	_ =	swait.ge [sflag:s12], $0x2800  }
0x2a9: {  	[sflag:s12] =	ssyncset.done $0x0  }
0x2aa: {  	[sflag:s12] =	ssyncadd.s32 $0xFFFFD800  }
0x2ab: {  	[tilespmem:s30], [sflag:$0x2] =	stream.linear.gather [hbm4b:s8+s3], $0x50, $0x38;
	[tilespmem:$0x18A00] =	vst v63  }
0x2ac: {  	_ =	swait.ge [sflag:s29], $0x50  }
0x2ad: {  	[sflag:s29] =	ssyncset.done $0x0  }
0x2ae: {  	[sflag:s29] =	ssyncadd.s32 $0xFFFFFFB0  }
0x2af: {  	[spmem:s15] =	stream.indirect.scatter [tilespmem:s28], [sflag:$0x1], $0x80, s30, s31, $0xb8;
	[tilespmem:$0x18A00] =	vst v63  }
0x2b0: {  	_ =	swait.ge [sflag:s12], $0x2800  }
0x2b1: {  	[sflag:s12] =	ssyncset.done $0x0  }
0x2b2: {  	[sflag:s12] =	ssyncadd.s32 $0xFFFFD800  }
0x2b3: {  	[tilespmem:s30], [sflag:$0x2] =	stream.linear.gather [hbm4b:s9+s3], $0x50, $0x38;
	[tilespmem:$0x18A00] =	vst v63  }
0x2b4: {  	_ =	swait.ge [sflag:s29], $0x50  }
0x2b5: {  	[sflag:s29] =	ssyncset.done $0x0  }
0x2b6: {  	[sflag:s29] =	ssyncadd.s32 $0xFFFFFFB0  }
0x2b7: {  	[spmem:s15] =	stream.indirect.scatter [tilespmem:s28], [sflag:$0x1], $0x80, s30, s31, $0xb8;
	[tilespmem:$0x18A00] =	vst v63  }
0x2b8: {  	_ =	swait.ge [sflag:s12], $0x2800  }
0x2b9: {  	[sflag:s12] =	ssyncset.done $0x0  }
0x2ba: {  	[sflag:s12] =	ssyncadd.s32 $0xFFFFD800  }
0x2bb: {  	[tilespmem:s30], [sflag:$0x2] =	stream.linear.gather [hbm4b:s10+s3], $0x50, $0x38;
	[tilespmem:$0x18A00] =	vst v63  }
0x2bc: {  	_ =	swait.ge [sflag:s29], $0x50  }
0x2bd: {  	[sflag:s29] =	ssyncset.done $0x0  }
0x2be: {  	[sflag:s29] =	ssyncadd.s32 $0xFFFFFFB0  }
0x2bf: {  	[spmem:s15] =	stream.indirect.scatter [tilespmem:s28], [sflag:$0x1], $0x80, s30, s31, $0xb8;
	[tilespmem:$0x18A00] =	vst v63  }
0x2c0: {  	_ =	swait.ge [sflag:s12], $0x2800  }
0x2c1: {  	[sflag:s12] =	ssyncset.done $0x0  }
0x2c2: {  	[sflag:s12] =	ssyncadd.s32 $0xFFFFD800  }
0x2c3: {  	[tilespmem:s23], [sflag:$0x2] =	stream.linear.gather @!p1 [hbm4b:s11+s24], $0x50, $0x38;
	[tilespmem:$0x18A00] =	vst v63  }
0x2c4: {  	_ =	swait.ge @!p1 [sflag:s25], $0x50  }
0x2c5: {  	[sflag:s25] =	ssyncset.done @!p1 $0x0  }
0x2c6: {  	[sflag:s25] =	ssyncadd.s32 @!p1 $0xFFFFFFB0  }
0x2c7: {  	[spmem:s15] =	stream.indirect.scatter @!p1 [tilespmem:s6], [sflag:$0x1], $0x80, s23, s21, $0xb8;
	[tilespmem:$0x18A00] =	vst v63  }
0x2c8: {  	_ =	swait.ge @!p1 [sflag:s20], $0x2800  }
0x2c9: {  	[sflag:s20] =	ssyncset.done @!p1 $0x0  }
0x2ca: {  	s24 =	simm.s32 $0x0;
	s25 =	rddreg [dreg:$0xc];
	[sflag:s20] =	ssyncadd.s32 @!p1 $0xFFFFD800  }
0x2cb: {  	[tilespmem:s13], [sflag:$0x2] =	stream.linear.gather [hbm4b:s25+s24], $0x2800, $0x38;
	[tilespmem:$0x18A00] =	vst v63  }
0x2cc: {  	_ =	swait.ge [sflag:s29], $0x2800  }
0x2cd: {  	[sflag:s29] =	ssyncset.done $0x0  }
0x2ce: {  	[sflag:s29] =	ssyncadd.s32 $0xFFFFD800  }
0x2cf: {  	s19 =	smov.u32 s26;
	s26 =	sadd.s32 $0x0, s14;
	[bflag:$0x0] =	sbarrier.arrive $0xFFFF  }
0x2d0: {  	[tilespmem:s2], [sflag:$0x2] =	stream.linear.gather [hbm4b:s26+s3], $0x50, $0x38;
	[tilespmem:$0x18A00] =	vst v63  }
0x2d1: {  	_ =	swait.ge [sflag:s29], $0x50  }
0x2d2: {  	[sflag:s29] =	ssyncset.done $0x0  }
0x2d3: {  	[sflag:s29] =	ssyncadd.s32 $0xFFFFFFB0  }
0x2d4: {  	[spmem:s15] =	stream.indirect.scatter.add.f32 [tilespmem:s13], [sflag:$0x2], $0x80, s2, s31, $0xb8;
	[tilespmem:$0x18A00] =	vst v63  }
0x2d5: {  	_ =	swait.ge [sflag:s29], $0x2800  }
0x2d6: {  	s21 =	simm.s32 $0x14;
	s20 =	simm.s32 $0xA;
	[sflag:s29] =	ssyncset.done $0x0  }
.LBB2_5:
0x2d7: {  	s23 =	sadd.s32 s20, s14  }
0x2d8: {  	[sflag:s29] =	ssyncadd.s32 $0xFFFFD800;
	s20 =	smov.u32 s21;
	s24 =	sadd.s32 $0xA, s21  }
0x2d9: {  	[tilespmem:s2], [sflag:$0x2] =	stream.linear.gather [hbm4b:s23+s3], $0x50, $0x38;
	[tilespmem:$0x18A00] =	vst v63  }
0x2da: {  	p3 =	sne.s32 s21, $0x9BA;
	_ =	swait.ge [sflag:s29], $0x50  }
.Ltmp8:
0x2db: {  	[sflag:s29] =	ssyncset.done $0x0;
	(pc) =	sbr.rel @p3 .LBB2_5-.Ltmp8, $4  }
0x2dc: {  	[sflag:s29] =	ssyncadd.s32 $0xFFFFFFB0  }
0x2dd: {  	[spmem:s15] =	stream.indirect.scatter.add.f32 [tilespmem:s13], [sflag:$0x2], $0x80, s2, s31, $0xb8;
	[tilespmem:$0x18A00] =	vst v63  }
0x2de: {  	_ =	swait.ge [sflag:s29], $0x2800  }
0x2df: {  	s21 =	smov.u32 s24;
	[sflag:s29] =	ssyncset.done $0x0  }
0x2e0: {  	s20 =	sadd.s32 s20, s14;
	[sflag:s29] =	ssyncadd.s32 $0xFFFFD800  }
0x2e1: {  	[tilespmem:s2], [sflag:$0x2] =	stream.linear.gather [hbm4b:s20+s3], $0x50, $0x38;
	[tilespmem:$0x18A00] =	vst v63  }
0x2e2: {  	_ =	swait.ge [sflag:s29], $0x50  }
0x2e3: {  	[sflag:s29] =	ssyncset.done $0x0  }
0x2e4: {  	[sflag:s29] =	ssyncadd.s32 $0xFFFFFFB0  }
0x2e5: {  	[spmem:s15] =	stream.indirect.scatter.add.f32 [tilespmem:s13], [sflag:$0x2], $0x80, s2, s31, $0xb8;
	[tilespmem:$0x18A00] =	vst v63  }
0x2e6: {  	_ =	swait.ge [sflag:s29], $0x2800  }
0x2e7: {  	[sflag:s29] =	ssyncset.done $0x0  }
0x2e8: {  	[sflag:s29] =	ssyncadd.s32 $0xFFFFD800  }
0x2e9: {  	[bflag:$0x0] =	sbarrier.arrive $0xFFFF  }
0x2ea: {  	[tilespmem:s30], [sflag:$0x2] =	stream.linear.gather [hbm4b:s4+s3], $0x50, $0x38;
	[tilespmem:$0x18A00] =	vst v63  }
0x2eb: {  	_ =	swait.ge [sflag:s29], $0x50  }
0x2ec: {  	[sflag:s29] =	ssyncset.done $0x0  }
0x2ed: {  	[sflag:s29] =	ssyncadd.s32 $0xFFFFFFB0  }
0x2ee: {  	[tilespmem:s28], [sflag:$0x1] =	stream.indirect.gather [spmem:s15], $0x80, s30, s31, $0xb8;
	[tilespmem:$0x18A00] =	vst v63  }
0x2ef: {  	_ =	swait.ge [sflag:s12], $0x2800  }
0x2f0: {  	[sflag:s12] =	ssyncset.done $0x0  }
0x2f1: {  	s6 =	rddreg [dreg:$0x1f];
	[sflag:s12] =	ssyncadd.s32 $0xFFFFD800  }
0x2f2: {  	[hbm4b:s6+s3] =	stream.linear.scatter [tilespmem:s28], [sflag:$0x2], $0x2800, $0x38;
	[tilespmem:$0x18A00] =	vst v63  }
0x2f3: {  	_ =	swait.ge [sflag:s29], $0x2800  }
0x2f4: {  	[sflag:s29] =	ssyncset.done $0x0  }
0x2f5: {  	[sflag:s29] =	ssyncadd.s32 $0xFFFFD800  }
0x2f6: {  	[tilespmem:s30], [sflag:$0x2] =	stream.linear.gather [hbm4b:s5+s3], $0x50, $0x38;
	[tilespmem:$0x18A00] =	vst v63  }
0x2f7: {  	_ =	swait.ge [sflag:s29], $0x50  }
0x2f8: {  	[sflag:s29] =	ssyncset.done $0x0  }
0x2f9: {  	[sflag:s29] =	ssyncadd.s32 $0xFFFFFFB0  }
0x2fa: {  	[tilespmem:s28], [sflag:$0x1] =	stream.indirect.gather [spmem:s15], $0x80, s30, s31, $0xb8;
	[tilespmem:$0x18A00] =	vst v63  }
0x2fb: {  	_ =	swait.ge [sflag:s12], $0x2800  }
0x2fc: {  	s20 =	sld [smem:$0x7F1]  }
0x2fd: {  	[sflag:s12] =	ssyncset.done $0x0  }
0x2fe: {  	[sflag:s12] =	ssyncadd.s32 $0xFFFFD800  }
0x2ff: {  	[hbm4b:s20+s3] =	stream.linear.scatter [tilespmem:s28], [sflag:$0x2], $0x2800, $0x38;
	[tilespmem:$0x18A00] =	vst v63  }
0x300: {  	_ =	swait.ge [sflag:s29], $0x2800  }
0x301: {  	[sflag:s29] =	ssyncset.done $0x0  }
0x302: {  	[sflag:s29] =	ssyncadd.s32 $0xFFFFD800  }
0x303: {  	[tilespmem:s30], [sflag:$0x2] =	stream.linear.gather [hbm4b:s19+s3], $0x50, $0x38;
	[tilespmem:$0x18A00] =	vst v63  }
0x304: {  	_ =	swait.ge [sflag:s29], $0x50  }
0x305: {  	[sflag:s29] =	ssyncset.done $0x0  }
0x306: {  	[sflag:s29] =	ssyncadd.s32 $0xFFFFFFB0  }
0x307: {  	[tilespmem:s28], [sflag:$0x1] =	stream.indirect.gather [spmem:s15], $0x80, s30, s31, $0xb8;
	[tilespmem:$0x18A00] =	vst v63  }
0x308: {  	_ =	swait.ge [sflag:s12], $0x2800  }
0x309: {  	s21 =	sld [smem:$0x7F3]  }
0x30a: {  	[sflag:s12] =	ssyncset.done $0x0  }
0x30b: {  	[sflag:s12] =	ssyncadd.s32 $0xFFFFD800  }
0x30c: {  	[hbm4b:s21+s3] =	stream.linear.scatter [tilespmem:s28], [sflag:$0x2], $0x2800, $0x38;
	[tilespmem:$0x18A00] =	vst v63  }
0x30d: {  	_ =	swait.ge [sflag:s29], $0x2800  }
0x30e: {  	[sflag:s29] =	ssyncset.done $0x0  }
0x30f: {  	[sflag:s29] =	ssyncadd.s32 $0xFFFFD800  }
0x310: {  	[tilespmem:s30], [sflag:$0x2] =	stream.linear.gather [hbm4b:s7+s3], $0x50, $0x38;
	[tilespmem:$0x18A00] =	vst v63  }
0x311: {  	_ =	swait.ge [sflag:s29], $0x50  }
0x312: {  	[sflag:s29] =	ssyncset.done $0x0  }
0x313: {  	[sflag:s29] =	ssyncadd.s32 $0xFFFFFFB0  }
0x314: {  	[tilespmem:s28], [sflag:$0x1] =	stream.indirect.gather [spmem:s15], $0x80, s30, s31, $0xb8;
	[tilespmem:$0x18A00] =	vst v63  }
0x315: {  	_ =	swait.ge [sflag:s12], $0x2800  }
0x316: {  	s23 =	sld [smem:$0x7F5]  }
0x317: {  	[sflag:s12] =	ssyncset.done $0x0  }
0x318: {  	[sflag:s12] =	ssyncadd.s32 $0xFFFFD800  }
0x319: {  	[hbm4b:s23+s3] =	stream.linear.scatter [tilespmem:s28], [sflag:$0x2], $0x2800, $0x38;
	[tilespmem:$0x18A00] =	vst v63  }
0x31a: {  	_ =	swait.ge [sflag:s29], $0x2800  }
0x31b: {  	[sflag:s29] =	ssyncset.done $0x0  }
0x31c: {  	[sflag:s29] =	ssyncadd.s32 $0xFFFFD800  }
0x31d: {  	[tilespmem:s30], [sflag:$0x2] =	stream.linear.gather [hbm4b:s8+s3], $0x50, $0x38;
	[tilespmem:$0x18A00] =	vst v63  }
0x31e: {  	_ =	swait.ge [sflag:s29], $0x50  }
0x31f: {  	[sflag:s29] =	ssyncset.done $0x0  }
0x320: {  	[sflag:s29] =	ssyncadd.s32 $0xFFFFFFB0  }
0x321: {  	[tilespmem:s28], [sflag:$0x1] =	stream.indirect.gather [spmem:s15], $0x80, s30, s31, $0xb8;
	[tilespmem:$0x18A00] =	vst v63  }
0x322: {  	_ =	swait.ge [sflag:s12], $0x2800  }
0x323: {  	s24 =	sld [smem:$0x7F7]  }
0x324: {  	[sflag:s12] =	ssyncset.done $0x0  }
0x325: {  	[sflag:s12] =	ssyncadd.s32 $0xFFFFD800  }
0x326: {  	[hbm4b:s24+s3] =	stream.linear.scatter [tilespmem:s28], [sflag:$0x2], $0x2800, $0x38;
	[tilespmem:$0x18A00] =	vst v63  }
0x327: {  	_ =	swait.ge [sflag:s29], $0x2800  }
0x328: {  	[sflag:s29] =	ssyncset.done $0x0  }
0x329: {  	[sflag:s29] =	ssyncadd.s32 $0xFFFFD800  }
0x32a: {  	[tilespmem:s30], [sflag:$0x2] =	stream.linear.gather [hbm4b:s9+s3], $0x50, $0x38;
	[tilespmem:$0x18A00] =	vst v63  }
0x32b: {  	_ =	swait.ge [sflag:s29], $0x50  }
0x32c: {  	[sflag:s29] =	ssyncset.done $0x0  }
0x32d: {  	[sflag:s29] =	ssyncadd.s32 $0xFFFFFFB0  }
0x32e: {  	[tilespmem:s28], [sflag:$0x1] =	stream.indirect.gather [spmem:s15], $0x80, s30, s31, $0xb8;
	[tilespmem:$0x18A00] =	vst v63  }
0x32f: {  	_ =	swait.ge [sflag:s12], $0x2800  }
0x330: {  	s25 =	sld [smem:$0x7F9]  }
0x331: {  	[sflag:s12] =	ssyncset.done $0x0  }
0x332: {  	[sflag:s12] =	ssyncadd.s32 $0xFFFFD800  }
0x333: {  	[hbm4b:s25+s3] =	stream.linear.scatter [tilespmem:s28], [sflag:$0x2], $0x2800, $0x38;
	[tilespmem:$0x18A00] =	vst v63  }
0x334: {  	_ =	swait.ge [sflag:s29], $0x2800  }
0x335: {  	[sflag:s29] =	ssyncset.done $0x0  }
0x336: {  	[sflag:s29] =	ssyncadd.s32 $0xFFFFD800  }
0x337: {  	[tilespmem:s30], [sflag:$0x2] =	stream.linear.gather [hbm4b:s10+s3], $0x50, $0x38;
	[tilespmem:$0x18A00] =	vst v63  }
0x338: {  	_ =	swait.ge [sflag:s29], $0x50  }
0x339: {  	[sflag:s29] =	ssyncset.done $0x0  }
0x33a: {  	[sflag:s29] =	ssyncadd.s32 $0xFFFFFFB0  }
0x33b: {  	[tilespmem:s28], [sflag:$0x1] =	stream.indirect.gather [spmem:s15], $0x80, s30, s31, $0xb8;
	[tilespmem:$0x18A00] =	vst v63  }
0x33c: {  	_ =	swait.ge [sflag:s12], $0x2800  }
0x33d: {  	s26 =	sld [smem:$0x7FB]  }
0x33e: {  	[sflag:s12] =	ssyncset.done $0x0  }
0x33f: {  	[sflag:s12] =	ssyncadd.s32 $0xFFFFD800  }
0x340: {  	[hbm4b:s26+s3] =	stream.linear.scatter [tilespmem:s28], [sflag:$0x2], $0x2800, $0x38;
	[tilespmem:$0x18A00] =	vst v63  }
.Ltmp9:
0x341: {  	_ = 	snop;
	(pc) =	sbr.rel @p2 .LBB2_12-.Ltmp9, $4  }
.Ltmp10:
0x342: {  	_ =	swait.ge [sflag:s29], $0x2800;
	(pc) =	sbr.rel @!p2 .LBB2_13-.Ltmp10, $4  }
0x343: {  	[sflag:s29] =	ssyncset.done $0x0  }
0x344: {  	[sflag:s29] =	ssyncadd.s32 $0xFFFFD800  }
0x345: {  	s6 =	smov.u32 s19;
	s20 =	rddreg [dreg:$0x7]  }
0x346: {  	_ = 	snop  }
.LBB2_14:
0x347: {  	_ =	sfence.sel $0x180000  }
0x348: {  	[bflag:$0x0] =	sbarrier.arrive $0xFFFF  }
0x349: {  	_ =	strace $0x90000047  }
0x34a: {  	s0 =	stileid.u32;
	[bflag:$0x2] =	sbarrier.arrive $0xFFFF  }
0x34b: {  	p0 =	sne.s32 s0, $0x0;
	s0 =	rddreg [dreg:$0xb]  }
0x34c: {  	s0 =	sadd.s32 @!p0 $0x100000, s0  }
0x34d: {  	[sflag:s0] =	ssyncadd.tile.s32 @!p0 $0x1;
	_ =	shalt  }
.Lfunc_end2:
_tile_overlayer_lowered:
.L_overlay_start_2:
0x34e: {  	(tag) =	ssettag $0x2  }
0x34f: {  	s0 =	rddreg [dreg:$0x0];
	s2 =	stileid.u32  }
0x350: {  	s1 =	rddreg [dreg:$0x1];
	p0 =	sne.s32 s2, $0x0  }
0x351: {  	s3 =	rddreg [dreg:$0x2];
	[bflag:$0x3] =	sbarrier.arrive $0xFFFF;
	s2 =	simm.s32 @!p0 $0x1C02  }
0x352: {  	[timem:s3], [sflag:s2] =	dma.local @!p0 [hbm:s0], s1  }
0x353: {  	s0 =	simm.s32 @!p0 $0x2  }
0x354: {  	_ =	swait.ge @!p0 [sflag:s0], s1  }
0x355: {  	s1 =	ssub.s32 @!p0 $0x0, s1;
	[sflag:s0] =	ssyncset.done @!p0 $0x0  }
0x356: {  	[sflag:s0] =	ssyncadd.s32 @!p0 s1  }
0x357: {  	[bflag:$0x3] =	sbarrier.arrive $0xFFFF  }
0x358: {  	_ =	shalt  }

</sc_bundles>
